<compile_context>
chip_gen: v7x
topology: tpu7x:2x2x1
jax: 0.10.2.dev20260603
libtpu: 0.0.44.dev20260713+nightly
codegen_flags: <defaults>
</compile_context>

<pallas_src>
import functools
import math

import jax
import jax.numpy as jnp
from jax import lax
from jax.experimental import pallas as pl
from jax.experimental.pallas import tpu as pltpu
from jax.experimental.pallas import tpu_sc as plsc

D_MODEL = 64
SCALE = math.sqrt(D_MODEL)

_info = plsc.get_sparse_core_info()
_NC = _info.num_cores
_NS = _info.num_subcores
_L = _info.num_lanes
_NW = _NC * _NS

_NBUF = 4
_WBUF = 2


@functools.partial(jax.jit, static_argnums=(2, 3))
def _gather_scale(idx_flat, lut, B, C):
    b_per_w = B // _NW
    n_chunks = b_per_w // C
    assert n_chunks % _NBUF == 0 and n_chunks >= 2 * _NBUF
    mesh = plsc.VectorSubcoreMesh(core_axis_name="c", subcore_axis_name="s")

    @functools.partial(
        pl.kernel,
        mesh=mesh,
        out_type=jax.ShapeDtypeStruct((B, D_MODEL), jnp.float32),
        scratch_types=(
            [pltpu.VMEM((b_per_w,), jnp.int32),
             pltpu.VMEM((_NBUF, C, D_MODEL), jnp.float32),
             pltpu.VMEM((_WBUF, C, D_MODEL), jnp.float32)]
            + [pltpu.SemaphoreType.DMA] * (_NBUF + _WBUF)
        ),
        compiler_params=pltpu.CompilerParams(use_tc_tiling_on_sc=False),
    )
    def k(idx_hbm, table_hbm, out_hbm, idx_all, grows, wrows, *sems):
        gsems = sems[:_NBUF]
        wsems = sems[_NBUF:]
        wid = lax.axis_index("s") * _NC + lax.axis_index("c")
        base = wid * b_per_w
        pltpu.sync_copy(idx_hbm.at[pl.ds(base, b_per_w)], idx_all)

        def start_gather(i_chunk, gb):
            pltpu.async_copy(
                table_hbm.at[idx_all.at[pl.ds(i_chunk * C, C)]],
                grows.at[gb], gsems[gb])

        def wait_gather(gb):
            pltpu.make_async_copy(
                table_hbm.at[pl.ds(0, C)], grows.at[gb], gsems[gb]).wait()

        def start_wb(i_chunk, wb):
            pltpu.async_copy(
                wrows.at[wb], out_hbm.at[pl.ds(base + i_chunk * C, C)],
                wsems[wb])

        def wait_wb(wb):
            pltpu.make_async_copy(
                wrows.at[wb], out_hbm.at[pl.ds(base, C)], wsems[wb]).wait()

        def scale(gb, wb):
            def row_body(r, carry):
                for j in range(D_MODEL // _L):
                    sl = pl.ds(j * _L, _L)
                    wrows[wb, r, sl] = grows[gb, r, sl] * SCALE
                return carry
            lax.fori_loop(0, C, row_body, 0, unroll=4)

        for b in range(_NBUF):
            start_gather(b, b)

        for b in range(_NBUF):
            wait_gather(b)
            if b >= _WBUF:
                wait_wb(b % _WBUF)
            scale(b, b % _WBUF)
            start_gather(b + _NBUF, b)
            start_wb(b, b % _WBUF)

        def outer(g, carry):
            for b in range(_NBUF):
                i = g * _NBUF + b
                wait_gather(b)
                wait_wb(b % _WBUF)
                scale(b, b % _WBUF)
                start_gather(i + _NBUF, b)
                start_wb(i, b % _WBUF)
            return carry

        lax.fori_loop(1, n_chunks // _NBUF - 1, outer, 0)

        for b in range(_NBUF):
            i = n_chunks - _NBUF + b
            wait_gather(b)
            wait_wb(b % _WBUF)
            scale(b, b % _WBUF)
            start_wb(i, b % _WBUF)

        for wb in range(_WBUF):
            wait_wb(wb)

    return k(idx_flat, lut)


def kernel(x, lut):
    B = x.shape[0] * x.shape[1]
    idx_flat = x.reshape(B).astype(jnp.int32)
    out = _gather_scale(idx_flat, lut, B, 256)
    return out.reshape(x.shape[0], x.shape[1], D_MODEL)

# --- scband reference (transcript-rebuilt; emitter-appended) ---
"""Pipeline reference for scband-embedding-2396591751427 (READ-ONLY COPY).

The authoritative reference and input builder live on the scoring server;
editing this copy changes nothing except your own understanding.
"""

import jax, jax.numpy as jnp
import numpy as np
import math

D_MODEL = 64
VOCAB = 1000000

def setup_inputs(seed: int = 0) -> dict:
    key = jax.random.key(seed)
    k1, k2 = jax.random.split(key)
    x = jax.random.randint(k1, (4096, 200), 0, VOCAB, dtype=jnp.int64 if jax.config.jax_enable_x64 else jnp.int32)
    lut = jax.random.normal(k2, (VOCAB, D_MODEL), dtype=jnp.float32)
    return {"x": x, "lut": lut}

def reference(x, lut):
    # Embedding lookup followed by sqrt(d_model) scaling, faithful to torch module
    emb = jnp.take(lut, x, axis=0)
    return emb * math.sqrt(D_MODEL)

if __name__ == "__main__":
    import jax
    _d = setup_inputs()
    print(jax.jit(kernel)(*tuple(_d.values())))

</pallas_src>

<mosaic_0001>
#map = affine_map<(d0, d1) -> (0)>
#map1 = affine_map<(d0, d1) -> (0, 0)>
module attributes {stable_mosaic.version = 14 : i64} {
  func.func @k(%arg0: i32, %arg1: i32, %arg2: memref<819200xi32, #tpu.memory_space<hbm>>, %arg3: memref<1000000x64xf32, #tpu.memory_space<hbm>>, %arg4: memref<819200x64xf32, #tpu.memory_space<hbm>>, %arg5: memref<25600xi32, #tpu.memory_space<vmem>>, %arg6: memref<4x256x64xf32, #tpu.memory_space<vmem>>, %arg7: memref<2x256x64xf32, #tpu.memory_space<vmem>>, %arg8: memref<!tpu.dma_semaphore, #tpu.memory_space<semaphore_mem>>, %arg9: memref<!tpu.dma_semaphore, #tpu.memory_space<semaphore_mem>>, %arg10: memref<!tpu.dma_semaphore, #tpu.memory_space<semaphore_mem>>, %arg11: memref<!tpu.dma_semaphore, #tpu.memory_space<semaphore_mem>>, %arg12: memref<!tpu.dma_semaphore, #tpu.memory_space<semaphore_mem>>, %arg13: memref<!tpu.dma_semaphore, #tpu.memory_space<semaphore_mem>>) attributes {dimension_semantics = [#tpu.dimension_semantics<core_parallel>, #tpu.dimension_semantics<subcore_parallel>], iteration_bounds = array<i64: 2, 16>, scalar_prefetch = 0 : i64, scratch_operands = 9 : i64, tpu.core_type = #tpu.core_type<sc_vector_subcore>, window_params = [{transform_indices = #map}, {transform_indices = #map1}, {transform_indices = #map1}]} {
    %mul3A = arith.constant 2 : i32
    %mul3A_0 = arith.muli %arg1, %mul3A : i32
    %add3A = arith.addi %mul3A_0, %arg0 : i32
    %mul3A_1 = arith.constant 25600 : i32
    %mul3A_2 = arith.muli %add3A, %mul3A_1 : i32
    "tpu.region"() ({
      %run_scoped3A = tpu.sem_alloc : memref<!tpu.dma_semaphore, #tpu.memory_space<semaphore_mem>>
      %dma_start3A_478 = tpu.memref_slice %arg2[%mul3A_2] : memref<819200xi32, #tpu.memory_space<hbm>> -> memref<25600xi32, #tpu.memory_space<hbm>>
      %dma_start3A_479 = tpu.memref_slice %arg2[%mul3A_2] : memref<819200xi32, #tpu.memory_space<hbm>> -> memref<25600xi32, #tpu.memory_space<hbm>>
      tpu.enqueue_dma source(%dma_start3A_479 : memref<25600xi32, #tpu.memory_space<hbm>>) target(%arg5 : memref<25600xi32, #tpu.memory_space<vmem>>) target_semaphore(%run_scoped3A : memref<!tpu.dma_semaphore, #tpu.memory_space<semaphore_mem>>)
      %dma_wait3A_480 = tpu.memref_slice %arg2[%mul3A_2] : memref<819200xi32, #tpu.memory_space<hbm>> -> memref<25600xi32, #tpu.memory_space<hbm>>
      %dma_wait3A_481 = tpu.memref_slice %arg2[%mul3A_2] : memref<819200xi32, #tpu.memory_space<hbm>> -> memref<25600xi32, #tpu.memory_space<hbm>>
      tpu.wait_dma2 semaphore(%run_scoped3A : memref<!tpu.dma_semaphore, #tpu.memory_space<semaphore_mem>>) src(%dma_wait3A_481 : memref<25600xi32, #tpu.memory_space<hbm>>) dst(%arg5 : memref<25600xi32, #tpu.memory_space<vmem>>)
      tpu.yield
    }) : () -> ()
    %dma_start3A = arith.constant 0 : i32
    %dma_start3A_3 = arith.constant 0 : i32
    %dma_start3A_4 = arith.constant 0 : i32
    %dma_start3A_5 = tpu.memref_slice %arg6[%dma_start3A, %dma_start3A_3, %dma_start3A_4] : memref<4x256x64xf32, #tpu.memory_space<vmem>> -> memref<1x256x64xf32, #tpu.memory_space<vmem>>
    %dma_start3A_6 = tpu.memref_squeeze %dma_start3A_5 : memref<1x256x64xf32, #tpu.memory_space<vmem>> -> memref<256x64xf32, #tpu.memory_space<vmem>>
    %dma_start3A_7 = arith.constant 0 : i32
    %dma_start3A_8 = tpu.memref_slice %arg5[%dma_start3A_7] : memref<25600xi32, #tpu.memory_space<vmem>> -> memref<256xi32, #tpu.memory_space<vmem>>
    %dma_start3A_9 = arith.constant 0 : i32
    %dma_start3A_10 = arith.constant 0 : i32
    %dma_start3A_11 = tpu.memref_slice %arg3[%dma_start3A_9, %dma_start3A_10] : memref<1000000x64xf32, #tpu.memory_space<hbm>> -> memref<1000000x64xf32, #tpu.memory_space<hbm>>
    tpu.enqueue_indirect_dma source(%dma_start3A_11 : memref<1000000x64xf32, #tpu.memory_space<hbm>>) target(%dma_start3A_6 : memref<256x64xf32, #tpu.memory_space<vmem>>) offsets(%dma_start3A_8 : memref<256xi32, #tpu.memory_space<vmem>>) semaphore(%arg8 : memref<!tpu.dma_semaphore, #tpu.memory_space<semaphore_mem>>)
    %dma_start3A_12 = arith.constant 1 : i32
    %dma_start3A_13 = arith.constant 0 : i32
    %dma_start3A_14 = arith.constant 0 : i32
    %dma_start3A_15 = tpu.memref_slice %arg6[%dma_start3A_12, %dma_start3A_13, %dma_start3A_14] : memref<4x256x64xf32, #tpu.memory_space<vmem>> -> memref<1x256x64xf32, #tpu.memory_space<vmem>>
    %dma_start3A_16 = tpu.memref_squeeze %dma_start3A_15 : memref<1x256x64xf32, #tpu.memory_space<vmem>> -> memref<256x64xf32, #tpu.memory_space<vmem>>
    %dma_start3A_17 = arith.constant 256 : i32
    %dma_start3A_18 = tpu.memref_slice %arg5[%dma_start3A_17] : memref<25600xi32, #tpu.memory_space<vmem>> -> memref<256xi32, #tpu.memory_space<vmem>>
    %dma_start3A_19 = arith.constant 0 : i32
    %dma_start3A_20 = arith.constant 0 : i32
    %dma_start3A_21 = tpu.memref_slice %arg3[%dma_start3A_19, %dma_start3A_20] : memref<1000000x64xf32, #tpu.memory_space<hbm>> -> memref<1000000x64xf32, #tpu.memory_space<hbm>>
    tpu.enqueue_indirect_dma source(%dma_start3A_21 : memref<1000000x64xf32, #tpu.memory_space<hbm>>) target(%dma_start3A_16 : memref<256x64xf32, #tpu.memory_space<vmem>>) offsets(%dma_start3A_18 : memref<256xi32, #tpu.memory_space<vmem>>) semaphore(%arg9 : memref<!tpu.dma_semaphore, #tpu.memory_space<semaphore_mem>>)
    %dma_start3A_22 = arith.constant 2 : i32
    %dma_start3A_23 = arith.constant 0 : i32
    %dma_start3A_24 = arith.constant 0 : i32
    %dma_start3A_25 = tpu.memref_slice %arg6[%dma_start3A_22, %dma_start3A_23, %dma_start3A_24] : memref<4x256x64xf32, #tpu.memory_space<vmem>> -> memref<1x256x64xf32, #tpu.memory_space<vmem>>
    %dma_start3A_26 = tpu.memref_squeeze %dma_start3A_25 : memref<1x256x64xf32, #tpu.memory_space<vmem>> -> memref<256x64xf32, #tpu.memory_space<vmem>>
    %dma_start3A_27 = arith.constant 512 : i32
    %dma_start3A_28 = tpu.memref_slice %arg5[%dma_start3A_27] : memref<25600xi32, #tpu.memory_space<vmem>> -> memref<256xi32, #tpu.memory_space<vmem>>
    %dma_start3A_29 = arith.constant 0 : i32
    %dma_start3A_30 = arith.constant 0 : i32
    %dma_start3A_31 = tpu.memref_slice %arg3[%dma_start3A_29, %dma_start3A_30] : memref<1000000x64xf32, #tpu.memory_space<hbm>> -> memref<1000000x64xf32, #tpu.memory_space<hbm>>
    tpu.enqueue_indirect_dma source(%dma_start3A_31 : memref<1000000x64xf32, #tpu.memory_space<hbm>>) target(%dma_start3A_26 : memref<256x64xf32, #tpu.memory_space<vmem>>) offsets(%dma_start3A_28 : memref<256xi32, #tpu.memory_space<vmem>>) semaphore(%arg10 : memref<!tpu.dma_semaphore, #tpu.memory_space<semaphore_mem>>)
    %dma_start3A_32 = arith.constant 3 : i32
    %dma_start3A_33 = arith.constant 0 : i32
    %dma_start3A_34 = arith.constant 0 : i32
    %dma_start3A_35 = tpu.memref_slice %arg6[%dma_start3A_32, %dma_start3A_33, %dma_start3A_34] : memref<4x256x64xf32, #tpu.memory_space<vmem>> -> memref<1x256x64xf32, #tpu.memory_space<vmem>>
    %dma_start3A_36 = tpu.memref_squeeze %dma_start3A_35 : memref<1x256x64xf32, #tpu.memory_space<vmem>> -> memref<256x64xf32, #tpu.memory_space<vmem>>
    %dma_start3A_37 = arith.constant 768 : i32
    %dma_start3A_38 = tpu.memref_slice %arg5[%dma_start3A_37] : memref<25600xi32, #tpu.memory_space<vmem>> -> memref<256xi32, #tpu.memory_space<vmem>>
    %dma_start3A_39 = arith.constant 0 : i32
    %dma_start3A_40 = arith.constant 0 : i32
    %dma_start3A_41 = tpu.memref_slice %arg3[%dma_start3A_39, %dma_start3A_40] : memref<1000000x64xf32, #tpu.memory_space<hbm>> -> memref<1000000x64xf32, #tpu.memory_space<hbm>>
    tpu.enqueue_indirect_dma source(%dma_start3A_41 : memref<1000000x64xf32, #tpu.memory_space<hbm>>) target(%dma_start3A_36 : memref<256x64xf32, #tpu.memory_space<vmem>>) offsets(%dma_start3A_38 : memref<256xi32, #tpu.memory_space<vmem>>) semaphore(%arg11 : memref<!tpu.dma_semaphore, #tpu.memory_space<semaphore_mem>>)
    %dma_wait3A = arith.constant 0 : i32
    %dma_wait3A_42 = arith.constant 0 : i32
    %dma_wait3A_43 = arith.constant 0 : i32
    %dma_wait3A_44 = tpu.memref_slice %arg6[%dma_wait3A, %dma_wait3A_42, %dma_wait3A_43] : memref<4x256x64xf32, #tpu.memory_space<vmem>> -> memref<1x256x64xf32, #tpu.memory_space<vmem>>
    %dma_wait3A_45 = tpu.memref_squeeze %dma_wait3A_44 : memref<1x256x64xf32, #tpu.memory_space<vmem>> -> memref<256x64xf32, #tpu.memory_space<vmem>>
    %dma_wait3A_46 = arith.constant 0 : i32
    %dma_wait3A_47 = arith.constant 0 : i32
    %dma_wait3A_48 = tpu.memref_slice %arg3[%dma_wait3A_46, %dma_wait3A_47] : memref<1000000x64xf32, #tpu.memory_space<hbm>> -> memref<256x64xf32, #tpu.memory_space<hbm>>
    %dma_wait3A_49 = arith.constant 0 : i32
    %dma_wait3A_50 = arith.constant 0 : i32
    %dma_wait3A_51 = tpu.memref_slice %arg6[%dma_wait3A, %dma_wait3A_49, %dma_wait3A_50] : memref<4x256x64xf32, #tpu.memory_space<vmem>> -> memref<1x256x64xf32, #tpu.memory_space<vmem>>
    %dma_wait3A_52 = tpu.memref_squeeze %dma_wait3A_51 : memref<1x256x64xf32, #tpu.memory_space<vmem>> -> memref<256x64xf32, #tpu.memory_space<vmem>>
    %dma_wait3A_53 = arith.constant 0 : i32
    %dma_wait3A_54 = arith.constant 0 : i32
    %dma_wait3A_55 = tpu.memref_slice %arg3[%dma_wait3A_53, %dma_wait3A_54] : memref<1000000x64xf32, #tpu.memory_space<hbm>> -> memref<256x64xf32, #tpu.memory_space<hbm>>
    tpu.wait_dma2 semaphore(%arg8 : memref<!tpu.dma_semaphore, #tpu.memory_space<semaphore_mem>>) src(%dma_wait3A_55 : memref<256x64xf32, #tpu.memory_space<hbm>>) dst(%dma_wait3A_52 : memref<256x64xf32, #tpu.memory_space<vmem>>)
    %scan3A = arith.constant 0 : i32
    %scan3A_56 = arith.constant 0 : i32
    %scan3A_57 = arith.constant 256 : i32
    %scan3A_58 = arith.addi %scan3A_56, %scan3A_57 : i32
    %scan3A_59 = arith.constant 4 : i32
    scf.for %scan3A_478 = %scan3A_56 to %scan3A_58 step %scan3A_59  : i32 {
      %get3A = arith.constant 0 : i32
      %get3A_479 = arith.index_cast %get3A : i32 to index
      %get3A_480 = arith.index_cast %scan3A_478 : i32 to index
      %get3A_481 = arith.constant 0 : index
      %get3A_482 = tpu.vector_load %arg6[%get3A_479, %get3A_480, %get3A_481] {strides = array<i32>} : memref<4x256x64xf32, #tpu.memory_space<vmem>>, vector<1x1x16xf32>,
      %get3A_483 = vector.shape_cast %get3A_482 : vector<1x1x16xf32> to vector<16xf32>
      %mul3A_484 = arith.constant 8.000000e+00 : f32
      %mul3A_485 = vector.broadcast %mul3A_484 : f32 to vector<16xf32>
      %mul3A_486 = arith.mulf %get3A_483, %mul3A_485 : vector<16xf32>
      %swap3A = arith.constant 0 : i32
      %swap3A_487 = arith.index_cast %swap3A : i32 to index
      %swap3A_488 = arith.index_cast %scan3A_478 : i32 to index
      %swap3A_489 = arith.constant 0 : index
      %swap3A_490 = tpu.vector_load %arg7[%swap3A_487, %swap3A_488, %swap3A_489] {strides = array<i32>} : memref<2x256x64xf32, #tpu.memory_space<vmem>>, vector<1x1x16xf32>,
      %swap3A_491 = vector.shape_cast %swap3A_490 : vector<1x1x16xf32> to vector<16xf32>
      %swap3A_492 = vector.shape_cast %mul3A_486 : vector<16xf32> to vector<1x1x16xf32>
      tpu.vector_store %arg7[%swap3A_487, %swap3A_488, %swap3A_489], %swap3A_492 {strides = array<i32>} : memref<2x256x64xf32, #tpu.memory_space<vmem>>, vector<1x1x16xf32>,
      %get3A_493 = arith.constant 0 : i32
      %get3A_494 = arith.index_cast %get3A_493 : i32 to index
      %get3A_495 = arith.index_cast %scan3A_478 : i32 to index
      %get3A_496 = arith.constant 16 : index
      %get3A_497 = tpu.vector_load %arg6[%get3A_494, %get3A_495, %get3A_496] {strides = array<i32>} : memref<4x256x64xf32, #tpu.memory_space<vmem>>, vector<1x1x16xf32>,
      %get3A_498 = vector.shape_cast %get3A_497 : vector<1x1x16xf32> to vector<16xf32>
      %mul3A_499 = arith.constant 8.000000e+00 : f32
      %mul3A_500 = vector.broadcast %mul3A_499 : f32 to vector<16xf32>
      %mul3A_501 = arith.mulf %get3A_498, %mul3A_500 : vector<16xf32>
      %swap3A_502 = arith.constant 0 : i32
      %swap3A_503 = arith.index_cast %swap3A_502 : i32 to index
      %swap3A_504 = arith.index_cast %scan3A_478 : i32 to index
      %swap3A_505 = arith.constant 16 : index
      %swap3A_506 = tpu.vector_load %arg7[%swap3A_503, %swap3A_504, %swap3A_505] {strides = array<i32>} : memref<2x256x64xf32, #tpu.memory_space<vmem>>, vector<1x1x16xf32>,
      %swap3A_507 = vector.shape_cast %swap3A_506 : vector<1x1x16xf32> to vector<16xf32>
      %swap3A_508 = vector.shape_cast %mul3A_501 : vector<16xf32> to vector<1x1x16xf32>
      tpu.vector_store %arg7[%swap3A_503, %swap3A_504, %swap3A_505], %swap3A_508 {strides = array<i32>} : memref<2x256x64xf32, #tpu.memory_space<vmem>>, vector<1x1x16xf32>,
      %get3A_509 = arith.constant 0 : i32
      %get3A_510 = arith.index_cast %get3A_509 : i32 to index
      %get3A_511 = arith.index_cast %scan3A_478 : i32 to index
      %get3A_512 = arith.constant 32 : index
      %get3A_513 = tpu.vector_load %arg6[%get3A_510, %get3A_511, %get3A_512] {strides = array<i32>} : memref<4x256x64xf32, #tpu.memory_space<vmem>>, vector<1x1x16xf32>,
      %get3A_514 = vector.shape_cast %get3A_513 : vector<1x1x16xf32> to vector<16xf32>
      %mul3A_515 = arith.constant 8.000000e+00 : f32
      %mul3A_516 = vector.broadcast %mul3A_515 : f32 to vector<16xf32>
      %mul3A_517 = arith.mulf %get3A_514, %mul3A_516 : vector<16xf32>
      %swap3A_518 = arith.constant 0 : i32
      %swap3A_519 = arith.index_cast %swap3A_518 : i32 to index
      %swap3A_520 = arith.index_cast %scan3A_478 : i32 to index
      %swap3A_521 = arith.constant 32 : index
      %swap3A_522 = tpu.vector_load %arg7[%swap3A_519, %swap3A_520, %swap3A_521] {strides = array<i32>} : memref<2x256x64xf32, #tpu.memory_space<vmem>>, vector<1x1x16xf32>,
      %swap3A_523 = vector.shape_cast %swap3A_522 : vector<1x1x16xf32> to vector<16xf32>
      %swap3A_524 = vector.shape_cast %mul3A_517 : vector<16xf32> to vector<1x1x16xf32>
      tpu.vector_store %arg7[%swap3A_519, %swap3A_520, %swap3A_521], %swap3A_524 {strides = array<i32>} : memref<2x256x64xf32, #tpu.memory_space<vmem>>, vector<1x1x16xf32>,
      %get3A_525 = arith.constant 0 : i32
      %get3A_526 = arith.index_cast %get3A_525 : i32 to index
      %get3A_527 = arith.index_cast %scan3A_478 : i32 to index
      %get3A_528 = arith.constant 48 : index
      %get3A_529 = tpu.vector_load %arg6[%get3A_526, %get3A_527, %get3A_528] {strides = array<i32>} : memref<4x256x64xf32, #tpu.memory_space<vmem>>, vector<1x1x16xf32>,
      %get3A_530 = vector.shape_cast %get3A_529 : vector<1x1x16xf32> to vector<16xf32>
      %mul3A_531 = arith.constant 8.000000e+00 : f32
      %mul3A_532 = vector.broadcast %mul3A_531 : f32 to vector<16xf32>
      %mul3A_533 = arith.mulf %get3A_530, %mul3A_532 : vector<16xf32>
      %swap3A_534 = arith.constant 0 : i32
      %swap3A_535 = arith.index_cast %swap3A_534 : i32 to index
      %swap3A_536 = arith.index_cast %scan3A_478 : i32 to index
      %swap3A_537 = arith.constant 48 : index
      %swap3A_538 = tpu.vector_load %arg7[%swap3A_535, %swap3A_536, %swap3A_537] {strides = array<i32>} : memref<2x256x64xf32, #tpu.memory_space<vmem>>, vector<1x1x16xf32>,
      %swap3A_539 = vector.shape_cast %swap3A_538 : vector<1x1x16xf32> to vector<16xf32>
      %swap3A_540 = vector.shape_cast %mul3A_533 : vector<16xf32> to vector<1x1x16xf32>
      tpu.vector_store %arg7[%swap3A_535, %swap3A_536, %swap3A_537], %swap3A_540 {strides = array<i32>} : memref<2x256x64xf32, #tpu.memory_space<vmem>>, vector<1x1x16xf32>,
      %scan3A_541 = arith.constant 1 : i32
      %scan3A_542 = arith.addi %scan3A_478, %scan3A_541 : i32
      %get3A_543 = arith.constant 0 : i32
      %get3A_544 = arith.index_cast %get3A_543 : i32 to index
      %get3A_545 = arith.index_cast %scan3A_542 : i32 to index
      %get3A_546 = arith.constant 0 : index
      %get3A_547 = tpu.vector_load %arg6[%get3A_544, %get3A_545, %get3A_546] {strides = array<i32>} : memref<4x256x64xf32, #tpu.memory_space<vmem>>, vector<1x1x16xf32>,
      %get3A_548 = vector.shape_cast %get3A_547 : vector<1x1x16xf32> to vector<16xf32>
      %mul3A_549 = arith.constant 8.000000e+00 : f32
      %mul3A_550 = vector.broadcast %mul3A_549 : f32 to vector<16xf32>
      %mul3A_551 = arith.mulf %get3A_548, %mul3A_550 : vector<16xf32>
      %swap3A_552 = arith.constant 0 : i32
      %swap3A_553 = arith.index_cast %swap3A_552 : i32 to index
      %swap3A_554 = arith.index_cast %scan3A_542 : i32 to index
      %swap3A_555 = arith.constant 0 : index
      %swap3A_556 = tpu.vector_load %arg7[%swap3A_553, %swap3A_554, %swap3A_555] {strides = array<i32>} : memref<2x256x64xf32, #tpu.memory_space<vmem>>, vector<1x1x16xf32>,
      %swap3A_557 = vector.shape_cast %swap3A_556 : vector<1x1x16xf32> to vector<16xf32>
      %swap3A_558 = vector.shape_cast %mul3A_551 : vector<16xf32> to vector<1x1x16xf32>
      tpu.vector_store %arg7[%swap3A_553, %swap3A_554, %swap3A_555], %swap3A_558 {strides = array<i32>} : memref<2x256x64xf32, #tpu.memory_space<vmem>>, vector<1x1x16xf32>,
      %get3A_559 = arith.constant 0 : i32
      %get3A_560 = arith.index_cast %get3A_559 : i32 to index
      %get3A_561 = arith.index_cast %scan3A_542 : i32 to index
      %get3A_562 = arith.constant 16 : index
      %get3A_563 = tpu.vector_load %arg6[%get3A_560, %get3A_561, %get3A_562] {strides = array<i32>} : memref<4x256x64xf32, #tpu.memory_space<vmem>>, vector<1x1x16xf32>,
      %get3A_564 = vector.shape_cast %get3A_563 : vector<1x1x16xf32> to vector<16xf32>
      %mul3A_565 = arith.constant 8.000000e+00 : f32
      %mul3A_566 = vector.broadcast %mul3A_565 : f32 to vector<16xf32>
      %mul3A_567 = arith.mulf %get3A_564, %mul3A_566 : vector<16xf32>
      %swap3A_568 = arith.constant 0 : i32
      %swap3A_569 = arith.index_cast %swap3A_568 : i32 to index
      %swap3A_570 = arith.index_cast %scan3A_542 : i32 to index
      %swap3A_571 = arith.constant 16 : index
      %swap3A_572 = tpu.vector_load %arg7[%swap3A_569, %swap3A_570, %swap3A_571] {strides = array<i32>} : memref<2x256x64xf32, #tpu.memory_space<vmem>>, vector<1x1x16xf32>,
      %swap3A_573 = vector.shape_cast %swap3A_572 : vector<1x1x16xf32> to vector<16xf32>
      %swap3A_574 = vector.shape_cast %mul3A_567 : vector<16xf32> to vector<1x1x16xf32>
      tpu.vector_store %arg7[%swap3A_569, %swap3A_570, %swap3A_571], %swap3A_574 {strides = array<i32>} : memref<2x256x64xf32, #tpu.memory_space<vmem>>, vector<1x1x16xf32>,
      %get3A_575 = arith.constant 0 : i32
      %get3A_576 = arith.index_cast %get3A_575 : i32 to index
      %get3A_577 = arith.index_cast %scan3A_542 : i32 to index
      %get3A_578 = arith.constant 32 : index
      %get3A_579 = tpu.vector_load %arg6[%get3A_576, %get3A_577, %get3A_578] {strides = array<i32>} : memref<4x256x64xf32, #tpu.memory_space<vmem>>, vector<1x1x16xf32>,
      %get3A_580 = vector.shape_cast %get3A_579 : vector<1x1x16xf32> to vector<16xf32>
      %mul3A_581 = arith.constant 8.000000e+00 : f32
      %mul3A_582 = vector.broadcast %mul3A_581 : f32 to vector<16xf32>
      %mul3A_583 = arith.mulf %get3A_580, %mul3A_582 : vector<16xf32>
      %swap3A_584 = arith.constant 0 : i32
      %swap3A_585 = arith.index_cast %swap3A_584 : i32 to index
      %swap3A_586 = arith.index_cast %scan3A_542 : i32 to index
      %swap3A_587 = arith.constant 32 : index
      %swap3A_588 = tpu.vector_load %arg7[%swap3A_585, %swap3A_586, %swap3A_587] {strides = array<i32>} : memref<2x256x64xf32, #tpu.memory_space<vmem>>, vector<1x1x16xf32>,
      %swap3A_589 = vector.shape_cast %swap3A_588 : vector<1x1x16xf32> to vector<16xf32>
      %swap3A_590 = vector.shape_cast %mul3A_583 : vector<16xf32> to vector<1x1x16xf32>
      tpu.vector_store %arg7[%swap3A_585, %swap3A_586, %swap3A_587], %swap3A_590 {strides = array<i32>} : memref<2x256x64xf32, #tpu.memory_space<vmem>>, vector<1x1x16xf32>,
      %get3A_591 = arith.constant 0 : i32
      %get3A_592 = arith.index_cast %get3A_591 : i32 to index
      %get3A_593 = arith.index_cast %scan3A_542 : i32 to index
      %get3A_594 = arith.constant 48 : index
      %get3A_595 = tpu.vector_load %arg6[%get3A_592, %get3A_593, %get3A_594] {strides = array<i32>} : memref<4x256x64xf32, #tpu.memory_space<vmem>>, vector<1x1x16xf32>,
      %get3A_596 = vector.shape_cast %get3A_595 : vector<1x1x16xf32> to vector<16xf32>
      %mul3A_597 = arith.constant 8.000000e+00 : f32
      %mul3A_598 = vector.broadcast %mul3A_597 : f32 to vector<16xf32>
      %mul3A_599 = arith.mulf %get3A_596, %mul3A_598 : vector<16xf32>
      %swap3A_600 = arith.constant 0 : i32
      %swap3A_601 = arith.index_cast %swap3A_600 : i32 to index
      %swap3A_602 = arith.index_cast %scan3A_542 : i32 to index
      %swap3A_603 = arith.constant 48 : index
      %swap3A_604 = tpu.vector_load %arg7[%swap3A_601, %swap3A_602, %swap3A_603] {strides = array<i32>} : memref<2x256x64xf32, #tpu.memory_space<vmem>>, vector<1x1x16xf32>,
      %swap3A_605 = vector.shape_cast %swap3A_604 : vector<1x1x16xf32> to vector<16xf32>
      %swap3A_606 = vector.shape_cast %mul3A_599 : vector<16xf32> to vector<1x1x16xf32>
      tpu.vector_store %arg7[%swap3A_601, %swap3A_602, %swap3A_603], %swap3A_606 {strides = array<i32>} : memref<2x256x64xf32, #tpu.memory_space<vmem>>, vector<1x1x16xf32>,
      %scan3A_607 = arith.constant 2 : i32
      %scan3A_608 = arith.addi %scan3A_478, %scan3A_607 : i32
      %get3A_609 = arith.constant 0 : i32
      %get3A_610 = arith.index_cast %get3A_609 : i32 to index
      %get3A_611 = arith.index_cast %scan3A_608 : i32 to index
      %get3A_612 = arith.constant 0 : index
      %get3A_613 = tpu.vector_load %arg6[%get3A_610, %get3A_611, %get3A_612] {strides = array<i32>} : memref<4x256x64xf32, #tpu.memory_space<vmem>>, vector<1x1x16xf32>,
      %get3A_614 = vector.shape_cast %get3A_613 : vector<1x1x16xf32> to vector<16xf32>
      %mul3A_615 = arith.constant 8.000000e+00 : f32
      %mul3A_616 = vector.broadcast %mul3A_615 : f32 to vector<16xf32>
      %mul3A_617 = arith.mulf %get3A_614, %mul3A_616 : vector<16xf32>
      %swap3A_618 = arith.constant 0 : i32
      %swap3A_619 = arith.index_cast %swap3A_618 : i32 to index
      %swap3A_620 = arith.index_cast %scan3A_608 : i32 to index
      %swap3A_621 = arith.constant 0 : index
      %swap3A_622 = tpu.vector_load %arg7[%swap3A_619, %swap3A_620, %swap3A_621] {strides = array<i32>} : memref<2x256x64xf32, #tpu.memory_space<vmem>>, vector<1x1x16xf32>,
      %swap3A_623 = vector.shape_cast %swap3A_622 : vector<1x1x16xf32> to vector<16xf32>
      %swap3A_624 = vector.shape_cast %mul3A_617 : vector<16xf32> to vector<1x1x16xf32>
      tpu.vector_store %arg7[%swap3A_619, %swap3A_620, %swap3A_621], %swap3A_624 {strides = array<i32>} : memref<2x256x64xf32, #tpu.memory_space<vmem>>, vector<1x1x16xf32>,
      %get3A_625 = arith.constant 0 : i32
      %get3A_626 = arith.index_cast %get3A_625 : i32 to index
      %get3A_627 = arith.index_cast %scan3A_608 : i32 to index
      %get3A_628 = arith.constant 16 : index
      %get3A_629 = tpu.vector_load %arg6[%get3A_626, %get3A_627, %get3A_628] {strides = array<i32>} : memref<4x256x64xf32, #tpu.memory_space<vmem>>, vector<1x1x16xf32>,
      %get3A_630 = vector.shape_cast %get3A_629 : vector<1x1x16xf32> to vector<16xf32>
      %mul3A_631 = arith.constant 8.000000e+00 : f32
      %mul3A_632 = vector.broadcast %mul3A_631 : f32 to vector<16xf32>
      %mul3A_633 = arith.mulf %get3A_630, %mul3A_632 : vector<16xf32>
      %swap3A_634 = arith.constant 0 : i32
      %swap3A_635 = arith.index_cast %swap3A_634 : i32 to index
      %swap3A_636 = arith.index_cast %scan3A_608 : i32 to index
      %swap3A_637 = arith.constant 16 : index
      %swap3A_638 = tpu.vector_load %arg7[%swap3A_635, %swap3A_636, %swap3A_637] {strides = array<i32>} : memref<2x256x64xf32, #tpu.memory_space<vmem>>, vector<1x1x16xf32>,
      %swap3A_639 = vector.shape_cast %swap3A_638 : vector<1x1x16xf32> to vector<16xf32>
      %swap3A_640 = vector.shape_cast %mul3A_633 : vector<16xf32> to vector<1x1x16xf32>
      tpu.vector_store %arg7[%swap3A_635, %swap3A_636, %swap3A_637], %swap3A_640 {strides = array<i32>} : memref<2x256x64xf32, #tpu.memory_space<vmem>>, vector<1x1x16xf32>,
      %get3A_641 = arith.constant 0 : i32
      %get3A_642 = arith.index_cast %get3A_641 : i32 to index
      %get3A_643 = arith.index_cast %scan3A_608 : i32 to index
      %get3A_644 = arith.constant 32 : index
      %get3A_645 = tpu.vector_load %arg6[%get3A_642, %get3A_643, %get3A_644] {strides = array<i32>} : memref<4x256x64xf32, #tpu.memory_space<vmem>>, vector<1x1x16xf32>,
      %get3A_646 = vector.shape_cast %get3A_645 : vector<1x1x16xf32> to vector<16xf32>
      %mul3A_647 = arith.constant 8.000000e+00 : f32
      %mul3A_648 = vector.broadcast %mul3A_647 : f32 to vector<16xf32>
      %mul3A_649 = arith.mulf %get3A_646, %mul3A_648 : vector<16xf32>
      %swap3A_650 = arith.constant 0 : i32
      %swap3A_651 = arith.index_cast %swap3A_650 : i32 to index
      %swap3A_652 = arith.index_cast %scan3A_608 : i32 to index
      %swap3A_653 = arith.constant 32 : index
      %swap3A_654 = tpu.vector_load %arg7[%swap3A_651, %swap3A_652, %swap3A_653] {strides = array<i32>} : memref<2x256x64xf32, #tpu.memory_space<vmem>>, vector<1x1x16xf32>,
      %swap3A_655 = vector.shape_cast %swap3A_654 : vector<1x1x16xf32> to vector<16xf32>
      %swap3A_656 = vector.shape_cast %mul3A_649 : vector<16xf32> to vector<1x1x16xf32>
      tpu.vector_store %arg7[%swap3A_651, %swap3A_652, %swap3A_653], %swap3A_656 {strides = array<i32>} : memref<2x256x64xf32, #tpu.memory_space<vmem>>, vector<1x1x16xf32>,
      %get3A_657 = arith.constant 0 : i32
      %get3A_658 = arith.index_cast %get3A_657 : i32 to index
      %get3A_659 = arith.index_cast %scan3A_608 : i32 to index
      %get3A_660 = arith.constant 48 : index
      %get3A_661 = tpu.vector_load %arg6[%get3A_658, %get3A_659, %get3A_660] {strides = array<i32>} : memref<4x256x64xf32, #tpu.memory_space<vmem>>, vector<1x1x16xf32>,
      %get3A_662 = vector.shape_cast %get3A_661 : vector<1x1x16xf32> to vector<16xf32>
      %mul3A_663 = arith.constant 8.000000e+00 : f32
      %mul3A_664 = vector.broadcast %mul3A_663 : f32 to vector<16xf32>
      %mul3A_665 = arith.mulf %get3A_662, %mul3A_664 : vector<16xf32>
      %swap3A_666 = arith.constant 0 : i32
      %swap3A_667 = arith.index_cast %swap3A_666 : i32 to index
      %swap3A_668 = arith.index_cast %scan3A_608 : i32 to index
      %swap3A_669 = arith.constant 48 : index
      %swap3A_670 = tpu.vector_load %arg7[%swap3A_667, %swap3A_668, %swap3A_669] {strides = array<i32>} : memref<2x256x64xf32, #tpu.memory_space<vmem>>, vector<1x1x16xf32>,
      %swap3A_671 = vector.shape_cast %swap3A_670 : vector<1x1x16xf32> to vector<16xf32>
      %swap3A_672 = vector.shape_cast %mul3A_665 : vector<16xf32> to vector<1x1x16xf32>
      tpu.vector_store %arg7[%swap3A_667, %swap3A_668, %swap3A_669], %swap3A_672 {strides = array<i32>} : memref<2x256x64xf32, #tpu.memory_space<vmem>>, vector<1x1x16xf32>,
      %scan3A_673 = arith.constant 3 : i32
      %scan3A_674 = arith.addi %scan3A_478, %scan3A_673 : i32
      %get3A_675 = arith.constant 0 : i32
      %get3A_676 = arith.index_cast %get3A_675 : i32 to index
      %get3A_677 = arith.index_cast %scan3A_674 : i32 to index
      %get3A_678 = arith.constant 0 : index
      %get3A_679 = tpu.vector_load %arg6[%get3A_676, %get3A_677, %get3A_678] {strides = array<i32>} : memref<4x256x64xf32, #tpu.memory_space<vmem>>, vector<1x1x16xf32>,
      %get3A_680 = vector.shape_cast %get3A_679 : vector<1x1x16xf32> to vector<16xf32>
      %mul3A_681 = arith.constant 8.000000e+00 : f32
      %mul3A_682 = vector.broadcast %mul3A_681 : f32 to vector<16xf32>
      %mul3A_683 = arith.mulf %get3A_680, %mul3A_682 : vector<16xf32>
      %swap3A_684 = arith.constant 0 : i32
      %swap3A_685 = arith.index_cast %swap3A_684 : i32 to index
      %swap3A_686 = arith.index_cast %scan3A_674 : i32 to index
      %swap3A_687 = arith.constant 0 : index
      %swap3A_688 = tpu.vector_load %arg7[%swap3A_685, %swap3A_686, %swap3A_687] {strides = array<i32>} : memref<2x256x64xf32, #tpu.memory_space<vmem>>, vector<1x1x16xf32>,
      %swap3A_689 = vector.shape_cast %swap3A_688 : vector<1x1x16xf32> to vector<16xf32>
      %swap3A_690 = vector.shape_cast %mul3A_683 : vector<16xf32> to vector<1x1x16xf32>
      tpu.vector_store %arg7[%swap3A_685, %swap3A_686, %swap3A_687], %swap3A_690 {strides = array<i32>} : memref<2x256x64xf32, #tpu.memory_space<vmem>>, vector<1x1x16xf32>,
      %get3A_691 = arith.constant 0 : i32
      %get3A_692 = arith.index_cast %get3A_691 : i32 to index
      %get3A_693 = arith.index_cast %scan3A_674 : i32 to index
      %get3A_694 = arith.constant 16 : index
      %get3A_695 = tpu.vector_load %arg6[%get3A_692, %get3A_693, %get3A_694] {strides = array<i32>} : memref<4x256x64xf32, #tpu.memory_space<vmem>>, vector<1x1x16xf32>,
      %get3A_696 = vector.shape_cast %get3A_695 : vector<1x1x16xf32> to vector<16xf32>
      %mul3A_697 = arith.constant 8.000000e+00 : f32
      %mul3A_698 = vector.broadcast %mul3A_697 : f32 to vector<16xf32>
      %mul3A_699 = arith.mulf %get3A_696, %mul3A_698 : vector<16xf32>
      %swap3A_700 = arith.constant 0 : i32
      %swap3A_701 = arith.index_cast %swap3A_700 : i32 to index
      %swap3A_702 = arith.index_cast %scan3A_674 : i32 to index
      %swap3A_703 = arith.constant 16 : index
      %swap3A_704 = tpu.vector_load %arg7[%swap3A_701, %swap3A_702, %swap3A_703] {strides = array<i32>} : memref<2x256x64xf32, #tpu.memory_space<vmem>>, vector<1x1x16xf32>,
      %swap3A_705 = vector.shape_cast %swap3A_704 : vector<1x1x16xf32> to vector<16xf32>
      %swap3A_706 = vector.shape_cast %mul3A_699 : vector<16xf32> to vector<1x1x16xf32>
      tpu.vector_store %arg7[%swap3A_701, %swap3A_702, %swap3A_703], %swap3A_706 {strides = array<i32>} : memref<2x256x64xf32, #tpu.memory_space<vmem>>, vector<1x1x16xf32>,
      %get3A_707 = arith.constant 0 : i32
      %get3A_708 = arith.index_cast %get3A_707 : i32 to index
      %get3A_709 = arith.index_cast %scan3A_674 : i32 to index
      %get3A_710 = arith.constant 32 : index
      %get3A_711 = tpu.vector_load %arg6[%get3A_708, %get3A_709, %get3A_710] {strides = array<i32>} : memref<4x256x64xf32, #tpu.memory_space<vmem>>, vector<1x1x16xf32>,
      %get3A_712 = vector.shape_cast %get3A_711 : vector<1x1x16xf32> to vector<16xf32>
      %mul3A_713 = arith.constant 8.000000e+00 : f32
      %mul3A_714 = vector.broadcast %mul3A_713 : f32 to vector<16xf32>
      %mul3A_715 = arith.mulf %get3A_712, %mul3A_714 : vector<16xf32>
      %swap3A_716 = arith.constant 0 : i32
      %swap3A_717 = arith.index_cast %swap3A_716 : i32 to index
      %swap3A_718 = arith.index_cast %scan3A_674 : i32 to index
      %swap3A_719 = arith.constant 32 : index
      %swap3A_720 = tpu.vector_load %arg7[%swap3A_717, %swap3A_718, %swap3A_719] {strides = array<i32>} : memref<2x256x64xf32, #tpu.memory_space<vmem>>, vector<1x1x16xf32>,
      %swap3A_721 = vector.shape_cast %swap3A_720 : vector<1x1x16xf32> to vector<16xf32>
      %swap3A_722 = vector.shape_cast %mul3A_715 : vector<16xf32> to vector<1x1x16xf32>
      tpu.vector_store %arg7[%swap3A_717, %swap3A_718, %swap3A_719], %swap3A_722 {strides = array<i32>} : memref<2x256x64xf32, #tpu.memory_space<vmem>>, vector<1x1x16xf32>,
      %get3A_723 = arith.constant 0 : i32
      %get3A_724 = arith.index_cast %get3A_723 : i32 to index
      %get3A_725 = arith.index_cast %scan3A_674 : i32 to index
      %get3A_726 = arith.constant 48 : index
      %get3A_727 = tpu.vector_load %arg6[%get3A_724, %get3A_725, %get3A_726] {strides = array<i32>} : memref<4x256x64xf32, #tpu.memory_space<vmem>>, vector<1x1x16xf32>,
      %get3A_728 = vector.shape_cast %get3A_727 : vector<1x1x16xf32> to vector<16xf32>
      %mul3A_729 = arith.constant 8.000000e+00 : f32
      %mul3A_730 = vector.broadcast %mul3A_729 : f32 to vector<16xf32>
      %mul3A_731 = arith.mulf %get3A_728, %mul3A_730 : vector<16xf32>
      %swap3A_732 = arith.constant 0 : i32
      %swap3A_733 = arith.index_cast %swap3A_732 : i32 to index
      %swap3A_734 = arith.index_cast %scan3A_674 : i32 to index
      %swap3A_735 = arith.constant 48 : index
      %swap3A_736 = tpu.vector_load %arg7[%swap3A_733, %swap3A_734, %swap3A_735] {strides = array<i32>} : memref<2x256x64xf32, #tpu.memory_space<vmem>>, vector<1x1x16xf32>,
      %swap3A_737 = vector.shape_cast %swap3A_736 : vector<1x1x16xf32> to vector<16xf32>
      %swap3A_738 = vector.shape_cast %mul3A_731 : vector<16xf32> to vector<1x1x16xf32>
      tpu.vector_store %arg7[%swap3A_733, %swap3A_734, %swap3A_735], %swap3A_738 {strides = array<i32>} : memref<2x256x64xf32, #tpu.memory_space<vmem>>, vector<1x1x16xf32>,
    }
    %scan3A_60 = arith.constant 256 : i32
    %dma_start3A_61 = arith.constant 0 : i32
    %dma_start3A_62 = arith.constant 0 : i32
    %dma_start3A_63 = arith.constant 0 : i32
    %dma_start3A_64 = tpu.memref_slice %arg6[%dma_start3A_61, %dma_start3A_62, %dma_start3A_63] : memref<4x256x64xf32, #tpu.memory_space<vmem>> -> memref<1x256x64xf32, #tpu.memory_space<vmem>>
    %dma_start3A_65 = tpu.memref_squeeze %dma_start3A_64 : memref<1x256x64xf32, #tpu.memory_space<vmem>> -> memref<256x64xf32, #tpu.memory_space<vmem>>
    %dma_start3A_66 = arith.constant 1024 : i32
    %dma_start3A_67 = tpu.memref_slice %arg5[%dma_start3A_66] : memref<25600xi32, #tpu.memory_space<vmem>> -> memref<256xi32, #tpu.memory_space<vmem>>
    %dma_start3A_68 = arith.constant 0 : i32
    %dma_start3A_69 = arith.constant 0 : i32
    %dma_start3A_70 = tpu.memref_slice %arg3[%dma_start3A_68, %dma_start3A_69] : memref<1000000x64xf32, #tpu.memory_space<hbm>> -> memref<1000000x64xf32, #tpu.memory_space<hbm>>
    tpu.enqueue_indirect_dma source(%dma_start3A_70 : memref<1000000x64xf32, #tpu.memory_space<hbm>>) target(%dma_start3A_65 : memref<256x64xf32, #tpu.memory_space<vmem>>) offsets(%dma_start3A_67 : memref<256xi32, #tpu.memory_space<vmem>>) semaphore(%arg8 : memref<!tpu.dma_semaphore, #tpu.memory_space<semaphore_mem>>)
    %add3A_71 = arith.constant 0 : i32
    %add3A_72 = arith.addi %mul3A_2, %add3A_71 : i32
    %dma_start3A_73 = arith.constant 0 : i32
    %dma_start3A_74 = arith.constant 0 : i32
    %dma_start3A_75 = arith.constant 0 : i32
    %dma_start3A_76 = tpu.memref_slice %arg7[%dma_start3A_73, %dma_start3A_74, %dma_start3A_75] : memref<2x256x64xf32, #tpu.memory_space<vmem>> -> memref<1x256x64xf32, #tpu.memory_space<vmem>>
    %dma_start3A_77 = tpu.memref_squeeze %dma_start3A_76 : memref<1x256x64xf32, #tpu.memory_space<vmem>> -> memref<256x64xf32, #tpu.memory_space<vmem>>
    %dma_start3A_78 = arith.constant 0 : i32
    %dma_start3A_79 = tpu.memref_slice %arg4[%add3A_72, %dma_start3A_78] : memref<819200x64xf32, #tpu.memory_space<hbm>> -> memref<256x64xf32, #tpu.memory_space<hbm>>
    %dma_start3A_80 = arith.constant 0 : i32
    %dma_start3A_81 = tpu.memref_slice %arg4[%add3A_72, %dma_start3A_80] : memref<819200x64xf32, #tpu.memory_space<hbm>> -> memref<256x64xf32, #tpu.memory_space<hbm>>
    %dma_start3A_82 = arith.constant 0 : i32
    %dma_start3A_83 = arith.constant 0 : i32
    %dma_start3A_84 = tpu.memref_slice %arg7[%dma_start3A_73, %dma_start3A_82, %dma_start3A_83] : memref<2x256x64xf32, #tpu.memory_space<vmem>> -> memref<1x256x64xf32, #tpu.memory_space<vmem>>
    %dma_start3A_85 = tpu.memref_squeeze %dma_start3A_84 : memref<1x256x64xf32, #tpu.memory_space<vmem>> -> memref<256x64xf32, #tpu.memory_space<vmem>>
    tpu.enqueue_dma source(%dma_start3A_85 : memref<256x64xf32, #tpu.memory_space<vmem>>) target(%dma_start3A_81 : memref<256x64xf32, #tpu.memory_space<hbm>>) target_semaphore(%arg12 : memref<!tpu.dma_semaphore, #tpu.memory_space<semaphore_mem>>)
    %dma_wait3A_86 = arith.constant 1 : i32
    %dma_wait3A_87 = arith.constant 0 : i32
    %dma_wait3A_88 = arith.constant 0 : i32
    %dma_wait3A_89 = tpu.memref_slice %arg6[%dma_wait3A_86, %dma_wait3A_87, %dma_wait3A_88] : memref<4x256x64xf32, #tpu.memory_space<vmem>> -> memref<1x256x64xf32, #tpu.memory_space<vmem>>
    %dma_wait3A_90 = tpu.memref_squeeze %dma_wait3A_89 : memref<1x256x64xf32, #tpu.memory_space<vmem>> -> memref<256x64xf32, #tpu.memory_space<vmem>>
    %dma_wait3A_91 = arith.constant 0 : i32
    %dma_wait3A_92 = arith.constant 0 : i32
    %dma_wait3A_93 = tpu.memref_slice %arg3[%dma_wait3A_91, %dma_wait3A_92] : memref<1000000x64xf32, #tpu.memory_space<hbm>> -> memref<256x64xf32, #tpu.memory_space<hbm>>
    %dma_wait3A_94 = arith.constant 0 : i32
    %dma_wait3A_95 = arith.constant 0 : i32
    %dma_wait3A_96 = tpu.memref_slice %arg6[%dma_wait3A_86, %dma_wait3A_94, %dma_wait3A_95] : memref<4x256x64xf32, #tpu.memory_space<vmem>> -> memref<1x256x64xf32, #tpu.memory_space<vmem>>
    %dma_wait3A_97 = tpu.memref_squeeze %dma_wait3A_96 : memref<1x256x64xf32, #tpu.memory_space<vmem>> -> memref<256x64xf32, #tpu.memory_space<vmem>>
    %dma_wait3A_98 = arith.constant 0 : i32
    %dma_wait3A_99 = arith.constant 0 : i32
    %dma_wait3A_100 = tpu.memref_slice %arg3[%dma_wait3A_98, %dma_wait3A_99] : memref<1000000x64xf32, #tpu.memory_space<hbm>> -> memref<256x64xf32, #tpu.memory_space<hbm>>
    tpu.wait_dma2 semaphore(%arg9 : memref<!tpu.dma_semaphore, #tpu.memory_space<semaphore_mem>>) src(%dma_wait3A_100 : memref<256x64xf32, #tpu.memory_space<hbm>>) dst(%dma_wait3A_97 : memref<256x64xf32, #tpu.memory_space<vmem>>)
    %scan3A_101 = arith.constant 0 : i32
    %scan3A_102 = arith.constant 0 : i32
    %scan3A_103 = arith.constant 256 : i32
    %scan3A_104 = arith.addi %scan3A_102, %scan3A_103 : i32
    %scan3A_105 = arith.constant 4 : i32
    scf.for %scan3A_478 = %scan3A_102 to %scan3A_104 step %scan3A_105  : i32 {
      %get3A = arith.constant 1 : i32
      %get3A_479 = arith.index_cast %get3A : i32 to index
      %get3A_480 = arith.index_cast %scan3A_478 : i32 to index
      %get3A_481 = arith.constant 0 : index
      %get3A_482 = tpu.vector_load %arg6[%get3A_479, %get3A_480, %get3A_481] {strides = array<i32>} : memref<4x256x64xf32, #tpu.memory_space<vmem>>, vector<1x1x16xf32>,
      %get3A_483 = vector.shape_cast %get3A_482 : vector<1x1x16xf32> to vector<16xf32>
      %mul3A_484 = arith.constant 8.000000e+00 : f32
      %mul3A_485 = vector.broadcast %mul3A_484 : f32 to vector<16xf32>
      %mul3A_486 = arith.mulf %get3A_483, %mul3A_485 : vector<16xf32>
      %swap3A = arith.constant 1 : i32
      %swap3A_487 = arith.index_cast %swap3A : i32 to index
      %swap3A_488 = arith.index_cast %scan3A_478 : i32 to index
      %swap3A_489 = arith.constant 0 : index
      %swap3A_490 = tpu.vector_load %arg7[%swap3A_487, %swap3A_488, %swap3A_489] {strides = array<i32>} : memref<2x256x64xf32, #tpu.memory_space<vmem>>, vector<1x1x16xf32>,
      %swap3A_491 = vector.shape_cast %swap3A_490 : vector<1x1x16xf32> to vector<16xf32>
      %swap3A_492 = vector.shape_cast %mul3A_486 : vector<16xf32> to vector<1x1x16xf32>
      tpu.vector_store %arg7[%swap3A_487, %swap3A_488, %swap3A_489], %swap3A_492 {strides = array<i32>} : memref<2x256x64xf32, #tpu.memory_space<vmem>>, vector<1x1x16xf32>,
      %get3A_493 = arith.constant 1 : i32
      %get3A_494 = arith.index_cast %get3A_493 : i32 to index
      %get3A_495 = arith.index_cast %scan3A_478 : i32 to index
      %get3A_496 = arith.constant 16 : index
      %get3A_497 = tpu.vector_load %arg6[%get3A_494, %get3A_495, %get3A_496] {strides = array<i32>} : memref<4x256x64xf32, #tpu.memory_space<vmem>>, vector<1x1x16xf32>,
      %get3A_498 = vector.shape_cast %get3A_497 : vector<1x1x16xf32> to vector<16xf32>
      %mul3A_499 = arith.constant 8.000000e+00 : f32
      %mul3A_500 = vector.broadcast %mul3A_499 : f32 to vector<16xf32>
      %mul3A_501 = arith.mulf %get3A_498, %mul3A_500 : vector<16xf32>
      %swap3A_502 = arith.constant 1 : i32
      %swap3A_503 = arith.index_cast %swap3A_502 : i32 to index
      %swap3A_504 = arith.index_cast %scan3A_478 : i32 to index
      %swap3A_505 = arith.constant 16 : index
      %swap3A_506 = tpu.vector_load %arg7[%swap3A_503, %swap3A_504, %swap3A_505] {strides = array<i32>} : memref<2x256x64xf32, #tpu.memory_space<vmem>>, vector<1x1x16xf32>,
      %swap3A_507 = vector.shape_cast %swap3A_506 : vector<1x1x16xf32> to vector<16xf32>
      %swap3A_508 = vector.shape_cast %mul3A_501 : vector<16xf32> to vector<1x1x16xf32>
      tpu.vector_store %arg7[%swap3A_503, %swap3A_504, %swap3A_505], %swap3A_508 {strides = array<i32>} : memref<2x256x64xf32, #tpu.memory_space<vmem>>, vector<1x1x16xf32>,
      %get3A_509 = arith.constant 1 : i32
      %get3A_510 = arith.index_cast %get3A_509 : i32 to index
      %get3A_511 = arith.index_cast %scan3A_478 : i32 to index
      %get3A_512 = arith.constant 32 : index
      %get3A_513 = tpu.vector_load %arg6[%get3A_510, %get3A_511, %get3A_512] {strides = array<i32>} : memref<4x256x64xf32, #tpu.memory_space<vmem>>, vector<1x1x16xf32>,
      %get3A_514 = vector.shape_cast %get3A_513 : vector<1x1x16xf32> to vector<16xf32>
      %mul3A_515 = arith.constant 8.000000e+00 : f32
      %mul3A_516 = vector.broadcast %mul3A_515 : f32 to vector<16xf32>
      %mul3A_517 = arith.mulf %get3A_514, %mul3A_516 : vector<16xf32>
      %swap3A_518 = arith.constant 1 : i32
      %swap3A_519 = arith.index_cast %swap3A_518 : i32 to index
      %swap3A_520 = arith.index_cast %scan3A_478 : i32 to index
      %swap3A_521 = arith.constant 32 : index
      %swap3A_522 = tpu.vector_load %arg7[%swap3A_519, %swap3A_520, %swap3A_521] {strides = array<i32>} : memref<2x256x64xf32, #tpu.memory_space<vmem>>, vector<1x1x16xf32>,
      %swap3A_523 = vector.shape_cast %swap3A_522 : vector<1x1x16xf32> to vector<16xf32>
      %swap3A_524 = vector.shape_cast %mul3A_517 : vector<16xf32> to vector<1x1x16xf32>
      tpu.vector_store %arg7[%swap3A_519, %swap3A_520, %swap3A_521], %swap3A_524 {strides = array<i32>} : memref<2x256x64xf32, #tpu.memory_space<vmem>>, vector<1x1x16xf32>,
      %get3A_525 = arith.constant 1 : i32
      %get3A_526 = arith.index_cast %get3A_525 : i32 to index
      %get3A_527 = arith.index_cast %scan3A_478 : i32 to index
      %get3A_528 = arith.constant 48 : index
      %get3A_529 = tpu.vector_load %arg6[%get3A_526, %get3A_527, %get3A_528] {strides = array<i32>} : memref<4x256x64xf32, #tpu.memory_space<vmem>>, vector<1x1x16xf32>,
      %get3A_530 = vector.shape_cast %get3A_529 : vector<1x1x16xf32> to vector<16xf32>
      %mul3A_531 = arith.constant 8.000000e+00 : f32
      %mul3A_532 = vector.broadcast %mul3A_531 : f32 to vector<16xf32>
      %mul3A_533 = arith.mulf %get3A_530, %mul3A_532 : vector<16xf32>
      %swap3A_534 = arith.constant 1 : i32
      %swap3A_535 = arith.index_cast %swap3A_534 : i32 to index
      %swap3A_536 = arith.index_cast %scan3A_478 : i32 to index
      %swap3A_537 = arith.constant 48 : index
      %swap3A_538 = tpu.vector_load %arg7[%swap3A_535, %swap3A_536, %swap3A_537] {strides = array<i32>} : memref<2x256x64xf32, #tpu.memory_space<vmem>>, vector<1x1x16xf32>,
      %swap3A_539 = vector.shape_cast %swap3A_538 : vector<1x1x16xf32> to vector<16xf32>
      %swap3A_540 = vector.shape_cast %mul3A_533 : vector<16xf32> to vector<1x1x16xf32>
      tpu.vector_store %arg7[%swap3A_535, %swap3A_536, %swap3A_537], %swap3A_540 {strides = array<i32>} : memref<2x256x64xf32, #tpu.memory_space<vmem>>, vector<1x1x16xf32>,
      %scan3A_541 = arith.constant 1 : i32
      %scan3A_542 = arith.addi %scan3A_478, %scan3A_541 : i32
      %get3A_543 = arith.constant 1 : i32
      %get3A_544 = arith.index_cast %get3A_543 : i32 to index
      %get3A_545 = arith.index_cast %scan3A_542 : i32 to index
      %get3A_546 = arith.constant 0 : index
      %get3A_547 = tpu.vector_load %arg6[%get3A_544, %get3A_545, %get3A_546] {strides = array<i32>} : memref<4x256x64xf32, #tpu.memory_space<vmem>>, vector<1x1x16xf32>,
      %get3A_548 = vector.shape_cast %get3A_547 : vector<1x1x16xf32> to vector<16xf32>
      %mul3A_549 = arith.constant 8.000000e+00 : f32
      %mul3A_550 = vector.broadcast %mul3A_549 : f32 to vector<16xf32>
      %mul3A_551 = arith.mulf %get3A_548, %mul3A_550 : vector<16xf32>
      %swap3A_552 = arith.constant 1 : i32
      %swap3A_553 = arith.index_cast %swap3A_552 : i32 to index
      %swap3A_554 = arith.index_cast %scan3A_542 : i32 to index
      %swap3A_555 = arith.constant 0 : index
      %swap3A_556 = tpu.vector_load %arg7[%swap3A_553, %swap3A_554, %swap3A_555] {strides = array<i32>} : memref<2x256x64xf32, #tpu.memory_space<vmem>>, vector<1x1x16xf32>,
      %swap3A_557 = vector.shape_cast %swap3A_556 : vector<1x1x16xf32> to vector<16xf32>
      %swap3A_558 = vector.shape_cast %mul3A_551 : vector<16xf32> to vector<1x1x16xf32>
      tpu.vector_store %arg7[%swap3A_553, %swap3A_554, %swap3A_555], %swap3A_558 {strides = array<i32>} : memref<2x256x64xf32, #tpu.memory_space<vmem>>, vector<1x1x16xf32>,
      %get3A_559 = arith.constant 1 : i32
      %get3A_560 = arith.index_cast %get3A_559 : i32 to index
      %get3A_561 = arith.index_cast %scan3A_542 : i32 to index
      %get3A_562 = arith.constant 16 : index
      %get3A_563 = tpu.vector_load %arg6[%get3A_560, %get3A_561, %get3A_562] {strides = array<i32>} : memref<4x256x64xf32, #tpu.memory_space<vmem>>, vector<1x1x16xf32>,
      %get3A_564 = vector.shape_cast %get3A_563 : vector<1x1x16xf32> to vector<16xf32>
      %mul3A_565 = arith.constant 8.000000e+00 : f32
      %mul3A_566 = vector.broadcast %mul3A_565 : f32 to vector<16xf32>
      %mul3A_567 = arith.mulf %get3A_564, %mul3A_566 : vector<16xf32>
      %swap3A_568 = arith.constant 1 : i32
      %swap3A_569 = arith.index_cast %swap3A_568 : i32 to index
      %swap3A_570 = arith.index_cast %scan3A_542 : i32 to index
      %swap3A_571 = arith.constant 16 : index
      %swap3A_572 = tpu.vector_load %arg7[%swap3A_569, %swap3A_570, %swap3A_571] {strides = array<i32>} : memref<2x256x64xf32, #tpu.memory_space<vmem>>, vector<1x1x16xf32>,
      %swap3A_573 = vector.shape_cast %swap3A_572 : vector<1x1x16xf32> to vector<16xf32>
      %swap3A_574 = vector.shape_cast %mul3A_567 : vector<16xf32> to vector<1x1x16xf32>
      tpu.vector_store %arg7[%swap3A_569, %swap3A_570, %swap3A_571], %swap3A_574 {strides = array<i32>} : memref<2x256x64xf32, #tpu.memory_space<vmem>>, vector<1x1x16xf32>,
      %get3A_575 = arith.constant 1 : i32
      %get3A_576 = arith.index_cast %get3A_575 : i32 to index
      %get3A_577 = arith.index_cast %scan3A_542 : i32 to index
      %get3A_578 = arith.constant 32 : index
      %get3A_579 = tpu.vector_load %arg6[%get3A_576, %get3A_577, %get3A_578] {strides = array<i32>} : memref<4x256x64xf32, #tpu.memory_space<vmem>>, vector<1x1x16xf32>,
      %get3A_580 = vector.shape_cast %get3A_579 : vector<1x1x16xf32> to vector<16xf32>
      %mul3A_581 = arith.constant 8.000000e+00 : f32
      %mul3A_582 = vector.broadcast %mul3A_581 : f32 to vector<16xf32>
      %mul3A_583 = arith.mulf %get3A_580, %mul3A_582 : vector<16xf32>
      %swap3A_584 = arith.constant 1 : i32
      %swap3A_585 = arith.index_cast %swap3A_584 : i32 to index
      %swap3A_586 = arith.index_cast %scan3A_542 : i32 to index
      %swap3A_587 = arith.constant 32 : index
      %swap3A_588 = tpu.vector_load %arg7[%swap3A_585, %swap3A_586, %swap3A_587] {strides = array<i32>} : memref<2x256x64xf32, #tpu.memory_space<vmem>>, vector<1x1x16xf32>,
      %swap3A_589 = vector.shape_cast %swap3A_588 : vector<1x1x16xf32> to vector<16xf32>
      %swap3A_590 = vector.shape_cast %mul3A_583 : vector<16xf32> to vector<1x1x16xf32>
      tpu.vector_store %arg7[%swap3A_585, %swap3A_586, %swap3A_587], %swap3A_590 {strides = array<i32>} : memref<2x256x64xf32, #tpu.memory_space<vmem>>, vector<1x1x16xf32>,
      %get3A_591 = arith.constant 1 : i32
      %get3A_592 = arith.index_cast %get3A_591 : i32 to index
      %get3A_593 = arith.index_cast %scan3A_542 : i32 to index
      %get3A_594 = arith.constant 48 : index
      %get3A_595 = tpu.vector_load %arg6[%get3A_592, %get3A_593, %get3A_594] {strides = array<i32>} : memref<4x256x64xf32, #tpu.memory_space<vmem>>, vector<1x1x16xf32>,
      %get3A_596 = vector.shape_cast %get3A_595 : vector<1x1x16xf32> to vector<16xf32>
      %mul3A_597 = arith.constant 8.000000e+00 : f32
      %mul3A_598 = vector.broadcast %mul3A_597 : f32 to vector<16xf32>
      %mul3A_599 = arith.mulf %get3A_596, %mul3A_598 : vector<16xf32>
      %swap3A_600 = arith.constant 1 : i32
      %swap3A_601 = arith.index_cast %swap3A_600 : i32 to index
      %swap3A_602 = arith.index_cast %scan3A_542 : i32 to index
      %swap3A_603 = arith.constant 48 : index
      %swap3A_604 = tpu.vector_load %arg7[%swap3A_601, %swap3A_602, %swap3A_603] {strides = array<i32>} : memref<2x256x64xf32, #tpu.memory_space<vmem>>, vector<1x1x16xf32>,
      %swap3A_605 = vector.shape_cast %swap3A_604 : vector<1x1x16xf32> to vector<16xf32>
      %swap3A_606 = vector.shape_cast %mul3A_599 : vector<16xf32> to vector<1x1x16xf32>
      tpu.vector_store %arg7[%swap3A_601, %swap3A_602, %swap3A_603], %swap3A_606 {strides = array<i32>} : memref<2x256x64xf32, #tpu.memory_space<vmem>>, vector<1x1x16xf32>,
      %scan3A_607 = arith.constant 2 : i32
      %scan3A_608 = arith.addi %scan3A_478, %scan3A_607 : i32
      %get3A_609 = arith.constant 1 : i32
      %get3A_610 = arith.index_cast %get3A_609 : i32 to index
      %get3A_611 = arith.index_cast %scan3A_608 : i32 to index
      %get3A_612 = arith.constant 0 : index
      %get3A_613 = tpu.vector_load %arg6[%get3A_610, %get3A_611, %get3A_612] {strides = array<i32>} : memref<4x256x64xf32, #tpu.memory_space<vmem>>, vector<1x1x16xf32>,
      %get3A_614 = vector.shape_cast %get3A_613 : vector<1x1x16xf32> to vector<16xf32>
      %mul3A_615 = arith.constant 8.000000e+00 : f32
      %mul3A_616 = vector.broadcast %mul3A_615 : f32 to vector<16xf32>
      %mul3A_617 = arith.mulf %get3A_614, %mul3A_616 : vector<16xf32>
      %swap3A_618 = arith.constant 1 : i32
      %swap3A_619 = arith.index_cast %swap3A_618 : i32 to index
      %swap3A_620 = arith.index_cast %scan3A_608 : i32 to index
      %swap3A_621 = arith.constant 0 : index
      %swap3A_622 = tpu.vector_load %arg7[%swap3A_619, %swap3A_620, %swap3A_621] {strides = array<i32>} : memref<2x256x64xf32, #tpu.memory_space<vmem>>, vector<1x1x16xf32>,
      %swap3A_623 = vector.shape_cast %swap3A_622 : vector<1x1x16xf32> to vector<16xf32>
      %swap3A_624 = vector.shape_cast %mul3A_617 : vector<16xf32> to vector<1x1x16xf32>
      tpu.vector_store %arg7[%swap3A_619, %swap3A_620, %swap3A_621], %swap3A_624 {strides = array<i32>} : memref<2x256x64xf32, #tpu.memory_space<vmem>>, vector<1x1x16xf32>,
      %get3A_625 = arith.constant 1 : i32
      %get3A_626 = arith.index_cast %get3A_625 : i32 to index
      %get3A_627 = arith.index_cast %scan3A_608 : i32 to index
      %get3A_628 = arith.constant 16 : index
      %get3A_629 = tpu.vector_load %arg6[%get3A_626, %get3A_627, %get3A_628] {strides = array<i32>} : memref<4x256x64xf32, #tpu.memory_space<vmem>>, vector<1x1x16xf32>,
      %get3A_630 = vector.shape_cast %get3A_629 : vector<1x1x16xf32> to vector<16xf32>
      %mul3A_631 = arith.constant 8.000000e+00 : f32
      %mul3A_632 = vector.broadcast %mul3A_631 : f32 to vector<16xf32>
      %mul3A_633 = arith.mulf %get3A_630, %mul3A_632 : vector<16xf32>
      %swap3A_634 = arith.constant 1 : i32
      %swap3A_635 = arith.index_cast %swap3A_634 : i32 to index
      %swap3A_636 = arith.index_cast %scan3A_608 : i32 to index
      %swap3A_637 = arith.constant 16 : index
      %swap3A_638 = tpu.vector_load %arg7[%swap3A_635, %swap3A_636, %swap3A_637] {strides = array<i32>} : memref<2x256x64xf32, #tpu.memory_space<vmem>>, vector<1x1x16xf32>,
      %swap3A_639 = vector.shape_cast %swap3A_638 : vector<1x1x16xf32> to vector<16xf32>
      %swap3A_640 = vector.shape_cast %mul3A_633 : vector<16xf32> to vector<1x1x16xf32>
      tpu.vector_store %arg7[%swap3A_635, %swap3A_636, %swap3A_637], %swap3A_640 {strides = array<i32>} : memref<2x256x64xf32, #tpu.memory_space<vmem>>, vector<1x1x16xf32>,
      %get3A_641 = arith.constant 1 : i32
      %get3A_642 = arith.index_cast %get3A_641 : i32 to index
      %get3A_643 = arith.index_cast %scan3A_608 : i32 to index
      %get3A_644 = arith.constant 32 : index
      %get3A_645 = tpu.vector_load %arg6[%get3A_642, %get3A_643, %get3A_644] {strides = array<i32>} : memref<4x256x64xf32, #tpu.memory_space<vmem>>, vector<1x1x16xf32>,
      %get3A_646 = vector.shape_cast %get3A_645 : vector<1x1x16xf32> to vector<16xf32>
      %mul3A_647 = arith.constant 8.000000e+00 : f32
      %mul3A_648 = vector.broadcast %mul3A_647 : f32 to vector<16xf32>
      %mul3A_649 = arith.mulf %get3A_646, %mul3A_648 : vector<16xf32>
      %swap3A_650 = arith.constant 1 : i32
      %swap3A_651 = arith.index_cast %swap3A_650 : i32 to index
      %swap3A_652 = arith.index_cast %scan3A_608 : i32 to index
      %swap3A_653 = arith.constant 32 : index
      %swap3A_654 = tpu.vector_load %arg7[%swap3A_651, %swap3A_652, %swap3A_653] {strides = array<i32>} : memref<2x256x64xf32, #tpu.memory_space<vmem>>, vector<1x1x16xf32>,
      %swap3A_655 = vector.shape_cast %swap3A_654 : vector<1x1x16xf32> to vector<16xf32>
      %swap3A_656 = vector.shape_cast %mul3A_649 : vector<16xf32> to vector<1x1x16xf32>
      tpu.vector_store %arg7[%swap3A_651, %swap3A_652, %swap3A_653], %swap3A_656 {strides = array<i32>} : memref<2x256x64xf32, #tpu.memory_space<vmem>>, vector<1x1x16xf32>,
      %get3A_657 = arith.constant 1 : i32
      %get3A_658 = arith.index_cast %get3A_657 : i32 to index
      %get3A_659 = arith.index_cast %scan3A_608 : i32 to index
      %get3A_660 = arith.constant 48 : index
      %get3A_661 = tpu.vector_load %arg6[%get3A_658, %get3A_659, %get3A_660] {strides = array<i32>} : memref<4x256x64xf32, #tpu.memory_space<vmem>>, vector<1x1x16xf32>,
      %get3A_662 = vector.shape_cast %get3A_661 : vector<1x1x16xf32> to vector<16xf32>
      %mul3A_663 = arith.constant 8.000000e+00 : f32
      %mul3A_664 = vector.broadcast %mul3A_663 : f32 to vector<16xf32>
      %mul3A_665 = arith.mulf %get3A_662, %mul3A_664 : vector<16xf32>
      %swap3A_666 = arith.constant 1 : i32
      %swap3A_667 = arith.index_cast %swap3A_666 : i32 to index
      %swap3A_668 = arith.index_cast %scan3A_608 : i32 to index
      %swap3A_669 = arith.constant 48 : index
      %swap3A_670 = tpu.vector_load %arg7[%swap3A_667, %swap3A_668, %swap3A_669] {strides = array<i32>} : memref<2x256x64xf32, #tpu.memory_space<vmem>>, vector<1x1x16xf32>,
      %swap3A_671 = vector.shape_cast %swap3A_670 : vector<1x1x16xf32> to vector<16xf32>
      %swap3A_672 = vector.shape_cast %mul3A_665 : vector<16xf32> to vector<1x1x16xf32>
      tpu.vector_store %arg7[%swap3A_667, %swap3A_668, %swap3A_669], %swap3A_672 {strides = array<i32>} : memref<2x256x64xf32, #tpu.memory_space<vmem>>, vector<1x1x16xf32>,
      %scan3A_673 = arith.constant 3 : i32
      %scan3A_674 = arith.addi %scan3A_478, %scan3A_673 : i32
      %get3A_675 = arith.constant 1 : i32
      %get3A_676 = arith.index_cast %get3A_675 : i32 to index
      %get3A_677 = arith.index_cast %scan3A_674 : i32 to index
      %get3A_678 = arith.constant 0 : index
      %get3A_679 = tpu.vector_load %arg6[%get3A_676, %get3A_677, %get3A_678] {strides = array<i32>} : memref<4x256x64xf32, #tpu.memory_space<vmem>>, vector<1x1x16xf32>,
      %get3A_680 = vector.shape_cast %get3A_679 : vector<1x1x16xf32> to vector<16xf32>
      %mul3A_681 = arith.constant 8.000000e+00 : f32
      %mul3A_682 = vector.broadcast %mul3A_681 : f32 to vector<16xf32>
      %mul3A_683 = arith.mulf %get3A_680, %mul3A_682 : vector<16xf32>
      %swap3A_684 = arith.constant 1 : i32
      %swap3A_685 = arith.index_cast %swap3A_684 : i32 to index
      %swap3A_686 = arith.index_cast %scan3A_674 : i32 to index
      %swap3A_687 = arith.constant 0 : index
      %swap3A_688 = tpu.vector_load %arg7[%swap3A_685, %swap3A_686, %swap3A_687] {strides = array<i32>} : memref<2x256x64xf32, #tpu.memory_space<vmem>>, vector<1x1x16xf32>,
      %swap3A_689 = vector.shape_cast %swap3A_688 : vector<1x1x16xf32> to vector<16xf32>
      %swap3A_690 = vector.shape_cast %mul3A_683 : vector<16xf32> to vector<1x1x16xf32>
      tpu.vector_store %arg7[%swap3A_685, %swap3A_686, %swap3A_687], %swap3A_690 {strides = array<i32>} : memref<2x256x64xf32, #tpu.memory_space<vmem>>, vector<1x1x16xf32>,
      %get3A_691 = arith.constant 1 : i32
      %get3A_692 = arith.index_cast %get3A_691 : i32 to index
      %get3A_693 = arith.index_cast %scan3A_674 : i32 to index
      %get3A_694 = arith.constant 16 : index
      %get3A_695 = tpu.vector_load %arg6[%get3A_692, %get3A_693, %get3A_694] {strides = array<i32>} : memref<4x256x64xf32, #tpu.memory_space<vmem>>, vector<1x1x16xf32>,
      %get3A_696 = vector.shape_cast %get3A_695 : vector<1x1x16xf32> to vector<16xf32>
      %mul3A_697 = arith.constant 8.000000e+00 : f32
      %mul3A_698 = vector.broadcast %mul3A_697 : f32 to vector<16xf32>
      %mul3A_699 = arith.mulf %get3A_696, %mul3A_698 : vector<16xf32>
      %swap3A_700 = arith.constant 1 : i32
      %swap3A_701 = arith.index_cast %swap3A_700 : i32 to index
      %swap3A_702 = arith.index_cast %scan3A_674 : i32 to index
      %swap3A_703 = arith.constant 16 : index
      %swap3A_704 = tpu.vector_load %arg7[%swap3A_701, %swap3A_702, %swap3A_703] {strides = array<i32>} : memref<2x256x64xf32, #tpu.memory_space<vmem>>, vector<1x1x16xf32>,
      %swap3A_705 = vector.shape_cast %swap3A_704 : vector<1x1x16xf32> to vector<16xf32>
      %swap3A_706 = vector.shape_cast %mul3A_699 : vector<16xf32> to vector<1x1x16xf32>
      tpu.vector_store %arg7[%swap3A_701, %swap3A_702, %swap3A_703], %swap3A_706 {strides = array<i32>} : memref<2x256x64xf32, #tpu.memory_space<vmem>>, vector<1x1x16xf32>,
      %get3A_707 = arith.constant 1 : i32
      %get3A_708 = arith.index_cast %get3A_707 : i32 to index
      %get3A_709 = arith.index_cast %scan3A_674 : i32 to index
      %get3A_710 = arith.constant 32 : index
      %get3A_711 = tpu.vector_load %arg6[%get3A_708, %get3A_709, %get3A_710] {strides = array<i32>} : memref<4x256x64xf32, #tpu.memory_space<vmem>>, vector<1x1x16xf32>,
      %get3A_712 = vector.shape_cast %get3A_711 : vector<1x1x16xf32> to vector<16xf32>
      %mul3A_713 = arith.constant 8.000000e+00 : f32
      %mul3A_714 = vector.broadcast %mul3A_713 : f32 to vector<16xf32>
      %mul3A_715 = arith.mulf %get3A_712, %mul3A_714 : vector<16xf32>
      %swap3A_716 = arith.constant 1 : i32
      %swap3A_717 = arith.index_cast %swap3A_716 : i32 to index
      %swap3A_718 = arith.index_cast %scan3A_674 : i32 to index
      %swap3A_719 = arith.constant 32 : index
      %swap3A_720 = tpu.vector_load %arg7[%swap3A_717, %swap3A_718, %swap3A_719] {strides = array<i32>} : memref<2x256x64xf32, #tpu.memory_space<vmem>>, vector<1x1x16xf32>,
      %swap3A_721 = vector.shape_cast %swap3A_720 : vector<1x1x16xf32> to vector<16xf32>
      %swap3A_722 = vector.shape_cast %mul3A_715 : vector<16xf32> to vector<1x1x16xf32>
      tpu.vector_store %arg7[%swap3A_717, %swap3A_718, %swap3A_719], %swap3A_722 {strides = array<i32>} : memref<2x256x64xf32, #tpu.memory_space<vmem>>, vector<1x1x16xf32>,
      %get3A_723 = arith.constant 1 : i32
      %get3A_724 = arith.index_cast %get3A_723 : i32 to index
      %get3A_725 = arith.index_cast %scan3A_674 : i32 to index
      %get3A_726 = arith.constant 48 : index
      %get3A_727 = tpu.vector_load %arg6[%get3A_724, %get3A_725, %get3A_726] {strides = array<i32>} : memref<4x256x64xf32, #tpu.memory_space<vmem>>, vector<1x1x16xf32>,
      %get3A_728 = vector.shape_cast %get3A_727 : vector<1x1x16xf32> to vector<16xf32>
      %mul3A_729 = arith.constant 8.000000e+00 : f32
      %mul3A_730 = vector.broadcast %mul3A_729 : f32 to vector<16xf32>
      %mul3A_731 = arith.mulf %get3A_728, %mul3A_730 : vector<16xf32>
      %swap3A_732 = arith.constant 1 : i32
      %swap3A_733 = arith.index_cast %swap3A_732 : i32 to index
      %swap3A_734 = arith.index_cast %scan3A_674 : i32 to index
      %swap3A_735 = arith.constant 48 : index
      %swap3A_736 = tpu.vector_load %arg7[%swap3A_733, %swap3A_734, %swap3A_735] {strides = array<i32>} : memref<2x256x64xf32, #tpu.memory_space<vmem>>, vector<1x1x16xf32>,
      %swap3A_737 = vector.shape_cast %swap3A_736 : vector<1x1x16xf32> to vector<16xf32>
      %swap3A_738 = vector.shape_cast %mul3A_731 : vector<16xf32> to vector<1x1x16xf32>
      tpu.vector_store %arg7[%swap3A_733, %swap3A_734, %swap3A_735], %swap3A_738 {strides = array<i32>} : memref<2x256x64xf32, #tpu.memory_space<vmem>>, vector<1x1x16xf32>,
    }
    %scan3A_106 = arith.constant 256 : i32
    %dma_start3A_107 = arith.constant 1 : i32
    %dma_start3A_108 = arith.constant 0 : i32
    %dma_start3A_109 = arith.constant 0 : i32
    %dma_start3A_110 = tpu.memref_slice %arg6[%dma_start3A_107, %dma_start3A_108, %dma_start3A_109] : memref<4x256x64xf32, #tpu.memory_space<vmem>> -> memref<1x256x64xf32, #tpu.memory_space<vmem>>
    %dma_start3A_111 = tpu.memref_squeeze %dma_start3A_110 : memref<1x256x64xf32, #tpu.memory_space<vmem>> -> memref<256x64xf32, #tpu.memory_space<vmem>>
    %dma_start3A_112 = arith.constant 1280 : i32
    %dma_start3A_113 = tpu.memref_slice %arg5[%dma_start3A_112] : memref<25600xi32, #tpu.memory_space<vmem>> -> memref<256xi32, #tpu.memory_space<vmem>>
    %dma_start3A_114 = arith.constant 0 : i32
    %dma_start3A_115 = arith.constant 0 : i32
    %dma_start3A_116 = tpu.memref_slice %arg3[%dma_start3A_114, %dma_start3A_115] : memref<1000000x64xf32, #tpu.memory_space<hbm>> -> memref<1000000x64xf32, #tpu.memory_space<hbm>>
    tpu.enqueue_indirect_dma source(%dma_start3A_116 : memref<1000000x64xf32, #tpu.memory_space<hbm>>) target(%dma_start3A_111 : memref<256x64xf32, #tpu.memory_space<vmem>>) offsets(%dma_start3A_113 : memref<256xi32, #tpu.memory_space<vmem>>) semaphore(%arg9 : memref<!tpu.dma_semaphore, #tpu.memory_space<semaphore_mem>>)
    %add3A_117 = arith.constant 256 : i32
    %add3A_118 = arith.addi %mul3A_2, %add3A_117 : i32
    %dma_start3A_119 = arith.constant 1 : i32
    %dma_start3A_120 = arith.constant 0 : i32
    %dma_start3A_121 = arith.constant 0 : i32
    %dma_start3A_122 = tpu.memref_slice %arg7[%dma_start3A_119, %dma_start3A_120, %dma_start3A_121] : memref<2x256x64xf32, #tpu.memory_space<vmem>> -> memref<1x256x64xf32, #tpu.memory_space<vmem>>
    %dma_start3A_123 = tpu.memref_squeeze %dma_start3A_122 : memref<1x256x64xf32, #tpu.memory_space<vmem>> -> memref<256x64xf32, #tpu.memory_space<vmem>>
    %dma_start3A_124 = arith.constant 0 : i32
    %dma_start3A_125 = tpu.memref_slice %arg4[%add3A_118, %dma_start3A_124] : memref<819200x64xf32, #tpu.memory_space<hbm>> -> memref<256x64xf32, #tpu.memory_space<hbm>>
    %dma_start3A_126 = arith.constant 0 : i32
    %dma_start3A_127 = tpu.memref_slice %arg4[%add3A_118, %dma_start3A_126] : memref<819200x64xf32, #tpu.memory_space<hbm>> -> memref<256x64xf32, #tpu.memory_space<hbm>>
    %dma_start3A_128 = arith.constant 0 : i32
    %dma_start3A_129 = arith.constant 0 : i32
    %dma_start3A_130 = tpu.memref_slice %arg7[%dma_start3A_119, %dma_start3A_128, %dma_start3A_129] : memref<2x256x64xf32, #tpu.memory_space<vmem>> -> memref<1x256x64xf32, #tpu.memory_space<vmem>>
    %dma_start3A_131 = tpu.memref_squeeze %dma_start3A_130 : memref<1x256x64xf32, #tpu.memory_space<vmem>> -> memref<256x64xf32, #tpu.memory_space<vmem>>
    tpu.enqueue_dma source(%dma_start3A_131 : memref<256x64xf32, #tpu.memory_space<vmem>>) target(%dma_start3A_127 : memref<256x64xf32, #tpu.memory_space<hbm>>) target_semaphore(%arg13 : memref<!tpu.dma_semaphore, #tpu.memory_space<semaphore_mem>>)
    %dma_wait3A_132 = arith.constant 2 : i32
    %dma_wait3A_133 = arith.constant 0 : i32
    %dma_wait3A_134 = arith.constant 0 : i32
    %dma_wait3A_135 = tpu.memref_slice %arg6[%dma_wait3A_132, %dma_wait3A_133, %dma_wait3A_134] : memref<4x256x64xf32, #tpu.memory_space<vmem>> -> memref<1x256x64xf32, #tpu.memory_space<vmem>>
    %dma_wait3A_136 = tpu.memref_squeeze %dma_wait3A_135 : memref<1x256x64xf32, #tpu.memory_space<vmem>> -> memref<256x64xf32, #tpu.memory_space<vmem>>
    %dma_wait3A_137 = arith.constant 0 : i32
    %dma_wait3A_138 = arith.constant 0 : i32
    %dma_wait3A_139 = tpu.memref_slice %arg3[%dma_wait3A_137, %dma_wait3A_138] : memref<1000000x64xf32, #tpu.memory_space<hbm>> -> memref<256x64xf32, #tpu.memory_space<hbm>>
    %dma_wait3A_140 = arith.constant 0 : i32
    %dma_wait3A_141 = arith.constant 0 : i32
    %dma_wait3A_142 = tpu.memref_slice %arg6[%dma_wait3A_132, %dma_wait3A_140, %dma_wait3A_141] : memref<4x256x64xf32, #tpu.memory_space<vmem>> -> memref<1x256x64xf32, #tpu.memory_space<vmem>>
    %dma_wait3A_143 = tpu.memref_squeeze %dma_wait3A_142 : memref<1x256x64xf32, #tpu.memory_space<vmem>> -> memref<256x64xf32, #tpu.memory_space<vmem>>
    %dma_wait3A_144 = arith.constant 0 : i32
    %dma_wait3A_145 = arith.constant 0 : i32
    %dma_wait3A_146 = tpu.memref_slice %arg3[%dma_wait3A_144, %dma_wait3A_145] : memref<1000000x64xf32, #tpu.memory_space<hbm>> -> memref<256x64xf32, #tpu.memory_space<hbm>>
    tpu.wait_dma2 semaphore(%arg10 : memref<!tpu.dma_semaphore, #tpu.memory_space<semaphore_mem>>) src(%dma_wait3A_146 : memref<256x64xf32, #tpu.memory_space<hbm>>) dst(%dma_wait3A_143 : memref<256x64xf32, #tpu.memory_space<vmem>>)
    %dma_wait3A_147 = arith.constant 0 : i32
    %dma_wait3A_148 = arith.constant 0 : i32
    %dma_wait3A_149 = arith.constant 0 : i32
    %dma_wait3A_150 = tpu.memref_slice %arg7[%dma_wait3A_147, %dma_wait3A_148, %dma_wait3A_149] : memref<2x256x64xf32, #tpu.memory_space<vmem>> -> memref<1x256x64xf32, #tpu.memory_space<vmem>>
    %dma_wait3A_151 = tpu.memref_squeeze %dma_wait3A_150 : memref<1x256x64xf32, #tpu.memory_space<vmem>> -> memref<256x64xf32, #tpu.memory_space<vmem>>
    %dma_wait3A_152 = arith.constant 0 : i32
    %dma_wait3A_153 = tpu.memref_slice %arg4[%mul3A_2, %dma_wait3A_152] : memref<819200x64xf32, #tpu.memory_space<hbm>> -> memref<256x64xf32, #tpu.memory_space<hbm>>
    %dma_wait3A_154 = arith.constant 0 : i32
    %dma_wait3A_155 = tpu.memref_slice %arg4[%mul3A_2, %dma_wait3A_154] : memref<819200x64xf32, #tpu.memory_space<hbm>> -> memref<256x64xf32, #tpu.memory_space<hbm>>
    %dma_wait3A_156 = arith.constant 0 : i32
    %dma_wait3A_157 = arith.constant 0 : i32
    %dma_wait3A_158 = tpu.memref_slice %arg7[%dma_wait3A_147, %dma_wait3A_156, %dma_wait3A_157] : memref<2x256x64xf32, #tpu.memory_space<vmem>> -> memref<1x256x64xf32, #tpu.memory_space<vmem>>
    %dma_wait3A_159 = tpu.memref_squeeze %dma_wait3A_158 : memref<1x256x64xf32, #tpu.memory_space<vmem>> -> memref<256x64xf32, #tpu.memory_space<vmem>>
    tpu.wait_dma2 semaphore(%arg12 : memref<!tpu.dma_semaphore, #tpu.memory_space<semaphore_mem>>) src(%dma_wait3A_159 : memref<256x64xf32, #tpu.memory_space<vmem>>) dst(%dma_wait3A_155 : memref<256x64xf32, #tpu.memory_space<hbm>>)
    %scan3A_160 = arith.constant 0 : i32
    %scan3A_161 = arith.constant 0 : i32
    %scan3A_162 = arith.constant 256 : i32
    %scan3A_163 = arith.addi %scan3A_161, %scan3A_162 : i32
    %scan3A_164 = arith.constant 4 : i32
    scf.for %scan3A_478 = %scan3A_161 to %scan3A_163 step %scan3A_164  : i32 {
      %get3A = arith.constant 2 : i32
      %get3A_479 = arith.index_cast %get3A : i32 to index
      %get3A_480 = arith.index_cast %scan3A_478 : i32 to index
      %get3A_481 = arith.constant 0 : index
      %get3A_482 = tpu.vector_load %arg6[%get3A_479, %get3A_480, %get3A_481] {strides = array<i32>} : memref<4x256x64xf32, #tpu.memory_space<vmem>>, vector<1x1x16xf32>,
      %get3A_483 = vector.shape_cast %get3A_482 : vector<1x1x16xf32> to vector<16xf32>
      %mul3A_484 = arith.constant 8.000000e+00 : f32
      %mul3A_485 = vector.broadcast %mul3A_484 : f32 to vector<16xf32>
      %mul3A_486 = arith.mulf %get3A_483, %mul3A_485 : vector<16xf32>
      %swap3A = arith.constant 0 : i32
      %swap3A_487 = arith.index_cast %swap3A : i32 to index
      %swap3A_488 = arith.index_cast %scan3A_478 : i32 to index
      %swap3A_489 = arith.constant 0 : index
      %swap3A_490 = tpu.vector_load %arg7[%swap3A_487, %swap3A_488, %swap3A_489] {strides = array<i32>} : memref<2x256x64xf32, #tpu.memory_space<vmem>>, vector<1x1x16xf32>,
      %swap3A_491 = vector.shape_cast %swap3A_490 : vector<1x1x16xf32> to vector<16xf32>
      %swap3A_492 = vector.shape_cast %mul3A_486 : vector<16xf32> to vector<1x1x16xf32>
      tpu.vector_store %arg7[%swap3A_487, %swap3A_488, %swap3A_489], %swap3A_492 {strides = array<i32>} : memref<2x256x64xf32, #tpu.memory_space<vmem>>, vector<1x1x16xf32>,
      %get3A_493 = arith.constant 2 : i32
      %get3A_494 = arith.index_cast %get3A_493 : i32 to index
      %get3A_495 = arith.index_cast %scan3A_478 : i32 to index
      %get3A_496 = arith.constant 16 : index
      %get3A_497 = tpu.vector_load %arg6[%get3A_494, %get3A_495, %get3A_496] {strides = array<i32>} : memref<4x256x64xf32, #tpu.memory_space<vmem>>, vector<1x1x16xf32>,
      %get3A_498 = vector.shape_cast %get3A_497 : vector<1x1x16xf32> to vector<16xf32>
      %mul3A_499 = arith.constant 8.000000e+00 : f32
      %mul3A_500 = vector.broadcast %mul3A_499 : f32 to vector<16xf32>
      %mul3A_501 = arith.mulf %get3A_498, %mul3A_500 : vector<16xf32>
      %swap3A_502 = arith.constant 0 : i32
      %swap3A_503 = arith.index_cast %swap3A_502 : i32 to index
      %swap3A_504 = arith.index_cast %scan3A_478 : i32 to index
      %swap3A_505 = arith.constant 16 : index
      %swap3A_506 = tpu.vector_load %arg7[%swap3A_503, %swap3A_504, %swap3A_505] {strides = array<i32>} : memref<2x256x64xf32, #tpu.memory_space<vmem>>, vector<1x1x16xf32>,
      %swap3A_507 = vector.shape_cast %swap3A_506 : vector<1x1x16xf32> to vector<16xf32>
      %swap3A_508 = vector.shape_cast %mul3A_501 : vector<16xf32> to vector<1x1x16xf32>
      tpu.vector_store %arg7[%swap3A_503, %swap3A_504, %swap3A_505], %swap3A_508 {strides = array<i32>} : memref<2x256x64xf32, #tpu.memory_space<vmem>>, vector<1x1x16xf32>,
      %get3A_509 = arith.constant 2 : i32
      %get3A_510 = arith.index_cast %get3A_509 : i32 to index
      %get3A_511 = arith.index_cast %scan3A_478 : i32 to index
      %get3A_512 = arith.constant 32 : index
      %get3A_513 = tpu.vector_load %arg6[%get3A_510, %get3A_511, %get3A_512] {strides = array<i32>} : memref<4x256x64xf32, #tpu.memory_space<vmem>>, vector<1x1x16xf32>,
      %get3A_514 = vector.shape_cast %get3A_513 : vector<1x1x16xf32> to vector<16xf32>
      %mul3A_515 = arith.constant 8.000000e+00 : f32
      %mul3A_516 = vector.broadcast %mul3A_515 : f32 to vector<16xf32>
      %mul3A_517 = arith.mulf %get3A_514, %mul3A_516 : vector<16xf32>
      %swap3A_518 = arith.constant 0 : i32
      %swap3A_519 = arith.index_cast %swap3A_518 : i32 to index
      %swap3A_520 = arith.index_cast %scan3A_478 : i32 to index
      %swap3A_521 = arith.constant 32 : index
      %swap3A_522 = tpu.vector_load %arg7[%swap3A_519, %swap3A_520, %swap3A_521] {strides = array<i32>} : memref<2x256x64xf32, #tpu.memory_space<vmem>>, vector<1x1x16xf32>,
      %swap3A_523 = vector.shape_cast %swap3A_522 : vector<1x1x16xf32> to vector<16xf32>
      %swap3A_524 = vector.shape_cast %mul3A_517 : vector<16xf32> to vector<1x1x16xf32>
      tpu.vector_store %arg7[%swap3A_519, %swap3A_520, %swap3A_521], %swap3A_524 {strides = array<i32>} : memref<2x256x64xf32, #tpu.memory_space<vmem>>, vector<1x1x16xf32>,
      %get3A_525 = arith.constant 2 : i32
      %get3A_526 = arith.index_cast %get3A_525 : i32 to index
      %get3A_527 = arith.index_cast %scan3A_478 : i32 to index
      %get3A_528 = arith.constant 48 : index
      %get3A_529 = tpu.vector_load %arg6[%get3A_526, %get3A_527, %get3A_528] {strides = array<i32>} : memref<4x256x64xf32, #tpu.memory_space<vmem>>, vector<1x1x16xf32>,
      %get3A_530 = vector.shape_cast %get3A_529 : vector<1x1x16xf32> to vector<16xf32>
      %mul3A_531 = arith.constant 8.000000e+00 : f32
      %mul3A_532 = vector.broadcast %mul3A_531 : f32 to vector<16xf32>
      %mul3A_533 = arith.mulf %get3A_530, %mul3A_532 : vector<16xf32>
      %swap3A_534 = arith.constant 0 : i32
      %swap3A_535 = arith.index_cast %swap3A_534 : i32 to index
      %swap3A_536 = arith.index_cast %scan3A_478 : i32 to index
      %swap3A_537 = arith.constant 48 : index
      %swap3A_538 = tpu.vector_load %arg7[%swap3A_535, %swap3A_536, %swap3A_537] {strides = array<i32>} : memref<2x256x64xf32, #tpu.memory_space<vmem>>, vector<1x1x16xf32>,
      %swap3A_539 = vector.shape_cast %swap3A_538 : vector<1x1x16xf32> to vector<16xf32>
      %swap3A_540 = vector.shape_cast %mul3A_533 : vector<16xf32> to vector<1x1x16xf32>
      tpu.vector_store %arg7[%swap3A_535, %swap3A_536, %swap3A_537], %swap3A_540 {strides = array<i32>} : memref<2x256x64xf32, #tpu.memory_space<vmem>>, vector<1x1x16xf32>,
      %scan3A_541 = arith.constant 1 : i32
      %scan3A_542 = arith.addi %scan3A_478, %scan3A_541 : i32
      %get3A_543 = arith.constant 2 : i32
      %get3A_544 = arith.index_cast %get3A_543 : i32 to index
      %get3A_545 = arith.index_cast %scan3A_542 : i32 to index
      %get3A_546 = arith.constant 0 : index
      %get3A_547 = tpu.vector_load %arg6[%get3A_544, %get3A_545, %get3A_546] {strides = array<i32>} : memref<4x256x64xf32, #tpu.memory_space<vmem>>, vector<1x1x16xf32>,
      %get3A_548 = vector.shape_cast %get3A_547 : vector<1x1x16xf32> to vector<16xf32>
      %mul3A_549 = arith.constant 8.000000e+00 : f32
      %mul3A_550 = vector.broadcast %mul3A_549 : f32 to vector<16xf32>
      %mul3A_551 = arith.mulf %get3A_548, %mul3A_550 : vector<16xf32>
      %swap3A_552 = arith.constant 0 : i32
      %swap3A_553 = arith.index_cast %swap3A_552 : i32 to index
      %swap3A_554 = arith.index_cast %scan3A_542 : i32 to index
      %swap3A_555 = arith.constant 0 : index
      %swap3A_556 = tpu.vector_load %arg7[%swap3A_553, %swap3A_554, %swap3A_555] {strides = array<i32>} : memref<2x256x64xf32, #tpu.memory_space<vmem>>, vector<1x1x16xf32>,
      %swap3A_557 = vector.shape_cast %swap3A_556 : vector<1x1x16xf32> to vector<16xf32>
      %swap3A_558 = vector.shape_cast %mul3A_551 : vector<16xf32> to vector<1x1x16xf32>
      tpu.vector_store %arg7[%swap3A_553, %swap3A_554, %swap3A_555], %swap3A_558 {strides = array<i32>} : memref<2x256x64xf32, #tpu.memory_space<vmem>>, vector<1x1x16xf32>,
      %get3A_559 = arith.constant 2 : i32
      %get3A_560 = arith.index_cast %get3A_559 : i32 to index
      %get3A_561 = arith.index_cast %scan3A_542 : i32 to index
      %get3A_562 = arith.constant 16 : index
      %get3A_563 = tpu.vector_load %arg6[%get3A_560, %get3A_561, %get3A_562] {strides = array<i32>} : memref<4x256x64xf32, #tpu.memory_space<vmem>>, vector<1x1x16xf32>,
      %get3A_564 = vector.shape_cast %get3A_563 : vector<1x1x16xf32> to vector<16xf32>
      %mul3A_565 = arith.constant 8.000000e+00 : f32
      %mul3A_566 = vector.broadcast %mul3A_565 : f32 to vector<16xf32>
      %mul3A_567 = arith.mulf %get3A_564, %mul3A_566 : vector<16xf32>
      %swap3A_568 = arith.constant 0 : i32
      %swap3A_569 = arith.index_cast %swap3A_568 : i32 to index
      %swap3A_570 = arith.index_cast %scan3A_542 : i32 to index
      %swap3A_571 = arith.constant 16 : index
      %swap3A_572 = tpu.vector_load %arg7[%swap3A_569, %swap3A_570, %swap3A_571] {strides = array<i32>} : memref<2x256x64xf32, #tpu.memory_space<vmem>>, vector<1x1x16xf32>,
      %swap3A_573 = vector.shape_cast %swap3A_572 : vector<1x1x16xf32> to vector<16xf32>
      %swap3A_574 = vector.shape_cast %mul3A_567 : vector<16xf32> to vector<1x1x16xf32>
      tpu.vector_store %arg7[%swap3A_569, %swap3A_570, %swap3A_571], %swap3A_574 {strides = array<i32>} : memref<2x256x64xf32, #tpu.memory_space<vmem>>, vector<1x1x16xf32>,
      %get3A_575 = arith.constant 2 : i32
      %get3A_576 = arith.index_cast %get3A_575 : i32 to index
      %get3A_577 = arith.index_cast %scan3A_542 : i32 to index
      %get3A_578 = arith.constant 32 : index
      %get3A_579 = tpu.vector_load %arg6[%get3A_576, %get3A_577, %get3A_578] {strides = array<i32>} : memref<4x256x64xf32, #tpu.memory_space<vmem>>, vector<1x1x16xf32>,
      %get3A_580 = vector.shape_cast %get3A_579 : vector<1x1x16xf32> to vector<16xf32>
      %mul3A_581 = arith.constant 8.000000e+00 : f32
      %mul3A_582 = vector.broadcast %mul3A_581 : f32 to vector<16xf32>
      %mul3A_583 = arith.mulf %get3A_580, %mul3A_582 : vector<16xf32>
      %swap3A_584 = arith.constant 0 : i32
      %swap3A_585 = arith.index_cast %swap3A_584 : i32 to index
      %swap3A_586 = arith.index_cast %scan3A_542 : i32 to index
      %swap3A_587 = arith.constant 32 : index
      %swap3A_588 = tpu.vector_load %arg7[%swap3A_585, %swap3A_586, %swap3A_587] {strides = array<i32>} : memref<2x256x64xf32, #tpu.memory_space<vmem>>, vector<1x1x16xf32>,
      %swap3A_589 = vector.shape_cast %swap3A_588 : vector<1x1x16xf32> to vector<16xf32>
      %swap3A_590 = vector.shape_cast %mul3A_583 : vector<16xf32> to vector<1x1x16xf32>
      tpu.vector_store %arg7[%swap3A_585, %swap3A_586, %swap3A_587], %swap3A_590 {strides = array<i32>} : memref<2x256x64xf32, #tpu.memory_space<vmem>>, vector<1x1x16xf32>,
      %get3A_591 = arith.constant 2 : i32
      %get3A_592 = arith.index_cast %get3A_591 : i32 to index
      %get3A_593 = arith.index_cast %scan3A_542 : i32 to index
      %get3A_594 = arith.constant 48 : index
      %get3A_595 = tpu.vector_load %arg6[%get3A_592, %get3A_593, %get3A_594] {strides = array<i32>} : memref<4x256x64xf32, #tpu.memory_space<vmem>>, vector<1x1x16xf32>,
      %get3A_596 = vector.shape_cast %get3A_595 : vector<1x1x16xf32> to vector<16xf32>
      %mul3A_597 = arith.constant 8.000000e+00 : f32
      %mul3A_598 = vector.broadcast %mul3A_597 : f32 to vector<16xf32>
      %mul3A_599 = arith.mulf %get3A_596, %mul3A_598 : vector<16xf32>
      %swap3A_600 = arith.constant 0 : i32
      %swap3A_601 = arith.index_cast %swap3A_600 : i32 to index
      %swap3A_602 = arith.index_cast %scan3A_542 : i32 to index
      %swap3A_603 = arith.constant 48 : index
      %swap3A_604 = tpu.vector_load %arg7[%swap3A_601, %swap3A_602, %swap3A_603] {strides = array<i32>} : memref<2x256x64xf32, #tpu.memory_space<vmem>>, vector<1x1x16xf32>,
      %swap3A_605 = vector.shape_cast %swap3A_604 : vector<1x1x16xf32> to vector<16xf32>
      %swap3A_606 = vector.shape_cast %mul3A_599 : vector<16xf32> to vector<1x1x16xf32>
      tpu.vector_store %arg7[%swap3A_601, %swap3A_602, %swap3A_603], %swap3A_606 {strides = array<i32>} : memref<2x256x64xf32, #tpu.memory_space<vmem>>, vector<1x1x16xf32>,
      %scan3A_607 = arith.constant 2 : i32
      %scan3A_608 = arith.addi %scan3A_478, %scan3A_607 : i32
      %get3A_609 = arith.constant 2 : i32
      %get3A_610 = arith.index_cast %get3A_609 : i32 to index
      %get3A_611 = arith.index_cast %scan3A_608 : i32 to index
      %get3A_612 = arith.constant 0 : index
      %get3A_613 = tpu.vector_load %arg6[%get3A_610, %get3A_611, %get3A_612] {strides = array<i32>} : memref<4x256x64xf32, #tpu.memory_space<vmem>>, vector<1x1x16xf32>,
      %get3A_614 = vector.shape_cast %get3A_613 : vector<1x1x16xf32> to vector<16xf32>
      %mul3A_615 = arith.constant 8.000000e+00 : f32
      %mul3A_616 = vector.broadcast %mul3A_615 : f32 to vector<16xf32>
      %mul3A_617 = arith.mulf %get3A_614, %mul3A_616 : vector<16xf32>
      %swap3A_618 = arith.constant 0 : i32
      %swap3A_619 = arith.index_cast %swap3A_618 : i32 to index
      %swap3A_620 = arith.index_cast %scan3A_608 : i32 to index
      %swap3A_621 = arith.constant 0 : index
      %swap3A_622 = tpu.vector_load %arg7[%swap3A_619, %swap3A_620, %swap3A_621] {strides = array<i32>} : memref<2x256x64xf32, #tpu.memory_space<vmem>>, vector<1x1x16xf32>,
      %swap3A_623 = vector.shape_cast %swap3A_622 : vector<1x1x16xf32> to vector<16xf32>
      %swap3A_624 = vector.shape_cast %mul3A_617 : vector<16xf32> to vector<1x1x16xf32>
      tpu.vector_store %arg7[%swap3A_619, %swap3A_620, %swap3A_621], %swap3A_624 {strides = array<i32>} : memref<2x256x64xf32, #tpu.memory_space<vmem>>, vector<1x1x16xf32>,
      %get3A_625 = arith.constant 2 : i32
      %get3A_626 = arith.index_cast %get3A_625 : i32 to index
      %get3A_627 = arith.index_cast %scan3A_608 : i32 to index
      %get3A_628 = arith.constant 16 : index
      %get3A_629 = tpu.vector_load %arg6[%get3A_626, %get3A_627, %get3A_628] {strides = array<i32>} : memref<4x256x64xf32, #tpu.memory_space<vmem>>, vector<1x1x16xf32>,
      %get3A_630 = vector.shape_cast %get3A_629 : vector<1x1x16xf32> to vector<16xf32>
      %mul3A_631 = arith.constant 8.000000e+00 : f32
      %mul3A_632 = vector.broadcast %mul3A_631 : f32 to vector<16xf32>
      %mul3A_633 = arith.mulf %get3A_630, %mul3A_632 : vector<16xf32>
      %swap3A_634 = arith.constant 0 : i32
      %swap3A_635 = arith.index_cast %swap3A_634 : i32 to index
      %swap3A_636 = arith.index_cast %scan3A_608 : i32 to index
      %swap3A_637 = arith.constant 16 : index
      %swap3A_638 = tpu.vector_load %arg7[%swap3A_635, %swap3A_636, %swap3A_637] {strides = array<i32>} : memref<2x256x64xf32, #tpu.memory_space<vmem>>, vector<1x1x16xf32>,
      %swap3A_639 = vector.shape_cast %swap3A_638 : vector<1x1x16xf32> to vector<16xf32>
      %swap3A_640 = vector.shape_cast %mul3A_633 : vector<16xf32> to vector<1x1x16xf32>
      tpu.vector_store %arg7[%swap3A_635, %swap3A_636, %swap3A_637], %swap3A_640 {strides = array<i32>} : memref<2x256x64xf32, #tpu.memory_space<vmem>>, vector<1x1x16xf32>,
      %get3A_641 = arith.constant 2 : i32
      %get3A_642 = arith.index_cast %get3A_641 : i32 to index
      %get3A_643 = arith.index_cast %scan3A_608 : i32 to index
      %get3A_644 = arith.constant 32 : index
      %get3A_645 = tpu.vector_load %arg6[%get3A_642, %get3A_643, %get3A_644] {strides = array<i32>} : memref<4x256x64xf32, #tpu.memory_space<vmem>>, vector<1x1x16xf32>,
      %get3A_646 = vector.shape_cast %get3A_645 : vector<1x1x16xf32> to vector<16xf32>
      %mul3A_647 = arith.constant 8.000000e+00 : f32
      %mul3A_648 = vector.broadcast %mul3A_647 : f32 to vector<16xf32>
      %mul3A_649 = arith.mulf %get3A_646, %mul3A_648 : vector<16xf32>
      %swap3A_650 = arith.constant 0 : i32
      %swap3A_651 = arith.index_cast %swap3A_650 : i32 to index
      %swap3A_652 = arith.index_cast %scan3A_608 : i32 to index
      %swap3A_653 = arith.constant 32 : index
      %swap3A_654 = tpu.vector_load %arg7[%swap3A_651, %swap3A_652, %swap3A_653] {strides = array<i32>} : memref<2x256x64xf32, #tpu.memory_space<vmem>>, vector<1x1x16xf32>,
      %swap3A_655 = vector.shape_cast %swap3A_654 : vector<1x1x16xf32> to vector<16xf32>
      %swap3A_656 = vector.shape_cast %mul3A_649 : vector<16xf32> to vector<1x1x16xf32>
      tpu.vector_store %arg7[%swap3A_651, %swap3A_652, %swap3A_653], %swap3A_656 {strides = array<i32>} : memref<2x256x64xf32, #tpu.memory_space<vmem>>, vector<1x1x16xf32>,
      %get3A_657 = arith.constant 2 : i32
      %get3A_658 = arith.index_cast %get3A_657 : i32 to index
      %get3A_659 = arith.index_cast %scan3A_608 : i32 to index
      %get3A_660 = arith.constant 48 : index
      %get3A_661 = tpu.vector_load %arg6[%get3A_658, %get3A_659, %get3A_660] {strides = array<i32>} : memref<4x256x64xf32, #tpu.memory_space<vmem>>, vector<1x1x16xf32>,
      %get3A_662 = vector.shape_cast %get3A_661 : vector<1x1x16xf32> to vector<16xf32>
      %mul3A_663 = arith.constant 8.000000e+00 : f32
      %mul3A_664 = vector.broadcast %mul3A_663 : f32 to vector<16xf32>
      %mul3A_665 = arith.mulf %get3A_662, %mul3A_664 : vector<16xf32>
      %swap3A_666 = arith.constant 0 : i32
      %swap3A_667 = arith.index_cast %swap3A_666 : i32 to index
      %swap3A_668 = arith.index_cast %scan3A_608 : i32 to index
      %swap3A_669 = arith.constant 48 : index
      %swap3A_670 = tpu.vector_load %arg7[%swap3A_667, %swap3A_668, %swap3A_669] {strides = array<i32>} : memref<2x256x64xf32, #tpu.memory_space<vmem>>, vector<1x1x16xf32>,
      %swap3A_671 = vector.shape_cast %swap3A_670 : vector<1x1x16xf32> to vector<16xf32>
      %swap3A_672 = vector.shape_cast %mul3A_665 : vector<16xf32> to vector<1x1x16xf32>
      tpu.vector_store %arg7[%swap3A_667, %swap3A_668, %swap3A_669], %swap3A_672 {strides = array<i32>} : memref<2x256x64xf32, #tpu.memory_space<vmem>>, vector<1x1x16xf32>,
      %scan3A_673 = arith.constant 3 : i32
      %scan3A_674 = arith.addi %scan3A_478, %scan3A_673 : i32
      %get3A_675 = arith.constant 2 : i32
      %get3A_676 = arith.index_cast %get3A_675 : i32 to index
      %get3A_677 = arith.index_cast %scan3A_674 : i32 to index
      %get3A_678 = arith.constant 0 : index
      %get3A_679 = tpu.vector_load %arg6[%get3A_676, %get3A_677, %get3A_678] {strides = array<i32>} : memref<4x256x64xf32, #tpu.memory_space<vmem>>, vector<1x1x16xf32>,
      %get3A_680 = vector.shape_cast %get3A_679 : vector<1x1x16xf32> to vector<16xf32>
      %mul3A_681 = arith.constant 8.000000e+00 : f32
      %mul3A_682 = vector.broadcast %mul3A_681 : f32 to vector<16xf32>
      %mul3A_683 = arith.mulf %get3A_680, %mul3A_682 : vector<16xf32>
      %swap3A_684 = arith.constant 0 : i32
      %swap3A_685 = arith.index_cast %swap3A_684 : i32 to index
      %swap3A_686 = arith.index_cast %scan3A_674 : i32 to index
      %swap3A_687 = arith.constant 0 : index
      %swap3A_688 = tpu.vector_load %arg7[%swap3A_685, %swap3A_686, %swap3A_687] {strides = array<i32>} : memref<2x256x64xf32, #tpu.memory_space<vmem>>, vector<1x1x16xf32>,
      %swap3A_689 = vector.shape_cast %swap3A_688 : vector<1x1x16xf32> to vector<16xf32>
      %swap3A_690 = vector.shape_cast %mul3A_683 : vector<16xf32> to vector<1x1x16xf32>
      tpu.vector_store %arg7[%swap3A_685, %swap3A_686, %swap3A_687], %swap3A_690 {strides = array<i32>} : memref<2x256x64xf32, #tpu.memory_space<vmem>>, vector<1x1x16xf32>,
      %get3A_691 = arith.constant 2 : i32
      %get3A_692 = arith.index_cast %get3A_691 : i32 to index
      %get3A_693 = arith.index_cast %scan3A_674 : i32 to index
      %get3A_694 = arith.constant 16 : index
      %get3A_695 = tpu.vector_load %arg6[%get3A_692, %get3A_693, %get3A_694] {strides = array<i32>} : memref<4x256x64xf32, #tpu.memory_space<vmem>>, vector<1x1x16xf32>,
      %get3A_696 = vector.shape_cast %get3A_695 : vector<1x1x16xf32> to vector<16xf32>
      %mul3A_697 = arith.constant 8.000000e+00 : f32
      %mul3A_698 = vector.broadcast %mul3A_697 : f32 to vector<16xf32>
      %mul3A_699 = arith.mulf %get3A_696, %mul3A_698 : vector<16xf32>
      %swap3A_700 = arith.constant 0 : i32
      %swap3A_701 = arith.index_cast %swap3A_700 : i32 to index
      %swap3A_702 = arith.index_cast %scan3A_674 : i32 to index
      %swap3A_703 = arith.constant 16 : index
      %swap3A_704 = tpu.vector_load %arg7[%swap3A_701, %swap3A_702, %swap3A_703] {strides = array<i32>} : memref<2x256x64xf32, #tpu.memory_space<vmem>>, vector<1x1x16xf32>,
      %swap3A_705 = vector.shape_cast %swap3A_704 : vector<1x1x16xf32> to vector<16xf32>
      %swap3A_706 = vector.shape_cast %mul3A_699 : vector<16xf32> to vector<1x1x16xf32>
      tpu.vector_store %arg7[%swap3A_701, %swap3A_702, %swap3A_703], %swap3A_706 {strides = array<i32>} : memref<2x256x64xf32, #tpu.memory_space<vmem>>, vector<1x1x16xf32>,
      %get3A_707 = arith.constant 2 : i32
      %get3A_708 = arith.index_cast %get3A_707 : i32 to index
      %get3A_709 = arith.index_cast %scan3A_674 : i32 to index
      %get3A_710 = arith.constant 32 : index
      %get3A_711 = tpu.vector_load %arg6[%get3A_708, %get3A_709, %get3A_710] {strides = array<i32>} : memref<4x256x64xf32, #tpu.memory_space<vmem>>, vector<1x1x16xf32>,
      %get3A_712 = vector.shape_cast %get3A_711 : vector<1x1x16xf32> to vector<16xf32>
      %mul3A_713 = arith.constant 8.000000e+00 : f32
      %mul3A_714 = vector.broadcast %mul3A_713 : f32 to vector<16xf32>
      %mul3A_715 = arith.mulf %get3A_712, %mul3A_714 : vector<16xf32>
      %swap3A_716 = arith.constant 0 : i32
      %swap3A_717 = arith.index_cast %swap3A_716 : i32 to index
      %swap3A_718 = arith.index_cast %scan3A_674 : i32 to index
      %swap3A_719 = arith.constant 32 : index
      %swap3A_720 = tpu.vector_load %arg7[%swap3A_717, %swap3A_718, %swap3A_719] {strides = array<i32>} : memref<2x256x64xf32, #tpu.memory_space<vmem>>, vector<1x1x16xf32>,
      %swap3A_721 = vector.shape_cast %swap3A_720 : vector<1x1x16xf32> to vector<16xf32>
      %swap3A_722 = vector.shape_cast %mul3A_715 : vector<16xf32> to vector<1x1x16xf32>
      tpu.vector_store %arg7[%swap3A_717, %swap3A_718, %swap3A_719], %swap3A_722 {strides = array<i32>} : memref<2x256x64xf32, #tpu.memory_space<vmem>>, vector<1x1x16xf32>,
      %get3A_723 = arith.constant 2 : i32
      %get3A_724 = arith.index_cast %get3A_723 : i32 to index
      %get3A_725 = arith.index_cast %scan3A_674 : i32 to index
      %get3A_726 = arith.constant 48 : index
      %get3A_727 = tpu.vector_load %arg6[%get3A_724, %get3A_725, %get3A_726] {strides = array<i32>} : memref<4x256x64xf32, #tpu.memory_space<vmem>>, vector<1x1x16xf32>,
      %get3A_728 = vector.shape_cast %get3A_727 : vector<1x1x16xf32> to vector<16xf32>
      %mul3A_729 = arith.constant 8.000000e+00 : f32
      %mul3A_730 = vector.broadcast %mul3A_729 : f32 to vector<16xf32>
      %mul3A_731 = arith.mulf %get3A_728, %mul3A_730 : vector<16xf32>
      %swap3A_732 = arith.constant 0 : i32
      %swap3A_733 = arith.index_cast %swap3A_732 : i32 to index
      %swap3A_734 = arith.index_cast %scan3A_674 : i32 to index
      %swap3A_735 = arith.constant 48 : index
      %swap3A_736 = tpu.vector_load %arg7[%swap3A_733, %swap3A_734, %swap3A_735] {strides = array<i32>} : memref<2x256x64xf32, #tpu.memory_space<vmem>>, vector<1x1x16xf32>,
      %swap3A_737 = vector.shape_cast %swap3A_736 : vector<1x1x16xf32> to vector<16xf32>
      %swap3A_738 = vector.shape_cast %mul3A_731 : vector<16xf32> to vector<1x1x16xf32>
      tpu.vector_store %arg7[%swap3A_733, %swap3A_734, %swap3A_735], %swap3A_738 {strides = array<i32>} : memref<2x256x64xf32, #tpu.memory_space<vmem>>, vector<1x1x16xf32>,
    }
    %scan3A_165 = arith.constant 256 : i32
    %dma_start3A_166 = arith.constant 2 : i32
    %dma_start3A_167 = arith.constant 0 : i32
    %dma_start3A_168 = arith.constant 0 : i32
    %dma_start3A_169 = tpu.memref_slice %arg6[%dma_start3A_166, %dma_start3A_167, %dma_start3A_168] : memref<4x256x64xf32, #tpu.memory_space<vmem>> -> memref<1x256x64xf32, #tpu.memory_space<vmem>>
    %dma_start3A_170 = tpu.memref_squeeze %dma_start3A_169 : memref<1x256x64xf32, #tpu.memory_space<vmem>> -> memref<256x64xf32, #tpu.memory_space<vmem>>
    %dma_start3A_171 = arith.constant 1536 : i32
    %dma_start3A_172 = tpu.memref_slice %arg5[%dma_start3A_171] : memref<25600xi32, #tpu.memory_space<vmem>> -> memref<256xi32, #tpu.memory_space<vmem>>
    %dma_start3A_173 = arith.constant 0 : i32
    %dma_start3A_174 = arith.constant 0 : i32
    %dma_start3A_175 = tpu.memref_slice %arg3[%dma_start3A_173, %dma_start3A_174] : memref<1000000x64xf32, #tpu.memory_space<hbm>> -> memref<1000000x64xf32, #tpu.memory_space<hbm>>
    tpu.enqueue_indirect_dma source(%dma_start3A_175 : memref<1000000x64xf32, #tpu.memory_space<hbm>>) target(%dma_start3A_170 : memref<256x64xf32, #tpu.memory_space<vmem>>) offsets(%dma_start3A_172 : memref<256xi32, #tpu.memory_space<vmem>>) semaphore(%arg10 : memref<!tpu.dma_semaphore, #tpu.memory_space<semaphore_mem>>)
    %add3A_176 = arith.constant 512 : i32
    %add3A_177 = arith.addi %mul3A_2, %add3A_176 : i32
    %dma_start3A_178 = arith.constant 0 : i32
    %dma_start3A_179 = arith.constant 0 : i32
    %dma_start3A_180 = arith.constant 0 : i32
    %dma_start3A_181 = tpu.memref_slice %arg7[%dma_start3A_178, %dma_start3A_179, %dma_start3A_180] : memref<2x256x64xf32, #tpu.memory_space<vmem>> -> memref<1x256x64xf32, #tpu.memory_space<vmem>>
    %dma_start3A_182 = tpu.memref_squeeze %dma_start3A_181 : memref<1x256x64xf32, #tpu.memory_space<vmem>> -> memref<256x64xf32, #tpu.memory_space<vmem>>
    %dma_start3A_183 = arith.constant 0 : i32
    %dma_start3A_184 = tpu.memref_slice %arg4[%add3A_177, %dma_start3A_183] : memref<819200x64xf32, #tpu.memory_space<hbm>> -> memref<256x64xf32, #tpu.memory_space<hbm>>
    %dma_start3A_185 = arith.constant 0 : i32
    %dma_start3A_186 = tpu.memref_slice %arg4[%add3A_177, %dma_start3A_185] : memref<819200x64xf32, #tpu.memory_space<hbm>> -> memref<256x64xf32, #tpu.memory_space<hbm>>
    %dma_start3A_187 = arith.constant 0 : i32
    %dma_start3A_188 = arith.constant 0 : i32
    %dma_start3A_189 = tpu.memref_slice %arg7[%dma_start3A_178, %dma_start3A_187, %dma_start3A_188] : memref<2x256x64xf32, #tpu.memory_space<vmem>> -> memref<1x256x64xf32, #tpu.memory_space<vmem>>
    %dma_start3A_190 = tpu.memref_squeeze %dma_start3A_189 : memref<1x256x64xf32, #tpu.memory_space<vmem>> -> memref<256x64xf32, #tpu.memory_space<vmem>>
    tpu.enqueue_dma source(%dma_start3A_190 : memref<256x64xf32, #tpu.memory_space<vmem>>) target(%dma_start3A_186 : memref<256x64xf32, #tpu.memory_space<hbm>>) target_semaphore(%arg12 : memref<!tpu.dma_semaphore, #tpu.memory_space<semaphore_mem>>)
    %dma_wait3A_191 = arith.constant 3 : i32
    %dma_wait3A_192 = arith.constant 0 : i32
    %dma_wait3A_193 = arith.constant 0 : i32
    %dma_wait3A_194 = tpu.memref_slice %arg6[%dma_wait3A_191, %dma_wait3A_192, %dma_wait3A_193] : memref<4x256x64xf32, #tpu.memory_space<vmem>> -> memref<1x256x64xf32, #tpu.memory_space<vmem>>
    %dma_wait3A_195 = tpu.memref_squeeze %dma_wait3A_194 : memref<1x256x64xf32, #tpu.memory_space<vmem>> -> memref<256x64xf32, #tpu.memory_space<vmem>>
    %dma_wait3A_196 = arith.constant 0 : i32
    %dma_wait3A_197 = arith.constant 0 : i32
    %dma_wait3A_198 = tpu.memref_slice %arg3[%dma_wait3A_196, %dma_wait3A_197] : memref<1000000x64xf32, #tpu.memory_space<hbm>> -> memref<256x64xf32, #tpu.memory_space<hbm>>
    %dma_wait3A_199 = arith.constant 0 : i32
    %dma_wait3A_200 = arith.constant 0 : i32
    %dma_wait3A_201 = tpu.memref_slice %arg6[%dma_wait3A_191, %dma_wait3A_199, %dma_wait3A_200] : memref<4x256x64xf32, #tpu.memory_space<vmem>> -> memref<1x256x64xf32, #tpu.memory_space<vmem>>
    %dma_wait3A_202 = tpu.memref_squeeze %dma_wait3A_201 : memref<1x256x64xf32, #tpu.memory_space<vmem>> -> memref<256x64xf32, #tpu.memory_space<vmem>>
    %dma_wait3A_203 = arith.constant 0 : i32
    %dma_wait3A_204 = arith.constant 0 : i32
    %dma_wait3A_205 = tpu.memref_slice %arg3[%dma_wait3A_203, %dma_wait3A_204] : memref<1000000x64xf32, #tpu.memory_space<hbm>> -> memref<256x64xf32, #tpu.memory_space<hbm>>
    tpu.wait_dma2 semaphore(%arg11 : memref<!tpu.dma_semaphore, #tpu.memory_space<semaphore_mem>>) src(%dma_wait3A_205 : memref<256x64xf32, #tpu.memory_space<hbm>>) dst(%dma_wait3A_202 : memref<256x64xf32, #tpu.memory_space<vmem>>)
    %dma_wait3A_206 = arith.constant 1 : i32
    %dma_wait3A_207 = arith.constant 0 : i32
    %dma_wait3A_208 = arith.constant 0 : i32
    %dma_wait3A_209 = tpu.memref_slice %arg7[%dma_wait3A_206, %dma_wait3A_207, %dma_wait3A_208] : memref<2x256x64xf32, #tpu.memory_space<vmem>> -> memref<1x256x64xf32, #tpu.memory_space<vmem>>
    %dma_wait3A_210 = tpu.memref_squeeze %dma_wait3A_209 : memref<1x256x64xf32, #tpu.memory_space<vmem>> -> memref<256x64xf32, #tpu.memory_space<vmem>>
    %dma_wait3A_211 = arith.constant 0 : i32
    %dma_wait3A_212 = tpu.memref_slice %arg4[%mul3A_2, %dma_wait3A_211] : memref<819200x64xf32, #tpu.memory_space<hbm>> -> memref<256x64xf32, #tpu.memory_space<hbm>>
    %dma_wait3A_213 = arith.constant 0 : i32
    %dma_wait3A_214 = tpu.memref_slice %arg4[%mul3A_2, %dma_wait3A_213] : memref<819200x64xf32, #tpu.memory_space<hbm>> -> memref<256x64xf32, #tpu.memory_space<hbm>>
    %dma_wait3A_215 = arith.constant 0 : i32
    %dma_wait3A_216 = arith.constant 0 : i32
    %dma_wait3A_217 = tpu.memref_slice %arg7[%dma_wait3A_206, %dma_wait3A_215, %dma_wait3A_216] : memref<2x256x64xf32, #tpu.memory_space<vmem>> -> memref<1x256x64xf32, #tpu.memory_space<vmem>>
    %dma_wait3A_218 = tpu.memref_squeeze %dma_wait3A_217 : memref<1x256x64xf32, #tpu.memory_space<vmem>> -> memref<256x64xf32, #tpu.memory_space<vmem>>
    tpu.wait_dma2 semaphore(%arg13 : memref<!tpu.dma_semaphore, #tpu.memory_space<semaphore_mem>>) src(%dma_wait3A_218 : memref<256x64xf32, #tpu.memory_space<vmem>>) dst(%dma_wait3A_214 : memref<256x64xf32, #tpu.memory_space<hbm>>)
    %scan3A_219 = arith.constant 0 : i32
    %scan3A_220 = arith.constant 0 : i32
    %scan3A_221 = arith.constant 256 : i32
    %scan3A_222 = arith.addi %scan3A_220, %scan3A_221 : i32
    %scan3A_223 = arith.constant 4 : i32
    scf.for %scan3A_478 = %scan3A_220 to %scan3A_222 step %scan3A_223  : i32 {
      %get3A = arith.constant 3 : i32
      %get3A_479 = arith.index_cast %get3A : i32 to index
      %get3A_480 = arith.index_cast %scan3A_478 : i32 to index
      %get3A_481 = arith.constant 0 : index
      %get3A_482 = tpu.vector_load %arg6[%get3A_479, %get3A_480, %get3A_481] {strides = array<i32>} : memref<4x256x64xf32, #tpu.memory_space<vmem>>, vector<1x1x16xf32>,
      %get3A_483 = vector.shape_cast %get3A_482 : vector<1x1x16xf32> to vector<16xf32>
      %mul3A_484 = arith.constant 8.000000e+00 : f32
      %mul3A_485 = vector.broadcast %mul3A_484 : f32 to vector<16xf32>
      %mul3A_486 = arith.mulf %get3A_483, %mul3A_485 : vector<16xf32>
      %swap3A = arith.constant 1 : i32
      %swap3A_487 = arith.index_cast %swap3A : i32 to index
      %swap3A_488 = arith.index_cast %scan3A_478 : i32 to index
      %swap3A_489 = arith.constant 0 : index
      %swap3A_490 = tpu.vector_load %arg7[%swap3A_487, %swap3A_488, %swap3A_489] {strides = array<i32>} : memref<2x256x64xf32, #tpu.memory_space<vmem>>, vector<1x1x16xf32>,
      %swap3A_491 = vector.shape_cast %swap3A_490 : vector<1x1x16xf32> to vector<16xf32>
      %swap3A_492 = vector.shape_cast %mul3A_486 : vector<16xf32> to vector<1x1x16xf32>
      tpu.vector_store %arg7[%swap3A_487, %swap3A_488, %swap3A_489], %swap3A_492 {strides = array<i32>} : memref<2x256x64xf32, #tpu.memory_space<vmem>>, vector<1x1x16xf32>,
      %get3A_493 = arith.constant 3 : i32
      %get3A_494 = arith.index_cast %get3A_493 : i32 to index
      %get3A_495 = arith.index_cast %scan3A_478 : i32 to index
      %get3A_496 = arith.constant 16 : index
      %get3A_497 = tpu.vector_load %arg6[%get3A_494, %get3A_495, %get3A_496] {strides = array<i32>} : memref<4x256x64xf32, #tpu.memory_space<vmem>>, vector<1x1x16xf32>,
      %get3A_498 = vector.shape_cast %get3A_497 : vector<1x1x16xf32> to vector<16xf32>
      %mul3A_499 = arith.constant 8.000000e+00 : f32
      %mul3A_500 = vector.broadcast %mul3A_499 : f32 to vector<16xf32>
      %mul3A_501 = arith.mulf %get3A_498, %mul3A_500 : vector<16xf32>
      %swap3A_502 = arith.constant 1 : i32
      %swap3A_503 = arith.index_cast %swap3A_502 : i32 to index
      %swap3A_504 = arith.index_cast %scan3A_478 : i32 to index
      %swap3A_505 = arith.constant 16 : index
      %swap3A_506 = tpu.vector_load %arg7[%swap3A_503, %swap3A_504, %swap3A_505] {strides = array<i32>} : memref<2x256x64xf32, #tpu.memory_space<vmem>>, vector<1x1x16xf32>,
      %swap3A_507 = vector.shape_cast %swap3A_506 : vector<1x1x16xf32> to vector<16xf32>
      %swap3A_508 = vector.shape_cast %mul3A_501 : vector<16xf32> to vector<1x1x16xf32>
      tpu.vector_store %arg7[%swap3A_503, %swap3A_504, %swap3A_505], %swap3A_508 {strides = array<i32>} : memref<2x256x64xf32, #tpu.memory_space<vmem>>, vector<1x1x16xf32>,
      %get3A_509 = arith.constant 3 : i32
      %get3A_510 = arith.index_cast %get3A_509 : i32 to index
      %get3A_511 = arith.index_cast %scan3A_478 : i32 to index
      %get3A_512 = arith.constant 32 : index
      %get3A_513 = tpu.vector_load %arg6[%get3A_510, %get3A_511, %get3A_512] {strides = array<i32>} : memref<4x256x64xf32, #tpu.memory_space<vmem>>, vector<1x1x16xf32>,
      %get3A_514 = vector.shape_cast %get3A_513 : vector<1x1x16xf32> to vector<16xf32>
      %mul3A_515 = arith.constant 8.000000e+00 : f32
      %mul3A_516 = vector.broadcast %mul3A_515 : f32 to vector<16xf32>
      %mul3A_517 = arith.mulf %get3A_514, %mul3A_516 : vector<16xf32>
      %swap3A_518 = arith.constant 1 : i32
      %swap3A_519 = arith.index_cast %swap3A_518 : i32 to index
      %swap3A_520 = arith.index_cast %scan3A_478 : i32 to index
      %swap3A_521 = arith.constant 32 : index
      %swap3A_522 = tpu.vector_load %arg7[%swap3A_519, %swap3A_520, %swap3A_521] {strides = array<i32>} : memref<2x256x64xf32, #tpu.memory_space<vmem>>, vector<1x1x16xf32>,
      %swap3A_523 = vector.shape_cast %swap3A_522 : vector<1x1x16xf32> to vector<16xf32>
      %swap3A_524 = vector.shape_cast %mul3A_517 : vector<16xf32> to vector<1x1x16xf32>
      tpu.vector_store %arg7[%swap3A_519, %swap3A_520, %swap3A_521], %swap3A_524 {strides = array<i32>} : memref<2x256x64xf32, #tpu.memory_space<vmem>>, vector<1x1x16xf32>,
      %get3A_525 = arith.constant 3 : i32
      %get3A_526 = arith.index_cast %get3A_525 : i32 to index
      %get3A_527 = arith.index_cast %scan3A_478 : i32 to index
      %get3A_528 = arith.constant 48 : index
      %get3A_529 = tpu.vector_load %arg6[%get3A_526, %get3A_527, %get3A_528] {strides = array<i32>} : memref<4x256x64xf32, #tpu.memory_space<vmem>>, vector<1x1x16xf32>,
      %get3A_530 = vector.shape_cast %get3A_529 : vector<1x1x16xf32> to vector<16xf32>
      %mul3A_531 = arith.constant 8.000000e+00 : f32
      %mul3A_532 = vector.broadcast %mul3A_531 : f32 to vector<16xf32>
      %mul3A_533 = arith.mulf %get3A_530, %mul3A_532 : vector<16xf32>
      %swap3A_534 = arith.constant 1 : i32
      %swap3A_535 = arith.index_cast %swap3A_534 : i32 to index
      %swap3A_536 = arith.index_cast %scan3A_478 : i32 to index
      %swap3A_537 = arith.constant 48 : index
      %swap3A_538 = tpu.vector_load %arg7[%swap3A_535, %swap3A_536, %swap3A_537] {strides = array<i32>} : memref<2x256x64xf32, #tpu.memory_space<vmem>>, vector<1x1x16xf32>,
      %swap3A_539 = vector.shape_cast %swap3A_538 : vector<1x1x16xf32> to vector<16xf32>
      %swap3A_540 = vector.shape_cast %mul3A_533 : vector<16xf32> to vector<1x1x16xf32>
      tpu.vector_store %arg7[%swap3A_535, %swap3A_536, %swap3A_537], %swap3A_540 {strides = array<i32>} : memref<2x256x64xf32, #tpu.memory_space<vmem>>, vector<1x1x16xf32>,
      %scan3A_541 = arith.constant 1 : i32
      %scan3A_542 = arith.addi %scan3A_478, %scan3A_541 : i32
      %get3A_543 = arith.constant 3 : i32
      %get3A_544 = arith.index_cast %get3A_543 : i32 to index
      %get3A_545 = arith.index_cast %scan3A_542 : i32 to index
      %get3A_546 = arith.constant 0 : index
      %get3A_547 = tpu.vector_load %arg6[%get3A_544, %get3A_545, %get3A_546] {strides = array<i32>} : memref<4x256x64xf32, #tpu.memory_space<vmem>>, vector<1x1x16xf32>,
      %get3A_548 = vector.shape_cast %get3A_547 : vector<1x1x16xf32> to vector<16xf32>
      %mul3A_549 = arith.constant 8.000000e+00 : f32
      %mul3A_550 = vector.broadcast %mul3A_549 : f32 to vector<16xf32>
      %mul3A_551 = arith.mulf %get3A_548, %mul3A_550 : vector<16xf32>
      %swap3A_552 = arith.constant 1 : i32
      %swap3A_553 = arith.index_cast %swap3A_552 : i32 to index
      %swap3A_554 = arith.index_cast %scan3A_542 : i32 to index
      %swap3A_555 = arith.constant 0 : index
      %swap3A_556 = tpu.vector_load %arg7[%swap3A_553, %swap3A_554, %swap3A_555] {strides = array<i32>} : memref<2x256x64xf32, #tpu.memory_space<vmem>>, vector<1x1x16xf32>,
      %swap3A_557 = vector.shape_cast %swap3A_556 : vector<1x1x16xf32> to vector<16xf32>
      %swap3A_558 = vector.shape_cast %mul3A_551 : vector<16xf32> to vector<1x1x16xf32>
      tpu.vector_store %arg7[%swap3A_553, %swap3A_554, %swap3A_555], %swap3A_558 {strides = array<i32>} : memref<2x256x64xf32, #tpu.memory_space<vmem>>, vector<1x1x16xf32>,
      %get3A_559 = arith.constant 3 : i32
      %get3A_560 = arith.index_cast %get3A_559 : i32 to index
      %get3A_561 = arith.index_cast %scan3A_542 : i32 to index
      %get3A_562 = arith.constant 16 : index
      %get3A_563 = tpu.vector_load %arg6[%get3A_560, %get3A_561, %get3A_562] {strides = array<i32>} : memref<4x256x64xf32, #tpu.memory_space<vmem>>, vector<1x1x16xf32>,
      %get3A_564 = vector.shape_cast %get3A_563 : vector<1x1x16xf32> to vector<16xf32>
      %mul3A_565 = arith.constant 8.000000e+00 : f32
      %mul3A_566 = vector.broadcast %mul3A_565 : f32 to vector<16xf32>
      %mul3A_567 = arith.mulf %get3A_564, %mul3A_566 : vector<16xf32>
      %swap3A_568 = arith.constant 1 : i32
      %swap3A_569 = arith.index_cast %swap3A_568 : i32 to index
      %swap3A_570 = arith.index_cast %scan3A_542 : i32 to index
      %swap3A_571 = arith.constant 16 : index
      %swap3A_572 = tpu.vector_load %arg7[%swap3A_569, %swap3A_570, %swap3A_571] {strides = array<i32>} : memref<2x256x64xf32, #tpu.memory_space<vmem>>, vector<1x1x16xf32>,
      %swap3A_573 = vector.shape_cast %swap3A_572 : vector<1x1x16xf32> to vector<16xf32>
      %swap3A_574 = vector.shape_cast %mul3A_567 : vector<16xf32> to vector<1x1x16xf32>
      tpu.vector_store %arg7[%swap3A_569, %swap3A_570, %swap3A_571], %swap3A_574 {strides = array<i32>} : memref<2x256x64xf32, #tpu.memory_space<vmem>>, vector<1x1x16xf32>,
      %get3A_575 = arith.constant 3 : i32
      %get3A_576 = arith.index_cast %get3A_575 : i32 to index
      %get3A_577 = arith.index_cast %scan3A_542 : i32 to index
      %get3A_578 = arith.constant 32 : index
      %get3A_579 = tpu.vector_load %arg6[%get3A_576, %get3A_577, %get3A_578] {strides = array<i32>} : memref<4x256x64xf32, #tpu.memory_space<vmem>>, vector<1x1x16xf32>,
      %get3A_580 = vector.shape_cast %get3A_579 : vector<1x1x16xf32> to vector<16xf32>
      %mul3A_581 = arith.constant 8.000000e+00 : f32
      %mul3A_582 = vector.broadcast %mul3A_581 : f32 to vector<16xf32>
      %mul3A_583 = arith.mulf %get3A_580, %mul3A_582 : vector<16xf32>
      %swap3A_584 = arith.constant 1 : i32
      %swap3A_585 = arith.index_cast %swap3A_584 : i32 to index
      %swap3A_586 = arith.index_cast %scan3A_542 : i32 to index
      %swap3A_587 = arith.constant 32 : index
      %swap3A_588 = tpu.vector_load %arg7[%swap3A_585, %swap3A_586, %swap3A_587] {strides = array<i32>} : memref<2x256x64xf32, #tpu.memory_space<vmem>>, vector<1x1x16xf32>,
      %swap3A_589 = vector.shape_cast %swap3A_588 : vector<1x1x16xf32> to vector<16xf32>
      %swap3A_590 = vector.shape_cast %mul3A_583 : vector<16xf32> to vector<1x1x16xf32>
      tpu.vector_store %arg7[%swap3A_585, %swap3A_586, %swap3A_587], %swap3A_590 {strides = array<i32>} : memref<2x256x64xf32, #tpu.memory_space<vmem>>, vector<1x1x16xf32>,
      %get3A_591 = arith.constant 3 : i32
      %get3A_592 = arith.index_cast %get3A_591 : i32 to index
      %get3A_593 = arith.index_cast %scan3A_542 : i32 to index
      %get3A_594 = arith.constant 48 : index
      %get3A_595 = tpu.vector_load %arg6[%get3A_592, %get3A_593, %get3A_594] {strides = array<i32>} : memref<4x256x64xf32, #tpu.memory_space<vmem>>, vector<1x1x16xf32>,
      %get3A_596 = vector.shape_cast %get3A_595 : vector<1x1x16xf32> to vector<16xf32>
      %mul3A_597 = arith.constant 8.000000e+00 : f32
      %mul3A_598 = vector.broadcast %mul3A_597 : f32 to vector<16xf32>
      %mul3A_599 = arith.mulf %get3A_596, %mul3A_598 : vector<16xf32>
      %swap3A_600 = arith.constant 1 : i32
      %swap3A_601 = arith.index_cast %swap3A_600 : i32 to index
      %swap3A_602 = arith.index_cast %scan3A_542 : i32 to index
      %swap3A_603 = arith.constant 48 : index
      %swap3A_604 = tpu.vector_load %arg7[%swap3A_601, %swap3A_602, %swap3A_603] {strides = array<i32>} : memref<2x256x64xf32, #tpu.memory_space<vmem>>, vector<1x1x16xf32>,
      %swap3A_605 = vector.shape_cast %swap3A_604 : vector<1x1x16xf32> to vector<16xf32>
      %swap3A_606 = vector.shape_cast %mul3A_599 : vector<16xf32> to vector<1x1x16xf32>
      tpu.vector_store %arg7[%swap3A_601, %swap3A_602, %swap3A_603], %swap3A_606 {strides = array<i32>} : memref<2x256x64xf32, #tpu.memory_space<vmem>>, vector<1x1x16xf32>,
      %scan3A_607 = arith.constant 2 : i32
      %scan3A_608 = arith.addi %scan3A_478, %scan3A_607 : i32
      %get3A_609 = arith.constant 3 : i32
      %get3A_610 = arith.index_cast %get3A_609 : i32 to index
      %get3A_611 = arith.index_cast %scan3A_608 : i32 to index
      %get3A_612 = arith.constant 0 : index
      %get3A_613 = tpu.vector_load %arg6[%get3A_610, %get3A_611, %get3A_612] {strides = array<i32>} : memref<4x256x64xf32, #tpu.memory_space<vmem>>, vector<1x1x16xf32>,
      %get3A_614 = vector.shape_cast %get3A_613 : vector<1x1x16xf32> to vector<16xf32>
      %mul3A_615 = arith.constant 8.000000e+00 : f32
      %mul3A_616 = vector.broadcast %mul3A_615 : f32 to vector<16xf32>
      %mul3A_617 = arith.mulf %get3A_614, %mul3A_616 : vector<16xf32>
      %swap3A_618 = arith.constant 1 : i32
      %swap3A_619 = arith.index_cast %swap3A_618 : i32 to index
      %swap3A_620 = arith.index_cast %scan3A_608 : i32 to index
      %swap3A_621 = arith.constant 0 : index
      %swap3A_622 = tpu.vector_load %arg7[%swap3A_619, %swap3A_620, %swap3A_621] {strides = array<i32>} : memref<2x256x64xf32, #tpu.memory_space<vmem>>, vector<1x1x16xf32>,
      %swap3A_623 = vector.shape_cast %swap3A_622 : vector<1x1x16xf32> to vector<16xf32>
      %swap3A_624 = vector.shape_cast %mul3A_617 : vector<16xf32> to vector<1x1x16xf32>
      tpu.vector_store %arg7[%swap3A_619, %swap3A_620, %swap3A_621], %swap3A_624 {strides = array<i32>} : memref<2x256x64xf32, #tpu.memory_space<vmem>>, vector<1x1x16xf32>,
      %get3A_625 = arith.constant 3 : i32
      %get3A_626 = arith.index_cast %get3A_625 : i32 to index
      %get3A_627 = arith.index_cast %scan3A_608 : i32 to index
      %get3A_628 = arith.constant 16 : index
      %get3A_629 = tpu.vector_load %arg6[%get3A_626, %get3A_627, %get3A_628] {strides = array<i32>} : memref<4x256x64xf32, #tpu.memory_space<vmem>>, vector<1x1x16xf32>,
      %get3A_630 = vector.shape_cast %get3A_629 : vector<1x1x16xf32> to vector<16xf32>
      %mul3A_631 = arith.constant 8.000000e+00 : f32
      %mul3A_632 = vector.broadcast %mul3A_631 : f32 to vector<16xf32>
      %mul3A_633 = arith.mulf %get3A_630, %mul3A_632 : vector<16xf32>
      %swap3A_634 = arith.constant 1 : i32
      %swap3A_635 = arith.index_cast %swap3A_634 : i32 to index
      %swap3A_636 = arith.index_cast %scan3A_608 : i32 to index
      %swap3A_637 = arith.constant 16 : index
      %swap3A_638 = tpu.vector_load %arg7[%swap3A_635, %swap3A_636, %swap3A_637] {strides = array<i32>} : memref<2x256x64xf32, #tpu.memory_space<vmem>>, vector<1x1x16xf32>,
      %swap3A_639 = vector.shape_cast %swap3A_638 : vector<1x1x16xf32> to vector<16xf32>
      %swap3A_640 = vector.shape_cast %mul3A_633 : vector<16xf32> to vector<1x1x16xf32>
      tpu.vector_store %arg7[%swap3A_635, %swap3A_636, %swap3A_637], %swap3A_640 {strides = array<i32>} : memref<2x256x64xf32, #tpu.memory_space<vmem>>, vector<1x1x16xf32>,
      %get3A_641 = arith.constant 3 : i32
      %get3A_642 = arith.index_cast %get3A_641 : i32 to index
      %get3A_643 = arith.index_cast %scan3A_608 : i32 to index
      %get3A_644 = arith.constant 32 : index
      %get3A_645 = tpu.vector_load %arg6[%get3A_642, %get3A_643, %get3A_644] {strides = array<i32>} : memref<4x256x64xf32, #tpu.memory_space<vmem>>, vector<1x1x16xf32>,
      %get3A_646 = vector.shape_cast %get3A_645 : vector<1x1x16xf32> to vector<16xf32>
      %mul3A_647 = arith.constant 8.000000e+00 : f32
      %mul3A_648 = vector.broadcast %mul3A_647 : f32 to vector<16xf32>
      %mul3A_649 = arith.mulf %get3A_646, %mul3A_648 : vector<16xf32>
      %swap3A_650 = arith.constant 1 : i32
      %swap3A_651 = arith.index_cast %swap3A_650 : i32 to index
      %swap3A_652 = arith.index_cast %scan3A_608 : i32 to index
      %swap3A_653 = arith.constant 32 : index
      %swap3A_654 = tpu.vector_load %arg7[%swap3A_651, %swap3A_652, %swap3A_653] {strides = array<i32>} : memref<2x256x64xf32, #tpu.memory_space<vmem>>, vector<1x1x16xf32>,
      %swap3A_655 = vector.shape_cast %swap3A_654 : vector<1x1x16xf32> to vector<16xf32>
      %swap3A_656 = vector.shape_cast %mul3A_649 : vector<16xf32> to vector<1x1x16xf32>
      tpu.vector_store %arg7[%swap3A_651, %swap3A_652, %swap3A_653], %swap3A_656 {strides = array<i32>} : memref<2x256x64xf32, #tpu.memory_space<vmem>>, vector<1x1x16xf32>,
      %get3A_657 = arith.constant 3 : i32
      %get3A_658 = arith.index_cast %get3A_657 : i32 to index
      %get3A_659 = arith.index_cast %scan3A_608 : i32 to index
      %get3A_660 = arith.constant 48 : index
      %get3A_661 = tpu.vector_load %arg6[%get3A_658, %get3A_659, %get3A_660] {strides = array<i32>} : memref<4x256x64xf32, #tpu.memory_space<vmem>>, vector<1x1x16xf32>,
      %get3A_662 = vector.shape_cast %get3A_661 : vector<1x1x16xf32> to vector<16xf32>
      %mul3A_663 = arith.constant 8.000000e+00 : f32
      %mul3A_664 = vector.broadcast %mul3A_663 : f32 to vector<16xf32>
      %mul3A_665 = arith.mulf %get3A_662, %mul3A_664 : vector<16xf32>
      %swap3A_666 = arith.constant 1 : i32
      %swap3A_667 = arith.index_cast %swap3A_666 : i32 to index
      %swap3A_668 = arith.index_cast %scan3A_608 : i32 to index
      %swap3A_669 = arith.constant 48 : index
      %swap3A_670 = tpu.vector_load %arg7[%swap3A_667, %swap3A_668, %swap3A_669] {strides = array<i32>} : memref<2x256x64xf32, #tpu.memory_space<vmem>>, vector<1x1x16xf32>,
      %swap3A_671 = vector.shape_cast %swap3A_670 : vector<1x1x16xf32> to vector<16xf32>
      %swap3A_672 = vector.shape_cast %mul3A_665 : vector<16xf32> to vector<1x1x16xf32>
      tpu.vector_store %arg7[%swap3A_667, %swap3A_668, %swap3A_669], %swap3A_672 {strides = array<i32>} : memref<2x256x64xf32, #tpu.memory_space<vmem>>, vector<1x1x16xf32>,
      %scan3A_673 = arith.constant 3 : i32
      %scan3A_674 = arith.addi %scan3A_478, %scan3A_673 : i32
      %get3A_675 = arith.constant 3 : i32
      %get3A_676 = arith.index_cast %get3A_675 : i32 to index
      %get3A_677 = arith.index_cast %scan3A_674 : i32 to index
      %get3A_678 = arith.constant 0 : index
      %get3A_679 = tpu.vector_load %arg6[%get3A_676, %get3A_677, %get3A_678] {strides = array<i32>} : memref<4x256x64xf32, #tpu.memory_space<vmem>>, vector<1x1x16xf32>,
      %get3A_680 = vector.shape_cast %get3A_679 : vector<1x1x16xf32> to vector<16xf32>
      %mul3A_681 = arith.constant 8.000000e+00 : f32
      %mul3A_682 = vector.broadcast %mul3A_681 : f32 to vector<16xf32>
      %mul3A_683 = arith.mulf %get3A_680, %mul3A_682 : vector<16xf32>
      %swap3A_684 = arith.constant 1 : i32
      %swap3A_685 = arith.index_cast %swap3A_684 : i32 to index
      %swap3A_686 = arith.index_cast %scan3A_674 : i32 to index
      %swap3A_687 = arith.constant 0 : index
      %swap3A_688 = tpu.vector_load %arg7[%swap3A_685, %swap3A_686, %swap3A_687] {strides = array<i32>} : memref<2x256x64xf32, #tpu.memory_space<vmem>>, vector<1x1x16xf32>,
      %swap3A_689 = vector.shape_cast %swap3A_688 : vector<1x1x16xf32> to vector<16xf32>
      %swap3A_690 = vector.shape_cast %mul3A_683 : vector<16xf32> to vector<1x1x16xf32>
      tpu.vector_store %arg7[%swap3A_685, %swap3A_686, %swap3A_687], %swap3A_690 {strides = array<i32>} : memref<2x256x64xf32, #tpu.memory_space<vmem>>, vector<1x1x16xf32>,
      %get3A_691 = arith.constant 3 : i32
      %get3A_692 = arith.index_cast %get3A_691 : i32 to index
      %get3A_693 = arith.index_cast %scan3A_674 : i32 to index
      %get3A_694 = arith.constant 16 : index
      %get3A_695 = tpu.vector_load %arg6[%get3A_692, %get3A_693, %get3A_694] {strides = array<i32>} : memref<4x256x64xf32, #tpu.memory_space<vmem>>, vector<1x1x16xf32>,
      %get3A_696 = vector.shape_cast %get3A_695 : vector<1x1x16xf32> to vector<16xf32>
      %mul3A_697 = arith.constant 8.000000e+00 : f32
      %mul3A_698 = vector.broadcast %mul3A_697 : f32 to vector<16xf32>
      %mul3A_699 = arith.mulf %get3A_696, %mul3A_698 : vector<16xf32>
      %swap3A_700 = arith.constant 1 : i32
      %swap3A_701 = arith.index_cast %swap3A_700 : i32 to index
      %swap3A_702 = arith.index_cast %scan3A_674 : i32 to index
      %swap3A_703 = arith.constant 16 : index
      %swap3A_704 = tpu.vector_load %arg7[%swap3A_701, %swap3A_702, %swap3A_703] {strides = array<i32>} : memref<2x256x64xf32, #tpu.memory_space<vmem>>, vector<1x1x16xf32>,
      %swap3A_705 = vector.shape_cast %swap3A_704 : vector<1x1x16xf32> to vector<16xf32>
      %swap3A_706 = vector.shape_cast %mul3A_699 : vector<16xf32> to vector<1x1x16xf32>
      tpu.vector_store %arg7[%swap3A_701, %swap3A_702, %swap3A_703], %swap3A_706 {strides = array<i32>} : memref<2x256x64xf32, #tpu.memory_space<vmem>>, vector<1x1x16xf32>,
      %get3A_707 = arith.constant 3 : i32
      %get3A_708 = arith.index_cast %get3A_707 : i32 to index
      %get3A_709 = arith.index_cast %scan3A_674 : i32 to index
      %get3A_710 = arith.constant 32 : index
      %get3A_711 = tpu.vector_load %arg6[%get3A_708, %get3A_709, %get3A_710] {strides = array<i32>} : memref<4x256x64xf32, #tpu.memory_space<vmem>>, vector<1x1x16xf32>,
      %get3A_712 = vector.shape_cast %get3A_711 : vector<1x1x16xf32> to vector<16xf32>
      %mul3A_713 = arith.constant 8.000000e+00 : f32
      %mul3A_714 = vector.broadcast %mul3A_713 : f32 to vector<16xf32>
      %mul3A_715 = arith.mulf %get3A_712, %mul3A_714 : vector<16xf32>
      %swap3A_716 = arith.constant 1 : i32
      %swap3A_717 = arith.index_cast %swap3A_716 : i32 to index
      %swap3A_718 = arith.index_cast %scan3A_674 : i32 to index
      %swap3A_719 = arith.constant 32 : index
      %swap3A_720 = tpu.vector_load %arg7[%swap3A_717, %swap3A_718, %swap3A_719] {strides = array<i32>} : memref<2x256x64xf32, #tpu.memory_space<vmem>>, vector<1x1x16xf32>,
      %swap3A_721 = vector.shape_cast %swap3A_720 : vector<1x1x16xf32> to vector<16xf32>
      %swap3A_722 = vector.shape_cast %mul3A_715 : vector<16xf32> to vector<1x1x16xf32>
      tpu.vector_store %arg7[%swap3A_717, %swap3A_718, %swap3A_719], %swap3A_722 {strides = array<i32>} : memref<2x256x64xf32, #tpu.memory_space<vmem>>, vector<1x1x16xf32>,
      %get3A_723 = arith.constant 3 : i32
      %get3A_724 = arith.index_cast %get3A_723 : i32 to index
      %get3A_725 = arith.index_cast %scan3A_674 : i32 to index
      %get3A_726 = arith.constant 48 : index
      %get3A_727 = tpu.vector_load %arg6[%get3A_724, %get3A_725, %get3A_726] {strides = array<i32>} : memref<4x256x64xf32, #tpu.memory_space<vmem>>, vector<1x1x16xf32>,
      %get3A_728 = vector.shape_cast %get3A_727 : vector<1x1x16xf32> to vector<16xf32>
      %mul3A_729 = arith.constant 8.000000e+00 : f32
      %mul3A_730 = vector.broadcast %mul3A_729 : f32 to vector<16xf32>
      %mul3A_731 = arith.mulf %get3A_728, %mul3A_730 : vector<16xf32>
      %swap3A_732 = arith.constant 1 : i32
      %swap3A_733 = arith.index_cast %swap3A_732 : i32 to index
      %swap3A_734 = arith.index_cast %scan3A_674 : i32 to index
      %swap3A_735 = arith.constant 48 : index
      %swap3A_736 = tpu.vector_load %arg7[%swap3A_733, %swap3A_734, %swap3A_735] {strides = array<i32>} : memref<2x256x64xf32, #tpu.memory_space<vmem>>, vector<1x1x16xf32>,
      %swap3A_737 = vector.shape_cast %swap3A_736 : vector<1x1x16xf32> to vector<16xf32>
      %swap3A_738 = vector.shape_cast %mul3A_731 : vector<16xf32> to vector<1x1x16xf32>
      tpu.vector_store %arg7[%swap3A_733, %swap3A_734, %swap3A_735], %swap3A_738 {strides = array<i32>} : memref<2x256x64xf32, #tpu.memory_space<vmem>>, vector<1x1x16xf32>,
    }
    %scan3A_224 = arith.constant 256 : i32
    %dma_start3A_225 = arith.constant 3 : i32
    %dma_start3A_226 = arith.constant 0 : i32
    %dma_start3A_227 = arith.constant 0 : i32
    %dma_start3A_228 = tpu.memref_slice %arg6[%dma_start3A_225, %dma_start3A_226, %dma_start3A_227] : memref<4x256x64xf32, #tpu.memory_space<vmem>> -> memref<1x256x64xf32, #tpu.memory_space<vmem>>
    %dma_start3A_229 = tpu.memref_squeeze %dma_start3A_228 : memref<1x256x64xf32, #tpu.memory_space<vmem>> -> memref<256x64xf32, #tpu.memory_space<vmem>>
    %dma_start3A_230 = arith.constant 1792 : i32
    %dma_start3A_231 = tpu.memref_slice %arg5[%dma_start3A_230] : memref<25600xi32, #tpu.memory_space<vmem>> -> memref<256xi32, #tpu.memory_space<vmem>>
    %dma_start3A_232 = arith.constant 0 : i32
    %dma_start3A_233 = arith.constant 0 : i32
    %dma_start3A_234 = tpu.memref_slice %arg3[%dma_start3A_232, %dma_start3A_233] : memref<1000000x64xf32, #tpu.memory_space<hbm>> -> memref<1000000x64xf32, #tpu.memory_space<hbm>>
    tpu.enqueue_indirect_dma source(%dma_start3A_234 : memref<1000000x64xf32, #tpu.memory_space<hbm>>) target(%dma_start3A_229 : memref<256x64xf32, #tpu.memory_space<vmem>>) offsets(%dma_start3A_231 : memref<256xi32, #tpu.memory_space<vmem>>) semaphore(%arg11 : memref<!tpu.dma_semaphore, #tpu.memory_space<semaphore_mem>>)
    %add3A_235 = arith.constant 768 : i32
    %add3A_236 = arith.addi %mul3A_2, %add3A_235 : i32
    %dma_start3A_237 = arith.constant 1 : i32
    %dma_start3A_238 = arith.constant 0 : i32
    %dma_start3A_239 = arith.constant 0 : i32
    %dma_start3A_240 = tpu.memref_slice %arg7[%dma_start3A_237, %dma_start3A_238, %dma_start3A_239] : memref<2x256x64xf32, #tpu.memory_space<vmem>> -> memref<1x256x64xf32, #tpu.memory_space<vmem>>
    %dma_start3A_241 = tpu.memref_squeeze %dma_start3A_240 : memref<1x256x64xf32, #tpu.memory_space<vmem>> -> memref<256x64xf32, #tpu.memory_space<vmem>>
    %dma_start3A_242 = arith.constant 0 : i32
    %dma_start3A_243 = tpu.memref_slice %arg4[%add3A_236, %dma_start3A_242] : memref<819200x64xf32, #tpu.memory_space<hbm>> -> memref<256x64xf32, #tpu.memory_space<hbm>>
    %dma_start3A_244 = arith.constant 0 : i32
    %dma_start3A_245 = tpu.memref_slice %arg4[%add3A_236, %dma_start3A_244] : memref<819200x64xf32, #tpu.memory_space<hbm>> -> memref<256x64xf32, #tpu.memory_space<hbm>>
    %dma_start3A_246 = arith.constant 0 : i32
    %dma_start3A_247 = arith.constant 0 : i32
    %dma_start3A_248 = tpu.memref_slice %arg7[%dma_start3A_237, %dma_start3A_246, %dma_start3A_247] : memref<2x256x64xf32, #tpu.memory_space<vmem>> -> memref<1x256x64xf32, #tpu.memory_space<vmem>>
    %dma_start3A_249 = tpu.memref_squeeze %dma_start3A_248 : memref<1x256x64xf32, #tpu.memory_space<vmem>> -> memref<256x64xf32, #tpu.memory_space<vmem>>
    tpu.enqueue_dma source(%dma_start3A_249 : memref<256x64xf32, #tpu.memory_space<vmem>>) target(%dma_start3A_245 : memref<256x64xf32, #tpu.memory_space<hbm>>) target_semaphore(%arg13 : memref<!tpu.dma_semaphore, #tpu.memory_space<semaphore_mem>>)
    %scan3A_250 = arith.constant 0 : i32
    %scan3A_251 = arith.constant 1 : i32
    %scan3A_252 = arith.constant 23 : i32
    %scan3A_253 = arith.addi %scan3A_251, %scan3A_252 : i32
    %scan3A_254 = arith.constant 1 : i32
    scf.for %scan3A_478 = %scan3A_251 to %scan3A_253 step %scan3A_254  : i32 {
      %mul3A_479 = arith.constant 4 : i32
      %mul3A_480 = arith.muli %scan3A_478, %mul3A_479 : i32
      %add3A_481 = arith.constant 0 : i32
      %add3A_482 = arith.addi %mul3A_480, %add3A_481 : i32
      %dma_wait3A_483 = arith.constant 0 : i32
      %dma_wait3A_484 = arith.constant 0 : i32
      %dma_wait3A_485 = arith.constant 0 : i32
      %dma_wait3A_486 = tpu.memref_slice %arg6[%dma_wait3A_483, %dma_wait3A_484, %dma_wait3A_485] : memref<4x256x64xf32, #tpu.memory_space<vmem>> -> memref<1x256x64xf32, #tpu.memory_space<vmem>>
      %dma_wait3A_487 = tpu.memref_squeeze %dma_wait3A_486 : memref<1x256x64xf32, #tpu.memory_space<vmem>> -> memref<256x64xf32, #tpu.memory_space<vmem>>
      %dma_wait3A_488 = arith.constant 0 : i32
      %dma_wait3A_489 = arith.constant 0 : i32
      %dma_wait3A_490 = tpu.memref_slice %arg3[%dma_wait3A_488, %dma_wait3A_489] : memref<1000000x64xf32, #tpu.memory_space<hbm>> -> memref<256x64xf32, #tpu.memory_space<hbm>>
      %dma_wait3A_491 = arith.constant 0 : i32
      %dma_wait3A_492 = arith.constant 0 : i32
      %dma_wait3A_493 = tpu.memref_slice %arg6[%dma_wait3A_483, %dma_wait3A_491, %dma_wait3A_492] : memref<4x256x64xf32, #tpu.memory_space<vmem>> -> memref<1x256x64xf32, #tpu.memory_space<vmem>>
      %dma_wait3A_494 = tpu.memref_squeeze %dma_wait3A_493 : memref<1x256x64xf32, #tpu.memory_space<vmem>> -> memref<256x64xf32, #tpu.memory_space<vmem>>
      %dma_wait3A_495 = arith.constant 0 : i32
      %dma_wait3A_496 = arith.constant 0 : i32
      %dma_wait3A_497 = tpu.memref_slice %arg3[%dma_wait3A_495, %dma_wait3A_496] : memref<1000000x64xf32, #tpu.memory_space<hbm>> -> memref<256x64xf32, #tpu.memory_space<hbm>>
      tpu.wait_dma2 semaphore(%arg8 : memref<!tpu.dma_semaphore, #tpu.memory_space<semaphore_mem>>) src(%dma_wait3A_497 : memref<256x64xf32, #tpu.memory_space<hbm>>) dst(%dma_wait3A_494 : memref<256x64xf32, #tpu.memory_space<vmem>>)
      %dma_wait3A_498 = arith.constant 0 : i32
      %dma_wait3A_499 = arith.constant 0 : i32
      %dma_wait3A_500 = arith.constant 0 : i32
      %dma_wait3A_501 = tpu.memref_slice %arg7[%dma_wait3A_498, %dma_wait3A_499, %dma_wait3A_500] : memref<2x256x64xf32, #tpu.memory_space<vmem>> -> memref<1x256x64xf32, #tpu.memory_space<vmem>>
      %dma_wait3A_502 = tpu.memref_squeeze %dma_wait3A_501 : memref<1x256x64xf32, #tpu.memory_space<vmem>> -> memref<256x64xf32, #tpu.memory_space<vmem>>
      %dma_wait3A_503 = arith.constant 0 : i32
      %dma_wait3A_504 = tpu.memref_slice %arg4[%mul3A_2, %dma_wait3A_503] : memref<819200x64xf32, #tpu.memory_space<hbm>> -> memref<256x64xf32, #tpu.memory_space<hbm>>
      %dma_wait3A_505 = arith.constant 0 : i32
      %dma_wait3A_506 = tpu.memref_slice %arg4[%mul3A_2, %dma_wait3A_505] : memref<819200x64xf32, #tpu.memory_space<hbm>> -> memref<256x64xf32, #tpu.memory_space<hbm>>
      %dma_wait3A_507 = arith.constant 0 : i32
      %dma_wait3A_508 = arith.constant 0 : i32
      %dma_wait3A_509 = tpu.memref_slice %arg7[%dma_wait3A_498, %dma_wait3A_507, %dma_wait3A_508] : memref<2x256x64xf32, #tpu.memory_space<vmem>> -> memref<1x256x64xf32, #tpu.memory_space<vmem>>
      %dma_wait3A_510 = tpu.memref_squeeze %dma_wait3A_509 : memref<1x256x64xf32, #tpu.memory_space<vmem>> -> memref<256x64xf32, #tpu.memory_space<vmem>>
      tpu.wait_dma2 semaphore(%arg12 : memref<!tpu.dma_semaphore, #tpu.memory_space<semaphore_mem>>) src(%dma_wait3A_510 : memref<256x64xf32, #tpu.memory_space<vmem>>) dst(%dma_wait3A_506 : memref<256x64xf32, #tpu.memory_space<hbm>>)
      %scan3A_511 = arith.constant 0 : i32
      %scan3A_512 = arith.constant 0 : i32
      %scan3A_513 = arith.constant 256 : i32
      %scan3A_514 = arith.addi %scan3A_512, %scan3A_513 : i32
      %scan3A_515 = arith.constant 4 : i32
      scf.for %scan3A_747 = %scan3A_512 to %scan3A_514 step %scan3A_515  : i32 {
        %get3A = arith.constant 0 : i32
        %get3A_748 = arith.index_cast %get3A : i32 to index
        %get3A_749 = arith.index_cast %scan3A_747 : i32 to index
        %get3A_750 = arith.constant 0 : index
        %get3A_751 = tpu.vector_load %arg6[%get3A_748, %get3A_749, %get3A_750] {strides = array<i32>} : memref<4x256x64xf32, #tpu.memory_space<vmem>>, vector<1x1x16xf32>,
        %get3A_752 = vector.shape_cast %get3A_751 : vector<1x1x16xf32> to vector<16xf32>
        %mul3A_753 = arith.constant 8.000000e+00 : f32
        %mul3A_754 = vector.broadcast %mul3A_753 : f32 to vector<16xf32>
        %mul3A_755 = arith.mulf %get3A_752, %mul3A_754 : vector<16xf32>
        %swap3A = arith.constant 0 : i32
        %swap3A_756 = arith.index_cast %swap3A : i32 to index
        %swap3A_757 = arith.index_cast %scan3A_747 : i32 to index
        %swap3A_758 = arith.constant 0 : index
        %swap3A_759 = tpu.vector_load %arg7[%swap3A_756, %swap3A_757, %swap3A_758] {strides = array<i32>} : memref<2x256x64xf32, #tpu.memory_space<vmem>>, vector<1x1x16xf32>,
        %swap3A_760 = vector.shape_cast %swap3A_759 : vector<1x1x16xf32> to vector<16xf32>
        %swap3A_761 = vector.shape_cast %mul3A_755 : vector<16xf32> to vector<1x1x16xf32>
        tpu.vector_store %arg7[%swap3A_756, %swap3A_757, %swap3A_758], %swap3A_761 {strides = array<i32>} : memref<2x256x64xf32, #tpu.memory_space<vmem>>, vector<1x1x16xf32>,
        %get3A_762 = arith.constant 0 : i32
        %get3A_763 = arith.index_cast %get3A_762 : i32 to index
        %get3A_764 = arith.index_cast %scan3A_747 : i32 to index
        %get3A_765 = arith.constant 16 : index
        %get3A_766 = tpu.vector_load %arg6[%get3A_763, %get3A_764, %get3A_765] {strides = array<i32>} : memref<4x256x64xf32, #tpu.memory_space<vmem>>, vector<1x1x16xf32>,
        %get3A_767 = vector.shape_cast %get3A_766 : vector<1x1x16xf32> to vector<16xf32>
        %mul3A_768 = arith.constant 8.000000e+00 : f32
        %mul3A_769 = vector.broadcast %mul3A_768 : f32 to vector<16xf32>
        %mul3A_770 = arith.mulf %get3A_767, %mul3A_769 : vector<16xf32>
        %swap3A_771 = arith.constant 0 : i32
        %swap3A_772 = arith.index_cast %swap3A_771 : i32 to index
        %swap3A_773 = arith.index_cast %scan3A_747 : i32 to index
        %swap3A_774 = arith.constant 16 : index
        %swap3A_775 = tpu.vector_load %arg7[%swap3A_772, %swap3A_773, %swap3A_774] {strides = array<i32>} : memref<2x256x64xf32, #tpu.memory_space<vmem>>, vector<1x1x16xf32>,
        %swap3A_776 = vector.shape_cast %swap3A_775 : vector<1x1x16xf32> to vector<16xf32>
        %swap3A_777 = vector.shape_cast %mul3A_770 : vector<16xf32> to vector<1x1x16xf32>
        tpu.vector_store %arg7[%swap3A_772, %swap3A_773, %swap3A_774], %swap3A_777 {strides = array<i32>} : memref<2x256x64xf32, #tpu.memory_space<vmem>>, vector<1x1x16xf32>,
        %get3A_778 = arith.constant 0 : i32
        %get3A_779 = arith.index_cast %get3A_778 : i32 to index
        %get3A_780 = arith.index_cast %scan3A_747 : i32 to index
        %get3A_781 = arith.constant 32 : index
        %get3A_782 = tpu.vector_load %arg6[%get3A_779, %get3A_780, %get3A_781] {strides = array<i32>} : memref<4x256x64xf32, #tpu.memory_space<vmem>>, vector<1x1x16xf32>,
        %get3A_783 = vector.shape_cast %get3A_782 : vector<1x1x16xf32> to vector<16xf32>
        %mul3A_784 = arith.constant 8.000000e+00 : f32
        %mul3A_785 = vector.broadcast %mul3A_784 : f32 to vector<16xf32>
        %mul3A_786 = arith.mulf %get3A_783, %mul3A_785 : vector<16xf32>
        %swap3A_787 = arith.constant 0 : i32
        %swap3A_788 = arith.index_cast %swap3A_787 : i32 to index
        %swap3A_789 = arith.index_cast %scan3A_747 : i32 to index
        %swap3A_790 = arith.constant 32 : index
        %swap3A_791 = tpu.vector_load %arg7[%swap3A_788, %swap3A_789, %swap3A_790] {strides = array<i32>} : memref<2x256x64xf32, #tpu.memory_space<vmem>>, vector<1x1x16xf32>,
        %swap3A_792 = vector.shape_cast %swap3A_791 : vector<1x1x16xf32> to vector<16xf32>
        %swap3A_793 = vector.shape_cast %mul3A_786 : vector<16xf32> to vector<1x1x16xf32>
        tpu.vector_store %arg7[%swap3A_788, %swap3A_789, %swap3A_790], %swap3A_793 {strides = array<i32>} : memref<2x256x64xf32, #tpu.memory_space<vmem>>, vector<1x1x16xf32>,
        %get3A_794 = arith.constant 0 : i32
        %get3A_795 = arith.index_cast %get3A_794 : i32 to index
        %get3A_796 = arith.index_cast %scan3A_747 : i32 to index
        %get3A_797 = arith.constant 48 : index
        %get3A_798 = tpu.vector_load %arg6[%get3A_795, %get3A_796, %get3A_797] {strides = array<i32>} : memref<4x256x64xf32, #tpu.memory_space<vmem>>, vector<1x1x16xf32>,
        %get3A_799 = vector.shape_cast %get3A_798 : vector<1x1x16xf32> to vector<16xf32>
        %mul3A_800 = arith.constant 8.000000e+00 : f32
        %mul3A_801 = vector.broadcast %mul3A_800 : f32 to vector<16xf32>
        %mul3A_802 = arith.mulf %get3A_799, %mul3A_801 : vector<16xf32>
        %swap3A_803 = arith.constant 0 : i32
        %swap3A_804 = arith.index_cast %swap3A_803 : i32 to index
        %swap3A_805 = arith.index_cast %scan3A_747 : i32 to index
        %swap3A_806 = arith.constant 48 : index
        %swap3A_807 = tpu.vector_load %arg7[%swap3A_804, %swap3A_805, %swap3A_806] {strides = array<i32>} : memref<2x256x64xf32, #tpu.memory_space<vmem>>, vector<1x1x16xf32>,
        %swap3A_808 = vector.shape_cast %swap3A_807 : vector<1x1x16xf32> to vector<16xf32>
        %swap3A_809 = vector.shape_cast %mul3A_802 : vector<16xf32> to vector<1x1x16xf32>
        tpu.vector_store %arg7[%swap3A_804, %swap3A_805, %swap3A_806], %swap3A_809 {strides = array<i32>} : memref<2x256x64xf32, #tpu.memory_space<vmem>>, vector<1x1x16xf32>,
        %scan3A_810 = arith.constant 1 : i32
        %scan3A_811 = arith.addi %scan3A_747, %scan3A_810 : i32
        %get3A_812 = arith.constant 0 : i32
        %get3A_813 = arith.index_cast %get3A_812 : i32 to index
        %get3A_814 = arith.index_cast %scan3A_811 : i32 to index
        %get3A_815 = arith.constant 0 : index
        %get3A_816 = tpu.vector_load %arg6[%get3A_813, %get3A_814, %get3A_815] {strides = array<i32>} : memref<4x256x64xf32, #tpu.memory_space<vmem>>, vector<1x1x16xf32>,
        %get3A_817 = vector.shape_cast %get3A_816 : vector<1x1x16xf32> to vector<16xf32>
        %mul3A_818 = arith.constant 8.000000e+00 : f32
        %mul3A_819 = vector.broadcast %mul3A_818 : f32 to vector<16xf32>
        %mul3A_820 = arith.mulf %get3A_817, %mul3A_819 : vector<16xf32>
        %swap3A_821 = arith.constant 0 : i32
        %swap3A_822 = arith.index_cast %swap3A_821 : i32 to index
        %swap3A_823 = arith.index_cast %scan3A_811 : i32 to index
        %swap3A_824 = arith.constant 0 : index
        %swap3A_825 = tpu.vector_load %arg7[%swap3A_822, %swap3A_823, %swap3A_824] {strides = array<i32>} : memref<2x256x64xf32, #tpu.memory_space<vmem>>, vector<1x1x16xf32>,
        %swap3A_826 = vector.shape_cast %swap3A_825 : vector<1x1x16xf32> to vector<16xf32>
        %swap3A_827 = vector.shape_cast %mul3A_820 : vector<16xf32> to vector<1x1x16xf32>
        tpu.vector_store %arg7[%swap3A_822, %swap3A_823, %swap3A_824], %swap3A_827 {strides = array<i32>} : memref<2x256x64xf32, #tpu.memory_space<vmem>>, vector<1x1x16xf32>,
        %get3A_828 = arith.constant 0 : i32
        %get3A_829 = arith.index_cast %get3A_828 : i32 to index
        %get3A_830 = arith.index_cast %scan3A_811 : i32 to index
        %get3A_831 = arith.constant 16 : index
        %get3A_832 = tpu.vector_load %arg6[%get3A_829, %get3A_830, %get3A_831] {strides = array<i32>} : memref<4x256x64xf32, #tpu.memory_space<vmem>>, vector<1x1x16xf32>,
        %get3A_833 = vector.shape_cast %get3A_832 : vector<1x1x16xf32> to vector<16xf32>
        %mul3A_834 = arith.constant 8.000000e+00 : f32
        %mul3A_835 = vector.broadcast %mul3A_834 : f32 to vector<16xf32>
        %mul3A_836 = arith.mulf %get3A_833, %mul3A_835 : vector<16xf32>
        %swap3A_837 = arith.constant 0 : i32
        %swap3A_838 = arith.index_cast %swap3A_837 : i32 to index
        %swap3A_839 = arith.index_cast %scan3A_811 : i32 to index
        %swap3A_840 = arith.constant 16 : index
        %swap3A_841 = tpu.vector_load %arg7[%swap3A_838, %swap3A_839, %swap3A_840] {strides = array<i32>} : memref<2x256x64xf32, #tpu.memory_space<vmem>>, vector<1x1x16xf32>,
        %swap3A_842 = vector.shape_cast %swap3A_841 : vector<1x1x16xf32> to vector<16xf32>
        %swap3A_843 = vector.shape_cast %mul3A_836 : vector<16xf32> to vector<1x1x16xf32>
        tpu.vector_store %arg7[%swap3A_838, %swap3A_839, %swap3A_840], %swap3A_843 {strides = array<i32>} : memref<2x256x64xf32, #tpu.memory_space<vmem>>, vector<1x1x16xf32>,
        %get3A_844 = arith.constant 0 : i32
        %get3A_845 = arith.index_cast %get3A_844 : i32 to index
        %get3A_846 = arith.index_cast %scan3A_811 : i32 to index
        %get3A_847 = arith.constant 32 : index
        %get3A_848 = tpu.vector_load %arg6[%get3A_845, %get3A_846, %get3A_847] {strides = array<i32>} : memref<4x256x64xf32, #tpu.memory_space<vmem>>, vector<1x1x16xf32>,
        %get3A_849 = vector.shape_cast %get3A_848 : vector<1x1x16xf32> to vector<16xf32>
        %mul3A_850 = arith.constant 8.000000e+00 : f32
        %mul3A_851 = vector.broadcast %mul3A_850 : f32 to vector<16xf32>
        %mul3A_852 = arith.mulf %get3A_849, %mul3A_851 : vector<16xf32>
        %swap3A_853 = arith.constant 0 : i32
        %swap3A_854 = arith.index_cast %swap3A_853 : i32 to index
        %swap3A_855 = arith.index_cast %scan3A_811 : i32 to index
        %swap3A_856 = arith.constant 32 : index
        %swap3A_857 = tpu.vector_load %arg7[%swap3A_854, %swap3A_855, %swap3A_856] {strides = array<i32>} : memref<2x256x64xf32, #tpu.memory_space<vmem>>, vector<1x1x16xf32>,
        %swap3A_858 = vector.shape_cast %swap3A_857 : vector<1x1x16xf32> to vector<16xf32>
        %swap3A_859 = vector.shape_cast %mul3A_852 : vector<16xf32> to vector<1x1x16xf32>
        tpu.vector_store %arg7[%swap3A_854, %swap3A_855, %swap3A_856], %swap3A_859 {strides = array<i32>} : memref<2x256x64xf32, #tpu.memory_space<vmem>>, vector<1x1x16xf32>,
        %get3A_860 = arith.constant 0 : i32
        %get3A_861 = arith.index_cast %get3A_860 : i32 to index
        %get3A_862 = arith.index_cast %scan3A_811 : i32 to index
        %get3A_863 = arith.constant 48 : index
        %get3A_864 = tpu.vector_load %arg6[%get3A_861, %get3A_862, %get3A_863] {strides = array<i32>} : memref<4x256x64xf32, #tpu.memory_space<vmem>>, vector<1x1x16xf32>,
        %get3A_865 = vector.shape_cast %get3A_864 : vector<1x1x16xf32> to vector<16xf32>
        %mul3A_866 = arith.constant 8.000000e+00 : f32
        %mul3A_867 = vector.broadcast %mul3A_866 : f32 to vector<16xf32>
        %mul3A_868 = arith.mulf %get3A_865, %mul3A_867 : vector<16xf32>
        %swap3A_869 = arith.constant 0 : i32
        %swap3A_870 = arith.index_cast %swap3A_869 : i32 to index
        %swap3A_871 = arith.index_cast %scan3A_811 : i32 to index
        %swap3A_872 = arith.constant 48 : index
        %swap3A_873 = tpu.vector_load %arg7[%swap3A_870, %swap3A_871, %swap3A_872] {strides = array<i32>} : memref<2x256x64xf32, #tpu.memory_space<vmem>>, vector<1x1x16xf32>,
        %swap3A_874 = vector.shape_cast %swap3A_873 : vector<1x1x16xf32> to vector<16xf32>
        %swap3A_875 = vector.shape_cast %mul3A_868 : vector<16xf32> to vector<1x1x16xf32>
        tpu.vector_store %arg7[%swap3A_870, %swap3A_871, %swap3A_872], %swap3A_875 {strides = array<i32>} : memref<2x256x64xf32, #tpu.memory_space<vmem>>, vector<1x1x16xf32>,
        %scan3A_876 = arith.constant 2 : i32
        %scan3A_877 = arith.addi %scan3A_747, %scan3A_876 : i32
        %get3A_878 = arith.constant 0 : i32
        %get3A_879 = arith.index_cast %get3A_878 : i32 to index
        %get3A_880 = arith.index_cast %scan3A_877 : i32 to index
        %get3A_881 = arith.constant 0 : index
        %get3A_882 = tpu.vector_load %arg6[%get3A_879, %get3A_880, %get3A_881] {strides = array<i32>} : memref<4x256x64xf32, #tpu.memory_space<vmem>>, vector<1x1x16xf32>,
        %get3A_883 = vector.shape_cast %get3A_882 : vector<1x1x16xf32> to vector<16xf32>
        %mul3A_884 = arith.constant 8.000000e+00 : f32
        %mul3A_885 = vector.broadcast %mul3A_884 : f32 to vector<16xf32>
        %mul3A_886 = arith.mulf %get3A_883, %mul3A_885 : vector<16xf32>
        %swap3A_887 = arith.constant 0 : i32
        %swap3A_888 = arith.index_cast %swap3A_887 : i32 to index
        %swap3A_889 = arith.index_cast %scan3A_877 : i32 to index
        %swap3A_890 = arith.constant 0 : index
        %swap3A_891 = tpu.vector_load %arg7[%swap3A_888, %swap3A_889, %swap3A_890] {strides = array<i32>} : memref<2x256x64xf32, #tpu.memory_space<vmem>>, vector<1x1x16xf32>,
        %swap3A_892 = vector.shape_cast %swap3A_891 : vector<1x1x16xf32> to vector<16xf32>
        %swap3A_893 = vector.shape_cast %mul3A_886 : vector<16xf32> to vector<1x1x16xf32>
        tpu.vector_store %arg7[%swap3A_888, %swap3A_889, %swap3A_890], %swap3A_893 {strides = array<i32>} : memref<2x256x64xf32, #tpu.memory_space<vmem>>, vector<1x1x16xf32>,
        %get3A_894 = arith.constant 0 : i32
        %get3A_895 = arith.index_cast %get3A_894 : i32 to index
        %get3A_896 = arith.index_cast %scan3A_877 : i32 to index
        %get3A_897 = arith.constant 16 : index
        %get3A_898 = tpu.vector_load %arg6[%get3A_895, %get3A_896, %get3A_897] {strides = array<i32>} : memref<4x256x64xf32, #tpu.memory_space<vmem>>, vector<1x1x16xf32>,
        %get3A_899 = vector.shape_cast %get3A_898 : vector<1x1x16xf32> to vector<16xf32>
        %mul3A_900 = arith.constant 8.000000e+00 : f32
        %mul3A_901 = vector.broadcast %mul3A_900 : f32 to vector<16xf32>
        %mul3A_902 = arith.mulf %get3A_899, %mul3A_901 : vector<16xf32>
        %swap3A_903 = arith.constant 0 : i32
        %swap3A_904 = arith.index_cast %swap3A_903 : i32 to index
        %swap3A_905 = arith.index_cast %scan3A_877 : i32 to index
        %swap3A_906 = arith.constant 16 : index
        %swap3A_907 = tpu.vector_load %arg7[%swap3A_904, %swap3A_905, %swap3A_906] {strides = array<i32>} : memref<2x256x64xf32, #tpu.memory_space<vmem>>, vector<1x1x16xf32>,
        %swap3A_908 = vector.shape_cast %swap3A_907 : vector<1x1x16xf32> to vector<16xf32>
        %swap3A_909 = vector.shape_cast %mul3A_902 : vector<16xf32> to vector<1x1x16xf32>
        tpu.vector_store %arg7[%swap3A_904, %swap3A_905, %swap3A_906], %swap3A_909 {strides = array<i32>} : memref<2x256x64xf32, #tpu.memory_space<vmem>>, vector<1x1x16xf32>,
        %get3A_910 = arith.constant 0 : i32
        %get3A_911 = arith.index_cast %get3A_910 : i32 to index
        %get3A_912 = arith.index_cast %scan3A_877 : i32 to index
        %get3A_913 = arith.constant 32 : index
        %get3A_914 = tpu.vector_load %arg6[%get3A_911, %get3A_912, %get3A_913] {strides = array<i32>} : memref<4x256x64xf32, #tpu.memory_space<vmem>>, vector<1x1x16xf32>,
        %get3A_915 = vector.shape_cast %get3A_914 : vector<1x1x16xf32> to vector<16xf32>
        %mul3A_916 = arith.constant 8.000000e+00 : f32
        %mul3A_917 = vector.broadcast %mul3A_916 : f32 to vector<16xf32>
        %mul3A_918 = arith.mulf %get3A_915, %mul3A_917 : vector<16xf32>
        %swap3A_919 = arith.constant 0 : i32
        %swap3A_920 = arith.index_cast %swap3A_919 : i32 to index
        %swap3A_921 = arith.index_cast %scan3A_877 : i32 to index
        %swap3A_922 = arith.constant 32 : index
        %swap3A_923 = tpu.vector_load %arg7[%swap3A_920, %swap3A_921, %swap3A_922] {strides = array<i32>} : memref<2x256x64xf32, #tpu.memory_space<vmem>>, vector<1x1x16xf32>,
        %swap3A_924 = vector.shape_cast %swap3A_923 : vector<1x1x16xf32> to vector<16xf32>
        %swap3A_925 = vector.shape_cast %mul3A_918 : vector<16xf32> to vector<1x1x16xf32>
        tpu.vector_store %arg7[%swap3A_920, %swap3A_921, %swap3A_922], %swap3A_925 {strides = array<i32>} : memref<2x256x64xf32, #tpu.memory_space<vmem>>, vector<1x1x16xf32>,
        %get3A_926 = arith.constant 0 : i32
        %get3A_927 = arith.index_cast %get3A_926 : i32 to index
        %get3A_928 = arith.index_cast %scan3A_877 : i32 to index
        %get3A_929 = arith.constant 48 : index
        %get3A_930 = tpu.vector_load %arg6[%get3A_927, %get3A_928, %get3A_929] {strides = array<i32>} : memref<4x256x64xf32, #tpu.memory_space<vmem>>, vector<1x1x16xf32>,
        %get3A_931 = vector.shape_cast %get3A_930 : vector<1x1x16xf32> to vector<16xf32>
        %mul3A_932 = arith.constant 8.000000e+00 : f32
        %mul3A_933 = vector.broadcast %mul3A_932 : f32 to vector<16xf32>
        %mul3A_934 = arith.mulf %get3A_931, %mul3A_933 : vector<16xf32>
        %swap3A_935 = arith.constant 0 : i32
        %swap3A_936 = arith.index_cast %swap3A_935 : i32 to index
        %swap3A_937 = arith.index_cast %scan3A_877 : i32 to index
        %swap3A_938 = arith.constant 48 : index
        %swap3A_939 = tpu.vector_load %arg7[%swap3A_936, %swap3A_937, %swap3A_938] {strides = array<i32>} : memref<2x256x64xf32, #tpu.memory_space<vmem>>, vector<1x1x16xf32>,
        %swap3A_940 = vector.shape_cast %swap3A_939 : vector<1x1x16xf32> to vector<16xf32>
        %swap3A_941 = vector.shape_cast %mul3A_934 : vector<16xf32> to vector<1x1x16xf32>
        tpu.vector_store %arg7[%swap3A_936, %swap3A_937, %swap3A_938], %swap3A_941 {strides = array<i32>} : memref<2x256x64xf32, #tpu.memory_space<vmem>>, vector<1x1x16xf32>,
        %scan3A_942 = arith.constant 3 : i32
        %scan3A_943 = arith.addi %scan3A_747, %scan3A_942 : i32
        %get3A_944 = arith.constant 0 : i32
        %get3A_945 = arith.index_cast %get3A_944 : i32 to index
        %get3A_946 = arith.index_cast %scan3A_943 : i32 to index
        %get3A_947 = arith.constant 0 : index
        %get3A_948 = tpu.vector_load %arg6[%get3A_945, %get3A_946, %get3A_947] {strides = array<i32>} : memref<4x256x64xf32, #tpu.memory_space<vmem>>, vector<1x1x16xf32>,
        %get3A_949 = vector.shape_cast %get3A_948 : vector<1x1x16xf32> to vector<16xf32>
        %mul3A_950 = arith.constant 8.000000e+00 : f32
        %mul3A_951 = vector.broadcast %mul3A_950 : f32 to vector<16xf32>
        %mul3A_952 = arith.mulf %get3A_949, %mul3A_951 : vector<16xf32>
        %swap3A_953 = arith.constant 0 : i32
        %swap3A_954 = arith.index_cast %swap3A_953 : i32 to index
        %swap3A_955 = arith.index_cast %scan3A_943 : i32 to index
        %swap3A_956 = arith.constant 0 : index
        %swap3A_957 = tpu.vector_load %arg7[%swap3A_954, %swap3A_955, %swap3A_956] {strides = array<i32>} : memref<2x256x64xf32, #tpu.memory_space<vmem>>, vector<1x1x16xf32>,
        %swap3A_958 = vector.shape_cast %swap3A_957 : vector<1x1x16xf32> to vector<16xf32>
        %swap3A_959 = vector.shape_cast %mul3A_952 : vector<16xf32> to vector<1x1x16xf32>
        tpu.vector_store %arg7[%swap3A_954, %swap3A_955, %swap3A_956], %swap3A_959 {strides = array<i32>} : memref<2x256x64xf32, #tpu.memory_space<vmem>>, vector<1x1x16xf32>,
        %get3A_960 = arith.constant 0 : i32
        %get3A_961 = arith.index_cast %get3A_960 : i32 to index
        %get3A_962 = arith.index_cast %scan3A_943 : i32 to index
        %get3A_963 = arith.constant 16 : index
        %get3A_964 = tpu.vector_load %arg6[%get3A_961, %get3A_962, %get3A_963] {strides = array<i32>} : memref<4x256x64xf32, #tpu.memory_space<vmem>>, vector<1x1x16xf32>,
        %get3A_965 = vector.shape_cast %get3A_964 : vector<1x1x16xf32> to vector<16xf32>
        %mul3A_966 = arith.constant 8.000000e+00 : f32
        %mul3A_967 = vector.broadcast %mul3A_966 : f32 to vector<16xf32>
        %mul3A_968 = arith.mulf %get3A_965, %mul3A_967 : vector<16xf32>
        %swap3A_969 = arith.constant 0 : i32
        %swap3A_970 = arith.index_cast %swap3A_969 : i32 to index
        %swap3A_971 = arith.index_cast %scan3A_943 : i32 to index
        %swap3A_972 = arith.constant 16 : index
        %swap3A_973 = tpu.vector_load %arg7[%swap3A_970, %swap3A_971, %swap3A_972] {strides = array<i32>} : memref<2x256x64xf32, #tpu.memory_space<vmem>>, vector<1x1x16xf32>,
        %swap3A_974 = vector.shape_cast %swap3A_973 : vector<1x1x16xf32> to vector<16xf32>
        %swap3A_975 = vector.shape_cast %mul3A_968 : vector<16xf32> to vector<1x1x16xf32>
        tpu.vector_store %arg7[%swap3A_970, %swap3A_971, %swap3A_972], %swap3A_975 {strides = array<i32>} : memref<2x256x64xf32, #tpu.memory_space<vmem>>, vector<1x1x16xf32>,
        %get3A_976 = arith.constant 0 : i32
        %get3A_977 = arith.index_cast %get3A_976 : i32 to index
        %get3A_978 = arith.index_cast %scan3A_943 : i32 to index
        %get3A_979 = arith.constant 32 : index
        %get3A_980 = tpu.vector_load %arg6[%get3A_977, %get3A_978, %get3A_979] {strides = array<i32>} : memref<4x256x64xf32, #tpu.memory_space<vmem>>, vector<1x1x16xf32>,
        %get3A_981 = vector.shape_cast %get3A_980 : vector<1x1x16xf32> to vector<16xf32>
        %mul3A_982 = arith.constant 8.000000e+00 : f32
        %mul3A_983 = vector.broadcast %mul3A_982 : f32 to vector<16xf32>
        %mul3A_984 = arith.mulf %get3A_981, %mul3A_983 : vector<16xf32>
        %swap3A_985 = arith.constant 0 : i32
        %swap3A_986 = arith.index_cast %swap3A_985 : i32 to index
        %swap3A_987 = arith.index_cast %scan3A_943 : i32 to index
        %swap3A_988 = arith.constant 32 : index
        %swap3A_989 = tpu.vector_load %arg7[%swap3A_986, %swap3A_987, %swap3A_988] {strides = array<i32>} : memref<2x256x64xf32, #tpu.memory_space<vmem>>, vector<1x1x16xf32>,
        %swap3A_990 = vector.shape_cast %swap3A_989 : vector<1x1x16xf32> to vector<16xf32>
        %swap3A_991 = vector.shape_cast %mul3A_984 : vector<16xf32> to vector<1x1x16xf32>
        tpu.vector_store %arg7[%swap3A_986, %swap3A_987, %swap3A_988], %swap3A_991 {strides = array<i32>} : memref<2x256x64xf32, #tpu.memory_space<vmem>>, vector<1x1x16xf32>,
        %get3A_992 = arith.constant 0 : i32
        %get3A_993 = arith.index_cast %get3A_992 : i32 to index
        %get3A_994 = arith.index_cast %scan3A_943 : i32 to index
        %get3A_995 = arith.constant 48 : index
        %get3A_996 = tpu.vector_load %arg6[%get3A_993, %get3A_994, %get3A_995] {strides = array<i32>} : memref<4x256x64xf32, #tpu.memory_space<vmem>>, vector<1x1x16xf32>,
        %get3A_997 = vector.shape_cast %get3A_996 : vector<1x1x16xf32> to vector<16xf32>
        %mul3A_998 = arith.constant 8.000000e+00 : f32
        %mul3A_999 = vector.broadcast %mul3A_998 : f32 to vector<16xf32>
        %mul3A_1000 = arith.mulf %get3A_997, %mul3A_999 : vector<16xf32>
        %swap3A_1001 = arith.constant 0 : i32
        %swap3A_1002 = arith.index_cast %swap3A_1001 : i32 to index
        %swap3A_1003 = arith.index_cast %scan3A_943 : i32 to index
        %swap3A_1004 = arith.constant 48 : index
        %swap3A_1005 = tpu.vector_load %arg7[%swap3A_1002, %swap3A_1003, %swap3A_1004] {strides = array<i32>} : memref<2x256x64xf32, #tpu.memory_space<vmem>>, vector<1x1x16xf32>,
        %swap3A_1006 = vector.shape_cast %swap3A_1005 : vector<1x1x16xf32> to vector<16xf32>
        %swap3A_1007 = vector.shape_cast %mul3A_1000 : vector<16xf32> to vector<1x1x16xf32>
        tpu.vector_store %arg7[%swap3A_1002, %swap3A_1003, %swap3A_1004], %swap3A_1007 {strides = array<i32>} : memref<2x256x64xf32, #tpu.memory_space<vmem>>, vector<1x1x16xf32>,
      }
      %scan3A_516 = arith.constant 256 : i32
      %add3A_517 = arith.constant 4 : i32
      %add3A_518 = arith.addi %add3A_482, %add3A_517 : i32
      %mul3A_519 = arith.constant 256 : i32
      %mul3A_520 = arith.muli %add3A_518, %mul3A_519 : i32
      %dma_start3A_521 = arith.constant 0 : i32
      %dma_start3A_522 = arith.constant 0 : i32
      %dma_start3A_523 = arith.constant 0 : i32
      %dma_start3A_524 = tpu.memref_slice %arg6[%dma_start3A_521, %dma_start3A_522, %dma_start3A_523] : memref<4x256x64xf32, #tpu.memory_space<vmem>> -> memref<1x256x64xf32, #tpu.memory_space<vmem>>
      %dma_start3A_525 = tpu.memref_squeeze %dma_start3A_524 : memref<1x256x64xf32, #tpu.memory_space<vmem>> -> memref<256x64xf32, #tpu.memory_space<vmem>>
      %dma_start3A_526 = tpu.memref_slice %arg5[%mul3A_520] : memref<25600xi32, #tpu.memory_space<vmem>> -> memref<256xi32, #tpu.memory_space<vmem>>
      %dma_start3A_527 = arith.constant 0 : i32
      %dma_start3A_528 = arith.constant 0 : i32
      %dma_start3A_529 = tpu.memref_slice %arg3[%dma_start3A_527, %dma_start3A_528] : memref<1000000x64xf32, #tpu.memory_space<hbm>> -> memref<1000000x64xf32, #tpu.memory_space<hbm>>
      tpu.enqueue_indirect_dma source(%dma_start3A_529 : memref<1000000x64xf32, #tpu.memory_space<hbm>>) target(%dma_start3A_525 : memref<256x64xf32, #tpu.memory_space<vmem>>) offsets(%dma_start3A_526 : memref<256xi32, #tpu.memory_space<vmem>>) semaphore(%arg8 : memref<!tpu.dma_semaphore, #tpu.memory_space<semaphore_mem>>)
      %mul3A_530 = arith.constant 256 : i32
      %mul3A_531 = arith.muli %add3A_482, %mul3A_530 : i32
      %add3A_532 = arith.addi %mul3A_2, %mul3A_531 : i32
      %dma_start3A_533 = arith.constant 0 : i32
      %dma_start3A_534 = arith.constant 0 : i32
      %dma_start3A_535 = arith.constant 0 : i32
      %dma_start3A_536 = tpu.memref_slice %arg7[%dma_start3A_533, %dma_start3A_534, %dma_start3A_535] : memref<2x256x64xf32, #tpu.memory_space<vmem>> -> memref<1x256x64xf32, #tpu.memory_space<vmem>>
      %dma_start3A_537 = tpu.memref_squeeze %dma_start3A_536 : memref<1x256x64xf32, #tpu.memory_space<vmem>> -> memref<256x64xf32, #tpu.memory_space<vmem>>
      %dma_start3A_538 = arith.constant 0 : i32
      %dma_start3A_539 = tpu.memref_slice %arg4[%add3A_532, %dma_start3A_538] : memref<819200x64xf32, #tpu.memory_space<hbm>> -> memref<256x64xf32, #tpu.memory_space<hbm>>
      %dma_start3A_540 = arith.constant 0 : i32
      %dma_start3A_541 = tpu.memref_slice %arg4[%add3A_532, %dma_start3A_540] : memref<819200x64xf32, #tpu.memory_space<hbm>> -> memref<256x64xf32, #tpu.memory_space<hbm>>
      %dma_start3A_542 = arith.constant 0 : i32
      %dma_start3A_543 = arith.constant 0 : i32
      %dma_start3A_544 = tpu.memref_slice %arg7[%dma_start3A_533, %dma_start3A_542, %dma_start3A_543] : memref<2x256x64xf32, #tpu.memory_space<vmem>> -> memref<1x256x64xf32, #tpu.memory_space<vmem>>
      %dma_start3A_545 = tpu.memref_squeeze %dma_start3A_544 : memref<1x256x64xf32, #tpu.memory_space<vmem>> -> memref<256x64xf32, #tpu.memory_space<vmem>>
      tpu.enqueue_dma source(%dma_start3A_545 : memref<256x64xf32, #tpu.memory_space<vmem>>) target(%dma_start3A_541 : memref<256x64xf32, #tpu.memory_space<hbm>>) target_semaphore(%arg12 : memref<!tpu.dma_semaphore, #tpu.memory_space<semaphore_mem>>)
      %mul3A_546 = arith.constant 4 : i32
      %mul3A_547 = arith.muli %scan3A_478, %mul3A_546 : i32
      %add3A_548 = arith.constant 1 : i32
      %add3A_549 = arith.addi %mul3A_547, %add3A_548 : i32
      %dma_wait3A_550 = arith.constant 1 : i32
      %dma_wait3A_551 = arith.constant 0 : i32
      %dma_wait3A_552 = arith.constant 0 : i32
      %dma_wait3A_553 = tpu.memref_slice %arg6[%dma_wait3A_550, %dma_wait3A_551, %dma_wait3A_552] : memref<4x256x64xf32, #tpu.memory_space<vmem>> -> memref<1x256x64xf32, #tpu.memory_space<vmem>>
      %dma_wait3A_554 = tpu.memref_squeeze %dma_wait3A_553 : memref<1x256x64xf32, #tpu.memory_space<vmem>> -> memref<256x64xf32, #tpu.memory_space<vmem>>
      %dma_wait3A_555 = arith.constant 0 : i32
      %dma_wait3A_556 = arith.constant 0 : i32
      %dma_wait3A_557 = tpu.memref_slice %arg3[%dma_wait3A_555, %dma_wait3A_556] : memref<1000000x64xf32, #tpu.memory_space<hbm>> -> memref<256x64xf32, #tpu.memory_space<hbm>>
      %dma_wait3A_558 = arith.constant 0 : i32
      %dma_wait3A_559 = arith.constant 0 : i32
      %dma_wait3A_560 = tpu.memref_slice %arg6[%dma_wait3A_550, %dma_wait3A_558, %dma_wait3A_559] : memref<4x256x64xf32, #tpu.memory_space<vmem>> -> memref<1x256x64xf32, #tpu.memory_space<vmem>>
      %dma_wait3A_561 = tpu.memref_squeeze %dma_wait3A_560 : memref<1x256x64xf32, #tpu.memory_space<vmem>> -> memref<256x64xf32, #tpu.memory_space<vmem>>
      %dma_wait3A_562 = arith.constant 0 : i32
      %dma_wait3A_563 = arith.constant 0 : i32
      %dma_wait3A_564 = tpu.memref_slice %arg3[%dma_wait3A_562, %dma_wait3A_563] : memref<1000000x64xf32, #tpu.memory_space<hbm>> -> memref<256x64xf32, #tpu.memory_space<hbm>>
      tpu.wait_dma2 semaphore(%arg9 : memref<!tpu.dma_semaphore, #tpu.memory_space<semaphore_mem>>) src(%dma_wait3A_564 : memref<256x64xf32, #tpu.memory_space<hbm>>) dst(%dma_wait3A_561 : memref<256x64xf32, #tpu.memory_space<vmem>>)
      %dma_wait3A_565 = arith.constant 1 : i32
      %dma_wait3A_566 = arith.constant 0 : i32
      %dma_wait3A_567 = arith.constant 0 : i32
      %dma_wait3A_568 = tpu.memref_slice %arg7[%dma_wait3A_565, %dma_wait3A_566, %dma_wait3A_567] : memref<2x256x64xf32, #tpu.memory_space<vmem>> -> memref<1x256x64xf32, #tpu.memory_space<vmem>>
      %dma_wait3A_569 = tpu.memref_squeeze %dma_wait3A_568 : memref<1x256x64xf32, #tpu.memory_space<vmem>> -> memref<256x64xf32, #tpu.memory_space<vmem>>
      %dma_wait3A_570 = arith.constant 0 : i32
      %dma_wait3A_571 = tpu.memref_slice %arg4[%mul3A_2, %dma_wait3A_570] : memref<819200x64xf32, #tpu.memory_space<hbm>> -> memref<256x64xf32, #tpu.memory_space<hbm>>
      %dma_wait3A_572 = arith.constant 0 : i32
      %dma_wait3A_573 = tpu.memref_slice %arg4[%mul3A_2, %dma_wait3A_572] : memref<819200x64xf32, #tpu.memory_space<hbm>> -> memref<256x64xf32, #tpu.memory_space<hbm>>
      %dma_wait3A_574 = arith.constant 0 : i32
      %dma_wait3A_575 = arith.constant 0 : i32
      %dma_wait3A_576 = tpu.memref_slice %arg7[%dma_wait3A_565, %dma_wait3A_574, %dma_wait3A_575] : memref<2x256x64xf32, #tpu.memory_space<vmem>> -> memref<1x256x64xf32, #tpu.memory_space<vmem>>
      %dma_wait3A_577 = tpu.memref_squeeze %dma_wait3A_576 : memref<1x256x64xf32, #tpu.memory_space<vmem>> -> memref<256x64xf32, #tpu.memory_space<vmem>>
      tpu.wait_dma2 semaphore(%arg13 : memref<!tpu.dma_semaphore, #tpu.memory_space<semaphore_mem>>) src(%dma_wait3A_577 : memref<256x64xf32, #tpu.memory_space<vmem>>) dst(%dma_wait3A_573 : memref<256x64xf32, #tpu.memory_space<hbm>>)
      %scan3A_578 = arith.constant 0 : i32
      %scan3A_579 = arith.constant 0 : i32
      %scan3A_580 = arith.constant 256 : i32
      %scan3A_581 = arith.addi %scan3A_579, %scan3A_580 : i32
      %scan3A_582 = arith.constant 4 : i32
      scf.for %scan3A_747 = %scan3A_579 to %scan3A_581 step %scan3A_582  : i32 {
        %get3A = arith.constant 1 : i32
        %get3A_748 = arith.index_cast %get3A : i32 to index
        %get3A_749 = arith.index_cast %scan3A_747 : i32 to index
        %get3A_750 = arith.constant 0 : index
        %get3A_751 = tpu.vector_load %arg6[%get3A_748, %get3A_749, %get3A_750] {strides = array<i32>} : memref<4x256x64xf32, #tpu.memory_space<vmem>>, vector<1x1x16xf32>,
        %get3A_752 = vector.shape_cast %get3A_751 : vector<1x1x16xf32> to vector<16xf32>
        %mul3A_753 = arith.constant 8.000000e+00 : f32
        %mul3A_754 = vector.broadcast %mul3A_753 : f32 to vector<16xf32>
        %mul3A_755 = arith.mulf %get3A_752, %mul3A_754 : vector<16xf32>
        %swap3A = arith.constant 1 : i32
        %swap3A_756 = arith.index_cast %swap3A : i32 to index
        %swap3A_757 = arith.index_cast %scan3A_747 : i32 to index
        %swap3A_758 = arith.constant 0 : index
        %swap3A_759 = tpu.vector_load %arg7[%swap3A_756, %swap3A_757, %swap3A_758] {strides = array<i32>} : memref<2x256x64xf32, #tpu.memory_space<vmem>>, vector<1x1x16xf32>,
        %swap3A_760 = vector.shape_cast %swap3A_759 : vector<1x1x16xf32> to vector<16xf32>
        %swap3A_761 = vector.shape_cast %mul3A_755 : vector<16xf32> to vector<1x1x16xf32>
        tpu.vector_store %arg7[%swap3A_756, %swap3A_757, %swap3A_758], %swap3A_761 {strides = array<i32>} : memref<2x256x64xf32, #tpu.memory_space<vmem>>, vector<1x1x16xf32>,
        %get3A_762 = arith.constant 1 : i32
        %get3A_763 = arith.index_cast %get3A_762 : i32 to index
        %get3A_764 = arith.index_cast %scan3A_747 : i32 to index
        %get3A_765 = arith.constant 16 : index
        %get3A_766 = tpu.vector_load %arg6[%get3A_763, %get3A_764, %get3A_765] {strides = array<i32>} : memref<4x256x64xf32, #tpu.memory_space<vmem>>, vector<1x1x16xf32>,
        %get3A_767 = vector.shape_cast %get3A_766 : vector<1x1x16xf32> to vector<16xf32>
        %mul3A_768 = arith.constant 8.000000e+00 : f32
        %mul3A_769 = vector.broadcast %mul3A_768 : f32 to vector<16xf32>
        %mul3A_770 = arith.mulf %get3A_767, %mul3A_769 : vector<16xf32>
        %swap3A_771 = arith.constant 1 : i32
        %swap3A_772 = arith.index_cast %swap3A_771 : i32 to index
        %swap3A_773 = arith.index_cast %scan3A_747 : i32 to index
        %swap3A_774 = arith.constant 16 : index
        %swap3A_775 = tpu.vector_load %arg7[%swap3A_772, %swap3A_773, %swap3A_774] {strides = array<i32>} : memref<2x256x64xf32, #tpu.memory_space<vmem>>, vector<1x1x16xf32>,
        %swap3A_776 = vector.shape_cast %swap3A_775 : vector<1x1x16xf32> to vector<16xf32>
        %swap3A_777 = vector.shape_cast %mul3A_770 : vector<16xf32> to vector<1x1x16xf32>
        tpu.vector_store %arg7[%swap3A_772, %swap3A_773, %swap3A_774], %swap3A_777 {strides = array<i32>} : memref<2x256x64xf32, #tpu.memory_space<vmem>>, vector<1x1x16xf32>,
        %get3A_778 = arith.constant 1 : i32
        %get3A_779 = arith.index_cast %get3A_778 : i32 to index
        %get3A_780 = arith.index_cast %scan3A_747 : i32 to index
        %get3A_781 = arith.constant 32 : index
        %get3A_782 = tpu.vector_load %arg6[%get3A_779, %get3A_780, %get3A_781] {strides = array<i32>} : memref<4x256x64xf32, #tpu.memory_space<vmem>>, vector<1x1x16xf32>,
        %get3A_783 = vector.shape_cast %get3A_782 : vector<1x1x16xf32> to vector<16xf32>
        %mul3A_784 = arith.constant 8.000000e+00 : f32
        %mul3A_785 = vector.broadcast %mul3A_784 : f32 to vector<16xf32>
        %mul3A_786 = arith.mulf %get3A_783, %mul3A_785 : vector<16xf32>
        %swap3A_787 = arith.constant 1 : i32
        %swap3A_788 = arith.index_cast %swap3A_787 : i32 to index
        %swap3A_789 = arith.index_cast %scan3A_747 : i32 to index
        %swap3A_790 = arith.constant 32 : index
        %swap3A_791 = tpu.vector_load %arg7[%swap3A_788, %swap3A_789, %swap3A_790] {strides = array<i32>} : memref<2x256x64xf32, #tpu.memory_space<vmem>>, vector<1x1x16xf32>,
        %swap3A_792 = vector.shape_cast %swap3A_791 : vector<1x1x16xf32> to vector<16xf32>
        %swap3A_793 = vector.shape_cast %mul3A_786 : vector<16xf32> to vector<1x1x16xf32>
        tpu.vector_store %arg7[%swap3A_788, %swap3A_789, %swap3A_790], %swap3A_793 {strides = array<i32>} : memref<2x256x64xf32, #tpu.memory_space<vmem>>, vector<1x1x16xf32>,
        %get3A_794 = arith.constant 1 : i32
        %get3A_795 = arith.index_cast %get3A_794 : i32 to index
        %get3A_796 = arith.index_cast %scan3A_747 : i32 to index
        %get3A_797 = arith.constant 48 : index
        %get3A_798 = tpu.vector_load %arg6[%get3A_795, %get3A_796, %get3A_797] {strides = array<i32>} : memref<4x256x64xf32, #tpu.memory_space<vmem>>, vector<1x1x16xf32>,
        %get3A_799 = vector.shape_cast %get3A_798 : vector<1x1x16xf32> to vector<16xf32>
        %mul3A_800 = arith.constant 8.000000e+00 : f32
        %mul3A_801 = vector.broadcast %mul3A_800 : f32 to vector<16xf32>
        %mul3A_802 = arith.mulf %get3A_799, %mul3A_801 : vector<16xf32>
        %swap3A_803 = arith.constant 1 : i32
        %swap3A_804 = arith.index_cast %swap3A_803 : i32 to index
        %swap3A_805 = arith.index_cast %scan3A_747 : i32 to index
        %swap3A_806 = arith.constant 48 : index
        %swap3A_807 = tpu.vector_load %arg7[%swap3A_804, %swap3A_805, %swap3A_806] {strides = array<i32>} : memref<2x256x64xf32, #tpu.memory_space<vmem>>, vector<1x1x16xf32>,
        %swap3A_808 = vector.shape_cast %swap3A_807 : vector<1x1x16xf32> to vector<16xf32>
        %swap3A_809 = vector.shape_cast %mul3A_802 : vector<16xf32> to vector<1x1x16xf32>
        tpu.vector_store %arg7[%swap3A_804, %swap3A_805, %swap3A_806], %swap3A_809 {strides = array<i32>} : memref<2x256x64xf32, #tpu.memory_space<vmem>>, vector<1x1x16xf32>,
        %scan3A_810 = arith.constant 1 : i32
        %scan3A_811 = arith.addi %scan3A_747, %scan3A_810 : i32
        %get3A_812 = arith.constant 1 : i32
        %get3A_813 = arith.index_cast %get3A_812 : i32 to index
        %get3A_814 = arith.index_cast %scan3A_811 : i32 to index
        %get3A_815 = arith.constant 0 : index
        %get3A_816 = tpu.vector_load %arg6[%get3A_813, %get3A_814, %get3A_815] {strides = array<i32>} : memref<4x256x64xf32, #tpu.memory_space<vmem>>, vector<1x1x16xf32>,
        %get3A_817 = vector.shape_cast %get3A_816 : vector<1x1x16xf32> to vector<16xf32>
        %mul3A_818 = arith.constant 8.000000e+00 : f32
        %mul3A_819 = vector.broadcast %mul3A_818 : f32 to vector<16xf32>
        %mul3A_820 = arith.mulf %get3A_817, %mul3A_819 : vector<16xf32>
        %swap3A_821 = arith.constant 1 : i32
        %swap3A_822 = arith.index_cast %swap3A_821 : i32 to index
        %swap3A_823 = arith.index_cast %scan3A_811 : i32 to index
        %swap3A_824 = arith.constant 0 : index
        %swap3A_825 = tpu.vector_load %arg7[%swap3A_822, %swap3A_823, %swap3A_824] {strides = array<i32>} : memref<2x256x64xf32, #tpu.memory_space<vmem>>, vector<1x1x16xf32>,
        %swap3A_826 = vector.shape_cast %swap3A_825 : vector<1x1x16xf32> to vector<16xf32>
        %swap3A_827 = vector.shape_cast %mul3A_820 : vector<16xf32> to vector<1x1x16xf32>
        tpu.vector_store %arg7[%swap3A_822, %swap3A_823, %swap3A_824], %swap3A_827 {strides = array<i32>} : memref<2x256x64xf32, #tpu.memory_space<vmem>>, vector<1x1x16xf32>,
        %get3A_828 = arith.constant 1 : i32
        %get3A_829 = arith.index_cast %get3A_828 : i32 to index
        %get3A_830 = arith.index_cast %scan3A_811 : i32 to index
        %get3A_831 = arith.constant 16 : index
        %get3A_832 = tpu.vector_load %arg6[%get3A_829, %get3A_830, %get3A_831] {strides = array<i32>} : memref<4x256x64xf32, #tpu.memory_space<vmem>>, vector<1x1x16xf32>,
        %get3A_833 = vector.shape_cast %get3A_832 : vector<1x1x16xf32> to vector<16xf32>
        %mul3A_834 = arith.constant 8.000000e+00 : f32
        %mul3A_835 = vector.broadcast %mul3A_834 : f32 to vector<16xf32>
        %mul3A_836 = arith.mulf %get3A_833, %mul3A_835 : vector<16xf32>
        %swap3A_837 = arith.constant 1 : i32
        %swap3A_838 = arith.index_cast %swap3A_837 : i32 to index
        %swap3A_839 = arith.index_cast %scan3A_811 : i32 to index
        %swap3A_840 = arith.constant 16 : index
        %swap3A_841 = tpu.vector_load %arg7[%swap3A_838, %swap3A_839, %swap3A_840] {strides = array<i32>} : memref<2x256x64xf32, #tpu.memory_space<vmem>>, vector<1x1x16xf32>,
        %swap3A_842 = vector.shape_cast %swap3A_841 : vector<1x1x16xf32> to vector<16xf32>
        %swap3A_843 = vector.shape_cast %mul3A_836 : vector<16xf32> to vector<1x1x16xf32>
        tpu.vector_store %arg7[%swap3A_838, %swap3A_839, %swap3A_840], %swap3A_843 {strides = array<i32>} : memref<2x256x64xf32, #tpu.memory_space<vmem>>, vector<1x1x16xf32>,
        %get3A_844 = arith.constant 1 : i32
        %get3A_845 = arith.index_cast %get3A_844 : i32 to index
        %get3A_846 = arith.index_cast %scan3A_811 : i32 to index
        %get3A_847 = arith.constant 32 : index
        %get3A_848 = tpu.vector_load %arg6[%get3A_845, %get3A_846, %get3A_847] {strides = array<i32>} : memref<4x256x64xf32, #tpu.memory_space<vmem>>, vector<1x1x16xf32>,
        %get3A_849 = vector.shape_cast %get3A_848 : vector<1x1x16xf32> to vector<16xf32>
        %mul3A_850 = arith.constant 8.000000e+00 : f32
        %mul3A_851 = vector.broadcast %mul3A_850 : f32 to vector<16xf32>
        %mul3A_852 = arith.mulf %get3A_849, %mul3A_851 : vector<16xf32>
        %swap3A_853 = arith.constant 1 : i32
        %swap3A_854 = arith.index_cast %swap3A_853 : i32 to index
        %swap3A_855 = arith.index_cast %scan3A_811 : i32 to index
        %swap3A_856 = arith.constant 32 : index
        %swap3A_857 = tpu.vector_load %arg7[%swap3A_854, %swap3A_855, %swap3A_856] {strides = array<i32>} : memref<2x256x64xf32, #tpu.memory_space<vmem>>, vector<1x1x16xf32>,
        %swap3A_858 = vector.shape_cast %swap3A_857 : vector<1x1x16xf32> to vector<16xf32>
        %swap3A_859 = vector.shape_cast %mul3A_852 : vector<16xf32> to vector<1x1x16xf32>
        tpu.vector_store %arg7[%swap3A_854, %swap3A_855, %swap3A_856], %swap3A_859 {strides = array<i32>} : memref<2x256x64xf32, #tpu.memory_space<vmem>>, vector<1x1x16xf32>,
        %get3A_860 = arith.constant 1 : i32
        %get3A_861 = arith.index_cast %get3A_860 : i32 to index
        %get3A_862 = arith.index_cast %scan3A_811 : i32 to index
        %get3A_863 = arith.constant 48 : index
        %get3A_864 = tpu.vector_load %arg6[%get3A_861, %get3A_862, %get3A_863] {strides = array<i32>} : memref<4x256x64xf32, #tpu.memory_space<vmem>>, vector<1x1x16xf32>,
        %get3A_865 = vector.shape_cast %get3A_864 : vector<1x1x16xf32> to vector<16xf32>
        %mul3A_866 = arith.constant 8.000000e+00 : f32
        %mul3A_867 = vector.broadcast %mul3A_866 : f32 to vector<16xf32>
        %mul3A_868 = arith.mulf %get3A_865, %mul3A_867 : vector<16xf32>
        %swap3A_869 = arith.constant 1 : i32
        %swap3A_870 = arith.index_cast %swap3A_869 : i32 to index
        %swap3A_871 = arith.index_cast %scan3A_811 : i32 to index
        %swap3A_872 = arith.constant 48 : index
        %swap3A_873 = tpu.vector_load %arg7[%swap3A_870, %swap3A_871, %swap3A_872] {strides = array<i32>} : memref<2x256x64xf32, #tpu.memory_space<vmem>>, vector<1x1x16xf32>,
        %swap3A_874 = vector.shape_cast %swap3A_873 : vector<1x1x16xf32> to vector<16xf32>
        %swap3A_875 = vector.shape_cast %mul3A_868 : vector<16xf32> to vector<1x1x16xf32>
        tpu.vector_store %arg7[%swap3A_870, %swap3A_871, %swap3A_872], %swap3A_875 {strides = array<i32>} : memref<2x256x64xf32, #tpu.memory_space<vmem>>, vector<1x1x16xf32>,
        %scan3A_876 = arith.constant 2 : i32
        %scan3A_877 = arith.addi %scan3A_747, %scan3A_876 : i32
        %get3A_878 = arith.constant 1 : i32
        %get3A_879 = arith.index_cast %get3A_878 : i32 to index
        %get3A_880 = arith.index_cast %scan3A_877 : i32 to index
        %get3A_881 = arith.constant 0 : index
        %get3A_882 = tpu.vector_load %arg6[%get3A_879, %get3A_880, %get3A_881] {strides = array<i32>} : memref<4x256x64xf32, #tpu.memory_space<vmem>>, vector<1x1x16xf32>,
        %get3A_883 = vector.shape_cast %get3A_882 : vector<1x1x16xf32> to vector<16xf32>
        %mul3A_884 = arith.constant 8.000000e+00 : f32
        %mul3A_885 = vector.broadcast %mul3A_884 : f32 to vector<16xf32>
        %mul3A_886 = arith.mulf %get3A_883, %mul3A_885 : vector<16xf32>
        %swap3A_887 = arith.constant 1 : i32
        %swap3A_888 = arith.index_cast %swap3A_887 : i32 to index
        %swap3A_889 = arith.index_cast %scan3A_877 : i32 to index
        %swap3A_890 = arith.constant 0 : index
        %swap3A_891 = tpu.vector_load %arg7[%swap3A_888, %swap3A_889, %swap3A_890] {strides = array<i32>} : memref<2x256x64xf32, #tpu.memory_space<vmem>>, vector<1x1x16xf32>,
        %swap3A_892 = vector.shape_cast %swap3A_891 : vector<1x1x16xf32> to vector<16xf32>
        %swap3A_893 = vector.shape_cast %mul3A_886 : vector<16xf32> to vector<1x1x16xf32>
        tpu.vector_store %arg7[%swap3A_888, %swap3A_889, %swap3A_890], %swap3A_893 {strides = array<i32>} : memref<2x256x64xf32, #tpu.memory_space<vmem>>, vector<1x1x16xf32>,
        %get3A_894 = arith.constant 1 : i32
        %get3A_895 = arith.index_cast %get3A_894 : i32 to index
        %get3A_896 = arith.index_cast %scan3A_877 : i32 to index
        %get3A_897 = arith.constant 16 : index
        %get3A_898 = tpu.vector_load %arg6[%get3A_895, %get3A_896, %get3A_897] {strides = array<i32>} : memref<4x256x64xf32, #tpu.memory_space<vmem>>, vector<1x1x16xf32>,
        %get3A_899 = vector.shape_cast %get3A_898 : vector<1x1x16xf32> to vector<16xf32>
        %mul3A_900 = arith.constant 8.000000e+00 : f32
        %mul3A_901 = vector.broadcast %mul3A_900 : f32 to vector<16xf32>
        %mul3A_902 = arith.mulf %get3A_899, %mul3A_901 : vector<16xf32>
        %swap3A_903 = arith.constant 1 : i32
        %swap3A_904 = arith.index_cast %swap3A_903 : i32 to index
        %swap3A_905 = arith.index_cast %scan3A_877 : i32 to index
        %swap3A_906 = arith.constant 16 : index
        %swap3A_907 = tpu.vector_load %arg7[%swap3A_904, %swap3A_905, %swap3A_906] {strides = array<i32>} : memref<2x256x64xf32, #tpu.memory_space<vmem>>, vector<1x1x16xf32>,
        %swap3A_908 = vector.shape_cast %swap3A_907 : vector<1x1x16xf32> to vector<16xf32>
        %swap3A_909 = vector.shape_cast %mul3A_902 : vector<16xf32> to vector<1x1x16xf32>
        tpu.vector_store %arg7[%swap3A_904, %swap3A_905, %swap3A_906], %swap3A_909 {strides = array<i32>} : memref<2x256x64xf32, #tpu.memory_space<vmem>>, vector<1x1x16xf32>,
        %get3A_910 = arith.constant 1 : i32
        %get3A_911 = arith.index_cast %get3A_910 : i32 to index
        %get3A_912 = arith.index_cast %scan3A_877 : i32 to index
        %get3A_913 = arith.constant 32 : index
        %get3A_914 = tpu.vector_load %arg6[%get3A_911, %get3A_912, %get3A_913] {strides = array<i32>} : memref<4x256x64xf32, #tpu.memory_space<vmem>>, vector<1x1x16xf32>,
        %get3A_915 = vector.shape_cast %get3A_914 : vector<1x1x16xf32> to vector<16xf32>
        %mul3A_916 = arith.constant 8.000000e+00 : f32
        %mul3A_917 = vector.broadcast %mul3A_916 : f32 to vector<16xf32>
        %mul3A_918 = arith.mulf %get3A_915, %mul3A_917 : vector<16xf32>
        %swap3A_919 = arith.constant 1 : i32
        %swap3A_920 = arith.index_cast %swap3A_919 : i32 to index
        %swap3A_921 = arith.index_cast %scan3A_877 : i32 to index
        %swap3A_922 = arith.constant 32 : index
        %swap3A_923 = tpu.vector_load %arg7[%swap3A_920, %swap3A_921, %swap3A_922] {strides = array<i32>} : memref<2x256x64xf32, #tpu.memory_space<vmem>>, vector<1x1x16xf32>,
        %swap3A_924 = vector.shape_cast %swap3A_923 : vector<1x1x16xf32> to vector<16xf32>
        %swap3A_925 = vector.shape_cast %mul3A_918 : vector<16xf32> to vector<1x1x16xf32>
        tpu.vector_store %arg7[%swap3A_920, %swap3A_921, %swap3A_922], %swap3A_925 {strides = array<i32>} : memref<2x256x64xf32, #tpu.memory_space<vmem>>, vector<1x1x16xf32>,
        %get3A_926 = arith.constant 1 : i32
        %get3A_927 = arith.index_cast %get3A_926 : i32 to index
        %get3A_928 = arith.index_cast %scan3A_877 : i32 to index
        %get3A_929 = arith.constant 48 : index
        %get3A_930 = tpu.vector_load %arg6[%get3A_927, %get3A_928, %get3A_929] {strides = array<i32>} : memref<4x256x64xf32, #tpu.memory_space<vmem>>, vector<1x1x16xf32>,
        %get3A_931 = vector.shape_cast %get3A_930 : vector<1x1x16xf32> to vector<16xf32>
        %mul3A_932 = arith.constant 8.000000e+00 : f32
        %mul3A_933 = vector.broadcast %mul3A_932 : f32 to vector<16xf32>
        %mul3A_934 = arith.mulf %get3A_931, %mul3A_933 : vector<16xf32>
        %swap3A_935 = arith.constant 1 : i32
        %swap3A_936 = arith.index_cast %swap3A_935 : i32 to index
        %swap3A_937 = arith.index_cast %scan3A_877 : i32 to index
        %swap3A_938 = arith.constant 48 : index
        %swap3A_939 = tpu.vector_load %arg7[%swap3A_936, %swap3A_937, %swap3A_938] {strides = array<i32>} : memref<2x256x64xf32, #tpu.memory_space<vmem>>, vector<1x1x16xf32>,
        %swap3A_940 = vector.shape_cast %swap3A_939 : vector<1x1x16xf32> to vector<16xf32>
        %swap3A_941 = vector.shape_cast %mul3A_934 : vector<16xf32> to vector<1x1x16xf32>
        tpu.vector_store %arg7[%swap3A_936, %swap3A_937, %swap3A_938], %swap3A_941 {strides = array<i32>} : memref<2x256x64xf32, #tpu.memory_space<vmem>>, vector<1x1x16xf32>,
        %scan3A_942 = arith.constant 3 : i32
        %scan3A_943 = arith.addi %scan3A_747, %scan3A_942 : i32
        %get3A_944 = arith.constant 1 : i32
        %get3A_945 = arith.index_cast %get3A_944 : i32 to index
        %get3A_946 = arith.index_cast %scan3A_943 : i32 to index
        %get3A_947 = arith.constant 0 : index
        %get3A_948 = tpu.vector_load %arg6[%get3A_945, %get3A_946, %get3A_947] {strides = array<i32>} : memref<4x256x64xf32, #tpu.memory_space<vmem>>, vector<1x1x16xf32>,
        %get3A_949 = vector.shape_cast %get3A_948 : vector<1x1x16xf32> to vector<16xf32>
        %mul3A_950 = arith.constant 8.000000e+00 : f32
        %mul3A_951 = vector.broadcast %mul3A_950 : f32 to vector<16xf32>
        %mul3A_952 = arith.mulf %get3A_949, %mul3A_951 : vector<16xf32>
        %swap3A_953 = arith.constant 1 : i32
        %swap3A_954 = arith.index_cast %swap3A_953 : i32 to index
        %swap3A_955 = arith.index_cast %scan3A_943 : i32 to index
        %swap3A_956 = arith.constant 0 : index
        %swap3A_957 = tpu.vector_load %arg7[%swap3A_954, %swap3A_955, %swap3A_956] {strides = array<i32>} : memref<2x256x64xf32, #tpu.memory_space<vmem>>, vector<1x1x16xf32>,
        %swap3A_958 = vector.shape_cast %swap3A_957 : vector<1x1x16xf32> to vector<16xf32>
        %swap3A_959 = vector.shape_cast %mul3A_952 : vector<16xf32> to vector<1x1x16xf32>
        tpu.vector_store %arg7[%swap3A_954, %swap3A_955, %swap3A_956], %swap3A_959 {strides = array<i32>} : memref<2x256x64xf32, #tpu.memory_space<vmem>>, vector<1x1x16xf32>,
        %get3A_960 = arith.constant 1 : i32
        %get3A_961 = arith.index_cast %get3A_960 : i32 to index
        %get3A_962 = arith.index_cast %scan3A_943 : i32 to index
        %get3A_963 = arith.constant 16 : index
        %get3A_964 = tpu.vector_load %arg6[%get3A_961, %get3A_962, %get3A_963] {strides = array<i32>} : memref<4x256x64xf32, #tpu.memory_space<vmem>>, vector<1x1x16xf32>,
        %get3A_965 = vector.shape_cast %get3A_964 : vector<1x1x16xf32> to vector<16xf32>
        %mul3A_966 = arith.constant 8.000000e+00 : f32
        %mul3A_967 = vector.broadcast %mul3A_966 : f32 to vector<16xf32>
        %mul3A_968 = arith.mulf %get3A_965, %mul3A_967 : vector<16xf32>
        %swap3A_969 = arith.constant 1 : i32
        %swap3A_970 = arith.index_cast %swap3A_969 : i32 to index
        %swap3A_971 = arith.index_cast %scan3A_943 : i32 to index
        %swap3A_972 = arith.constant 16 : index
        %swap3A_973 = tpu.vector_load %arg7[%swap3A_970, %swap3A_971, %swap3A_972] {strides = array<i32>} : memref<2x256x64xf32, #tpu.memory_space<vmem>>, vector<1x1x16xf32>,
        %swap3A_974 = vector.shape_cast %swap3A_973 : vector<1x1x16xf32> to vector<16xf32>
        %swap3A_975 = vector.shape_cast %mul3A_968 : vector<16xf32> to vector<1x1x16xf32>
        tpu.vector_store %arg7[%swap3A_970, %swap3A_971, %swap3A_972], %swap3A_975 {strides = array<i32>} : memref<2x256x64xf32, #tpu.memory_space<vmem>>, vector<1x1x16xf32>,
        %get3A_976 = arith.constant 1 : i32
        %get3A_977 = arith.index_cast %get3A_976 : i32 to index
        %get3A_978 = arith.index_cast %scan3A_943 : i32 to index
        %get3A_979 = arith.constant 32 : index
        %get3A_980 = tpu.vector_load %arg6[%get3A_977, %get3A_978, %get3A_979] {strides = array<i32>} : memref<4x256x64xf32, #tpu.memory_space<vmem>>, vector<1x1x16xf32>,
        %get3A_981 = vector.shape_cast %get3A_980 : vector<1x1x16xf32> to vector<16xf32>
        %mul3A_982 = arith.constant 8.000000e+00 : f32
        %mul3A_983 = vector.broadcast %mul3A_982 : f32 to vector<16xf32>
        %mul3A_984 = arith.mulf %get3A_981, %mul3A_983 : vector<16xf32>
        %swap3A_985 = arith.constant 1 : i32
        %swap3A_986 = arith.index_cast %swap3A_985 : i32 to index
        %swap3A_987 = arith.index_cast %scan3A_943 : i32 to index
        %swap3A_988 = arith.constant 32 : index
        %swap3A_989 = tpu.vector_load %arg7[%swap3A_986, %swap3A_987, %swap3A_988] {strides = array<i32>} : memref<2x256x64xf32, #tpu.memory_space<vmem>>, vector<1x1x16xf32>,
        %swap3A_990 = vector.shape_cast %swap3A_989 : vector<1x1x16xf32> to vector<16xf32>
        %swap3A_991 = vector.shape_cast %mul3A_984 : vector<16xf32> to vector<1x1x16xf32>
        tpu.vector_store %arg7[%swap3A_986, %swap3A_987, %swap3A_988], %swap3A_991 {strides = array<i32>} : memref<2x256x64xf32, #tpu.memory_space<vmem>>, vector<1x1x16xf32>,
        %get3A_992 = arith.constant 1 : i32
        %get3A_993 = arith.index_cast %get3A_992 : i32 to index
        %get3A_994 = arith.index_cast %scan3A_943 : i32 to index
        %get3A_995 = arith.constant 48 : index
        %get3A_996 = tpu.vector_load %arg6[%get3A_993, %get3A_994, %get3A_995] {strides = array<i32>} : memref<4x256x64xf32, #tpu.memory_space<vmem>>, vector<1x1x16xf32>,
        %get3A_997 = vector.shape_cast %get3A_996 : vector<1x1x16xf32> to vector<16xf32>
        %mul3A_998 = arith.constant 8.000000e+00 : f32
        %mul3A_999 = vector.broadcast %mul3A_998 : f32 to vector<16xf32>
        %mul3A_1000 = arith.mulf %get3A_997, %mul3A_999 : vector<16xf32>
        %swap3A_1001 = arith.constant 1 : i32
        %swap3A_1002 = arith.index_cast %swap3A_1001 : i32 to index
        %swap3A_1003 = arith.index_cast %scan3A_943 : i32 to index
        %swap3A_1004 = arith.constant 48 : index
        %swap3A_1005 = tpu.vector_load %arg7[%swap3A_1002, %swap3A_1003, %swap3A_1004] {strides = array<i32>} : memref<2x256x64xf32, #tpu.memory_space<vmem>>, vector<1x1x16xf32>,
        %swap3A_1006 = vector.shape_cast %swap3A_1005 : vector<1x1x16xf32> to vector<16xf32>
        %swap3A_1007 = vector.shape_cast %mul3A_1000 : vector<16xf32> to vector<1x1x16xf32>
        tpu.vector_store %arg7[%swap3A_1002, %swap3A_1003, %swap3A_1004], %swap3A_1007 {strides = array<i32>} : memref<2x256x64xf32, #tpu.memory_space<vmem>>, vector<1x1x16xf32>,
      }
      %scan3A_583 = arith.constant 256 : i32
      %add3A_584 = arith.constant 4 : i32
      %add3A_585 = arith.addi %add3A_549, %add3A_584 : i32
      %mul3A_586 = arith.constant 256 : i32
      %mul3A_587 = arith.muli %add3A_585, %mul3A_586 : i32
      %dma_start3A_588 = arith.constant 1 : i32
      %dma_start3A_589 = arith.constant 0 : i32
      %dma_start3A_590 = arith.constant 0 : i32
      %dma_start3A_591 = tpu.memref_slice %arg6[%dma_start3A_588, %dma_start3A_589, %dma_start3A_590] : memref<4x256x64xf32, #tpu.memory_space<vmem>> -> memref<1x256x64xf32, #tpu.memory_space<vmem>>
      %dma_start3A_592 = tpu.memref_squeeze %dma_start3A_591 : memref<1x256x64xf32, #tpu.memory_space<vmem>> -> memref<256x64xf32, #tpu.memory_space<vmem>>
      %dma_start3A_593 = tpu.memref_slice %arg5[%mul3A_587] : memref<25600xi32, #tpu.memory_space<vmem>> -> memref<256xi32, #tpu.memory_space<vmem>>
      %dma_start3A_594 = arith.constant 0 : i32
      %dma_start3A_595 = arith.constant 0 : i32
      %dma_start3A_596 = tpu.memref_slice %arg3[%dma_start3A_594, %dma_start3A_595] : memref<1000000x64xf32, #tpu.memory_space<hbm>> -> memref<1000000x64xf32, #tpu.memory_space<hbm>>
      tpu.enqueue_indirect_dma source(%dma_start3A_596 : memref<1000000x64xf32, #tpu.memory_space<hbm>>) target(%dma_start3A_592 : memref<256x64xf32, #tpu.memory_space<vmem>>) offsets(%dma_start3A_593 : memref<256xi32, #tpu.memory_space<vmem>>) semaphore(%arg9 : memref<!tpu.dma_semaphore, #tpu.memory_space<semaphore_mem>>)
      %mul3A_597 = arith.constant 256 : i32
      %mul3A_598 = arith.muli %add3A_549, %mul3A_597 : i32
      %add3A_599 = arith.addi %mul3A_2, %mul3A_598 : i32
      %dma_start3A_600 = arith.constant 1 : i32
      %dma_start3A_601 = arith.constant 0 : i32
      %dma_start3A_602 = arith.constant 0 : i32
      %dma_start3A_603 = tpu.memref_slice %arg7[%dma_start3A_600, %dma_start3A_601, %dma_start3A_602] : memref<2x256x64xf32, #tpu.memory_space<vmem>> -> memref<1x256x64xf32, #tpu.memory_space<vmem>>
      %dma_start3A_604 = tpu.memref_squeeze %dma_start3A_603 : memref<1x256x64xf32, #tpu.memory_space<vmem>> -> memref<256x64xf32, #tpu.memory_space<vmem>>
      %dma_start3A_605 = arith.constant 0 : i32
      %dma_start3A_606 = tpu.memref_slice %arg4[%add3A_599, %dma_start3A_605] : memref<819200x64xf32, #tpu.memory_space<hbm>> -> memref<256x64xf32, #tpu.memory_space<hbm>>
      %dma_start3A_607 = arith.constant 0 : i32
      %dma_start3A_608 = tpu.memref_slice %arg4[%add3A_599, %dma_start3A_607] : memref<819200x64xf32, #tpu.memory_space<hbm>> -> memref<256x64xf32, #tpu.memory_space<hbm>>
      %dma_start3A_609 = arith.constant 0 : i32
      %dma_start3A_610 = arith.constant 0 : i32
      %dma_start3A_611 = tpu.memref_slice %arg7[%dma_start3A_600, %dma_start3A_609, %dma_start3A_610] : memref<2x256x64xf32, #tpu.memory_space<vmem>> -> memref<1x256x64xf32, #tpu.memory_space<vmem>>
      %dma_start3A_612 = tpu.memref_squeeze %dma_start3A_611 : memref<1x256x64xf32, #tpu.memory_space<vmem>> -> memref<256x64xf32, #tpu.memory_space<vmem>>
      tpu.enqueue_dma source(%dma_start3A_612 : memref<256x64xf32, #tpu.memory_space<vmem>>) target(%dma_start3A_608 : memref<256x64xf32, #tpu.memory_space<hbm>>) target_semaphore(%arg13 : memref<!tpu.dma_semaphore, #tpu.memory_space<semaphore_mem>>)
      %mul3A_613 = arith.constant 4 : i32
      %mul3A_614 = arith.muli %scan3A_478, %mul3A_613 : i32
      %add3A_615 = arith.constant 2 : i32
      %add3A_616 = arith.addi %mul3A_614, %add3A_615 : i32
      %dma_wait3A_617 = arith.constant 2 : i32
      %dma_wait3A_618 = arith.constant 0 : i32
      %dma_wait3A_619 = arith.constant 0 : i32
      %dma_wait3A_620 = tpu.memref_slice %arg6[%dma_wait3A_617, %dma_wait3A_618, %dma_wait3A_619] : memref<4x256x64xf32, #tpu.memory_space<vmem>> -> memref<1x256x64xf32, #tpu.memory_space<vmem>>
      %dma_wait3A_621 = tpu.memref_squeeze %dma_wait3A_620 : memref<1x256x64xf32, #tpu.memory_space<vmem>> -> memref<256x64xf32, #tpu.memory_space<vmem>>
      %dma_wait3A_622 = arith.constant 0 : i32
      %dma_wait3A_623 = arith.constant 0 : i32
      %dma_wait3A_624 = tpu.memref_slice %arg3[%dma_wait3A_622, %dma_wait3A_623] : memref<1000000x64xf32, #tpu.memory_space<hbm>> -> memref<256x64xf32, #tpu.memory_space<hbm>>
      %dma_wait3A_625 = arith.constant 0 : i32
      %dma_wait3A_626 = arith.constant 0 : i32
      %dma_wait3A_627 = tpu.memref_slice %arg6[%dma_wait3A_617, %dma_wait3A_625, %dma_wait3A_626] : memref<4x256x64xf32, #tpu.memory_space<vmem>> -> memref<1x256x64xf32, #tpu.memory_space<vmem>>
      %dma_wait3A_628 = tpu.memref_squeeze %dma_wait3A_627 : memref<1x256x64xf32, #tpu.memory_space<vmem>> -> memref<256x64xf32, #tpu.memory_space<vmem>>
      %dma_wait3A_629 = arith.constant 0 : i32
      %dma_wait3A_630 = arith.constant 0 : i32
      %dma_wait3A_631 = tpu.memref_slice %arg3[%dma_wait3A_629, %dma_wait3A_630] : memref<1000000x64xf32, #tpu.memory_space<hbm>> -> memref<256x64xf32, #tpu.memory_space<hbm>>
      tpu.wait_dma2 semaphore(%arg10 : memref<!tpu.dma_semaphore, #tpu.memory_space<semaphore_mem>>) src(%dma_wait3A_631 : memref<256x64xf32, #tpu.memory_space<hbm>>) dst(%dma_wait3A_628 : memref<256x64xf32, #tpu.memory_space<vmem>>)
      %dma_wait3A_632 = arith.constant 0 : i32
      %dma_wait3A_633 = arith.constant 0 : i32
      %dma_wait3A_634 = arith.constant 0 : i32
      %dma_wait3A_635 = tpu.memref_slice %arg7[%dma_wait3A_632, %dma_wait3A_633, %dma_wait3A_634] : memref<2x256x64xf32, #tpu.memory_space<vmem>> -> memref<1x256x64xf32, #tpu.memory_space<vmem>>
      %dma_wait3A_636 = tpu.memref_squeeze %dma_wait3A_635 : memref<1x256x64xf32, #tpu.memory_space<vmem>> -> memref<256x64xf32, #tpu.memory_space<vmem>>
      %dma_wait3A_637 = arith.constant 0 : i32
      %dma_wait3A_638 = tpu.memref_slice %arg4[%mul3A_2, %dma_wait3A_637] : memref<819200x64xf32, #tpu.memory_space<hbm>> -> memref<256x64xf32, #tpu.memory_space<hbm>>
      %dma_wait3A_639 = arith.constant 0 : i32
      %dma_wait3A_640 = tpu.memref_slice %arg4[%mul3A_2, %dma_wait3A_639] : memref<819200x64xf32, #tpu.memory_space<hbm>> -> memref<256x64xf32, #tpu.memory_space<hbm>>
      %dma_wait3A_641 = arith.constant 0 : i32
      %dma_wait3A_642 = arith.constant 0 : i32
      %dma_wait3A_643 = tpu.memref_slice %arg7[%dma_wait3A_632, %dma_wait3A_641, %dma_wait3A_642] : memref<2x256x64xf32, #tpu.memory_space<vmem>> -> memref<1x256x64xf32, #tpu.memory_space<vmem>>
      %dma_wait3A_644 = tpu.memref_squeeze %dma_wait3A_643 : memref<1x256x64xf32, #tpu.memory_space<vmem>> -> memref<256x64xf32, #tpu.memory_space<vmem>>
      tpu.wait_dma2 semaphore(%arg12 : memref<!tpu.dma_semaphore, #tpu.memory_space<semaphore_mem>>) src(%dma_wait3A_644 : memref<256x64xf32, #tpu.memory_space<vmem>>) dst(%dma_wait3A_640 : memref<256x64xf32, #tpu.memory_space<hbm>>)
      %scan3A_645 = arith.constant 0 : i32
      %scan3A_646 = arith.constant 0 : i32
      %scan3A_647 = arith.constant 256 : i32
      %scan3A_648 = arith.addi %scan3A_646, %scan3A_647 : i32
      %scan3A_649 = arith.constant 4 : i32
      scf.for %scan3A_747 = %scan3A_646 to %scan3A_648 step %scan3A_649  : i32 {
        %get3A = arith.constant 2 : i32
        %get3A_748 = arith.index_cast %get3A : i32 to index
        %get3A_749 = arith.index_cast %scan3A_747 : i32 to index
        %get3A_750 = arith.constant 0 : index
        %get3A_751 = tpu.vector_load %arg6[%get3A_748, %get3A_749, %get3A_750] {strides = array<i32>} : memref<4x256x64xf32, #tpu.memory_space<vmem>>, vector<1x1x16xf32>,
        %get3A_752 = vector.shape_cast %get3A_751 : vector<1x1x16xf32> to vector<16xf32>
        %mul3A_753 = arith.constant 8.000000e+00 : f32
        %mul3A_754 = vector.broadcast %mul3A_753 : f32 to vector<16xf32>
        %mul3A_755 = arith.mulf %get3A_752, %mul3A_754 : vector<16xf32>
        %swap3A = arith.constant 0 : i32
        %swap3A_756 = arith.index_cast %swap3A : i32 to index
        %swap3A_757 = arith.index_cast %scan3A_747 : i32 to index
        %swap3A_758 = arith.constant 0 : index
        %swap3A_759 = tpu.vector_load %arg7[%swap3A_756, %swap3A_757, %swap3A_758] {strides = array<i32>} : memref<2x256x64xf32, #tpu.memory_space<vmem>>, vector<1x1x16xf32>,
        %swap3A_760 = vector.shape_cast %swap3A_759 : vector<1x1x16xf32> to vector<16xf32>
        %swap3A_761 = vector.shape_cast %mul3A_755 : vector<16xf32> to vector<1x1x16xf32>
        tpu.vector_store %arg7[%swap3A_756, %swap3A_757, %swap3A_758], %swap3A_761 {strides = array<i32>} : memref<2x256x64xf32, #tpu.memory_space<vmem>>, vector<1x1x16xf32>,
        %get3A_762 = arith.constant 2 : i32
        %get3A_763 = arith.index_cast %get3A_762 : i32 to index
        %get3A_764 = arith.index_cast %scan3A_747 : i32 to index
        %get3A_765 = arith.constant 16 : index
        %get3A_766 = tpu.vector_load %arg6[%get3A_763, %get3A_764, %get3A_765] {strides = array<i32>} : memref<4x256x64xf32, #tpu.memory_space<vmem>>, vector<1x1x16xf32>,
        %get3A_767 = vector.shape_cast %get3A_766 : vector<1x1x16xf32> to vector<16xf32>
        %mul3A_768 = arith.constant 8.000000e+00 : f32
        %mul3A_769 = vector.broadcast %mul3A_768 : f32 to vector<16xf32>
        %mul3A_770 = arith.mulf %get3A_767, %mul3A_769 : vector<16xf32>
        %swap3A_771 = arith.constant 0 : i32
        %swap3A_772 = arith.index_cast %swap3A_771 : i32 to index
        %swap3A_773 = arith.index_cast %scan3A_747 : i32 to index
        %swap3A_774 = arith.constant 16 : index
        %swap3A_775 = tpu.vector_load %arg7[%swap3A_772, %swap3A_773, %swap3A_774] {strides = array<i32>} : memref<2x256x64xf32, #tpu.memory_space<vmem>>, vector<1x1x16xf32>,
        %swap3A_776 = vector.shape_cast %swap3A_775 : vector<1x1x16xf32> to vector<16xf32>
        %swap3A_777 = vector.shape_cast %mul3A_770 : vector<16xf32> to vector<1x1x16xf32>
        tpu.vector_store %arg7[%swap3A_772, %swap3A_773, %swap3A_774], %swap3A_777 {strides = array<i32>} : memref<2x256x64xf32, #tpu.memory_space<vmem>>, vector<1x1x16xf32>,
        %get3A_778 = arith.constant 2 : i32
        %get3A_779 = arith.index_cast %get3A_778 : i32 to index
        %get3A_780 = arith.index_cast %scan3A_747 : i32 to index
        %get3A_781 = arith.constant 32 : index
        %get3A_782 = tpu.vector_load %arg6[%get3A_779, %get3A_780, %get3A_781] {strides = array<i32>} : memref<4x256x64xf32, #tpu.memory_space<vmem>>, vector<1x1x16xf32>,
        %get3A_783 = vector.shape_cast %get3A_782 : vector<1x1x16xf32> to vector<16xf32>
        %mul3A_784 = arith.constant 8.000000e+00 : f32
        %mul3A_785 = vector.broadcast %mul3A_784 : f32 to vector<16xf32>
        %mul3A_786 = arith.mulf %get3A_783, %mul3A_785 : vector<16xf32>
        %swap3A_787 = arith.constant 0 : i32
        %swap3A_788 = arith.index_cast %swap3A_787 : i32 to index
        %swap3A_789 = arith.index_cast %scan3A_747 : i32 to index
        %swap3A_790 = arith.constant 32 : index
        %swap3A_791 = tpu.vector_load %arg7[%swap3A_788, %swap3A_789, %swap3A_790] {strides = array<i32>} : memref<2x256x64xf32, #tpu.memory_space<vmem>>, vector<1x1x16xf32>,
        %swap3A_792 = vector.shape_cast %swap3A_791 : vector<1x1x16xf32> to vector<16xf32>
        %swap3A_793 = vector.shape_cast %mul3A_786 : vector<16xf32> to vector<1x1x16xf32>
        tpu.vector_store %arg7[%swap3A_788, %swap3A_789, %swap3A_790], %swap3A_793 {strides = array<i32>} : memref<2x256x64xf32, #tpu.memory_space<vmem>>, vector<1x1x16xf32>,
        %get3A_794 = arith.constant 2 : i32
        %get3A_795 = arith.index_cast %get3A_794 : i32 to index
        %get3A_796 = arith.index_cast %scan3A_747 : i32 to index
        %get3A_797 = arith.constant 48 : index
        %get3A_798 = tpu.vector_load %arg6[%get3A_795, %get3A_796, %get3A_797] {strides = array<i32>} : memref<4x256x64xf32, #tpu.memory_space<vmem>>, vector<1x1x16xf32>,
        %get3A_799 = vector.shape_cast %get3A_798 : vector<1x1x16xf32> to vector<16xf32>
        %mul3A_800 = arith.constant 8.000000e+00 : f32
        %mul3A_801 = vector.broadcast %mul3A_800 : f32 to vector<16xf32>
        %mul3A_802 = arith.mulf %get3A_799, %mul3A_801 : vector<16xf32>
        %swap3A_803 = arith.constant 0 : i32
        %swap3A_804 = arith.index_cast %swap3A_803 : i32 to index
        %swap3A_805 = arith.index_cast %scan3A_747 : i32 to index
        %swap3A_806 = arith.constant 48 : index
        %swap3A_807 = tpu.vector_load %arg7[%swap3A_804, %swap3A_805, %swap3A_806] {strides = array<i32>} : memref<2x256x64xf32, #tpu.memory_space<vmem>>, vector<1x1x16xf32>,
        %swap3A_808 = vector.shape_cast %swap3A_807 : vector<1x1x16xf32> to vector<16xf32>
        %swap3A_809 = vector.shape_cast %mul3A_802 : vector<16xf32> to vector<1x1x16xf32>
        tpu.vector_store %arg7[%swap3A_804, %swap3A_805, %swap3A_806], %swap3A_809 {strides = array<i32>} : memref<2x256x64xf32, #tpu.memory_space<vmem>>, vector<1x1x16xf32>,
        %scan3A_810 = arith.constant 1 : i32
        %scan3A_811 = arith.addi %scan3A_747, %scan3A_810 : i32
        %get3A_812 = arith.constant 2 : i32
        %get3A_813 = arith.index_cast %get3A_812 : i32 to index
        %get3A_814 = arith.index_cast %scan3A_811 : i32 to index
        %get3A_815 = arith.constant 0 : index
        %get3A_816 = tpu.vector_load %arg6[%get3A_813, %get3A_814, %get3A_815] {strides = array<i32>} : memref<4x256x64xf32, #tpu.memory_space<vmem>>, vector<1x1x16xf32>,
        %get3A_817 = vector.shape_cast %get3A_816 : vector<1x1x16xf32> to vector<16xf32>
        %mul3A_818 = arith.constant 8.000000e+00 : f32
        %mul3A_819 = vector.broadcast %mul3A_818 : f32 to vector<16xf32>
        %mul3A_820 = arith.mulf %get3A_817, %mul3A_819 : vector<16xf32>
        %swap3A_821 = arith.constant 0 : i32
        %swap3A_822 = arith.index_cast %swap3A_821 : i32 to index
        %swap3A_823 = arith.index_cast %scan3A_811 : i32 to index
        %swap3A_824 = arith.constant 0 : index
        %swap3A_825 = tpu.vector_load %arg7[%swap3A_822, %swap3A_823, %swap3A_824] {strides = array<i32>} : memref<2x256x64xf32, #tpu.memory_space<vmem>>, vector<1x1x16xf32>,
        %swap3A_826 = vector.shape_cast %swap3A_825 : vector<1x1x16xf32> to vector<16xf32>
        %swap3A_827 = vector.shape_cast %mul3A_820 : vector<16xf32> to vector<1x1x16xf32>
        tpu.vector_store %arg7[%swap3A_822, %swap3A_823, %swap3A_824], %swap3A_827 {strides = array<i32>} : memref<2x256x64xf32, #tpu.memory_space<vmem>>, vector<1x1x16xf32>,
        %get3A_828 = arith.constant 2 : i32
        %get3A_829 = arith.index_cast %get3A_828 : i32 to index
        %get3A_830 = arith.index_cast %scan3A_811 : i32 to index
        %get3A_831 = arith.constant 16 : index
        %get3A_832 = tpu.vector_load %arg6[%get3A_829, %get3A_830, %get3A_831] {strides = array<i32>} : memref<4x256x64xf32, #tpu.memory_space<vmem>>, vector<1x1x16xf32>,
        %get3A_833 = vector.shape_cast %get3A_832 : vector<1x1x16xf32> to vector<16xf32>
        %mul3A_834 = arith.constant 8.000000e+00 : f32
        %mul3A_835 = vector.broadcast %mul3A_834 : f32 to vector<16xf32>
        %mul3A_836 = arith.mulf %get3A_833, %mul3A_835 : vector<16xf32>
        %swap3A_837 = arith.constant 0 : i32
        %swap3A_838 = arith.index_cast %swap3A_837 : i32 to index
        %swap3A_839 = arith.index_cast %scan3A_811 : i32 to index
        %swap3A_840 = arith.constant 16 : index
        %swap3A_841 = tpu.vector_load %arg7[%swap3A_838, %swap3A_839, %swap3A_840] {strides = array<i32>} : memref<2x256x64xf32, #tpu.memory_space<vmem>>, vector<1x1x16xf32>,
        %swap3A_842 = vector.shape_cast %swap3A_841 : vector<1x1x16xf32> to vector<16xf32>
        %swap3A_843 = vector.shape_cast %mul3A_836 : vector<16xf32> to vector<1x1x16xf32>
        tpu.vector_store %arg7[%swap3A_838, %swap3A_839, %swap3A_840], %swap3A_843 {strides = array<i32>} : memref<2x256x64xf32, #tpu.memory_space<vmem>>, vector<1x1x16xf32>,
        %get3A_844 = arith.constant 2 : i32
        %get3A_845 = arith.index_cast %get3A_844 : i32 to index
        %get3A_846 = arith.index_cast %scan3A_811 : i32 to index
        %get3A_847 = arith.constant 32 : index
        %get3A_848 = tpu.vector_load %arg6[%get3A_845, %get3A_846, %get3A_847] {strides = array<i32>} : memref<4x256x64xf32, #tpu.memory_space<vmem>>, vector<1x1x16xf32>,
        %get3A_849 = vector.shape_cast %get3A_848 : vector<1x1x16xf32> to vector<16xf32>
        %mul3A_850 = arith.constant 8.000000e+00 : f32
        %mul3A_851 = vector.broadcast %mul3A_850 : f32 to vector<16xf32>
        %mul3A_852 = arith.mulf %get3A_849, %mul3A_851 : vector<16xf32>
        %swap3A_853 = arith.constant 0 : i32
        %swap3A_854 = arith.index_cast %swap3A_853 : i32 to index
        %swap3A_855 = arith.index_cast %scan3A_811 : i32 to index
        %swap3A_856 = arith.constant 32 : index
        %swap3A_857 = tpu.vector_load %arg7[%swap3A_854, %swap3A_855, %swap3A_856] {strides = array<i32>} : memref<2x256x64xf32, #tpu.memory_space<vmem>>, vector<1x1x16xf32>,
        %swap3A_858 = vector.shape_cast %swap3A_857 : vector<1x1x16xf32> to vector<16xf32>
        %swap3A_859 = vector.shape_cast %mul3A_852 : vector<16xf32> to vector<1x1x16xf32>
        tpu.vector_store %arg7[%swap3A_854, %swap3A_855, %swap3A_856], %swap3A_859 {strides = array<i32>} : memref<2x256x64xf32, #tpu.memory_space<vmem>>, vector<1x1x16xf32>,
        %get3A_860 = arith.constant 2 : i32
        %get3A_861 = arith.index_cast %get3A_860 : i32 to index
        %get3A_862 = arith.index_cast %scan3A_811 : i32 to index
        %get3A_863 = arith.constant 48 : index
        %get3A_864 = tpu.vector_load %arg6[%get3A_861, %get3A_862, %get3A_863] {strides = array<i32>} : memref<4x256x64xf32, #tpu.memory_space<vmem>>, vector<1x1x16xf32>,
        %get3A_865 = vector.shape_cast %get3A_864 : vector<1x1x16xf32> to vector<16xf32>
        %mul3A_866 = arith.constant 8.000000e+00 : f32
        %mul3A_867 = vector.broadcast %mul3A_866 : f32 to vector<16xf32>
        %mul3A_868 = arith.mulf %get3A_865, %mul3A_867 : vector<16xf32>
        %swap3A_869 = arith.constant 0 : i32
        %swap3A_870 = arith.index_cast %swap3A_869 : i32 to index
        %swap3A_871 = arith.index_cast %scan3A_811 : i32 to index
        %swap3A_872 = arith.constant 48 : index
        %swap3A_873 = tpu.vector_load %arg7[%swap3A_870, %swap3A_871, %swap3A_872] {strides = array<i32>} : memref<2x256x64xf32, #tpu.memory_space<vmem>>, vector<1x1x16xf32>,
        %swap3A_874 = vector.shape_cast %swap3A_873 : vector<1x1x16xf32> to vector<16xf32>
        %swap3A_875 = vector.shape_cast %mul3A_868 : vector<16xf32> to vector<1x1x16xf32>
        tpu.vector_store %arg7[%swap3A_870, %swap3A_871, %swap3A_872], %swap3A_875 {strides = array<i32>} : memref<2x256x64xf32, #tpu.memory_space<vmem>>, vector<1x1x16xf32>,
        %scan3A_876 = arith.constant 2 : i32
        %scan3A_877 = arith.addi %scan3A_747, %scan3A_876 : i32
        %get3A_878 = arith.constant 2 : i32
        %get3A_879 = arith.index_cast %get3A_878 : i32 to index
        %get3A_880 = arith.index_cast %scan3A_877 : i32 to index
        %get3A_881 = arith.constant 0 : index
        %get3A_882 = tpu.vector_load %arg6[%get3A_879, %get3A_880, %get3A_881] {strides = array<i32>} : memref<4x256x64xf32, #tpu.memory_space<vmem>>, vector<1x1x16xf32>,
        %get3A_883 = vector.shape_cast %get3A_882 : vector<1x1x16xf32> to vector<16xf32>
        %mul3A_884 = arith.constant 8.000000e+00 : f32
        %mul3A_885 = vector.broadcast %mul3A_884 : f32 to vector<16xf32>
        %mul3A_886 = arith.mulf %get3A_883, %mul3A_885 : vector<16xf32>
        %swap3A_887 = arith.constant 0 : i32
        %swap3A_888 = arith.index_cast %swap3A_887 : i32 to index
        %swap3A_889 = arith.index_cast %scan3A_877 : i32 to index
        %swap3A_890 = arith.constant 0 : index
        %swap3A_891 = tpu.vector_load %arg7[%swap3A_888, %swap3A_889, %swap3A_890] {strides = array<i32>} : memref<2x256x64xf32, #tpu.memory_space<vmem>>, vector<1x1x16xf32>,
        %swap3A_892 = vector.shape_cast %swap3A_891 : vector<1x1x16xf32> to vector<16xf32>
        %swap3A_893 = vector.shape_cast %mul3A_886 : vector<16xf32> to vector<1x1x16xf32>
        tpu.vector_store %arg7[%swap3A_888, %swap3A_889, %swap3A_890], %swap3A_893 {strides = array<i32>} : memref<2x256x64xf32, #tpu.memory_space<vmem>>, vector<1x1x16xf32>,
        %get3A_894 = arith.constant 2 : i32
        %get3A_895 = arith.index_cast %get3A_894 : i32 to index
        %get3A_896 = arith.index_cast %scan3A_877 : i32 to index
        %get3A_897 = arith.constant 16 : index
        %get3A_898 = tpu.vector_load %arg6[%get3A_895, %get3A_896, %get3A_897] {strides = array<i32>} : memref<4x256x64xf32, #tpu.memory_space<vmem>>, vector<1x1x16xf32>,
        %get3A_899 = vector.shape_cast %get3A_898 : vector<1x1x16xf32> to vector<16xf32>
        %mul3A_900 = arith.constant 8.000000e+00 : f32
        %mul3A_901 = vector.broadcast %mul3A_900 : f32 to vector<16xf32>
        %mul3A_902 = arith.mulf %get3A_899, %mul3A_901 : vector<16xf32>
        %swap3A_903 = arith.constant 0 : i32
        %swap3A_904 = arith.index_cast %swap3A_903 : i32 to index
        %swap3A_905 = arith.index_cast %scan3A_877 : i32 to index
        %swap3A_906 = arith.constant 16 : index
        %swap3A_907 = tpu.vector_load %arg7[%swap3A_904, %swap3A_905, %swap3A_906] {strides = array<i32>} : memref<2x256x64xf32, #tpu.memory_space<vmem>>, vector<1x1x16xf32>,
        %swap3A_908 = vector.shape_cast %swap3A_907 : vector<1x1x16xf32> to vector<16xf32>
        %swap3A_909 = vector.shape_cast %mul3A_902 : vector<16xf32> to vector<1x1x16xf32>
        tpu.vector_store %arg7[%swap3A_904, %swap3A_905, %swap3A_906], %swap3A_909 {strides = array<i32>} : memref<2x256x64xf32, #tpu.memory_space<vmem>>, vector<1x1x16xf32>,
        %get3A_910 = arith.constant 2 : i32
        %get3A_911 = arith.index_cast %get3A_910 : i32 to index
        %get3A_912 = arith.index_cast %scan3A_877 : i32 to index
        %get3A_913 = arith.constant 32 : index
        %get3A_914 = tpu.vector_load %arg6[%get3A_911, %get3A_912, %get3A_913] {strides = array<i32>} : memref<4x256x64xf32, #tpu.memory_space<vmem>>, vector<1x1x16xf32>,
        %get3A_915 = vector.shape_cast %get3A_914 : vector<1x1x16xf32> to vector<16xf32>
        %mul3A_916 = arith.constant 8.000000e+00 : f32
        %mul3A_917 = vector.broadcast %mul3A_916 : f32 to vector<16xf32>
        %mul3A_918 = arith.mulf %get3A_915, %mul3A_917 : vector<16xf32>
        %swap3A_919 = arith.constant 0 : i32
        %swap3A_920 = arith.index_cast %swap3A_919 : i32 to index
        %swap3A_921 = arith.index_cast %scan3A_877 : i32 to index
        %swap3A_922 = arith.constant 32 : index
        %swap3A_923 = tpu.vector_load %arg7[%swap3A_920, %swap3A_921, %swap3A_922] {strides = array<i32>} : memref<2x256x64xf32, #tpu.memory_space<vmem>>, vector<1x1x16xf32>,
        %swap3A_924 = vector.shape_cast %swap3A_923 : vector<1x1x16xf32> to vector<16xf32>
        %swap3A_925 = vector.shape_cast %mul3A_918 : vector<16xf32> to vector<1x1x16xf32>
        tpu.vector_store %arg7[%swap3A_920, %swap3A_921, %swap3A_922], %swap3A_925 {strides = array<i32>} : memref<2x256x64xf32, #tpu.memory_space<vmem>>, vector<1x1x16xf32>,
        %get3A_926 = arith.constant 2 : i32
        %get3A_927 = arith.index_cast %get3A_926 : i32 to index
        %get3A_928 = arith.index_cast %scan3A_877 : i32 to index
        %get3A_929 = arith.constant 48 : index
        %get3A_930 = tpu.vector_load %arg6[%get3A_927, %get3A_928, %get3A_929] {strides = array<i32>} : memref<4x256x64xf32, #tpu.memory_space<vmem>>, vector<1x1x16xf32>,
        %get3A_931 = vector.shape_cast %get3A_930 : vector<1x1x16xf32> to vector<16xf32>
        %mul3A_932 = arith.constant 8.000000e+00 : f32
        %mul3A_933 = vector.broadcast %mul3A_932 : f32 to vector<16xf32>
        %mul3A_934 = arith.mulf %get3A_931, %mul3A_933 : vector<16xf32>
        %swap3A_935 = arith.constant 0 : i32
        %swap3A_936 = arith.index_cast %swap3A_935 : i32 to index
        %swap3A_937 = arith.index_cast %scan3A_877 : i32 to index
        %swap3A_938 = arith.constant 48 : index
        %swap3A_939 = tpu.vector_load %arg7[%swap3A_936, %swap3A_937, %swap3A_938] {strides = array<i32>} : memref<2x256x64xf32, #tpu.memory_space<vmem>>, vector<1x1x16xf32>,
        %swap3A_940 = vector.shape_cast %swap3A_939 : vector<1x1x16xf32> to vector<16xf32>
        %swap3A_941 = vector.shape_cast %mul3A_934 : vector<16xf32> to vector<1x1x16xf32>
        tpu.vector_store %arg7[%swap3A_936, %swap3A_937, %swap3A_938], %swap3A_941 {strides = array<i32>} : memref<2x256x64xf32, #tpu.memory_space<vmem>>, vector<1x1x16xf32>,
        %scan3A_942 = arith.constant 3 : i32
        %scan3A_943 = arith.addi %scan3A_747, %scan3A_942 : i32
        %get3A_944 = arith.constant 2 : i32
        %get3A_945 = arith.index_cast %get3A_944 : i32 to index
        %get3A_946 = arith.index_cast %scan3A_943 : i32 to index
        %get3A_947 = arith.constant 0 : index
        %get3A_948 = tpu.vector_load %arg6[%get3A_945, %get3A_946, %get3A_947] {strides = array<i32>} : memref<4x256x64xf32, #tpu.memory_space<vmem>>, vector<1x1x16xf32>,
        %get3A_949 = vector.shape_cast %get3A_948 : vector<1x1x16xf32> to vector<16xf32>
        %mul3A_950 = arith.constant 8.000000e+00 : f32
        %mul3A_951 = vector.broadcast %mul3A_950 : f32 to vector<16xf32>
        %mul3A_952 = arith.mulf %get3A_949, %mul3A_951 : vector<16xf32>
        %swap3A_953 = arith.constant 0 : i32
        %swap3A_954 = arith.index_cast %swap3A_953 : i32 to index
        %swap3A_955 = arith.index_cast %scan3A_943 : i32 to index
        %swap3A_956 = arith.constant 0 : index
        %swap3A_957 = tpu.vector_load %arg7[%swap3A_954, %swap3A_955, %swap3A_956] {strides = array<i32>} : memref<2x256x64xf32, #tpu.memory_space<vmem>>, vector<1x1x16xf32>,
        %swap3A_958 = vector.shape_cast %swap3A_957 : vector<1x1x16xf32> to vector<16xf32>
        %swap3A_959 = vector.shape_cast %mul3A_952 : vector<16xf32> to vector<1x1x16xf32>
        tpu.vector_store %arg7[%swap3A_954, %swap3A_955, %swap3A_956], %swap3A_959 {strides = array<i32>} : memref<2x256x64xf32, #tpu.memory_space<vmem>>, vector<1x1x16xf32>,
        %get3A_960 = arith.constant 2 : i32
        %get3A_961 = arith.index_cast %get3A_960 : i32 to index
        %get3A_962 = arith.index_cast %scan3A_943 : i32 to index
        %get3A_963 = arith.constant 16 : index
        %get3A_964 = tpu.vector_load %arg6[%get3A_961, %get3A_962, %get3A_963] {strides = array<i32>} : memref<4x256x64xf32, #tpu.memory_space<vmem>>, vector<1x1x16xf32>,
        %get3A_965 = vector.shape_cast %get3A_964 : vector<1x1x16xf32> to vector<16xf32>
        %mul3A_966 = arith.constant 8.000000e+00 : f32
        %mul3A_967 = vector.broadcast %mul3A_966 : f32 to vector<16xf32>
        %mul3A_968 = arith.mulf %get3A_965, %mul3A_967 : vector<16xf32>
        %swap3A_969 = arith.constant 0 : i32
        %swap3A_970 = arith.index_cast %swap3A_969 : i32 to index
        %swap3A_971 = arith.index_cast %scan3A_943 : i32 to index
        %swap3A_972 = arith.constant 16 : index
        %swap3A_973 = tpu.vector_load %arg7[%swap3A_970, %swap3A_971, %swap3A_972] {strides = array<i32>} : memref<2x256x64xf32, #tpu.memory_space<vmem>>, vector<1x1x16xf32>,
        %swap3A_974 = vector.shape_cast %swap3A_973 : vector<1x1x16xf32> to vector<16xf32>
        %swap3A_975 = vector.shape_cast %mul3A_968 : vector<16xf32> to vector<1x1x16xf32>
        tpu.vector_store %arg7[%swap3A_970, %swap3A_971, %swap3A_972], %swap3A_975 {strides = array<i32>} : memref<2x256x64xf32, #tpu.memory_space<vmem>>, vector<1x1x16xf32>,
        %get3A_976 = arith.constant 2 : i32
        %get3A_977 = arith.index_cast %get3A_976 : i32 to index
        %get3A_978 = arith.index_cast %scan3A_943 : i32 to index
        %get3A_979 = arith.constant 32 : index
        %get3A_980 = tpu.vector_load %arg6[%get3A_977, %get3A_978, %get3A_979] {strides = array<i32>} : memref<4x256x64xf32, #tpu.memory_space<vmem>>, vector<1x1x16xf32>,
        %get3A_981 = vector.shape_cast %get3A_980 : vector<1x1x16xf32> to vector<16xf32>
        %mul3A_982 = arith.constant 8.000000e+00 : f32
        %mul3A_983 = vector.broadcast %mul3A_982 : f32 to vector<16xf32>
        %mul3A_984 = arith.mulf %get3A_981, %mul3A_983 : vector<16xf32>
        %swap3A_985 = arith.constant 0 : i32
        %swap3A_986 = arith.index_cast %swap3A_985 : i32 to index
        %swap3A_987 = arith.index_cast %scan3A_943 : i32 to index
        %swap3A_988 = arith.constant 32 : index
        %swap3A_989 = tpu.vector_load %arg7[%swap3A_986, %swap3A_987, %swap3A_988] {strides = array<i32>} : memref<2x256x64xf32, #tpu.memory_space<vmem>>, vector<1x1x16xf32>,
        %swap3A_990 = vector.shape_cast %swap3A_989 : vector<1x1x16xf32> to vector<16xf32>
        %swap3A_991 = vector.shape_cast %mul3A_984 : vector<16xf32> to vector<1x1x16xf32>
        tpu.vector_store %arg7[%swap3A_986, %swap3A_987, %swap3A_988], %swap3A_991 {strides = array<i32>} : memref<2x256x64xf32, #tpu.memory_space<vmem>>, vector<1x1x16xf32>,
        %get3A_992 = arith.constant 2 : i32
        %get3A_993 = arith.index_cast %get3A_992 : i32 to index
        %get3A_994 = arith.index_cast %scan3A_943 : i32 to index
        %get3A_995 = arith.constant 48 : index
        %get3A_996 = tpu.vector_load %arg6[%get3A_993, %get3A_994, %get3A_995] {strides = array<i32>} : memref<4x256x64xf32, #tpu.memory_space<vmem>>, vector<1x1x16xf32>,
        %get3A_997 = vector.shape_cast %get3A_996 : vector<1x1x16xf32> to vector<16xf32>
        %mul3A_998 = arith.constant 8.000000e+00 : f32
        %mul3A_999 = vector.broadcast %mul3A_998 : f32 to vector<16xf32>
        %mul3A_1000 = arith.mulf %get3A_997, %mul3A_999 : vector<16xf32>
        %swap3A_1001 = arith.constant 0 : i32
        %swap3A_1002 = arith.index_cast %swap3A_1001 : i32 to index
        %swap3A_1003 = arith.index_cast %scan3A_943 : i32 to index
        %swap3A_1004 = arith.constant 48 : index
        %swap3A_1005 = tpu.vector_load %arg7[%swap3A_1002, %swap3A_1003, %swap3A_1004] {strides = array<i32>} : memref<2x256x64xf32, #tpu.memory_space<vmem>>, vector<1x1x16xf32>,
        %swap3A_1006 = vector.shape_cast %swap3A_1005 : vector<1x1x16xf32> to vector<16xf32>
        %swap3A_1007 = vector.shape_cast %mul3A_1000 : vector<16xf32> to vector<1x1x16xf32>
        tpu.vector_store %arg7[%swap3A_1002, %swap3A_1003, %swap3A_1004], %swap3A_1007 {strides = array<i32>} : memref<2x256x64xf32, #tpu.memory_space<vmem>>, vector<1x1x16xf32>,
      }
      %scan3A_650 = arith.constant 256 : i32
      %add3A_651 = arith.constant 4 : i32
      %add3A_652 = arith.addi %add3A_616, %add3A_651 : i32
      %mul3A_653 = arith.constant 256 : i32
      %mul3A_654 = arith.muli %add3A_652, %mul3A_653 : i32
      %dma_start3A_655 = arith.constant 2 : i32
      %dma_start3A_656 = arith.constant 0 : i32
      %dma_start3A_657 = arith.constant 0 : i32
      %dma_start3A_658 = tpu.memref_slice %arg6[%dma_start3A_655, %dma_start3A_656, %dma_start3A_657] : memref<4x256x64xf32, #tpu.memory_space<vmem>> -> memref<1x256x64xf32, #tpu.memory_space<vmem>>
      %dma_start3A_659 = tpu.memref_squeeze %dma_start3A_658 : memref<1x256x64xf32, #tpu.memory_space<vmem>> -> memref<256x64xf32, #tpu.memory_space<vmem>>
      %dma_start3A_660 = tpu.memref_slice %arg5[%mul3A_654] : memref<25600xi32, #tpu.memory_space<vmem>> -> memref<256xi32, #tpu.memory_space<vmem>>
      %dma_start3A_661 = arith.constant 0 : i32
      %dma_start3A_662 = arith.constant 0 : i32
      %dma_start3A_663 = tpu.memref_slice %arg3[%dma_start3A_661, %dma_start3A_662] : memref<1000000x64xf32, #tpu.memory_space<hbm>> -> memref<1000000x64xf32, #tpu.memory_space<hbm>>
      tpu.enqueue_indirect_dma source(%dma_start3A_663 : memref<1000000x64xf32, #tpu.memory_space<hbm>>) target(%dma_start3A_659 : memref<256x64xf32, #tpu.memory_space<vmem>>) offsets(%dma_start3A_660 : memref<256xi32, #tpu.memory_space<vmem>>) semaphore(%arg10 : memref<!tpu.dma_semaphore, #tpu.memory_space<semaphore_mem>>)
      %mul3A_664 = arith.constant 256 : i32
      %mul3A_665 = arith.muli %add3A_616, %mul3A_664 : i32
      %add3A_666 = arith.addi %mul3A_2, %mul3A_665 : i32
      %dma_start3A_667 = arith.constant 0 : i32
      %dma_start3A_668 = arith.constant 0 : i32
      %dma_start3A_669 = arith.constant 0 : i32
      %dma_start3A_670 = tpu.memref_slice %arg7[%dma_start3A_667, %dma_start3A_668, %dma_start3A_669] : memref<2x256x64xf32, #tpu.memory_space<vmem>> -> memref<1x256x64xf32, #tpu.memory_space<vmem>>
      %dma_start3A_671 = tpu.memref_squeeze %dma_start3A_670 : memref<1x256x64xf32, #tpu.memory_space<vmem>> -> memref<256x64xf32, #tpu.memory_space<vmem>>
      %dma_start3A_672 = arith.constant 0 : i32
      %dma_start3A_673 = tpu.memref_slice %arg4[%add3A_666, %dma_start3A_672] : memref<819200x64xf32, #tpu.memory_space<hbm>> -> memref<256x64xf32, #tpu.memory_space<hbm>>
      %dma_start3A_674 = arith.constant 0 : i32
      %dma_start3A_675 = tpu.memref_slice %arg4[%add3A_666, %dma_start3A_674] : memref<819200x64xf32, #tpu.memory_space<hbm>> -> memref<256x64xf32, #tpu.memory_space<hbm>>
      %dma_start3A_676 = arith.constant 0 : i32
      %dma_start3A_677 = arith.constant 0 : i32
      %dma_start3A_678 = tpu.memref_slice %arg7[%dma_start3A_667, %dma_start3A_676, %dma_start3A_677] : memref<2x256x64xf32, #tpu.memory_space<vmem>> -> memref<1x256x64xf32, #tpu.memory_space<vmem>>
      %dma_start3A_679 = tpu.memref_squeeze %dma_start3A_678 : memref<1x256x64xf32, #tpu.memory_space<vmem>> -> memref<256x64xf32, #tpu.memory_space<vmem>>
      tpu.enqueue_dma source(%dma_start3A_679 : memref<256x64xf32, #tpu.memory_space<vmem>>) target(%dma_start3A_675 : memref<256x64xf32, #tpu.memory_space<hbm>>) target_semaphore(%arg12 : memref<!tpu.dma_semaphore, #tpu.memory_space<semaphore_mem>>)
      %mul3A_680 = arith.constant 4 : i32
      %mul3A_681 = arith.muli %scan3A_478, %mul3A_680 : i32
      %add3A_682 = arith.constant 3 : i32
      %add3A_683 = arith.addi %mul3A_681, %add3A_682 : i32
      %dma_wait3A_684 = arith.constant 3 : i32
      %dma_wait3A_685 = arith.constant 0 : i32
      %dma_wait3A_686 = arith.constant 0 : i32
      %dma_wait3A_687 = tpu.memref_slice %arg6[%dma_wait3A_684, %dma_wait3A_685, %dma_wait3A_686] : memref<4x256x64xf32, #tpu.memory_space<vmem>> -> memref<1x256x64xf32, #tpu.memory_space<vmem>>
      %dma_wait3A_688 = tpu.memref_squeeze %dma_wait3A_687 : memref<1x256x64xf32, #tpu.memory_space<vmem>> -> memref<256x64xf32, #tpu.memory_space<vmem>>
      %dma_wait3A_689 = arith.constant 0 : i32
      %dma_wait3A_690 = arith.constant 0 : i32
      %dma_wait3A_691 = tpu.memref_slice %arg3[%dma_wait3A_689, %dma_wait3A_690] : memref<1000000x64xf32, #tpu.memory_space<hbm>> -> memref<256x64xf32, #tpu.memory_space<hbm>>
      %dma_wait3A_692 = arith.constant 0 : i32
      %dma_wait3A_693 = arith.constant 0 : i32
      %dma_wait3A_694 = tpu.memref_slice %arg6[%dma_wait3A_684, %dma_wait3A_692, %dma_wait3A_693] : memref<4x256x64xf32, #tpu.memory_space<vmem>> -> memref<1x256x64xf32, #tpu.memory_space<vmem>>
      %dma_wait3A_695 = tpu.memref_squeeze %dma_wait3A_694 : memref<1x256x64xf32, #tpu.memory_space<vmem>> -> memref<256x64xf32, #tpu.memory_space<vmem>>
      %dma_wait3A_696 = arith.constant 0 : i32
      %dma_wait3A_697 = arith.constant 0 : i32
      %dma_wait3A_698 = tpu.memref_slice %arg3[%dma_wait3A_696, %dma_wait3A_697] : memref<1000000x64xf32, #tpu.memory_space<hbm>> -> memref<256x64xf32, #tpu.memory_space<hbm>>
      tpu.wait_dma2 semaphore(%arg11 : memref<!tpu.dma_semaphore, #tpu.memory_space<semaphore_mem>>) src(%dma_wait3A_698 : memref<256x64xf32, #tpu.memory_space<hbm>>) dst(%dma_wait3A_695 : memref<256x64xf32, #tpu.memory_space<vmem>>)
      %dma_wait3A_699 = arith.constant 1 : i32
      %dma_wait3A_700 = arith.constant 0 : i32
      %dma_wait3A_701 = arith.constant 0 : i32
      %dma_wait3A_702 = tpu.memref_slice %arg7[%dma_wait3A_699, %dma_wait3A_700, %dma_wait3A_701] : memref<2x256x64xf32, #tpu.memory_space<vmem>> -> memref<1x256x64xf32, #tpu.memory_space<vmem>>
      %dma_wait3A_703 = tpu.memref_squeeze %dma_wait3A_702 : memref<1x256x64xf32, #tpu.memory_space<vmem>> -> memref<256x64xf32, #tpu.memory_space<vmem>>
      %dma_wait3A_704 = arith.constant 0 : i32
      %dma_wait3A_705 = tpu.memref_slice %arg4[%mul3A_2, %dma_wait3A_704] : memref<819200x64xf32, #tpu.memory_space<hbm>> -> memref<256x64xf32, #tpu.memory_space<hbm>>
      %dma_wait3A_706 = arith.constant 0 : i32
      %dma_wait3A_707 = tpu.memref_slice %arg4[%mul3A_2, %dma_wait3A_706] : memref<819200x64xf32, #tpu.memory_space<hbm>> -> memref<256x64xf32, #tpu.memory_space<hbm>>
      %dma_wait3A_708 = arith.constant 0 : i32
      %dma_wait3A_709 = arith.constant 0 : i32
      %dma_wait3A_710 = tpu.memref_slice %arg7[%dma_wait3A_699, %dma_wait3A_708, %dma_wait3A_709] : memref<2x256x64xf32, #tpu.memory_space<vmem>> -> memref<1x256x64xf32, #tpu.memory_space<vmem>>
      %dma_wait3A_711 = tpu.memref_squeeze %dma_wait3A_710 : memref<1x256x64xf32, #tpu.memory_space<vmem>> -> memref<256x64xf32, #tpu.memory_space<vmem>>
      tpu.wait_dma2 semaphore(%arg13 : memref<!tpu.dma_semaphore, #tpu.memory_space<semaphore_mem>>) src(%dma_wait3A_711 : memref<256x64xf32, #tpu.memory_space<vmem>>) dst(%dma_wait3A_707 : memref<256x64xf32, #tpu.memory_space<hbm>>)
      %scan3A_712 = arith.constant 0 : i32
      %scan3A_713 = arith.constant 0 : i32
      %scan3A_714 = arith.constant 256 : i32
      %scan3A_715 = arith.addi %scan3A_713, %scan3A_714 : i32
      %scan3A_716 = arith.constant 4 : i32
      scf.for %scan3A_747 = %scan3A_713 to %scan3A_715 step %scan3A_716  : i32 {
        %get3A = arith.constant 3 : i32
        %get3A_748 = arith.index_cast %get3A : i32 to index
        %get3A_749 = arith.index_cast %scan3A_747 : i32 to index
        %get3A_750 = arith.constant 0 : index
        %get3A_751 = tpu.vector_load %arg6[%get3A_748, %get3A_749, %get3A_750] {strides = array<i32>} : memref<4x256x64xf32, #tpu.memory_space<vmem>>, vector<1x1x16xf32>,
        %get3A_752 = vector.shape_cast %get3A_751 : vector<1x1x16xf32> to vector<16xf32>
        %mul3A_753 = arith.constant 8.000000e+00 : f32
        %mul3A_754 = vector.broadcast %mul3A_753 : f32 to vector<16xf32>
        %mul3A_755 = arith.mulf %get3A_752, %mul3A_754 : vector<16xf32>
        %swap3A = arith.constant 1 : i32
        %swap3A_756 = arith.index_cast %swap3A : i32 to index
        %swap3A_757 = arith.index_cast %scan3A_747 : i32 to index
        %swap3A_758 = arith.constant 0 : index
        %swap3A_759 = tpu.vector_load %arg7[%swap3A_756, %swap3A_757, %swap3A_758] {strides = array<i32>} : memref<2x256x64xf32, #tpu.memory_space<vmem>>, vector<1x1x16xf32>,
        %swap3A_760 = vector.shape_cast %swap3A_759 : vector<1x1x16xf32> to vector<16xf32>
        %swap3A_761 = vector.shape_cast %mul3A_755 : vector<16xf32> to vector<1x1x16xf32>
        tpu.vector_store %arg7[%swap3A_756, %swap3A_757, %swap3A_758], %swap3A_761 {strides = array<i32>} : memref<2x256x64xf32, #tpu.memory_space<vmem>>, vector<1x1x16xf32>,
        %get3A_762 = arith.constant 3 : i32
        %get3A_763 = arith.index_cast %get3A_762 : i32 to index
        %get3A_764 = arith.index_cast %scan3A_747 : i32 to index
        %get3A_765 = arith.constant 16 : index
        %get3A_766 = tpu.vector_load %arg6[%get3A_763, %get3A_764, %get3A_765] {strides = array<i32>} : memref<4x256x64xf32, #tpu.memory_space<vmem>>, vector<1x1x16xf32>,
        %get3A_767 = vector.shape_cast %get3A_766 : vector<1x1x16xf32> to vector<16xf32>
        %mul3A_768 = arith.constant 8.000000e+00 : f32
        %mul3A_769 = vector.broadcast %mul3A_768 : f32 to vector<16xf32>
        %mul3A_770 = arith.mulf %get3A_767, %mul3A_769 : vector<16xf32>
        %swap3A_771 = arith.constant 1 : i32
        %swap3A_772 = arith.index_cast %swap3A_771 : i32 to index
        %swap3A_773 = arith.index_cast %scan3A_747 : i32 to index
        %swap3A_774 = arith.constant 16 : index
        %swap3A_775 = tpu.vector_load %arg7[%swap3A_772, %swap3A_773, %swap3A_774] {strides = array<i32>} : memref<2x256x64xf32, #tpu.memory_space<vmem>>, vector<1x1x16xf32>,
        %swap3A_776 = vector.shape_cast %swap3A_775 : vector<1x1x16xf32> to vector<16xf32>
        %swap3A_777 = vector.shape_cast %mul3A_770 : vector<16xf32> to vector<1x1x16xf32>
        tpu.vector_store %arg7[%swap3A_772, %swap3A_773, %swap3A_774], %swap3A_777 {strides = array<i32>} : memref<2x256x64xf32, #tpu.memory_space<vmem>>, vector<1x1x16xf32>,
        %get3A_778 = arith.constant 3 : i32
        %get3A_779 = arith.index_cast %get3A_778 : i32 to index
        %get3A_780 = arith.index_cast %scan3A_747 : i32 to index
        %get3A_781 = arith.constant 32 : index
        %get3A_782 = tpu.vector_load %arg6[%get3A_779, %get3A_780, %get3A_781] {strides = array<i32>} : memref<4x256x64xf32, #tpu.memory_space<vmem>>, vector<1x1x16xf32>,
        %get3A_783 = vector.shape_cast %get3A_782 : vector<1x1x16xf32> to vector<16xf32>
        %mul3A_784 = arith.constant 8.000000e+00 : f32
        %mul3A_785 = vector.broadcast %mul3A_784 : f32 to vector<16xf32>
        %mul3A_786 = arith.mulf %get3A_783, %mul3A_785 : vector<16xf32>
        %swap3A_787 = arith.constant 1 : i32
        %swap3A_788 = arith.index_cast %swap3A_787 : i32 to index
        %swap3A_789 = arith.index_cast %scan3A_747 : i32 to index
        %swap3A_790 = arith.constant 32 : index
        %swap3A_791 = tpu.vector_load %arg7[%swap3A_788, %swap3A_789, %swap3A_790] {strides = array<i32>} : memref<2x256x64xf32, #tpu.memory_space<vmem>>, vector<1x1x16xf32>,
        %swap3A_792 = vector.shape_cast %swap3A_791 : vector<1x1x16xf32> to vector<16xf32>
        %swap3A_793 = vector.shape_cast %mul3A_786 : vector<16xf32> to vector<1x1x16xf32>
        tpu.vector_store %arg7[%swap3A_788, %swap3A_789, %swap3A_790], %swap3A_793 {strides = array<i32>} : memref<2x256x64xf32, #tpu.memory_space<vmem>>, vector<1x1x16xf32>,
        %get3A_794 = arith.constant 3 : i32
        %get3A_795 = arith.index_cast %get3A_794 : i32 to index
        %get3A_796 = arith.index_cast %scan3A_747 : i32 to index
        %get3A_797 = arith.constant 48 : index
        %get3A_798 = tpu.vector_load %arg6[%get3A_795, %get3A_796, %get3A_797] {strides = array<i32>} : memref<4x256x64xf32, #tpu.memory_space<vmem>>, vector<1x1x16xf32>,
        %get3A_799 = vector.shape_cast %get3A_798 : vector<1x1x16xf32> to vector<16xf32>
        %mul3A_800 = arith.constant 8.000000e+00 : f32
        %mul3A_801 = vector.broadcast %mul3A_800 : f32 to vector<16xf32>
        %mul3A_802 = arith.mulf %get3A_799, %mul3A_801 : vector<16xf32>
        %swap3A_803 = arith.constant 1 : i32
        %swap3A_804 = arith.index_cast %swap3A_803 : i32 to index
        %swap3A_805 = arith.index_cast %scan3A_747 : i32 to index
        %swap3A_806 = arith.constant 48 : index
        %swap3A_807 = tpu.vector_load %arg7[%swap3A_804, %swap3A_805, %swap3A_806] {strides = array<i32>} : memref<2x256x64xf32, #tpu.memory_space<vmem>>, vector<1x1x16xf32>,
        %swap3A_808 = vector.shape_cast %swap3A_807 : vector<1x1x16xf32> to vector<16xf32>
        %swap3A_809 = vector.shape_cast %mul3A_802 : vector<16xf32> to vector<1x1x16xf32>
        tpu.vector_store %arg7[%swap3A_804, %swap3A_805, %swap3A_806], %swap3A_809 {strides = array<i32>} : memref<2x256x64xf32, #tpu.memory_space<vmem>>, vector<1x1x16xf32>,
        %scan3A_810 = arith.constant 1 : i32
        %scan3A_811 = arith.addi %scan3A_747, %scan3A_810 : i32
        %get3A_812 = arith.constant 3 : i32
        %get3A_813 = arith.index_cast %get3A_812 : i32 to index
        %get3A_814 = arith.index_cast %scan3A_811 : i32 to index
        %get3A_815 = arith.constant 0 : index
        %get3A_816 = tpu.vector_load %arg6[%get3A_813, %get3A_814, %get3A_815] {strides = array<i32>} : memref<4x256x64xf32, #tpu.memory_space<vmem>>, vector<1x1x16xf32>,
        %get3A_817 = vector.shape_cast %get3A_816 : vector<1x1x16xf32> to vector<16xf32>
        %mul3A_818 = arith.constant 8.000000e+00 : f32
        %mul3A_819 = vector.broadcast %mul3A_818 : f32 to vector<16xf32>
        %mul3A_820 = arith.mulf %get3A_817, %mul3A_819 : vector<16xf32>
        %swap3A_821 = arith.constant 1 : i32
        %swap3A_822 = arith.index_cast %swap3A_821 : i32 to index
        %swap3A_823 = arith.index_cast %scan3A_811 : i32 to index
        %swap3A_824 = arith.constant 0 : index
        %swap3A_825 = tpu.vector_load %arg7[%swap3A_822, %swap3A_823, %swap3A_824] {strides = array<i32>} : memref<2x256x64xf32, #tpu.memory_space<vmem>>, vector<1x1x16xf32>,
        %swap3A_826 = vector.shape_cast %swap3A_825 : vector<1x1x16xf32> to vector<16xf32>
        %swap3A_827 = vector.shape_cast %mul3A_820 : vector<16xf32> to vector<1x1x16xf32>
        tpu.vector_store %arg7[%swap3A_822, %swap3A_823, %swap3A_824], %swap3A_827 {strides = array<i32>} : memref<2x256x64xf32, #tpu.memory_space<vmem>>, vector<1x1x16xf32>,
        %get3A_828 = arith.constant 3 : i32
        %get3A_829 = arith.index_cast %get3A_828 : i32 to index
        %get3A_830 = arith.index_cast %scan3A_811 : i32 to index
        %get3A_831 = arith.constant 16 : index
        %get3A_832 = tpu.vector_load %arg6[%get3A_829, %get3A_830, %get3A_831] {strides = array<i32>} : memref<4x256x64xf32, #tpu.memory_space<vmem>>, vector<1x1x16xf32>,
        %get3A_833 = vector.shape_cast %get3A_832 : vector<1x1x16xf32> to vector<16xf32>
        %mul3A_834 = arith.constant 8.000000e+00 : f32
        %mul3A_835 = vector.broadcast %mul3A_834 : f32 to vector<16xf32>
        %mul3A_836 = arith.mulf %get3A_833, %mul3A_835 : vector<16xf32>
        %swap3A_837 = arith.constant 1 : i32
        %swap3A_838 = arith.index_cast %swap3A_837 : i32 to index
        %swap3A_839 = arith.index_cast %scan3A_811 : i32 to index
        %swap3A_840 = arith.constant 16 : index
        %swap3A_841 = tpu.vector_load %arg7[%swap3A_838, %swap3A_839, %swap3A_840] {strides = array<i32>} : memref<2x256x64xf32, #tpu.memory_space<vmem>>, vector<1x1x16xf32>,
        %swap3A_842 = vector.shape_cast %swap3A_841 : vector<1x1x16xf32> to vector<16xf32>
        %swap3A_843 = vector.shape_cast %mul3A_836 : vector<16xf32> to vector<1x1x16xf32>
        tpu.vector_store %arg7[%swap3A_838, %swap3A_839, %swap3A_840], %swap3A_843 {strides = array<i32>} : memref<2x256x64xf32, #tpu.memory_space<vmem>>, vector<1x1x16xf32>,
        %get3A_844 = arith.constant 3 : i32
        %get3A_845 = arith.index_cast %get3A_844 : i32 to index
        %get3A_846 = arith.index_cast %scan3A_811 : i32 to index
        %get3A_847 = arith.constant 32 : index
        %get3A_848 = tpu.vector_load %arg6[%get3A_845, %get3A_846, %get3A_847] {strides = array<i32>} : memref<4x256x64xf32, #tpu.memory_space<vmem>>, vector<1x1x16xf32>,
        %get3A_849 = vector.shape_cast %get3A_848 : vector<1x1x16xf32> to vector<16xf32>
        %mul3A_850 = arith.constant 8.000000e+00 : f32
        %mul3A_851 = vector.broadcast %mul3A_850 : f32 to vector<16xf32>
        %mul3A_852 = arith.mulf %get3A_849, %mul3A_851 : vector<16xf32>
        %swap3A_853 = arith.constant 1 : i32
        %swap3A_854 = arith.index_cast %swap3A_853 : i32 to index
        %swap3A_855 = arith.index_cast %scan3A_811 : i32 to index
        %swap3A_856 = arith.constant 32 : index
        %swap3A_857 = tpu.vector_load %arg7[%swap3A_854, %swap3A_855, %swap3A_856] {strides = array<i32>} : memref<2x256x64xf32, #tpu.memory_space<vmem>>, vector<1x1x16xf32>,
        %swap3A_858 = vector.shape_cast %swap3A_857 : vector<1x1x16xf32> to vector<16xf32>
        %swap3A_859 = vector.shape_cast %mul3A_852 : vector<16xf32> to vector<1x1x16xf32>
        tpu.vector_store %arg7[%swap3A_854, %swap3A_855, %swap3A_856], %swap3A_859 {strides = array<i32>} : memref<2x256x64xf32, #tpu.memory_space<vmem>>, vector<1x1x16xf32>,
        %get3A_860 = arith.constant 3 : i32
        %get3A_861 = arith.index_cast %get3A_860 : i32 to index
        %get3A_862 = arith.index_cast %scan3A_811 : i32 to index
        %get3A_863 = arith.constant 48 : index
        %get3A_864 = tpu.vector_load %arg6[%get3A_861, %get3A_862, %get3A_863] {strides = array<i32>} : memref<4x256x64xf32, #tpu.memory_space<vmem>>, vector<1x1x16xf32>,
        %get3A_865 = vector.shape_cast %get3A_864 : vector<1x1x16xf32> to vector<16xf32>
        %mul3A_866 = arith.constant 8.000000e+00 : f32
        %mul3A_867 = vector.broadcast %mul3A_866 : f32 to vector<16xf32>
        %mul3A_868 = arith.mulf %get3A_865, %mul3A_867 : vector<16xf32>
        %swap3A_869 = arith.constant 1 : i32
        %swap3A_870 = arith.index_cast %swap3A_869 : i32 to index
        %swap3A_871 = arith.index_cast %scan3A_811 : i32 to index
        %swap3A_872 = arith.constant 48 : index
        %swap3A_873 = tpu.vector_load %arg7[%swap3A_870, %swap3A_871, %swap3A_872] {strides = array<i32>} : memref<2x256x64xf32, #tpu.memory_space<vmem>>, vector<1x1x16xf32>,
        %swap3A_874 = vector.shape_cast %swap3A_873 : vector<1x1x16xf32> to vector<16xf32>
        %swap3A_875 = vector.shape_cast %mul3A_868 : vector<16xf32> to vector<1x1x16xf32>
        tpu.vector_store %arg7[%swap3A_870, %swap3A_871, %swap3A_872], %swap3A_875 {strides = array<i32>} : memref<2x256x64xf32, #tpu.memory_space<vmem>>, vector<1x1x16xf32>,
        %scan3A_876 = arith.constant 2 : i32
        %scan3A_877 = arith.addi %scan3A_747, %scan3A_876 : i32
        %get3A_878 = arith.constant 3 : i32
        %get3A_879 = arith.index_cast %get3A_878 : i32 to index
        %get3A_880 = arith.index_cast %scan3A_877 : i32 to index
        %get3A_881 = arith.constant 0 : index
        %get3A_882 = tpu.vector_load %arg6[%get3A_879, %get3A_880, %get3A_881] {strides = array<i32>} : memref<4x256x64xf32, #tpu.memory_space<vmem>>, vector<1x1x16xf32>,
        %get3A_883 = vector.shape_cast %get3A_882 : vector<1x1x16xf32> to vector<16xf32>
        %mul3A_884 = arith.constant 8.000000e+00 : f32
        %mul3A_885 = vector.broadcast %mul3A_884 : f32 to vector<16xf32>
        %mul3A_886 = arith.mulf %get3A_883, %mul3A_885 : vector<16xf32>
        %swap3A_887 = arith.constant 1 : i32
        %swap3A_888 = arith.index_cast %swap3A_887 : i32 to index
        %swap3A_889 = arith.index_cast %scan3A_877 : i32 to index
        %swap3A_890 = arith.constant 0 : index
        %swap3A_891 = tpu.vector_load %arg7[%swap3A_888, %swap3A_889, %swap3A_890] {strides = array<i32>} : memref<2x256x64xf32, #tpu.memory_space<vmem>>, vector<1x1x16xf32>,
        %swap3A_892 = vector.shape_cast %swap3A_891 : vector<1x1x16xf32> to vector<16xf32>
        %swap3A_893 = vector.shape_cast %mul3A_886 : vector<16xf32> to vector<1x1x16xf32>
        tpu.vector_store %arg7[%swap3A_888, %swap3A_889, %swap3A_890], %swap3A_893 {strides = array<i32>} : memref<2x256x64xf32, #tpu.memory_space<vmem>>, vector<1x1x16xf32>,
        %get3A_894 = arith.constant 3 : i32
        %get3A_895 = arith.index_cast %get3A_894 : i32 to index
        %get3A_896 = arith.index_cast %scan3A_877 : i32 to index
        %get3A_897 = arith.constant 16 : index
        %get3A_898 = tpu.vector_load %arg6[%get3A_895, %get3A_896, %get3A_897] {strides = array<i32>} : memref<4x256x64xf32, #tpu.memory_space<vmem>>, vector<1x1x16xf32>,
        %get3A_899 = vector.shape_cast %get3A_898 : vector<1x1x16xf32> to vector<16xf32>
        %mul3A_900 = arith.constant 8.000000e+00 : f32
        %mul3A_901 = vector.broadcast %mul3A_900 : f32 to vector<16xf32>
        %mul3A_902 = arith.mulf %get3A_899, %mul3A_901 : vector<16xf32>
        %swap3A_903 = arith.constant 1 : i32
        %swap3A_904 = arith.index_cast %swap3A_903 : i32 to index
        %swap3A_905 = arith.index_cast %scan3A_877 : i32 to index
        %swap3A_906 = arith.constant 16 : index
        %swap3A_907 = tpu.vector_load %arg7[%swap3A_904, %swap3A_905, %swap3A_906] {strides = array<i32>} : memref<2x256x64xf32, #tpu.memory_space<vmem>>, vector<1x1x16xf32>,
        %swap3A_908 = vector.shape_cast %swap3A_907 : vector<1x1x16xf32> to vector<16xf32>
        %swap3A_909 = vector.shape_cast %mul3A_902 : vector<16xf32> to vector<1x1x16xf32>
        tpu.vector_store %arg7[%swap3A_904, %swap3A_905, %swap3A_906], %swap3A_909 {strides = array<i32>} : memref<2x256x64xf32, #tpu.memory_space<vmem>>, vector<1x1x16xf32>,
        %get3A_910 = arith.constant 3 : i32
        %get3A_911 = arith.index_cast %get3A_910 : i32 to index
        %get3A_912 = arith.index_cast %scan3A_877 : i32 to index
        %get3A_913 = arith.constant 32 : index
        %get3A_914 = tpu.vector_load %arg6[%get3A_911, %get3A_912, %get3A_913] {strides = array<i32>} : memref<4x256x64xf32, #tpu.memory_space<vmem>>, vector<1x1x16xf32>,
        %get3A_915 = vector.shape_cast %get3A_914 : vector<1x1x16xf32> to vector<16xf32>
        %mul3A_916 = arith.constant 8.000000e+00 : f32
        %mul3A_917 = vector.broadcast %mul3A_916 : f32 to vector<16xf32>
        %mul3A_918 = arith.mulf %get3A_915, %mul3A_917 : vector<16xf32>
        %swap3A_919 = arith.constant 1 : i32
        %swap3A_920 = arith.index_cast %swap3A_919 : i32 to index
        %swap3A_921 = arith.index_cast %scan3A_877 : i32 to index
        %swap3A_922 = arith.constant 32 : index
        %swap3A_923 = tpu.vector_load %arg7[%swap3A_920, %swap3A_921, %swap3A_922] {strides = array<i32>} : memref<2x256x64xf32, #tpu.memory_space<vmem>>, vector<1x1x16xf32>,
        %swap3A_924 = vector.shape_cast %swap3A_923 : vector<1x1x16xf32> to vector<16xf32>
        %swap3A_925 = vector.shape_cast %mul3A_918 : vector<16xf32> to vector<1x1x16xf32>
        tpu.vector_store %arg7[%swap3A_920, %swap3A_921, %swap3A_922], %swap3A_925 {strides = array<i32>} : memref<2x256x64xf32, #tpu.memory_space<vmem>>, vector<1x1x16xf32>,
        %get3A_926 = arith.constant 3 : i32
        %get3A_927 = arith.index_cast %get3A_926 : i32 to index
        %get3A_928 = arith.index_cast %scan3A_877 : i32 to index
        %get3A_929 = arith.constant 48 : index
        %get3A_930 = tpu.vector_load %arg6[%get3A_927, %get3A_928, %get3A_929] {strides = array<i32>} : memref<4x256x64xf32, #tpu.memory_space<vmem>>, vector<1x1x16xf32>,
        %get3A_931 = vector.shape_cast %get3A_930 : vector<1x1x16xf32> to vector<16xf32>
        %mul3A_932 = arith.constant 8.000000e+00 : f32
        %mul3A_933 = vector.broadcast %mul3A_932 : f32 to vector<16xf32>
        %mul3A_934 = arith.mulf %get3A_931, %mul3A_933 : vector<16xf32>
        %swap3A_935 = arith.constant 1 : i32
        %swap3A_936 = arith.index_cast %swap3A_935 : i32 to index
        %swap3A_937 = arith.index_cast %scan3A_877 : i32 to index
        %swap3A_938 = arith.constant 48 : index
        %swap3A_939 = tpu.vector_load %arg7[%swap3A_936, %swap3A_937, %swap3A_938] {strides = array<i32>} : memref<2x256x64xf32, #tpu.memory_space<vmem>>, vector<1x1x16xf32>,
        %swap3A_940 = vector.shape_cast %swap3A_939 : vector<1x1x16xf32> to vector<16xf32>
        %swap3A_941 = vector.shape_cast %mul3A_934 : vector<16xf32> to vector<1x1x16xf32>
        tpu.vector_store %arg7[%swap3A_936, %swap3A_937, %swap3A_938], %swap3A_941 {strides = array<i32>} : memref<2x256x64xf32, #tpu.memory_space<vmem>>, vector<1x1x16xf32>,
        %scan3A_942 = arith.constant 3 : i32
        %scan3A_943 = arith.addi %scan3A_747, %scan3A_942 : i32
        %get3A_944 = arith.constant 3 : i32
        %get3A_945 = arith.index_cast %get3A_944 : i32 to index
        %get3A_946 = arith.index_cast %scan3A_943 : i32 to index
        %get3A_947 = arith.constant 0 : index
        %get3A_948 = tpu.vector_load %arg6[%get3A_945, %get3A_946, %get3A_947] {strides = array<i32>} : memref<4x256x64xf32, #tpu.memory_space<vmem>>, vector<1x1x16xf32>,
        %get3A_949 = vector.shape_cast %get3A_948 : vector<1x1x16xf32> to vector<16xf32>
        %mul3A_950 = arith.constant 8.000000e+00 : f32
        %mul3A_951 = vector.broadcast %mul3A_950 : f32 to vector<16xf32>
        %mul3A_952 = arith.mulf %get3A_949, %mul3A_951 : vector<16xf32>
        %swap3A_953 = arith.constant 1 : i32
        %swap3A_954 = arith.index_cast %swap3A_953 : i32 to index
        %swap3A_955 = arith.index_cast %scan3A_943 : i32 to index
        %swap3A_956 = arith.constant 0 : index
        %swap3A_957 = tpu.vector_load %arg7[%swap3A_954, %swap3A_955, %swap3A_956] {strides = array<i32>} : memref<2x256x64xf32, #tpu.memory_space<vmem>>, vector<1x1x16xf32>,
        %swap3A_958 = vector.shape_cast %swap3A_957 : vector<1x1x16xf32> to vector<16xf32>
        %swap3A_959 = vector.shape_cast %mul3A_952 : vector<16xf32> to vector<1x1x16xf32>
        tpu.vector_store %arg7[%swap3A_954, %swap3A_955, %swap3A_956], %swap3A_959 {strides = array<i32>} : memref<2x256x64xf32, #tpu.memory_space<vmem>>, vector<1x1x16xf32>,
        %get3A_960 = arith.constant 3 : i32
        %get3A_961 = arith.index_cast %get3A_960 : i32 to index
        %get3A_962 = arith.index_cast %scan3A_943 : i32 to index
        %get3A_963 = arith.constant 16 : index
        %get3A_964 = tpu.vector_load %arg6[%get3A_961, %get3A_962, %get3A_963] {strides = array<i32>} : memref<4x256x64xf32, #tpu.memory_space<vmem>>, vector<1x1x16xf32>,
        %get3A_965 = vector.shape_cast %get3A_964 : vector<1x1x16xf32> to vector<16xf32>
        %mul3A_966 = arith.constant 8.000000e+00 : f32
        %mul3A_967 = vector.broadcast %mul3A_966 : f32 to vector<16xf32>
        %mul3A_968 = arith.mulf %get3A_965, %mul3A_967 : vector<16xf32>
        %swap3A_969 = arith.constant 1 : i32
        %swap3A_970 = arith.index_cast %swap3A_969 : i32 to index
        %swap3A_971 = arith.index_cast %scan3A_943 : i32 to index
        %swap3A_972 = arith.constant 16 : index
        %swap3A_973 = tpu.vector_load %arg7[%swap3A_970, %swap3A_971, %swap3A_972] {strides = array<i32>} : memref<2x256x64xf32, #tpu.memory_space<vmem>>, vector<1x1x16xf32>,
        %swap3A_974 = vector.shape_cast %swap3A_973 : vector<1x1x16xf32> to vector<16xf32>
        %swap3A_975 = vector.shape_cast %mul3A_968 : vector<16xf32> to vector<1x1x16xf32>
        tpu.vector_store %arg7[%swap3A_970, %swap3A_971, %swap3A_972], %swap3A_975 {strides = array<i32>} : memref<2x256x64xf32, #tpu.memory_space<vmem>>, vector<1x1x16xf32>,
        %get3A_976 = arith.constant 3 : i32
        %get3A_977 = arith.index_cast %get3A_976 : i32 to index
        %get3A_978 = arith.index_cast %scan3A_943 : i32 to index
        %get3A_979 = arith.constant 32 : index
        %get3A_980 = tpu.vector_load %arg6[%get3A_977, %get3A_978, %get3A_979] {strides = array<i32>} : memref<4x256x64xf32, #tpu.memory_space<vmem>>, vector<1x1x16xf32>,
        %get3A_981 = vector.shape_cast %get3A_980 : vector<1x1x16xf32> to vector<16xf32>
        %mul3A_982 = arith.constant 8.000000e+00 : f32
        %mul3A_983 = vector.broadcast %mul3A_982 : f32 to vector<16xf32>
        %mul3A_984 = arith.mulf %get3A_981, %mul3A_983 : vector<16xf32>
        %swap3A_985 = arith.constant 1 : i32
        %swap3A_986 = arith.index_cast %swap3A_985 : i32 to index
        %swap3A_987 = arith.index_cast %scan3A_943 : i32 to index
        %swap3A_988 = arith.constant 32 : index
        %swap3A_989 = tpu.vector_load %arg7[%swap3A_986, %swap3A_987, %swap3A_988] {strides = array<i32>} : memref<2x256x64xf32, #tpu.memory_space<vmem>>, vector<1x1x16xf32>,
        %swap3A_990 = vector.shape_cast %swap3A_989 : vector<1x1x16xf32> to vector<16xf32>
        %swap3A_991 = vector.shape_cast %mul3A_984 : vector<16xf32> to vector<1x1x16xf32>
        tpu.vector_store %arg7[%swap3A_986, %swap3A_987, %swap3A_988], %swap3A_991 {strides = array<i32>} : memref<2x256x64xf32, #tpu.memory_space<vmem>>, vector<1x1x16xf32>,
        %get3A_992 = arith.constant 3 : i32
        %get3A_993 = arith.index_cast %get3A_992 : i32 to index
        %get3A_994 = arith.index_cast %scan3A_943 : i32 to index
        %get3A_995 = arith.constant 48 : index
        %get3A_996 = tpu.vector_load %arg6[%get3A_993, %get3A_994, %get3A_995] {strides = array<i32>} : memref<4x256x64xf32, #tpu.memory_space<vmem>>, vector<1x1x16xf32>,
        %get3A_997 = vector.shape_cast %get3A_996 : vector<1x1x16xf32> to vector<16xf32>
        %mul3A_998 = arith.constant 8.000000e+00 : f32
        %mul3A_999 = vector.broadcast %mul3A_998 : f32 to vector<16xf32>
        %mul3A_1000 = arith.mulf %get3A_997, %mul3A_999 : vector<16xf32>
        %swap3A_1001 = arith.constant 1 : i32
        %swap3A_1002 = arith.index_cast %swap3A_1001 : i32 to index
        %swap3A_1003 = arith.index_cast %scan3A_943 : i32 to index
        %swap3A_1004 = arith.constant 48 : index
        %swap3A_1005 = tpu.vector_load %arg7[%swap3A_1002, %swap3A_1003, %swap3A_1004] {strides = array<i32>} : memref<2x256x64xf32, #tpu.memory_space<vmem>>, vector<1x1x16xf32>,
        %swap3A_1006 = vector.shape_cast %swap3A_1005 : vector<1x1x16xf32> to vector<16xf32>
        %swap3A_1007 = vector.shape_cast %mul3A_1000 : vector<16xf32> to vector<1x1x16xf32>
        tpu.vector_store %arg7[%swap3A_1002, %swap3A_1003, %swap3A_1004], %swap3A_1007 {strides = array<i32>} : memref<2x256x64xf32, #tpu.memory_space<vmem>>, vector<1x1x16xf32>,
      }
      %scan3A_717 = arith.constant 256 : i32
      %add3A_718 = arith.constant 4 : i32
      %add3A_719 = arith.addi %add3A_683, %add3A_718 : i32
      %mul3A_720 = arith.constant 256 : i32
      %mul3A_721 = arith.muli %add3A_719, %mul3A_720 : i32
      %dma_start3A_722 = arith.constant 3 : i32
      %dma_start3A_723 = arith.constant 0 : i32
      %dma_start3A_724 = arith.constant 0 : i32
      %dma_start3A_725 = tpu.memref_slice %arg6[%dma_start3A_722, %dma_start3A_723, %dma_start3A_724] : memref<4x256x64xf32, #tpu.memory_space<vmem>> -> memref<1x256x64xf32, #tpu.memory_space<vmem>>
      %dma_start3A_726 = tpu.memref_squeeze %dma_start3A_725 : memref<1x256x64xf32, #tpu.memory_space<vmem>> -> memref<256x64xf32, #tpu.memory_space<vmem>>
      %dma_start3A_727 = tpu.memref_slice %arg5[%mul3A_721] : memref<25600xi32, #tpu.memory_space<vmem>> -> memref<256xi32, #tpu.memory_space<vmem>>
      %dma_start3A_728 = arith.constant 0 : i32
      %dma_start3A_729 = arith.constant 0 : i32
      %dma_start3A_730 = tpu.memref_slice %arg3[%dma_start3A_728, %dma_start3A_729] : memref<1000000x64xf32, #tpu.memory_space<hbm>> -> memref<1000000x64xf32, #tpu.memory_space<hbm>>
      tpu.enqueue_indirect_dma source(%dma_start3A_730 : memref<1000000x64xf32, #tpu.memory_space<hbm>>) target(%dma_start3A_726 : memref<256x64xf32, #tpu.memory_space<vmem>>) offsets(%dma_start3A_727 : memref<256xi32, #tpu.memory_space<vmem>>) semaphore(%arg11 : memref<!tpu.dma_semaphore, #tpu.memory_space<semaphore_mem>>)
      %mul3A_731 = arith.constant 256 : i32
      %mul3A_732 = arith.muli %add3A_683, %mul3A_731 : i32
      %add3A_733 = arith.addi %mul3A_2, %mul3A_732 : i32
      %dma_start3A_734 = arith.constant 1 : i32
      %dma_start3A_735 = arith.constant 0 : i32
      %dma_start3A_736 = arith.constant 0 : i32
      %dma_start3A_737 = tpu.memref_slice %arg7[%dma_start3A_734, %dma_start3A_735, %dma_start3A_736] : memref<2x256x64xf32, #tpu.memory_space<vmem>> -> memref<1x256x64xf32, #tpu.memory_space<vmem>>
      %dma_start3A_738 = tpu.memref_squeeze %dma_start3A_737 : memref<1x256x64xf32, #tpu.memory_space<vmem>> -> memref<256x64xf32, #tpu.memory_space<vmem>>
      %dma_start3A_739 = arith.constant 0 : i32
      %dma_start3A_740 = tpu.memref_slice %arg4[%add3A_733, %dma_start3A_739] : memref<819200x64xf32, #tpu.memory_space<hbm>> -> memref<256x64xf32, #tpu.memory_space<hbm>>
      %dma_start3A_741 = arith.constant 0 : i32
      %dma_start3A_742 = tpu.memref_slice %arg4[%add3A_733, %dma_start3A_741] : memref<819200x64xf32, #tpu.memory_space<hbm>> -> memref<256x64xf32, #tpu.memory_space<hbm>>
      %dma_start3A_743 = arith.constant 0 : i32
      %dma_start3A_744 = arith.constant 0 : i32
      %dma_start3A_745 = tpu.memref_slice %arg7[%dma_start3A_734, %dma_start3A_743, %dma_start3A_744] : memref<2x256x64xf32, #tpu.memory_space<vmem>> -> memref<1x256x64xf32, #tpu.memory_space<vmem>>
      %dma_start3A_746 = tpu.memref_squeeze %dma_start3A_745 : memref<1x256x64xf32, #tpu.memory_space<vmem>> -> memref<256x64xf32, #tpu.memory_space<vmem>>
      tpu.enqueue_dma source(%dma_start3A_746 : memref<256x64xf32, #tpu.memory_space<vmem>>) target(%dma_start3A_742 : memref<256x64xf32, #tpu.memory_space<hbm>>) target_semaphore(%arg13 : memref<!tpu.dma_semaphore, #tpu.memory_space<semaphore_mem>>)
    }
    %scan3A_255 = arith.constant 23 : i32
    %dma_wait3A_256 = arith.constant 0 : i32
    %dma_wait3A_257 = arith.constant 0 : i32
    %dma_wait3A_258 = arith.constant 0 : i32
    %dma_wait3A_259 = tpu.memref_slice %arg6[%dma_wait3A_256, %dma_wait3A_257, %dma_wait3A_258] : memref<4x256x64xf32, #tpu.memory_space<vmem>> -> memref<1x256x64xf32, #tpu.memory_space<vmem>>
    %dma_wait3A_260 = tpu.memref_squeeze %dma_wait3A_259 : memref<1x256x64xf32, #tpu.memory_space<vmem>> -> memref<256x64xf32, #tpu.memory_space<vmem>>
    %dma_wait3A_261 = arith.constant 0 : i32
    %dma_wait3A_262 = arith.constant 0 : i32
    %dma_wait3A_263 = tpu.memref_slice %arg3[%dma_wait3A_261, %dma_wait3A_262] : memref<1000000x64xf32, #tpu.memory_space<hbm>> -> memref<256x64xf32, #tpu.memory_space<hbm>>
    %dma_wait3A_264 = arith.constant 0 : i32
    %dma_wait3A_265 = arith.constant 0 : i32
    %dma_wait3A_266 = tpu.memref_slice %arg6[%dma_wait3A_256, %dma_wait3A_264, %dma_wait3A_265] : memref<4x256x64xf32, #tpu.memory_space<vmem>> -> memref<1x256x64xf32, #tpu.memory_space<vmem>>
    %dma_wait3A_267 = tpu.memref_squeeze %dma_wait3A_266 : memref<1x256x64xf32, #tpu.memory_space<vmem>> -> memref<256x64xf32, #tpu.memory_space<vmem>>
    %dma_wait3A_268 = arith.constant 0 : i32
    %dma_wait3A_269 = arith.constant 0 : i32
    %dma_wait3A_270 = tpu.memref_slice %arg3[%dma_wait3A_268, %dma_wait3A_269] : memref<1000000x64xf32, #tpu.memory_space<hbm>> -> memref<256x64xf32, #tpu.memory_space<hbm>>
    tpu.wait_dma2 semaphore(%arg8 : memref<!tpu.dma_semaphore, #tpu.memory_space<semaphore_mem>>) src(%dma_wait3A_270 : memref<256x64xf32, #tpu.memory_space<hbm>>) dst(%dma_wait3A_267 : memref<256x64xf32, #tpu.memory_space<vmem>>)
    %dma_wait3A_271 = arith.constant 0 : i32
    %dma_wait3A_272 = arith.constant 0 : i32
    %dma_wait3A_273 = arith.constant 0 : i32
    %dma_wait3A_274 = tpu.memref_slice %arg7[%dma_wait3A_271, %dma_wait3A_272, %dma_wait3A_273] : memref<2x256x64xf32, #tpu.memory_space<vmem>> -> memref<1x256x64xf32, #tpu.memory_space<vmem>>
    %dma_wait3A_275 = tpu.memref_squeeze %dma_wait3A_274 : memref<1x256x64xf32, #tpu.memory_space<vmem>> -> memref<256x64xf32, #tpu.memory_space<vmem>>
    %dma_wait3A_276 = arith.constant 0 : i32
    %dma_wait3A_277 = tpu.memref_slice %arg4[%mul3A_2, %dma_wait3A_276] : memref<819200x64xf32, #tpu.memory_space<hbm>> -> memref<256x64xf32, #tpu.memory_space<hbm>>
    %dma_wait3A_278 = arith.constant 0 : i32
    %dma_wait3A_279 = tpu.memref_slice %arg4[%mul3A_2, %dma_wait3A_278] : memref<819200x64xf32, #tpu.memory_space<hbm>> -> memref<256x64xf32, #tpu.memory_space<hbm>>
    %dma_wait3A_280 = arith.constant 0 : i32
    %dma_wait3A_281 = arith.constant 0 : i32
    %dma_wait3A_282 = tpu.memref_slice %arg7[%dma_wait3A_271, %dma_wait3A_280, %dma_wait3A_281] : memref<2x256x64xf32, #tpu.memory_space<vmem>> -> memref<1x256x64xf32, #tpu.memory_space<vmem>>
    %dma_wait3A_283 = tpu.memref_squeeze %dma_wait3A_282 : memref<1x256x64xf32, #tpu.memory_space<vmem>> -> memref<256x64xf32, #tpu.memory_space<vmem>>
    tpu.wait_dma2 semaphore(%arg12 : memref<!tpu.dma_semaphore, #tpu.memory_space<semaphore_mem>>) src(%dma_wait3A_283 : memref<256x64xf32, #tpu.memory_space<vmem>>) dst(%dma_wait3A_279 : memref<256x64xf32, #tpu.memory_space<hbm>>)
    %scan3A_284 = arith.constant 0 : i32
    %scan3A_285 = arith.constant 0 : i32
    %scan3A_286 = arith.constant 256 : i32
    %scan3A_287 = arith.addi %scan3A_285, %scan3A_286 : i32
    %scan3A_288 = arith.constant 4 : i32
    scf.for %scan3A_478 = %scan3A_285 to %scan3A_287 step %scan3A_288  : i32 {
      %get3A = arith.constant 0 : i32
      %get3A_479 = arith.index_cast %get3A : i32 to index
      %get3A_480 = arith.index_cast %scan3A_478 : i32 to index
      %get3A_481 = arith.constant 0 : index
      %get3A_482 = tpu.vector_load %arg6[%get3A_479, %get3A_480, %get3A_481] {strides = array<i32>} : memref<4x256x64xf32, #tpu.memory_space<vmem>>, vector<1x1x16xf32>,
      %get3A_483 = vector.shape_cast %get3A_482 : vector<1x1x16xf32> to vector<16xf32>
      %mul3A_484 = arith.constant 8.000000e+00 : f32
      %mul3A_485 = vector.broadcast %mul3A_484 : f32 to vector<16xf32>
      %mul3A_486 = arith.mulf %get3A_483, %mul3A_485 : vector<16xf32>
      %swap3A = arith.constant 0 : i32
      %swap3A_487 = arith.index_cast %swap3A : i32 to index
      %swap3A_488 = arith.index_cast %scan3A_478 : i32 to index
      %swap3A_489 = arith.constant 0 : index
      %swap3A_490 = tpu.vector_load %arg7[%swap3A_487, %swap3A_488, %swap3A_489] {strides = array<i32>} : memref<2x256x64xf32, #tpu.memory_space<vmem>>, vector<1x1x16xf32>,
      %swap3A_491 = vector.shape_cast %swap3A_490 : vector<1x1x16xf32> to vector<16xf32>
      %swap3A_492 = vector.shape_cast %mul3A_486 : vector<16xf32> to vector<1x1x16xf32>
      tpu.vector_store %arg7[%swap3A_487, %swap3A_488, %swap3A_489], %swap3A_492 {strides = array<i32>} : memref<2x256x64xf32, #tpu.memory_space<vmem>>, vector<1x1x16xf32>,
      %get3A_493 = arith.constant 0 : i32
      %get3A_494 = arith.index_cast %get3A_493 : i32 to index
      %get3A_495 = arith.index_cast %scan3A_478 : i32 to index
      %get3A_496 = arith.constant 16 : index
      %get3A_497 = tpu.vector_load %arg6[%get3A_494, %get3A_495, %get3A_496] {strides = array<i32>} : memref<4x256x64xf32, #tpu.memory_space<vmem>>, vector<1x1x16xf32>,
      %get3A_498 = vector.shape_cast %get3A_497 : vector<1x1x16xf32> to vector<16xf32>
      %mul3A_499 = arith.constant 8.000000e+00 : f32
      %mul3A_500 = vector.broadcast %mul3A_499 : f32 to vector<16xf32>
      %mul3A_501 = arith.mulf %get3A_498, %mul3A_500 : vector<16xf32>
      %swap3A_502 = arith.constant 0 : i32
      %swap3A_503 = arith.index_cast %swap3A_502 : i32 to index
      %swap3A_504 = arith.index_cast %scan3A_478 : i32 to index
      %swap3A_505 = arith.constant 16 : index
      %swap3A_506 = tpu.vector_load %arg7[%swap3A_503, %swap3A_504, %swap3A_505] {strides = array<i32>} : memref<2x256x64xf32, #tpu.memory_space<vmem>>, vector<1x1x16xf32>,
      %swap3A_507 = vector.shape_cast %swap3A_506 : vector<1x1x16xf32> to vector<16xf32>
      %swap3A_508 = vector.shape_cast %mul3A_501 : vector<16xf32> to vector<1x1x16xf32>
      tpu.vector_store %arg7[%swap3A_503, %swap3A_504, %swap3A_505], %swap3A_508 {strides = array<i32>} : memref<2x256x64xf32, #tpu.memory_space<vmem>>, vector<1x1x16xf32>,
      %get3A_509 = arith.constant 0 : i32
      %get3A_510 = arith.index_cast %get3A_509 : i32 to index
      %get3A_511 = arith.index_cast %scan3A_478 : i32 to index
      %get3A_512 = arith.constant 32 : index
      %get3A_513 = tpu.vector_load %arg6[%get3A_510, %get3A_511, %get3A_512] {strides = array<i32>} : memref<4x256x64xf32, #tpu.memory_space<vmem>>, vector<1x1x16xf32>,
      %get3A_514 = vector.shape_cast %get3A_513 : vector<1x1x16xf32> to vector<16xf32>
      %mul3A_515 = arith.constant 8.000000e+00 : f32
      %mul3A_516 = vector.broadcast %mul3A_515 : f32 to vector<16xf32>
      %mul3A_517 = arith.mulf %get3A_514, %mul3A_516 : vector<16xf32>
      %swap3A_518 = arith.constant 0 : i32
      %swap3A_519 = arith.index_cast %swap3A_518 : i32 to index
      %swap3A_520 = arith.index_cast %scan3A_478 : i32 to index
      %swap3A_521 = arith.constant 32 : index
      %swap3A_522 = tpu.vector_load %arg7[%swap3A_519, %swap3A_520, %swap3A_521] {strides = array<i32>} : memref<2x256x64xf32, #tpu.memory_space<vmem>>, vector<1x1x16xf32>,
      %swap3A_523 = vector.shape_cast %swap3A_522 : vector<1x1x16xf32> to vector<16xf32>
      %swap3A_524 = vector.shape_cast %mul3A_517 : vector<16xf32> to vector<1x1x16xf32>
      tpu.vector_store %arg7[%swap3A_519, %swap3A_520, %swap3A_521], %swap3A_524 {strides = array<i32>} : memref<2x256x64xf32, #tpu.memory_space<vmem>>, vector<1x1x16xf32>,
      %get3A_525 = arith.constant 0 : i32
      %get3A_526 = arith.index_cast %get3A_525 : i32 to index
      %get3A_527 = arith.index_cast %scan3A_478 : i32 to index
      %get3A_528 = arith.constant 48 : index
      %get3A_529 = tpu.vector_load %arg6[%get3A_526, %get3A_527, %get3A_528] {strides = array<i32>} : memref<4x256x64xf32, #tpu.memory_space<vmem>>, vector<1x1x16xf32>,
      %get3A_530 = vector.shape_cast %get3A_529 : vector<1x1x16xf32> to vector<16xf32>
      %mul3A_531 = arith.constant 8.000000e+00 : f32
      %mul3A_532 = vector.broadcast %mul3A_531 : f32 to vector<16xf32>
      %mul3A_533 = arith.mulf %get3A_530, %mul3A_532 : vector<16xf32>
      %swap3A_534 = arith.constant 0 : i32
      %swap3A_535 = arith.index_cast %swap3A_534 : i32 to index
      %swap3A_536 = arith.index_cast %scan3A_478 : i32 to index
      %swap3A_537 = arith.constant 48 : index
      %swap3A_538 = tpu.vector_load %arg7[%swap3A_535, %swap3A_536, %swap3A_537] {strides = array<i32>} : memref<2x256x64xf32, #tpu.memory_space<vmem>>, vector<1x1x16xf32>,
      %swap3A_539 = vector.shape_cast %swap3A_538 : vector<1x1x16xf32> to vector<16xf32>
      %swap3A_540 = vector.shape_cast %mul3A_533 : vector<16xf32> to vector<1x1x16xf32>
      tpu.vector_store %arg7[%swap3A_535, %swap3A_536, %swap3A_537], %swap3A_540 {strides = array<i32>} : memref<2x256x64xf32, #tpu.memory_space<vmem>>, vector<1x1x16xf32>,
      %scan3A_541 = arith.constant 1 : i32
      %scan3A_542 = arith.addi %scan3A_478, %scan3A_541 : i32
      %get3A_543 = arith.constant 0 : i32
      %get3A_544 = arith.index_cast %get3A_543 : i32 to index
      %get3A_545 = arith.index_cast %scan3A_542 : i32 to index
      %get3A_546 = arith.constant 0 : index
      %get3A_547 = tpu.vector_load %arg6[%get3A_544, %get3A_545, %get3A_546] {strides = array<i32>} : memref<4x256x64xf32, #tpu.memory_space<vmem>>, vector<1x1x16xf32>,
      %get3A_548 = vector.shape_cast %get3A_547 : vector<1x1x16xf32> to vector<16xf32>
      %mul3A_549 = arith.constant 8.000000e+00 : f32
      %mul3A_550 = vector.broadcast %mul3A_549 : f32 to vector<16xf32>
      %mul3A_551 = arith.mulf %get3A_548, %mul3A_550 : vector<16xf32>
      %swap3A_552 = arith.constant 0 : i32
      %swap3A_553 = arith.index_cast %swap3A_552 : i32 to index
      %swap3A_554 = arith.index_cast %scan3A_542 : i32 to index
      %swap3A_555 = arith.constant 0 : index
      %swap3A_556 = tpu.vector_load %arg7[%swap3A_553, %swap3A_554, %swap3A_555] {strides = array<i32>} : memref<2x256x64xf32, #tpu.memory_space<vmem>>, vector<1x1x16xf32>,
      %swap3A_557 = vector.shape_cast %swap3A_556 : vector<1x1x16xf32> to vector<16xf32>
      %swap3A_558 = vector.shape_cast %mul3A_551 : vector<16xf32> to vector<1x1x16xf32>
      tpu.vector_store %arg7[%swap3A_553, %swap3A_554, %swap3A_555], %swap3A_558 {strides = array<i32>} : memref<2x256x64xf32, #tpu.memory_space<vmem>>, vector<1x1x16xf32>,
      %get3A_559 = arith.constant 0 : i32
      %get3A_560 = arith.index_cast %get3A_559 : i32 to index
      %get3A_561 = arith.index_cast %scan3A_542 : i32 to index
      %get3A_562 = arith.constant 16 : index
      %get3A_563 = tpu.vector_load %arg6[%get3A_560, %get3A_561, %get3A_562] {strides = array<i32>} : memref<4x256x64xf32, #tpu.memory_space<vmem>>, vector<1x1x16xf32>,
      %get3A_564 = vector.shape_cast %get3A_563 : vector<1x1x16xf32> to vector<16xf32>
      %mul3A_565 = arith.constant 8.000000e+00 : f32
      %mul3A_566 = vector.broadcast %mul3A_565 : f32 to vector<16xf32>
      %mul3A_567 = arith.mulf %get3A_564, %mul3A_566 : vector<16xf32>
      %swap3A_568 = arith.constant 0 : i32
      %swap3A_569 = arith.index_cast %swap3A_568 : i32 to index
      %swap3A_570 = arith.index_cast %scan3A_542 : i32 to index
      %swap3A_571 = arith.constant 16 : index
      %swap3A_572 = tpu.vector_load %arg7[%swap3A_569, %swap3A_570, %swap3A_571] {strides = array<i32>} : memref<2x256x64xf32, #tpu.memory_space<vmem>>, vector<1x1x16xf32>,
      %swap3A_573 = vector.shape_cast %swap3A_572 : vector<1x1x16xf32> to vector<16xf32>
      %swap3A_574 = vector.shape_cast %mul3A_567 : vector<16xf32> to vector<1x1x16xf32>
      tpu.vector_store %arg7[%swap3A_569, %swap3A_570, %swap3A_571], %swap3A_574 {strides = array<i32>} : memref<2x256x64xf32, #tpu.memory_space<vmem>>, vector<1x1x16xf32>,
      %get3A_575 = arith.constant 0 : i32
      %get3A_576 = arith.index_cast %get3A_575 : i32 to index
      %get3A_577 = arith.index_cast %scan3A_542 : i32 to index
      %get3A_578 = arith.constant 32 : index
      %get3A_579 = tpu.vector_load %arg6[%get3A_576, %get3A_577, %get3A_578] {strides = array<i32>} : memref<4x256x64xf32, #tpu.memory_space<vmem>>, vector<1x1x16xf32>,
      %get3A_580 = vector.shape_cast %get3A_579 : vector<1x1x16xf32> to vector<16xf32>
      %mul3A_581 = arith.constant 8.000000e+00 : f32
      %mul3A_582 = vector.broadcast %mul3A_581 : f32 to vector<16xf32>
      %mul3A_583 = arith.mulf %get3A_580, %mul3A_582 : vector<16xf32>
      %swap3A_584 = arith.constant 0 : i32
      %swap3A_585 = arith.index_cast %swap3A_584 : i32 to index
      %swap3A_586 = arith.index_cast %scan3A_542 : i32 to index
      %swap3A_587 = arith.constant 32 : index
      %swap3A_588 = tpu.vector_load %arg7[%swap3A_585, %swap3A_586, %swap3A_587] {strides = array<i32>} : memref<2x256x64xf32, #tpu.memory_space<vmem>>, vector<1x1x16xf32>,
      %swap3A_589 = vector.shape_cast %swap3A_588 : vector<1x1x16xf32> to vector<16xf32>
      %swap3A_590 = vector.shape_cast %mul3A_583 : vector<16xf32> to vector<1x1x16xf32>
      tpu.vector_store %arg7[%swap3A_585, %swap3A_586, %swap3A_587], %swap3A_590 {strides = array<i32>} : memref<2x256x64xf32, #tpu.memory_space<vmem>>, vector<1x1x16xf32>,
      %get3A_591 = arith.constant 0 : i32
      %get3A_592 = arith.index_cast %get3A_591 : i32 to index
      %get3A_593 = arith.index_cast %scan3A_542 : i32 to index
      %get3A_594 = arith.constant 48 : index
      %get3A_595 = tpu.vector_load %arg6[%get3A_592, %get3A_593, %get3A_594] {strides = array<i32>} : memref<4x256x64xf32, #tpu.memory_space<vmem>>, vector<1x1x16xf32>,
      %get3A_596 = vector.shape_cast %get3A_595 : vector<1x1x16xf32> to vector<16xf32>
      %mul3A_597 = arith.constant 8.000000e+00 : f32
      %mul3A_598 = vector.broadcast %mul3A_597 : f32 to vector<16xf32>
      %mul3A_599 = arith.mulf %get3A_596, %mul3A_598 : vector<16xf32>
      %swap3A_600 = arith.constant 0 : i32
      %swap3A_601 = arith.index_cast %swap3A_600 : i32 to index
      %swap3A_602 = arith.index_cast %scan3A_542 : i32 to index
      %swap3A_603 = arith.constant 48 : index
      %swap3A_604 = tpu.vector_load %arg7[%swap3A_601, %swap3A_602, %swap3A_603] {strides = array<i32>} : memref<2x256x64xf32, #tpu.memory_space<vmem>>, vector<1x1x16xf32>,
      %swap3A_605 = vector.shape_cast %swap3A_604 : vector<1x1x16xf32> to vector<16xf32>
      %swap3A_606 = vector.shape_cast %mul3A_599 : vector<16xf32> to vector<1x1x16xf32>
      tpu.vector_store %arg7[%swap3A_601, %swap3A_602, %swap3A_603], %swap3A_606 {strides = array<i32>} : memref<2x256x64xf32, #tpu.memory_space<vmem>>, vector<1x1x16xf32>,
      %scan3A_607 = arith.constant 2 : i32
      %scan3A_608 = arith.addi %scan3A_478, %scan3A_607 : i32
      %get3A_609 = arith.constant 0 : i32
      %get3A_610 = arith.index_cast %get3A_609 : i32 to index
      %get3A_611 = arith.index_cast %scan3A_608 : i32 to index
      %get3A_612 = arith.constant 0 : index
      %get3A_613 = tpu.vector_load %arg6[%get3A_610, %get3A_611, %get3A_612] {strides = array<i32>} : memref<4x256x64xf32, #tpu.memory_space<vmem>>, vector<1x1x16xf32>,
      %get3A_614 = vector.shape_cast %get3A_613 : vector<1x1x16xf32> to vector<16xf32>
      %mul3A_615 = arith.constant 8.000000e+00 : f32
      %mul3A_616 = vector.broadcast %mul3A_615 : f32 to vector<16xf32>
      %mul3A_617 = arith.mulf %get3A_614, %mul3A_616 : vector<16xf32>
      %swap3A_618 = arith.constant 0 : i32
      %swap3A_619 = arith.index_cast %swap3A_618 : i32 to index
      %swap3A_620 = arith.index_cast %scan3A_608 : i32 to index
      %swap3A_621 = arith.constant 0 : index
      %swap3A_622 = tpu.vector_load %arg7[%swap3A_619, %swap3A_620, %swap3A_621] {strides = array<i32>} : memref<2x256x64xf32, #tpu.memory_space<vmem>>, vector<1x1x16xf32>,
      %swap3A_623 = vector.shape_cast %swap3A_622 : vector<1x1x16xf32> to vector<16xf32>
      %swap3A_624 = vector.shape_cast %mul3A_617 : vector<16xf32> to vector<1x1x16xf32>
      tpu.vector_store %arg7[%swap3A_619, %swap3A_620, %swap3A_621], %swap3A_624 {strides = array<i32>} : memref<2x256x64xf32, #tpu.memory_space<vmem>>, vector<1x1x16xf32>,
      %get3A_625 = arith.constant 0 : i32
      %get3A_626 = arith.index_cast %get3A_625 : i32 to index
      %get3A_627 = arith.index_cast %scan3A_608 : i32 to index
      %get3A_628 = arith.constant 16 : index
      %get3A_629 = tpu.vector_load %arg6[%get3A_626, %get3A_627, %get3A_628] {strides = array<i32>} : memref<4x256x64xf32, #tpu.memory_space<vmem>>, vector<1x1x16xf32>,
      %get3A_630 = vector.shape_cast %get3A_629 : vector<1x1x16xf32> to vector<16xf32>
      %mul3A_631 = arith.constant 8.000000e+00 : f32
      %mul3A_632 = vector.broadcast %mul3A_631 : f32 to vector<16xf32>
      %mul3A_633 = arith.mulf %get3A_630, %mul3A_632 : vector<16xf32>
      %swap3A_634 = arith.constant 0 : i32
      %swap3A_635 = arith.index_cast %swap3A_634 : i32 to index
      %swap3A_636 = arith.index_cast %scan3A_608 : i32 to index
      %swap3A_637 = arith.constant 16 : index
      %swap3A_638 = tpu.vector_load %arg7[%swap3A_635, %swap3A_636, %swap3A_637] {strides = array<i32>} : memref<2x256x64xf32, #tpu.memory_space<vmem>>, vector<1x1x16xf32>,
      %swap3A_639 = vector.shape_cast %swap3A_638 : vector<1x1x16xf32> to vector<16xf32>
      %swap3A_640 = vector.shape_cast %mul3A_633 : vector<16xf32> to vector<1x1x16xf32>
      tpu.vector_store %arg7[%swap3A_635, %swap3A_636, %swap3A_637], %swap3A_640 {strides = array<i32>} : memref<2x256x64xf32, #tpu.memory_space<vmem>>, vector<1x1x16xf32>,
      %get3A_641 = arith.constant 0 : i32
      %get3A_642 = arith.index_cast %get3A_641 : i32 to index
      %get3A_643 = arith.index_cast %scan3A_608 : i32 to index
      %get3A_644 = arith.constant 32 : index
      %get3A_645 = tpu.vector_load %arg6[%get3A_642, %get3A_643, %get3A_644] {strides = array<i32>} : memref<4x256x64xf32, #tpu.memory_space<vmem>>, vector<1x1x16xf32>,
      %get3A_646 = vector.shape_cast %get3A_645 : vector<1x1x16xf32> to vector<16xf32>
      %mul3A_647 = arith.constant 8.000000e+00 : f32
      %mul3A_648 = vector.broadcast %mul3A_647 : f32 to vector<16xf32>
      %mul3A_649 = arith.mulf %get3A_646, %mul3A_648 : vector<16xf32>
      %swap3A_650 = arith.constant 0 : i32
      %swap3A_651 = arith.index_cast %swap3A_650 : i32 to index
      %swap3A_652 = arith.index_cast %scan3A_608 : i32 to index
      %swap3A_653 = arith.constant 32 : index
      %swap3A_654 = tpu.vector_load %arg7[%swap3A_651, %swap3A_652, %swap3A_653] {strides = array<i32>} : memref<2x256x64xf32, #tpu.memory_space<vmem>>, vector<1x1x16xf32>,
      %swap3A_655 = vector.shape_cast %swap3A_654 : vector<1x1x16xf32> to vector<16xf32>
      %swap3A_656 = vector.shape_cast %mul3A_649 : vector<16xf32> to vector<1x1x16xf32>
      tpu.vector_store %arg7[%swap3A_651, %swap3A_652, %swap3A_653], %swap3A_656 {strides = array<i32>} : memref<2x256x64xf32, #tpu.memory_space<vmem>>, vector<1x1x16xf32>,
      %get3A_657 = arith.constant 0 : i32
      %get3A_658 = arith.index_cast %get3A_657 : i32 to index
      %get3A_659 = arith.index_cast %scan3A_608 : i32 to index
      %get3A_660 = arith.constant 48 : index
      %get3A_661 = tpu.vector_load %arg6[%get3A_658, %get3A_659, %get3A_660] {strides = array<i32>} : memref<4x256x64xf32, #tpu.memory_space<vmem>>, vector<1x1x16xf32>,
      %get3A_662 = vector.shape_cast %get3A_661 : vector<1x1x16xf32> to vector<16xf32>
      %mul3A_663 = arith.constant 8.000000e+00 : f32
      %mul3A_664 = vector.broadcast %mul3A_663 : f32 to vector<16xf32>
      %mul3A_665 = arith.mulf %get3A_662, %mul3A_664 : vector<16xf32>
      %swap3A_666 = arith.constant 0 : i32
      %swap3A_667 = arith.index_cast %swap3A_666 : i32 to index
      %swap3A_668 = arith.index_cast %scan3A_608 : i32 to index
      %swap3A_669 = arith.constant 48 : index
      %swap3A_670 = tpu.vector_load %arg7[%swap3A_667, %swap3A_668, %swap3A_669] {strides = array<i32>} : memref<2x256x64xf32, #tpu.memory_space<vmem>>, vector<1x1x16xf32>,
      %swap3A_671 = vector.shape_cast %swap3A_670 : vector<1x1x16xf32> to vector<16xf32>
      %swap3A_672 = vector.shape_cast %mul3A_665 : vector<16xf32> to vector<1x1x16xf32>
      tpu.vector_store %arg7[%swap3A_667, %swap3A_668, %swap3A_669], %swap3A_672 {strides = array<i32>} : memref<2x256x64xf32, #tpu.memory_space<vmem>>, vector<1x1x16xf32>,
      %scan3A_673 = arith.constant 3 : i32
      %scan3A_674 = arith.addi %scan3A_478, %scan3A_673 : i32
      %get3A_675 = arith.constant 0 : i32
      %get3A_676 = arith.index_cast %get3A_675 : i32 to index
      %get3A_677 = arith.index_cast %scan3A_674 : i32 to index
      %get3A_678 = arith.constant 0 : index
      %get3A_679 = tpu.vector_load %arg6[%get3A_676, %get3A_677, %get3A_678] {strides = array<i32>} : memref<4x256x64xf32, #tpu.memory_space<vmem>>, vector<1x1x16xf32>,
      %get3A_680 = vector.shape_cast %get3A_679 : vector<1x1x16xf32> to vector<16xf32>
      %mul3A_681 = arith.constant 8.000000e+00 : f32
      %mul3A_682 = vector.broadcast %mul3A_681 : f32 to vector<16xf32>
      %mul3A_683 = arith.mulf %get3A_680, %mul3A_682 : vector<16xf32>
      %swap3A_684 = arith.constant 0 : i32
      %swap3A_685 = arith.index_cast %swap3A_684 : i32 to index
      %swap3A_686 = arith.index_cast %scan3A_674 : i32 to index
      %swap3A_687 = arith.constant 0 : index
      %swap3A_688 = tpu.vector_load %arg7[%swap3A_685, %swap3A_686, %swap3A_687] {strides = array<i32>} : memref<2x256x64xf32, #tpu.memory_space<vmem>>, vector<1x1x16xf32>,
      %swap3A_689 = vector.shape_cast %swap3A_688 : vector<1x1x16xf32> to vector<16xf32>
      %swap3A_690 = vector.shape_cast %mul3A_683 : vector<16xf32> to vector<1x1x16xf32>
      tpu.vector_store %arg7[%swap3A_685, %swap3A_686, %swap3A_687], %swap3A_690 {strides = array<i32>} : memref<2x256x64xf32, #tpu.memory_space<vmem>>, vector<1x1x16xf32>,
      %get3A_691 = arith.constant 0 : i32
      %get3A_692 = arith.index_cast %get3A_691 : i32 to index
      %get3A_693 = arith.index_cast %scan3A_674 : i32 to index
      %get3A_694 = arith.constant 16 : index
      %get3A_695 = tpu.vector_load %arg6[%get3A_692, %get3A_693, %get3A_694] {strides = array<i32>} : memref<4x256x64xf32, #tpu.memory_space<vmem>>, vector<1x1x16xf32>,
      %get3A_696 = vector.shape_cast %get3A_695 : vector<1x1x16xf32> to vector<16xf32>
      %mul3A_697 = arith.constant 8.000000e+00 : f32
      %mul3A_698 = vector.broadcast %mul3A_697 : f32 to vector<16xf32>
      %mul3A_699 = arith.mulf %get3A_696, %mul3A_698 : vector<16xf32>
      %swap3A_700 = arith.constant 0 : i32
      %swap3A_701 = arith.index_cast %swap3A_700 : i32 to index
      %swap3A_702 = arith.index_cast %scan3A_674 : i32 to index
      %swap3A_703 = arith.constant 16 : index
      %swap3A_704 = tpu.vector_load %arg7[%swap3A_701, %swap3A_702, %swap3A_703] {strides = array<i32>} : memref<2x256x64xf32, #tpu.memory_space<vmem>>, vector<1x1x16xf32>,
      %swap3A_705 = vector.shape_cast %swap3A_704 : vector<1x1x16xf32> to vector<16xf32>
      %swap3A_706 = vector.shape_cast %mul3A_699 : vector<16xf32> to vector<1x1x16xf32>
      tpu.vector_store %arg7[%swap3A_701, %swap3A_702, %swap3A_703], %swap3A_706 {strides = array<i32>} : memref<2x256x64xf32, #tpu.memory_space<vmem>>, vector<1x1x16xf32>,
      %get3A_707 = arith.constant 0 : i32
      %get3A_708 = arith.index_cast %get3A_707 : i32 to index
      %get3A_709 = arith.index_cast %scan3A_674 : i32 to index
      %get3A_710 = arith.constant 32 : index
      %get3A_711 = tpu.vector_load %arg6[%get3A_708, %get3A_709, %get3A_710] {strides = array<i32>} : memref<4x256x64xf32, #tpu.memory_space<vmem>>, vector<1x1x16xf32>,
      %get3A_712 = vector.shape_cast %get3A_711 : vector<1x1x16xf32> to vector<16xf32>
      %mul3A_713 = arith.constant 8.000000e+00 : f32
      %mul3A_714 = vector.broadcast %mul3A_713 : f32 to vector<16xf32>
      %mul3A_715 = arith.mulf %get3A_712, %mul3A_714 : vector<16xf32>
      %swap3A_716 = arith.constant 0 : i32
      %swap3A_717 = arith.index_cast %swap3A_716 : i32 to index
      %swap3A_718 = arith.index_cast %scan3A_674 : i32 to index
      %swap3A_719 = arith.constant 32 : index
      %swap3A_720 = tpu.vector_load %arg7[%swap3A_717, %swap3A_718, %swap3A_719] {strides = array<i32>} : memref<2x256x64xf32, #tpu.memory_space<vmem>>, vector<1x1x16xf32>,
      %swap3A_721 = vector.shape_cast %swap3A_720 : vector<1x1x16xf32> to vector<16xf32>
      %swap3A_722 = vector.shape_cast %mul3A_715 : vector<16xf32> to vector<1x1x16xf32>
      tpu.vector_store %arg7[%swap3A_717, %swap3A_718, %swap3A_719], %swap3A_722 {strides = array<i32>} : memref<2x256x64xf32, #tpu.memory_space<vmem>>, vector<1x1x16xf32>,
      %get3A_723 = arith.constant 0 : i32
      %get3A_724 = arith.index_cast %get3A_723 : i32 to index
      %get3A_725 = arith.index_cast %scan3A_674 : i32 to index
      %get3A_726 = arith.constant 48 : index
      %get3A_727 = tpu.vector_load %arg6[%get3A_724, %get3A_725, %get3A_726] {strides = array<i32>} : memref<4x256x64xf32, #tpu.memory_space<vmem>>, vector<1x1x16xf32>,
      %get3A_728 = vector.shape_cast %get3A_727 : vector<1x1x16xf32> to vector<16xf32>
      %mul3A_729 = arith.constant 8.000000e+00 : f32
      %mul3A_730 = vector.broadcast %mul3A_729 : f32 to vector<16xf32>
      %mul3A_731 = arith.mulf %get3A_728, %mul3A_730 : vector<16xf32>
      %swap3A_732 = arith.constant 0 : i32
      %swap3A_733 = arith.index_cast %swap3A_732 : i32 to index
      %swap3A_734 = arith.index_cast %scan3A_674 : i32 to index
      %swap3A_735 = arith.constant 48 : index
      %swap3A_736 = tpu.vector_load %arg7[%swap3A_733, %swap3A_734, %swap3A_735] {strides = array<i32>} : memref<2x256x64xf32, #tpu.memory_space<vmem>>, vector<1x1x16xf32>,
      %swap3A_737 = vector.shape_cast %swap3A_736 : vector<1x1x16xf32> to vector<16xf32>
      %swap3A_738 = vector.shape_cast %mul3A_731 : vector<16xf32> to vector<1x1x16xf32>
      tpu.vector_store %arg7[%swap3A_733, %swap3A_734, %swap3A_735], %swap3A_738 {strides = array<i32>} : memref<2x256x64xf32, #tpu.memory_space<vmem>>, vector<1x1x16xf32>,
    }
    %scan3A_289 = arith.constant 256 : i32
    %add3A_290 = arith.constant 24576 : i32
    %add3A_291 = arith.addi %mul3A_2, %add3A_290 : i32
    %dma_start3A_292 = arith.constant 0 : i32
    %dma_start3A_293 = arith.constant 0 : i32
    %dma_start3A_294 = arith.constant 0 : i32
    %dma_start3A_295 = tpu.memref_slice %arg7[%dma_start3A_292, %dma_start3A_293, %dma_start3A_294] : memref<2x256x64xf32, #tpu.memory_space<vmem>> -> memref<1x256x64xf32, #tpu.memory_space<vmem>>
    %dma_start3A_296 = tpu.memref_squeeze %dma_start3A_295 : memref<1x256x64xf32, #tpu.memory_space<vmem>> -> memref<256x64xf32, #tpu.memory_space<vmem>>
    %dma_start3A_297 = arith.constant 0 : i32
    %dma_start3A_298 = tpu.memref_slice %arg4[%add3A_291, %dma_start3A_297] : memref<819200x64xf32, #tpu.memory_space<hbm>> -> memref<256x64xf32, #tpu.memory_space<hbm>>
    %dma_start3A_299 = arith.constant 0 : i32
    %dma_start3A_300 = tpu.memref_slice %arg4[%add3A_291, %dma_start3A_299] : memref<819200x64xf32, #tpu.memory_space<hbm>> -> memref<256x64xf32, #tpu.memory_space<hbm>>
    %dma_start3A_301 = arith.constant 0 : i32
    %dma_start3A_302 = arith.constant 0 : i32
    %dma_start3A_303 = tpu.memref_slice %arg7[%dma_start3A_292, %dma_start3A_301, %dma_start3A_302] : memref<2x256x64xf32, #tpu.memory_space<vmem>> -> memref<1x256x64xf32, #tpu.memory_space<vmem>>
    %dma_start3A_304 = tpu.memref_squeeze %dma_start3A_303 : memref<1x256x64xf32, #tpu.memory_space<vmem>> -> memref<256x64xf32, #tpu.memory_space<vmem>>
    tpu.enqueue_dma source(%dma_start3A_304 : memref<256x64xf32, #tpu.memory_space<vmem>>) target(%dma_start3A_300 : memref<256x64xf32, #tpu.memory_space<hbm>>) target_semaphore(%arg12 : memref<!tpu.dma_semaphore, #tpu.memory_space<semaphore_mem>>)
    %dma_wait3A_305 = arith.constant 1 : i32
    %dma_wait3A_306 = arith.constant 0 : i32
    %dma_wait3A_307 = arith.constant 0 : i32
    %dma_wait3A_308 = tpu.memref_slice %arg6[%dma_wait3A_305, %dma_wait3A_306, %dma_wait3A_307] : memref<4x256x64xf32, #tpu.memory_space<vmem>> -> memref<1x256x64xf32, #tpu.memory_space<vmem>>
    %dma_wait3A_309 = tpu.memref_squeeze %dma_wait3A_308 : memref<1x256x64xf32, #tpu.memory_space<vmem>> -> memref<256x64xf32, #tpu.memory_space<vmem>>
    %dma_wait3A_310 = arith.constant 0 : i32
    %dma_wait3A_311 = arith.constant 0 : i32
    %dma_wait3A_312 = tpu.memref_slice %arg3[%dma_wait3A_310, %dma_wait3A_311] : memref<1000000x64xf32, #tpu.memory_space<hbm>> -> memref<256x64xf32, #tpu.memory_space<hbm>>
    %dma_wait3A_313 = arith.constant 0 : i32
    %dma_wait3A_314 = arith.constant 0 : i32
    %dma_wait3A_315 = tpu.memref_slice %arg6[%dma_wait3A_305, %dma_wait3A_313, %dma_wait3A_314] : memref<4x256x64xf32, #tpu.memory_space<vmem>> -> memref<1x256x64xf32, #tpu.memory_space<vmem>>
    %dma_wait3A_316 = tpu.memref_squeeze %dma_wait3A_315 : memref<1x256x64xf32, #tpu.memory_space<vmem>> -> memref<256x64xf32, #tpu.memory_space<vmem>>
    %dma_wait3A_317 = arith.constant 0 : i32
    %dma_wait3A_318 = arith.constant 0 : i32
    %dma_wait3A_319 = tpu.memref_slice %arg3[%dma_wait3A_317, %dma_wait3A_318] : memref<1000000x64xf32, #tpu.memory_space<hbm>> -> memref<256x64xf32, #tpu.memory_space<hbm>>
    tpu.wait_dma2 semaphore(%arg9 : memref<!tpu.dma_semaphore, #tpu.memory_space<semaphore_mem>>) src(%dma_wait3A_319 : memref<256x64xf32, #tpu.memory_space<hbm>>) dst(%dma_wait3A_316 : memref<256x64xf32, #tpu.memory_space<vmem>>)
    %dma_wait3A_320 = arith.constant 1 : i32
    %dma_wait3A_321 = arith.constant 0 : i32
    %dma_wait3A_322 = arith.constant 0 : i32
    %dma_wait3A_323 = tpu.memref_slice %arg7[%dma_wait3A_320, %dma_wait3A_321, %dma_wait3A_322] : memref<2x256x64xf32, #tpu.memory_space<vmem>> -> memref<1x256x64xf32, #tpu.memory_space<vmem>>
    %dma_wait3A_324 = tpu.memref_squeeze %dma_wait3A_323 : memref<1x256x64xf32, #tpu.memory_space<vmem>> -> memref<256x64xf32, #tpu.memory_space<vmem>>
    %dma_wait3A_325 = arith.constant 0 : i32
    %dma_wait3A_326 = tpu.memref_slice %arg4[%mul3A_2, %dma_wait3A_325] : memref<819200x64xf32, #tpu.memory_space<hbm>> -> memref<256x64xf32, #tpu.memory_space<hbm>>
    %dma_wait3A_327 = arith.constant 0 : i32
    %dma_wait3A_328 = tpu.memref_slice %arg4[%mul3A_2, %dma_wait3A_327] : memref<819200x64xf32, #tpu.memory_space<hbm>> -> memref<256x64xf32, #tpu.memory_space<hbm>>
    %dma_wait3A_329 = arith.constant 0 : i32
    %dma_wait3A_330 = arith.constant 0 : i32
    %dma_wait3A_331 = tpu.memref_slice %arg7[%dma_wait3A_320, %dma_wait3A_329, %dma_wait3A_330] : memref<2x256x64xf32, #tpu.memory_space<vmem>> -> memref<1x256x64xf32, #tpu.memory_space<vmem>>
    %dma_wait3A_332 = tpu.memref_squeeze %dma_wait3A_331 : memref<1x256x64xf32, #tpu.memory_space<vmem>> -> memref<256x64xf32, #tpu.memory_space<vmem>>
    tpu.wait_dma2 semaphore(%arg13 : memref<!tpu.dma_semaphore, #tpu.memory_space<semaphore_mem>>) src(%dma_wait3A_332 : memref<256x64xf32, #tpu.memory_space<vmem>>) dst(%dma_wait3A_328 : memref<256x64xf32, #tpu.memory_space<hbm>>)
    %scan3A_333 = arith.constant 0 : i32
    %scan3A_334 = arith.constant 0 : i32
    %scan3A_335 = arith.constant 256 : i32
    %scan3A_336 = arith.addi %scan3A_334, %scan3A_335 : i32
    %scan3A_337 = arith.constant 4 : i32
    scf.for %scan3A_478 = %scan3A_334 to %scan3A_336 step %scan3A_337  : i32 {
      %get3A = arith.constant 1 : i32
      %get3A_479 = arith.index_cast %get3A : i32 to index
      %get3A_480 = arith.index_cast %scan3A_478 : i32 to index
      %get3A_481 = arith.constant 0 : index
      %get3A_482 = tpu.vector_load %arg6[%get3A_479, %get3A_480, %get3A_481] {strides = array<i32>} : memref<4x256x64xf32, #tpu.memory_space<vmem>>, vector<1x1x16xf32>,
      %get3A_483 = vector.shape_cast %get3A_482 : vector<1x1x16xf32> to vector<16xf32>
      %mul3A_484 = arith.constant 8.000000e+00 : f32
      %mul3A_485 = vector.broadcast %mul3A_484 : f32 to vector<16xf32>
      %mul3A_486 = arith.mulf %get3A_483, %mul3A_485 : vector<16xf32>
      %swap3A = arith.constant 1 : i32
      %swap3A_487 = arith.index_cast %swap3A : i32 to index
      %swap3A_488 = arith.index_cast %scan3A_478 : i32 to index
      %swap3A_489 = arith.constant 0 : index
      %swap3A_490 = tpu.vector_load %arg7[%swap3A_487, %swap3A_488, %swap3A_489] {strides = array<i32>} : memref<2x256x64xf32, #tpu.memory_space<vmem>>, vector<1x1x16xf32>,
      %swap3A_491 = vector.shape_cast %swap3A_490 : vector<1x1x16xf32> to vector<16xf32>
      %swap3A_492 = vector.shape_cast %mul3A_486 : vector<16xf32> to vector<1x1x16xf32>
      tpu.vector_store %arg7[%swap3A_487, %swap3A_488, %swap3A_489], %swap3A_492 {strides = array<i32>} : memref<2x256x64xf32, #tpu.memory_space<vmem>>, vector<1x1x16xf32>,
      %get3A_493 = arith.constant 1 : i32
      %get3A_494 = arith.index_cast %get3A_493 : i32 to index
      %get3A_495 = arith.index_cast %scan3A_478 : i32 to index
      %get3A_496 = arith.constant 16 : index
      %get3A_497 = tpu.vector_load %arg6[%get3A_494, %get3A_495, %get3A_496] {strides = array<i32>} : memref<4x256x64xf32, #tpu.memory_space<vmem>>, vector<1x1x16xf32>,
      %get3A_498 = vector.shape_cast %get3A_497 : vector<1x1x16xf32> to vector<16xf32>
      %mul3A_499 = arith.constant 8.000000e+00 : f32
      %mul3A_500 = vector.broadcast %mul3A_499 : f32 to vector<16xf32>
      %mul3A_501 = arith.mulf %get3A_498, %mul3A_500 : vector<16xf32>
      %swap3A_502 = arith.constant 1 : i32
      %swap3A_503 = arith.index_cast %swap3A_502 : i32 to index
      %swap3A_504 = arith.index_cast %scan3A_478 : i32 to index
      %swap3A_505 = arith.constant 16 : index
      %swap3A_506 = tpu.vector_load %arg7[%swap3A_503, %swap3A_504, %swap3A_505] {strides = array<i32>} : memref<2x256x64xf32, #tpu.memory_space<vmem>>, vector<1x1x16xf32>,
      %swap3A_507 = vector.shape_cast %swap3A_506 : vector<1x1x16xf32> to vector<16xf32>
      %swap3A_508 = vector.shape_cast %mul3A_501 : vector<16xf32> to vector<1x1x16xf32>
      tpu.vector_store %arg7[%swap3A_503, %swap3A_504, %swap3A_505], %swap3A_508 {strides = array<i32>} : memref<2x256x64xf32, #tpu.memory_space<vmem>>, vector<1x1x16xf32>,
      %get3A_509 = arith.constant 1 : i32
      %get3A_510 = arith.index_cast %get3A_509 : i32 to index
      %get3A_511 = arith.index_cast %scan3A_478 : i32 to index
      %get3A_512 = arith.constant 32 : index
      %get3A_513 = tpu.vector_load %arg6[%get3A_510, %get3A_511, %get3A_512] {strides = array<i32>} : memref<4x256x64xf32, #tpu.memory_space<vmem>>, vector<1x1x16xf32>,
      %get3A_514 = vector.shape_cast %get3A_513 : vector<1x1x16xf32> to vector<16xf32>
      %mul3A_515 = arith.constant 8.000000e+00 : f32
      %mul3A_516 = vector.broadcast %mul3A_515 : f32 to vector<16xf32>
      %mul3A_517 = arith.mulf %get3A_514, %mul3A_516 : vector<16xf32>
      %swap3A_518 = arith.constant 1 : i32
      %swap3A_519 = arith.index_cast %swap3A_518 : i32 to index
      %swap3A_520 = arith.index_cast %scan3A_478 : i32 to index
      %swap3A_521 = arith.constant 32 : index
      %swap3A_522 = tpu.vector_load %arg7[%swap3A_519, %swap3A_520, %swap3A_521] {strides = array<i32>} : memref<2x256x64xf32, #tpu.memory_space<vmem>>, vector<1x1x16xf32>,
      %swap3A_523 = vector.shape_cast %swap3A_522 : vector<1x1x16xf32> to vector<16xf32>
      %swap3A_524 = vector.shape_cast %mul3A_517 : vector<16xf32> to vector<1x1x16xf32>
      tpu.vector_store %arg7[%swap3A_519, %swap3A_520, %swap3A_521], %swap3A_524 {strides = array<i32>} : memref<2x256x64xf32, #tpu.memory_space<vmem>>, vector<1x1x16xf32>,
      %get3A_525 = arith.constant 1 : i32
      %get3A_526 = arith.index_cast %get3A_525 : i32 to index
      %get3A_527 = arith.index_cast %scan3A_478 : i32 to index
      %get3A_528 = arith.constant 48 : index
      %get3A_529 = tpu.vector_load %arg6[%get3A_526, %get3A_527, %get3A_528] {strides = array<i32>} : memref<4x256x64xf32, #tpu.memory_space<vmem>>, vector<1x1x16xf32>,
      %get3A_530 = vector.shape_cast %get3A_529 : vector<1x1x16xf32> to vector<16xf32>
      %mul3A_531 = arith.constant 8.000000e+00 : f32
      %mul3A_532 = vector.broadcast %mul3A_531 : f32 to vector<16xf32>
      %mul3A_533 = arith.mulf %get3A_530, %mul3A_532 : vector<16xf32>
      %swap3A_534 = arith.constant 1 : i32
      %swap3A_535 = arith.index_cast %swap3A_534 : i32 to index
      %swap3A_536 = arith.index_cast %scan3A_478 : i32 to index
      %swap3A_537 = arith.constant 48 : index
      %swap3A_538 = tpu.vector_load %arg7[%swap3A_535, %swap3A_536, %swap3A_537] {strides = array<i32>} : memref<2x256x64xf32, #tpu.memory_space<vmem>>, vector<1x1x16xf32>,
      %swap3A_539 = vector.shape_cast %swap3A_538 : vector<1x1x16xf32> to vector<16xf32>
      %swap3A_540 = vector.shape_cast %mul3A_533 : vector<16xf32> to vector<1x1x16xf32>
      tpu.vector_store %arg7[%swap3A_535, %swap3A_536, %swap3A_537], %swap3A_540 {strides = array<i32>} : memref<2x256x64xf32, #tpu.memory_space<vmem>>, vector<1x1x16xf32>,
      %scan3A_541 = arith.constant 1 : i32
      %scan3A_542 = arith.addi %scan3A_478, %scan3A_541 : i32
      %get3A_543 = arith.constant 1 : i32
      %get3A_544 = arith.index_cast %get3A_543 : i32 to index
      %get3A_545 = arith.index_cast %scan3A_542 : i32 to index
      %get3A_546 = arith.constant 0 : index
      %get3A_547 = tpu.vector_load %arg6[%get3A_544, %get3A_545, %get3A_546] {strides = array<i32>} : memref<4x256x64xf32, #tpu.memory_space<vmem>>, vector<1x1x16xf32>,
      %get3A_548 = vector.shape_cast %get3A_547 : vector<1x1x16xf32> to vector<16xf32>
      %mul3A_549 = arith.constant 8.000000e+00 : f32
      %mul3A_550 = vector.broadcast %mul3A_549 : f32 to vector<16xf32>
      %mul3A_551 = arith.mulf %get3A_548, %mul3A_550 : vector<16xf32>
      %swap3A_552 = arith.constant 1 : i32
      %swap3A_553 = arith.index_cast %swap3A_552 : i32 to index
      %swap3A_554 = arith.index_cast %scan3A_542 : i32 to index
      %swap3A_555 = arith.constant 0 : index
      %swap3A_556 = tpu.vector_load %arg7[%swap3A_553, %swap3A_554, %swap3A_555] {strides = array<i32>} : memref<2x256x64xf32, #tpu.memory_space<vmem>>, vector<1x1x16xf32>,
      %swap3A_557 = vector.shape_cast %swap3A_556 : vector<1x1x16xf32> to vector<16xf32>
      %swap3A_558 = vector.shape_cast %mul3A_551 : vector<16xf32> to vector<1x1x16xf32>
      tpu.vector_store %arg7[%swap3A_553, %swap3A_554, %swap3A_555], %swap3A_558 {strides = array<i32>} : memref<2x256x64xf32, #tpu.memory_space<vmem>>, vector<1x1x16xf32>,
      %get3A_559 = arith.constant 1 : i32
      %get3A_560 = arith.index_cast %get3A_559 : i32 to index
      %get3A_561 = arith.index_cast %scan3A_542 : i32 to index
      %get3A_562 = arith.constant 16 : index
      %get3A_563 = tpu.vector_load %arg6[%get3A_560, %get3A_561, %get3A_562] {strides = array<i32>} : memref<4x256x64xf32, #tpu.memory_space<vmem>>, vector<1x1x16xf32>,
      %get3A_564 = vector.shape_cast %get3A_563 : vector<1x1x16xf32> to vector<16xf32>
      %mul3A_565 = arith.constant 8.000000e+00 : f32
      %mul3A_566 = vector.broadcast %mul3A_565 : f32 to vector<16xf32>
      %mul3A_567 = arith.mulf %get3A_564, %mul3A_566 : vector<16xf32>
      %swap3A_568 = arith.constant 1 : i32
      %swap3A_569 = arith.index_cast %swap3A_568 : i32 to index
      %swap3A_570 = arith.index_cast %scan3A_542 : i32 to index
      %swap3A_571 = arith.constant 16 : index
      %swap3A_572 = tpu.vector_load %arg7[%swap3A_569, %swap3A_570, %swap3A_571] {strides = array<i32>} : memref<2x256x64xf32, #tpu.memory_space<vmem>>, vector<1x1x16xf32>,
      %swap3A_573 = vector.shape_cast %swap3A_572 : vector<1x1x16xf32> to vector<16xf32>
      %swap3A_574 = vector.shape_cast %mul3A_567 : vector<16xf32> to vector<1x1x16xf32>
      tpu.vector_store %arg7[%swap3A_569, %swap3A_570, %swap3A_571], %swap3A_574 {strides = array<i32>} : memref<2x256x64xf32, #tpu.memory_space<vmem>>, vector<1x1x16xf32>,
      %get3A_575 = arith.constant 1 : i32
      %get3A_576 = arith.index_cast %get3A_575 : i32 to index
      %get3A_577 = arith.index_cast %scan3A_542 : i32 to index
      %get3A_578 = arith.constant 32 : index
      %get3A_579 = tpu.vector_load %arg6[%get3A_576, %get3A_577, %get3A_578] {strides = array<i32>} : memref<4x256x64xf32, #tpu.memory_space<vmem>>, vector<1x1x16xf32>,
      %get3A_580 = vector.shape_cast %get3A_579 : vector<1x1x16xf32> to vector<16xf32>
      %mul3A_581 = arith.constant 8.000000e+00 : f32
      %mul3A_582 = vector.broadcast %mul3A_581 : f32 to vector<16xf32>
      %mul3A_583 = arith.mulf %get3A_580, %mul3A_582 : vector<16xf32>
      %swap3A_584 = arith.constant 1 : i32
      %swap3A_585 = arith.index_cast %swap3A_584 : i32 to index
      %swap3A_586 = arith.index_cast %scan3A_542 : i32 to index
      %swap3A_587 = arith.constant 32 : index
      %swap3A_588 = tpu.vector_load %arg7[%swap3A_585, %swap3A_586, %swap3A_587] {strides = array<i32>} : memref<2x256x64xf32, #tpu.memory_space<vmem>>, vector<1x1x16xf32>,
      %swap3A_589 = vector.shape_cast %swap3A_588 : vector<1x1x16xf32> to vector<16xf32>
      %swap3A_590 = vector.shape_cast %mul3A_583 : vector<16xf32> to vector<1x1x16xf32>
      tpu.vector_store %arg7[%swap3A_585, %swap3A_586, %swap3A_587], %swap3A_590 {strides = array<i32>} : memref<2x256x64xf32, #tpu.memory_space<vmem>>, vector<1x1x16xf32>,
      %get3A_591 = arith.constant 1 : i32
      %get3A_592 = arith.index_cast %get3A_591 : i32 to index
      %get3A_593 = arith.index_cast %scan3A_542 : i32 to index
      %get3A_594 = arith.constant 48 : index
      %get3A_595 = tpu.vector_load %arg6[%get3A_592, %get3A_593, %get3A_594] {strides = array<i32>} : memref<4x256x64xf32, #tpu.memory_space<vmem>>, vector<1x1x16xf32>,
      %get3A_596 = vector.shape_cast %get3A_595 : vector<1x1x16xf32> to vector<16xf32>
      %mul3A_597 = arith.constant 8.000000e+00 : f32
      %mul3A_598 = vector.broadcast %mul3A_597 : f32 to vector<16xf32>
      %mul3A_599 = arith.mulf %get3A_596, %mul3A_598 : vector<16xf32>
      %swap3A_600 = arith.constant 1 : i32
      %swap3A_601 = arith.index_cast %swap3A_600 : i32 to index
      %swap3A_602 = arith.index_cast %scan3A_542 : i32 to index
      %swap3A_603 = arith.constant 48 : index
      %swap3A_604 = tpu.vector_load %arg7[%swap3A_601, %swap3A_602, %swap3A_603] {strides = array<i32>} : memref<2x256x64xf32, #tpu.memory_space<vmem>>, vector<1x1x16xf32>,
      %swap3A_605 = vector.shape_cast %swap3A_604 : vector<1x1x16xf32> to vector<16xf32>
      %swap3A_606 = vector.shape_cast %mul3A_599 : vector<16xf32> to vector<1x1x16xf32>
      tpu.vector_store %arg7[%swap3A_601, %swap3A_602, %swap3A_603], %swap3A_606 {strides = array<i32>} : memref<2x256x64xf32, #tpu.memory_space<vmem>>, vector<1x1x16xf32>,
      %scan3A_607 = arith.constant 2 : i32
      %scan3A_608 = arith.addi %scan3A_478, %scan3A_607 : i32
      %get3A_609 = arith.constant 1 : i32
      %get3A_610 = arith.index_cast %get3A_609 : i32 to index
      %get3A_611 = arith.index_cast %scan3A_608 : i32 to index
      %get3A_612 = arith.constant 0 : index
      %get3A_613 = tpu.vector_load %arg6[%get3A_610, %get3A_611, %get3A_612] {strides = array<i32>} : memref<4x256x64xf32, #tpu.memory_space<vmem>>, vector<1x1x16xf32>,
      %get3A_614 = vector.shape_cast %get3A_613 : vector<1x1x16xf32> to vector<16xf32>
      %mul3A_615 = arith.constant 8.000000e+00 : f32
      %mul3A_616 = vector.broadcast %mul3A_615 : f32 to vector<16xf32>
      %mul3A_617 = arith.mulf %get3A_614, %mul3A_616 : vector<16xf32>
      %swap3A_618 = arith.constant 1 : i32
      %swap3A_619 = arith.index_cast %swap3A_618 : i32 to index
      %swap3A_620 = arith.index_cast %scan3A_608 : i32 to index
      %swap3A_621 = arith.constant 0 : index
      %swap3A_622 = tpu.vector_load %arg7[%swap3A_619, %swap3A_620, %swap3A_621] {strides = array<i32>} : memref<2x256x64xf32, #tpu.memory_space<vmem>>, vector<1x1x16xf32>,
      %swap3A_623 = vector.shape_cast %swap3A_622 : vector<1x1x16xf32> to vector<16xf32>
      %swap3A_624 = vector.shape_cast %mul3A_617 : vector<16xf32> to vector<1x1x16xf32>
      tpu.vector_store %arg7[%swap3A_619, %swap3A_620, %swap3A_621], %swap3A_624 {strides = array<i32>} : memref<2x256x64xf32, #tpu.memory_space<vmem>>, vector<1x1x16xf32>,
      %get3A_625 = arith.constant 1 : i32
      %get3A_626 = arith.index_cast %get3A_625 : i32 to index
      %get3A_627 = arith.index_cast %scan3A_608 : i32 to index
      %get3A_628 = arith.constant 16 : index
      %get3A_629 = tpu.vector_load %arg6[%get3A_626, %get3A_627, %get3A_628] {strides = array<i32>} : memref<4x256x64xf32, #tpu.memory_space<vmem>>, vector<1x1x16xf32>,
      %get3A_630 = vector.shape_cast %get3A_629 : vector<1x1x16xf32> to vector<16xf32>
      %mul3A_631 = arith.constant 8.000000e+00 : f32
      %mul3A_632 = vector.broadcast %mul3A_631 : f32 to vector<16xf32>
      %mul3A_633 = arith.mulf %get3A_630, %mul3A_632 : vector<16xf32>
      %swap3A_634 = arith.constant 1 : i32
      %swap3A_635 = arith.index_cast %swap3A_634 : i32 to index
      %swap3A_636 = arith.index_cast %scan3A_608 : i32 to index
      %swap3A_637 = arith.constant 16 : index
      %swap3A_638 = tpu.vector_load %arg7[%swap3A_635, %swap3A_636, %swap3A_637] {strides = array<i32>} : memref<2x256x64xf32, #tpu.memory_space<vmem>>, vector<1x1x16xf32>,
      %swap3A_639 = vector.shape_cast %swap3A_638 : vector<1x1x16xf32> to vector<16xf32>
      %swap3A_640 = vector.shape_cast %mul3A_633 : vector<16xf32> to vector<1x1x16xf32>
      tpu.vector_store %arg7[%swap3A_635, %swap3A_636, %swap3A_637], %swap3A_640 {strides = array<i32>} : memref<2x256x64xf32, #tpu.memory_space<vmem>>, vector<1x1x16xf32>,
      %get3A_641 = arith.constant 1 : i32
      %get3A_642 = arith.index_cast %get3A_641 : i32 to index
      %get3A_643 = arith.index_cast %scan3A_608 : i32 to index
      %get3A_644 = arith.constant 32 : index
      %get3A_645 = tpu.vector_load %arg6[%get3A_642, %get3A_643, %get3A_644] {strides = array<i32>} : memref<4x256x64xf32, #tpu.memory_space<vmem>>, vector<1x1x16xf32>,
      %get3A_646 = vector.shape_cast %get3A_645 : vector<1x1x16xf32> to vector<16xf32>
      %mul3A_647 = arith.constant 8.000000e+00 : f32
      %mul3A_648 = vector.broadcast %mul3A_647 : f32 to vector<16xf32>
      %mul3A_649 = arith.mulf %get3A_646, %mul3A_648 : vector<16xf32>
      %swap3A_650 = arith.constant 1 : i32
      %swap3A_651 = arith.index_cast %swap3A_650 : i32 to index
      %swap3A_652 = arith.index_cast %scan3A_608 : i32 to index
      %swap3A_653 = arith.constant 32 : index
      %swap3A_654 = tpu.vector_load %arg7[%swap3A_651, %swap3A_652, %swap3A_653] {strides = array<i32>} : memref<2x256x64xf32, #tpu.memory_space<vmem>>, vector<1x1x16xf32>,
      %swap3A_655 = vector.shape_cast %swap3A_654 : vector<1x1x16xf32> to vector<16xf32>
      %swap3A_656 = vector.shape_cast %mul3A_649 : vector<16xf32> to vector<1x1x16xf32>
      tpu.vector_store %arg7[%swap3A_651, %swap3A_652, %swap3A_653], %swap3A_656 {strides = array<i32>} : memref<2x256x64xf32, #tpu.memory_space<vmem>>, vector<1x1x16xf32>,
      %get3A_657 = arith.constant 1 : i32
      %get3A_658 = arith.index_cast %get3A_657 : i32 to index
      %get3A_659 = arith.index_cast %scan3A_608 : i32 to index
      %get3A_660 = arith.constant 48 : index
      %get3A_661 = tpu.vector_load %arg6[%get3A_658, %get3A_659, %get3A_660] {strides = array<i32>} : memref<4x256x64xf32, #tpu.memory_space<vmem>>, vector<1x1x16xf32>,
      %get3A_662 = vector.shape_cast %get3A_661 : vector<1x1x16xf32> to vector<16xf32>
      %mul3A_663 = arith.constant 8.000000e+00 : f32
      %mul3A_664 = vector.broadcast %mul3A_663 : f32 to vector<16xf32>
      %mul3A_665 = arith.mulf %get3A_662, %mul3A_664 : vector<16xf32>
      %swap3A_666 = arith.constant 1 : i32
      %swap3A_667 = arith.index_cast %swap3A_666 : i32 to index
      %swap3A_668 = arith.index_cast %scan3A_608 : i32 to index
      %swap3A_669 = arith.constant 48 : index
      %swap3A_670 = tpu.vector_load %arg7[%swap3A_667, %swap3A_668, %swap3A_669] {strides = array<i32>} : memref<2x256x64xf32, #tpu.memory_space<vmem>>, vector<1x1x16xf32>,
      %swap3A_671 = vector.shape_cast %swap3A_670 : vector<1x1x16xf32> to vector<16xf32>
      %swap3A_672 = vector.shape_cast %mul3A_665 : vector<16xf32> to vector<1x1x16xf32>
      tpu.vector_store %arg7[%swap3A_667, %swap3A_668, %swap3A_669], %swap3A_672 {strides = array<i32>} : memref<2x256x64xf32, #tpu.memory_space<vmem>>, vector<1x1x16xf32>,
      %scan3A_673 = arith.constant 3 : i32
      %scan3A_674 = arith.addi %scan3A_478, %scan3A_673 : i32
      %get3A_675 = arith.constant 1 : i32
      %get3A_676 = arith.index_cast %get3A_675 : i32 to index
      %get3A_677 = arith.index_cast %scan3A_674 : i32 to index
      %get3A_678 = arith.constant 0 : index
      %get3A_679 = tpu.vector_load %arg6[%get3A_676, %get3A_677, %get3A_678] {strides = array<i32>} : memref<4x256x64xf32, #tpu.memory_space<vmem>>, vector<1x1x16xf32>,
      %get3A_680 = vector.shape_cast %get3A_679 : vector<1x1x16xf32> to vector<16xf32>
      %mul3A_681 = arith.constant 8.000000e+00 : f32
      %mul3A_682 = vector.broadcast %mul3A_681 : f32 to vector<16xf32>
      %mul3A_683 = arith.mulf %get3A_680, %mul3A_682 : vector<16xf32>
      %swap3A_684 = arith.constant 1 : i32
      %swap3A_685 = arith.index_cast %swap3A_684 : i32 to index
      %swap3A_686 = arith.index_cast %scan3A_674 : i32 to index
      %swap3A_687 = arith.constant 0 : index
      %swap3A_688 = tpu.vector_load %arg7[%swap3A_685, %swap3A_686, %swap3A_687] {strides = array<i32>} : memref<2x256x64xf32, #tpu.memory_space<vmem>>, vector<1x1x16xf32>,
      %swap3A_689 = vector.shape_cast %swap3A_688 : vector<1x1x16xf32> to vector<16xf32>
      %swap3A_690 = vector.shape_cast %mul3A_683 : vector<16xf32> to vector<1x1x16xf32>
      tpu.vector_store %arg7[%swap3A_685, %swap3A_686, %swap3A_687], %swap3A_690 {strides = array<i32>} : memref<2x256x64xf32, #tpu.memory_space<vmem>>, vector<1x1x16xf32>,
      %get3A_691 = arith.constant 1 : i32
      %get3A_692 = arith.index_cast %get3A_691 : i32 to index
      %get3A_693 = arith.index_cast %scan3A_674 : i32 to index
      %get3A_694 = arith.constant 16 : index
      %get3A_695 = tpu.vector_load %arg6[%get3A_692, %get3A_693, %get3A_694] {strides = array<i32>} : memref<4x256x64xf32, #tpu.memory_space<vmem>>, vector<1x1x16xf32>,
      %get3A_696 = vector.shape_cast %get3A_695 : vector<1x1x16xf32> to vector<16xf32>
      %mul3A_697 = arith.constant 8.000000e+00 : f32
      %mul3A_698 = vector.broadcast %mul3A_697 : f32 to vector<16xf32>
      %mul3A_699 = arith.mulf %get3A_696, %mul3A_698 : vector<16xf32>
      %swap3A_700 = arith.constant 1 : i32
      %swap3A_701 = arith.index_cast %swap3A_700 : i32 to index
      %swap3A_702 = arith.index_cast %scan3A_674 : i32 to index
      %swap3A_703 = arith.constant 16 : index
      %swap3A_704 = tpu.vector_load %arg7[%swap3A_701, %swap3A_702, %swap3A_703] {strides = array<i32>} : memref<2x256x64xf32, #tpu.memory_space<vmem>>, vector<1x1x16xf32>,
      %swap3A_705 = vector.shape_cast %swap3A_704 : vector<1x1x16xf32> to vector<16xf32>
      %swap3A_706 = vector.shape_cast %mul3A_699 : vector<16xf32> to vector<1x1x16xf32>
      tpu.vector_store %arg7[%swap3A_701, %swap3A_702, %swap3A_703], %swap3A_706 {strides = array<i32>} : memref<2x256x64xf32, #tpu.memory_space<vmem>>, vector<1x1x16xf32>,
      %get3A_707 = arith.constant 1 : i32
      %get3A_708 = arith.index_cast %get3A_707 : i32 to index
      %get3A_709 = arith.index_cast %scan3A_674 : i32 to index
      %get3A_710 = arith.constant 32 : index
      %get3A_711 = tpu.vector_load %arg6[%get3A_708, %get3A_709, %get3A_710] {strides = array<i32>} : memref<4x256x64xf32, #tpu.memory_space<vmem>>, vector<1x1x16xf32>,
      %get3A_712 = vector.shape_cast %get3A_711 : vector<1x1x16xf32> to vector<16xf32>
      %mul3A_713 = arith.constant 8.000000e+00 : f32
      %mul3A_714 = vector.broadcast %mul3A_713 : f32 to vector<16xf32>
      %mul3A_715 = arith.mulf %get3A_712, %mul3A_714 : vector<16xf32>
      %swap3A_716 = arith.constant 1 : i32
      %swap3A_717 = arith.index_cast %swap3A_716 : i32 to index
      %swap3A_718 = arith.index_cast %scan3A_674 : i32 to index
      %swap3A_719 = arith.constant 32 : index
      %swap3A_720 = tpu.vector_load %arg7[%swap3A_717, %swap3A_718, %swap3A_719] {strides = array<i32>} : memref<2x256x64xf32, #tpu.memory_space<vmem>>, vector<1x1x16xf32>,
      %swap3A_721 = vector.shape_cast %swap3A_720 : vector<1x1x16xf32> to vector<16xf32>
      %swap3A_722 = vector.shape_cast %mul3A_715 : vector<16xf32> to vector<1x1x16xf32>
      tpu.vector_store %arg7[%swap3A_717, %swap3A_718, %swap3A_719], %swap3A_722 {strides = array<i32>} : memref<2x256x64xf32, #tpu.memory_space<vmem>>, vector<1x1x16xf32>,
      %get3A_723 = arith.constant 1 : i32
      %get3A_724 = arith.index_cast %get3A_723 : i32 to index
      %get3A_725 = arith.index_cast %scan3A_674 : i32 to index
      %get3A_726 = arith.constant 48 : index
      %get3A_727 = tpu.vector_load %arg6[%get3A_724, %get3A_725, %get3A_726] {strides = array<i32>} : memref<4x256x64xf32, #tpu.memory_space<vmem>>, vector<1x1x16xf32>,
      %get3A_728 = vector.shape_cast %get3A_727 : vector<1x1x16xf32> to vector<16xf32>
      %mul3A_729 = arith.constant 8.000000e+00 : f32
      %mul3A_730 = vector.broadcast %mul3A_729 : f32 to vector<16xf32>
      %mul3A_731 = arith.mulf %get3A_728, %mul3A_730 : vector<16xf32>
      %swap3A_732 = arith.constant 1 : i32
      %swap3A_733 = arith.index_cast %swap3A_732 : i32 to index
      %swap3A_734 = arith.index_cast %scan3A_674 : i32 to index
      %swap3A_735 = arith.constant 48 : index
      %swap3A_736 = tpu.vector_load %arg7[%swap3A_733, %swap3A_734, %swap3A_735] {strides = array<i32>} : memref<2x256x64xf32, #tpu.memory_space<vmem>>, vector<1x1x16xf32>,
      %swap3A_737 = vector.shape_cast %swap3A_736 : vector<1x1x16xf32> to vector<16xf32>
      %swap3A_738 = vector.shape_cast %mul3A_731 : vector<16xf32> to vector<1x1x16xf32>
      tpu.vector_store %arg7[%swap3A_733, %swap3A_734, %swap3A_735], %swap3A_738 {strides = array<i32>} : memref<2x256x64xf32, #tpu.memory_space<vmem>>, vector<1x1x16xf32>,
    }
    %scan3A_338 = arith.constant 256 : i32
    %add3A_339 = arith.constant 24832 : i32
    %add3A_340 = arith.addi %mul3A_2, %add3A_339 : i32
    %dma_start3A_341 = arith.constant 1 : i32
    %dma_start3A_342 = arith.constant 0 : i32
    %dma_start3A_343 = arith.constant 0 : i32
    %dma_start3A_344 = tpu.memref_slice %arg7[%dma_start3A_341, %dma_start3A_342, %dma_start3A_343] : memref<2x256x64xf32, #tpu.memory_space<vmem>> -> memref<1x256x64xf32, #tpu.memory_space<vmem>>
    %dma_start3A_345 = tpu.memref_squeeze %dma_start3A_344 : memref<1x256x64xf32, #tpu.memory_space<vmem>> -> memref<256x64xf32, #tpu.memory_space<vmem>>
    %dma_start3A_346 = arith.constant 0 : i32
    %dma_start3A_347 = tpu.memref_slice %arg4[%add3A_340, %dma_start3A_346] : memref<819200x64xf32, #tpu.memory_space<hbm>> -> memref<256x64xf32, #tpu.memory_space<hbm>>
    %dma_start3A_348 = arith.constant 0 : i32
    %dma_start3A_349 = tpu.memref_slice %arg4[%add3A_340, %dma_start3A_348] : memref<819200x64xf32, #tpu.memory_space<hbm>> -> memref<256x64xf32, #tpu.memory_space<hbm>>
    %dma_start3A_350 = arith.constant 0 : i32
    %dma_start3A_351 = arith.constant 0 : i32
    %dma_start3A_352 = tpu.memref_slice %arg7[%dma_start3A_341, %dma_start3A_350, %dma_start3A_351] : memref<2x256x64xf32, #tpu.memory_space<vmem>> -> memref<1x256x64xf32, #tpu.memory_space<vmem>>
    %dma_start3A_353 = tpu.memref_squeeze %dma_start3A_352 : memref<1x256x64xf32, #tpu.memory_space<vmem>> -> memref<256x64xf32, #tpu.memory_space<vmem>>
    tpu.enqueue_dma source(%dma_start3A_353 : memref<256x64xf32, #tpu.memory_space<vmem>>) target(%dma_start3A_349 : memref<256x64xf32, #tpu.memory_space<hbm>>) target_semaphore(%arg13 : memref<!tpu.dma_semaphore, #tpu.memory_space<semaphore_mem>>)
    %dma_wait3A_354 = arith.constant 2 : i32
    %dma_wait3A_355 = arith.constant 0 : i32
    %dma_wait3A_356 = arith.constant 0 : i32
    %dma_wait3A_357 = tpu.memref_slice %arg6[%dma_wait3A_354, %dma_wait3A_355, %dma_wait3A_356] : memref<4x256x64xf32, #tpu.memory_space<vmem>> -> memref<1x256x64xf32, #tpu.memory_space<vmem>>
    %dma_wait3A_358 = tpu.memref_squeeze %dma_wait3A_357 : memref<1x256x64xf32, #tpu.memory_space<vmem>> -> memref<256x64xf32, #tpu.memory_space<vmem>>
    %dma_wait3A_359 = arith.constant 0 : i32
    %dma_wait3A_360 = arith.constant 0 : i32
    %dma_wait3A_361 = tpu.memref_slice %arg3[%dma_wait3A_359, %dma_wait3A_360] : memref<1000000x64xf32, #tpu.memory_space<hbm>> -> memref<256x64xf32, #tpu.memory_space<hbm>>
    %dma_wait3A_362 = arith.constant 0 : i32
    %dma_wait3A_363 = arith.constant 0 : i32
    %dma_wait3A_364 = tpu.memref_slice %arg6[%dma_wait3A_354, %dma_wait3A_362, %dma_wait3A_363] : memref<4x256x64xf32, #tpu.memory_space<vmem>> -> memref<1x256x64xf32, #tpu.memory_space<vmem>>
    %dma_wait3A_365 = tpu.memref_squeeze %dma_wait3A_364 : memref<1x256x64xf32, #tpu.memory_space<vmem>> -> memref<256x64xf32, #tpu.memory_space<vmem>>
    %dma_wait3A_366 = arith.constant 0 : i32
    %dma_wait3A_367 = arith.constant 0 : i32
    %dma_wait3A_368 = tpu.memref_slice %arg3[%dma_wait3A_366, %dma_wait3A_367] : memref<1000000x64xf32, #tpu.memory_space<hbm>> -> memref<256x64xf32, #tpu.memory_space<hbm>>
    tpu.wait_dma2 semaphore(%arg10 : memref<!tpu.dma_semaphore, #tpu.memory_space<semaphore_mem>>) src(%dma_wait3A_368 : memref<256x64xf32, #tpu.memory_space<hbm>>) dst(%dma_wait3A_365 : memref<256x64xf32, #tpu.memory_space<vmem>>)
    %dma_wait3A_369 = arith.constant 0 : i32
    %dma_wait3A_370 = arith.constant 0 : i32
    %dma_wait3A_371 = arith.constant 0 : i32
    %dma_wait3A_372 = tpu.memref_slice %arg7[%dma_wait3A_369, %dma_wait3A_370, %dma_wait3A_371] : memref<2x256x64xf32, #tpu.memory_space<vmem>> -> memref<1x256x64xf32, #tpu.memory_space<vmem>>
    %dma_wait3A_373 = tpu.memref_squeeze %dma_wait3A_372 : memref<1x256x64xf32, #tpu.memory_space<vmem>> -> memref<256x64xf32, #tpu.memory_space<vmem>>
    %dma_wait3A_374 = arith.constant 0 : i32
    %dma_wait3A_375 = tpu.memref_slice %arg4[%mul3A_2, %dma_wait3A_374] : memref<819200x64xf32, #tpu.memory_space<hbm>> -> memref<256x64xf32, #tpu.memory_space<hbm>>
    %dma_wait3A_376 = arith.constant 0 : i32
    %dma_wait3A_377 = tpu.memref_slice %arg4[%mul3A_2, %dma_wait3A_376] : memref<819200x64xf32, #tpu.memory_space<hbm>> -> memref<256x64xf32, #tpu.memory_space<hbm>>
    %dma_wait3A_378 = arith.constant 0 : i32
    %dma_wait3A_379 = arith.constant 0 : i32
    %dma_wait3A_380 = tpu.memref_slice %arg7[%dma_wait3A_369, %dma_wait3A_378, %dma_wait3A_379] : memref<2x256x64xf32, #tpu.memory_space<vmem>> -> memref<1x256x64xf32, #tpu.memory_space<vmem>>
    %dma_wait3A_381 = tpu.memref_squeeze %dma_wait3A_380 : memref<1x256x64xf32, #tpu.memory_space<vmem>> -> memref<256x64xf32, #tpu.memory_space<vmem>>
    tpu.wait_dma2 semaphore(%arg12 : memref<!tpu.dma_semaphore, #tpu.memory_space<semaphore_mem>>) src(%dma_wait3A_381 : memref<256x64xf32, #tpu.memory_space<vmem>>) dst(%dma_wait3A_377 : memref<256x64xf32, #tpu.memory_space<hbm>>)
    %scan3A_382 = arith.constant 0 : i32
    %scan3A_383 = arith.constant 0 : i32
    %scan3A_384 = arith.constant 256 : i32
    %scan3A_385 = arith.addi %scan3A_383, %scan3A_384 : i32
    %scan3A_386 = arith.constant 4 : i32
    scf.for %scan3A_478 = %scan3A_383 to %scan3A_385 step %scan3A_386  : i32 {
      %get3A = arith.constant 2 : i32
      %get3A_479 = arith.index_cast %get3A : i32 to index
      %get3A_480 = arith.index_cast %scan3A_478 : i32 to index
      %get3A_481 = arith.constant 0 : index
      %get3A_482 = tpu.vector_load %arg6[%get3A_479, %get3A_480, %get3A_481] {strides = array<i32>} : memref<4x256x64xf32, #tpu.memory_space<vmem>>, vector<1x1x16xf32>,
      %get3A_483 = vector.shape_cast %get3A_482 : vector<1x1x16xf32> to vector<16xf32>
      %mul3A_484 = arith.constant 8.000000e+00 : f32
      %mul3A_485 = vector.broadcast %mul3A_484 : f32 to vector<16xf32>
      %mul3A_486 = arith.mulf %get3A_483, %mul3A_485 : vector<16xf32>
      %swap3A = arith.constant 0 : i32
      %swap3A_487 = arith.index_cast %swap3A : i32 to index
      %swap3A_488 = arith.index_cast %scan3A_478 : i32 to index
      %swap3A_489 = arith.constant 0 : index
      %swap3A_490 = tpu.vector_load %arg7[%swap3A_487, %swap3A_488, %swap3A_489] {strides = array<i32>} : memref<2x256x64xf32, #tpu.memory_space<vmem>>, vector<1x1x16xf32>,
      %swap3A_491 = vector.shape_cast %swap3A_490 : vector<1x1x16xf32> to vector<16xf32>
      %swap3A_492 = vector.shape_cast %mul3A_486 : vector<16xf32> to vector<1x1x16xf32>
      tpu.vector_store %arg7[%swap3A_487, %swap3A_488, %swap3A_489], %swap3A_492 {strides = array<i32>} : memref<2x256x64xf32, #tpu.memory_space<vmem>>, vector<1x1x16xf32>,
      %get3A_493 = arith.constant 2 : i32
      %get3A_494 = arith.index_cast %get3A_493 : i32 to index
      %get3A_495 = arith.index_cast %scan3A_478 : i32 to index
      %get3A_496 = arith.constant 16 : index
      %get3A_497 = tpu.vector_load %arg6[%get3A_494, %get3A_495, %get3A_496] {strides = array<i32>} : memref<4x256x64xf32, #tpu.memory_space<vmem>>, vector<1x1x16xf32>,
      %get3A_498 = vector.shape_cast %get3A_497 : vector<1x1x16xf32> to vector<16xf32>
      %mul3A_499 = arith.constant 8.000000e+00 : f32
      %mul3A_500 = vector.broadcast %mul3A_499 : f32 to vector<16xf32>
      %mul3A_501 = arith.mulf %get3A_498, %mul3A_500 : vector<16xf32>
      %swap3A_502 = arith.constant 0 : i32
      %swap3A_503 = arith.index_cast %swap3A_502 : i32 to index
      %swap3A_504 = arith.index_cast %scan3A_478 : i32 to index
      %swap3A_505 = arith.constant 16 : index
      %swap3A_506 = tpu.vector_load %arg7[%swap3A_503, %swap3A_504, %swap3A_505] {strides = array<i32>} : memref<2x256x64xf32, #tpu.memory_space<vmem>>, vector<1x1x16xf32>,
      %swap3A_507 = vector.shape_cast %swap3A_506 : vector<1x1x16xf32> to vector<16xf32>
      %swap3A_508 = vector.shape_cast %mul3A_501 : vector<16xf32> to vector<1x1x16xf32>
      tpu.vector_store %arg7[%swap3A_503, %swap3A_504, %swap3A_505], %swap3A_508 {strides = array<i32>} : memref<2x256x64xf32, #tpu.memory_space<vmem>>, vector<1x1x16xf32>,
      %get3A_509 = arith.constant 2 : i32
      %get3A_510 = arith.index_cast %get3A_509 : i32 to index
      %get3A_511 = arith.index_cast %scan3A_478 : i32 to index
      %get3A_512 = arith.constant 32 : index
      %get3A_513 = tpu.vector_load %arg6[%get3A_510, %get3A_511, %get3A_512] {strides = array<i32>} : memref<4x256x64xf32, #tpu.memory_space<vmem>>, vector<1x1x16xf32>,
      %get3A_514 = vector.shape_cast %get3A_513 : vector<1x1x16xf32> to vector<16xf32>
      %mul3A_515 = arith.constant 8.000000e+00 : f32
      %mul3A_516 = vector.broadcast %mul3A_515 : f32 to vector<16xf32>
      %mul3A_517 = arith.mulf %get3A_514, %mul3A_516 : vector<16xf32>
      %swap3A_518 = arith.constant 0 : i32
      %swap3A_519 = arith.index_cast %swap3A_518 : i32 to index
      %swap3A_520 = arith.index_cast %scan3A_478 : i32 to index
      %swap3A_521 = arith.constant 32 : index
      %swap3A_522 = tpu.vector_load %arg7[%swap3A_519, %swap3A_520, %swap3A_521] {strides = array<i32>} : memref<2x256x64xf32, #tpu.memory_space<vmem>>, vector<1x1x16xf32>,
      %swap3A_523 = vector.shape_cast %swap3A_522 : vector<1x1x16xf32> to vector<16xf32>
      %swap3A_524 = vector.shape_cast %mul3A_517 : vector<16xf32> to vector<1x1x16xf32>
      tpu.vector_store %arg7[%swap3A_519, %swap3A_520, %swap3A_521], %swap3A_524 {strides = array<i32>} : memref<2x256x64xf32, #tpu.memory_space<vmem>>, vector<1x1x16xf32>,
      %get3A_525 = arith.constant 2 : i32
      %get3A_526 = arith.index_cast %get3A_525 : i32 to index
      %get3A_527 = arith.index_cast %scan3A_478 : i32 to index
      %get3A_528 = arith.constant 48 : index
      %get3A_529 = tpu.vector_load %arg6[%get3A_526, %get3A_527, %get3A_528] {strides = array<i32>} : memref<4x256x64xf32, #tpu.memory_space<vmem>>, vector<1x1x16xf32>,
      %get3A_530 = vector.shape_cast %get3A_529 : vector<1x1x16xf32> to vector<16xf32>
      %mul3A_531 = arith.constant 8.000000e+00 : f32
      %mul3A_532 = vector.broadcast %mul3A_531 : f32 to vector<16xf32>
      %mul3A_533 = arith.mulf %get3A_530, %mul3A_532 : vector<16xf32>
      %swap3A_534 = arith.constant 0 : i32
      %swap3A_535 = arith.index_cast %swap3A_534 : i32 to index
      %swap3A_536 = arith.index_cast %scan3A_478 : i32 to index
      %swap3A_537 = arith.constant 48 : index
      %swap3A_538 = tpu.vector_load %arg7[%swap3A_535, %swap3A_536, %swap3A_537] {strides = array<i32>} : memref<2x256x64xf32, #tpu.memory_space<vmem>>, vector<1x1x16xf32>,
      %swap3A_539 = vector.shape_cast %swap3A_538 : vector<1x1x16xf32> to vector<16xf32>
      %swap3A_540 = vector.shape_cast %mul3A_533 : vector<16xf32> to vector<1x1x16xf32>
      tpu.vector_store %arg7[%swap3A_535, %swap3A_536, %swap3A_537], %swap3A_540 {strides = array<i32>} : memref<2x256x64xf32, #tpu.memory_space<vmem>>, vector<1x1x16xf32>,
      %scan3A_541 = arith.constant 1 : i32
      %scan3A_542 = arith.addi %scan3A_478, %scan3A_541 : i32
      %get3A_543 = arith.constant 2 : i32
      %get3A_544 = arith.index_cast %get3A_543 : i32 to index
      %get3A_545 = arith.index_cast %scan3A_542 : i32 to index
      %get3A_546 = arith.constant 0 : index
      %get3A_547 = tpu.vector_load %arg6[%get3A_544, %get3A_545, %get3A_546] {strides = array<i32>} : memref<4x256x64xf32, #tpu.memory_space<vmem>>, vector<1x1x16xf32>,
      %get3A_548 = vector.shape_cast %get3A_547 : vector<1x1x16xf32> to vector<16xf32>
      %mul3A_549 = arith.constant 8.000000e+00 : f32
      %mul3A_550 = vector.broadcast %mul3A_549 : f32 to vector<16xf32>
      %mul3A_551 = arith.mulf %get3A_548, %mul3A_550 : vector<16xf32>
      %swap3A_552 = arith.constant 0 : i32
      %swap3A_553 = arith.index_cast %swap3A_552 : i32 to index
      %swap3A_554 = arith.index_cast %scan3A_542 : i32 to index
      %swap3A_555 = arith.constant 0 : index
      %swap3A_556 = tpu.vector_load %arg7[%swap3A_553, %swap3A_554, %swap3A_555] {strides = array<i32>} : memref<2x256x64xf32, #tpu.memory_space<vmem>>, vector<1x1x16xf32>,
      %swap3A_557 = vector.shape_cast %swap3A_556 : vector<1x1x16xf32> to vector<16xf32>
      %swap3A_558 = vector.shape_cast %mul3A_551 : vector<16xf32> to vector<1x1x16xf32>
      tpu.vector_store %arg7[%swap3A_553, %swap3A_554, %swap3A_555], %swap3A_558 {strides = array<i32>} : memref<2x256x64xf32, #tpu.memory_space<vmem>>, vector<1x1x16xf32>,
      %get3A_559 = arith.constant 2 : i32
      %get3A_560 = arith.index_cast %get3A_559 : i32 to index
      %get3A_561 = arith.index_cast %scan3A_542 : i32 to index
      %get3A_562 = arith.constant 16 : index
      %get3A_563 = tpu.vector_load %arg6[%get3A_560, %get3A_561, %get3A_562] {strides = array<i32>} : memref<4x256x64xf32, #tpu.memory_space<vmem>>, vector<1x1x16xf32>,
      %get3A_564 = vector.shape_cast %get3A_563 : vector<1x1x16xf32> to vector<16xf32>
      %mul3A_565 = arith.constant 8.000000e+00 : f32
      %mul3A_566 = vector.broadcast %mul3A_565 : f32 to vector<16xf32>
      %mul3A_567 = arith.mulf %get3A_564, %mul3A_566 : vector<16xf32>
      %swap3A_568 = arith.constant 0 : i32
      %swap3A_569 = arith.index_cast %swap3A_568 : i32 to index
      %swap3A_570 = arith.index_cast %scan3A_542 : i32 to index
      %swap3A_571 = arith.constant 16 : index
      %swap3A_572 = tpu.vector_load %arg7[%swap3A_569, %swap3A_570, %swap3A_571] {strides = array<i32>} : memref<2x256x64xf32, #tpu.memory_space<vmem>>, vector<1x1x16xf32>,
      %swap3A_573 = vector.shape_cast %swap3A_572 : vector<1x1x16xf32> to vector<16xf32>
      %swap3A_574 = vector.shape_cast %mul3A_567 : vector<16xf32> to vector<1x1x16xf32>
      tpu.vector_store %arg7[%swap3A_569, %swap3A_570, %swap3A_571], %swap3A_574 {strides = array<i32>} : memref<2x256x64xf32, #tpu.memory_space<vmem>>, vector<1x1x16xf32>,
      %get3A_575 = arith.constant 2 : i32
      %get3A_576 = arith.index_cast %get3A_575 : i32 to index
      %get3A_577 = arith.index_cast %scan3A_542 : i32 to index
      %get3A_578 = arith.constant 32 : index
      %get3A_579 = tpu.vector_load %arg6[%get3A_576, %get3A_577, %get3A_578] {strides = array<i32>} : memref<4x256x64xf32, #tpu.memory_space<vmem>>, vector<1x1x16xf32>,
      %get3A_580 = vector.shape_cast %get3A_579 : vector<1x1x16xf32> to vector<16xf32>
      %mul3A_581 = arith.constant 8.000000e+00 : f32
      %mul3A_582 = vector.broadcast %mul3A_581 : f32 to vector<16xf32>
      %mul3A_583 = arith.mulf %get3A_580, %mul3A_582 : vector<16xf32>
      %swap3A_584 = arith.constant 0 : i32
      %swap3A_585 = arith.index_cast %swap3A_584 : i32 to index
      %swap3A_586 = arith.index_cast %scan3A_542 : i32 to index
      %swap3A_587 = arith.constant 32 : index
      %swap3A_588 = tpu.vector_load %arg7[%swap3A_585, %swap3A_586, %swap3A_587] {strides = array<i32>} : memref<2x256x64xf32, #tpu.memory_space<vmem>>, vector<1x1x16xf32>,
      %swap3A_589 = vector.shape_cast %swap3A_588 : vector<1x1x16xf32> to vector<16xf32>
      %swap3A_590 = vector.shape_cast %mul3A_583 : vector<16xf32> to vector<1x1x16xf32>
      tpu.vector_store %arg7[%swap3A_585, %swap3A_586, %swap3A_587], %swap3A_590 {strides = array<i32>} : memref<2x256x64xf32, #tpu.memory_space<vmem>>, vector<1x1x16xf32>,
      %get3A_591 = arith.constant 2 : i32
      %get3A_592 = arith.index_cast %get3A_591 : i32 to index
      %get3A_593 = arith.index_cast %scan3A_542 : i32 to index
      %get3A_594 = arith.constant 48 : index
      %get3A_595 = tpu.vector_load %arg6[%get3A_592, %get3A_593, %get3A_594] {strides = array<i32>} : memref<4x256x64xf32, #tpu.memory_space<vmem>>, vector<1x1x16xf32>,
      %get3A_596 = vector.shape_cast %get3A_595 : vector<1x1x16xf32> to vector<16xf32>
      %mul3A_597 = arith.constant 8.000000e+00 : f32
      %mul3A_598 = vector.broadcast %mul3A_597 : f32 to vector<16xf32>
      %mul3A_599 = arith.mulf %get3A_596, %mul3A_598 : vector<16xf32>
      %swap3A_600 = arith.constant 0 : i32
      %swap3A_601 = arith.index_cast %swap3A_600 : i32 to index
      %swap3A_602 = arith.index_cast %scan3A_542 : i32 to index
      %swap3A_603 = arith.constant 48 : index
      %swap3A_604 = tpu.vector_load %arg7[%swap3A_601, %swap3A_602, %swap3A_603] {strides = array<i32>} : memref<2x256x64xf32, #tpu.memory_space<vmem>>, vector<1x1x16xf32>,
      %swap3A_605 = vector.shape_cast %swap3A_604 : vector<1x1x16xf32> to vector<16xf32>
      %swap3A_606 = vector.shape_cast %mul3A_599 : vector<16xf32> to vector<1x1x16xf32>
      tpu.vector_store %arg7[%swap3A_601, %swap3A_602, %swap3A_603], %swap3A_606 {strides = array<i32>} : memref<2x256x64xf32, #tpu.memory_space<vmem>>, vector<1x1x16xf32>,
      %scan3A_607 = arith.constant 2 : i32
      %scan3A_608 = arith.addi %scan3A_478, %scan3A_607 : i32
      %get3A_609 = arith.constant 2 : i32
      %get3A_610 = arith.index_cast %get3A_609 : i32 to index
      %get3A_611 = arith.index_cast %scan3A_608 : i32 to index
      %get3A_612 = arith.constant 0 : index
      %get3A_613 = tpu.vector_load %arg6[%get3A_610, %get3A_611, %get3A_612] {strides = array<i32>} : memref<4x256x64xf32, #tpu.memory_space<vmem>>, vector<1x1x16xf32>,
      %get3A_614 = vector.shape_cast %get3A_613 : vector<1x1x16xf32> to vector<16xf32>
      %mul3A_615 = arith.constant 8.000000e+00 : f32
      %mul3A_616 = vector.broadcast %mul3A_615 : f32 to vector<16xf32>
      %mul3A_617 = arith.mulf %get3A_614, %mul3A_616 : vector<16xf32>
      %swap3A_618 = arith.constant 0 : i32
      %swap3A_619 = arith.index_cast %swap3A_618 : i32 to index
      %swap3A_620 = arith.index_cast %scan3A_608 : i32 to index
      %swap3A_621 = arith.constant 0 : index
      %swap3A_622 = tpu.vector_load %arg7[%swap3A_619, %swap3A_620, %swap3A_621] {strides = array<i32>} : memref<2x256x64xf32, #tpu.memory_space<vmem>>, vector<1x1x16xf32>,
      %swap3A_623 = vector.shape_cast %swap3A_622 : vector<1x1x16xf32> to vector<16xf32>
      %swap3A_624 = vector.shape_cast %mul3A_617 : vector<16xf32> to vector<1x1x16xf32>
      tpu.vector_store %arg7[%swap3A_619, %swap3A_620, %swap3A_621], %swap3A_624 {strides = array<i32>} : memref<2x256x64xf32, #tpu.memory_space<vmem>>, vector<1x1x16xf32>,
      %get3A_625 = arith.constant 2 : i32
      %get3A_626 = arith.index_cast %get3A_625 : i32 to index
      %get3A_627 = arith.index_cast %scan3A_608 : i32 to index
      %get3A_628 = arith.constant 16 : index
      %get3A_629 = tpu.vector_load %arg6[%get3A_626, %get3A_627, %get3A_628] {strides = array<i32>} : memref<4x256x64xf32, #tpu.memory_space<vmem>>, vector<1x1x16xf32>,
      %get3A_630 = vector.shape_cast %get3A_629 : vector<1x1x16xf32> to vector<16xf32>
      %mul3A_631 = arith.constant 8.000000e+00 : f32
      %mul3A_632 = vector.broadcast %mul3A_631 : f32 to vector<16xf32>
      %mul3A_633 = arith.mulf %get3A_630, %mul3A_632 : vector<16xf32>
      %swap3A_634 = arith.constant 0 : i32
      %swap3A_635 = arith.index_cast %swap3A_634 : i32 to index
      %swap3A_636 = arith.index_cast %scan3A_608 : i32 to index
      %swap3A_637 = arith.constant 16 : index
      %swap3A_638 = tpu.vector_load %arg7[%swap3A_635, %swap3A_636, %swap3A_637] {strides = array<i32>} : memref<2x256x64xf32, #tpu.memory_space<vmem>>, vector<1x1x16xf32>,
      %swap3A_639 = vector.shape_cast %swap3A_638 : vector<1x1x16xf32> to vector<16xf32>
      %swap3A_640 = vector.shape_cast %mul3A_633 : vector<16xf32> to vector<1x1x16xf32>
      tpu.vector_store %arg7[%swap3A_635, %swap3A_636, %swap3A_637], %swap3A_640 {strides = array<i32>} : memref<2x256x64xf32, #tpu.memory_space<vmem>>, vector<1x1x16xf32>,
      %get3A_641 = arith.constant 2 : i32
      %get3A_642 = arith.index_cast %get3A_641 : i32 to index
      %get3A_643 = arith.index_cast %scan3A_608 : i32 to index
      %get3A_644 = arith.constant 32 : index
      %get3A_645 = tpu.vector_load %arg6[%get3A_642, %get3A_643, %get3A_644] {strides = array<i32>} : memref<4x256x64xf32, #tpu.memory_space<vmem>>, vector<1x1x16xf32>,
      %get3A_646 = vector.shape_cast %get3A_645 : vector<1x1x16xf32> to vector<16xf32>
      %mul3A_647 = arith.constant 8.000000e+00 : f32
      %mul3A_648 = vector.broadcast %mul3A_647 : f32 to vector<16xf32>
      %mul3A_649 = arith.mulf %get3A_646, %mul3A_648 : vector<16xf32>
      %swap3A_650 = arith.constant 0 : i32
      %swap3A_651 = arith.index_cast %swap3A_650 : i32 to index
      %swap3A_652 = arith.index_cast %scan3A_608 : i32 to index
      %swap3A_653 = arith.constant 32 : index
      %swap3A_654 = tpu.vector_load %arg7[%swap3A_651, %swap3A_652, %swap3A_653] {strides = array<i32>} : memref<2x256x64xf32, #tpu.memory_space<vmem>>, vector<1x1x16xf32>,
      %swap3A_655 = vector.shape_cast %swap3A_654 : vector<1x1x16xf32> to vector<16xf32>
      %swap3A_656 = vector.shape_cast %mul3A_649 : vector<16xf32> to vector<1x1x16xf32>
      tpu.vector_store %arg7[%swap3A_651, %swap3A_652, %swap3A_653], %swap3A_656 {strides = array<i32>} : memref<2x256x64xf32, #tpu.memory_space<vmem>>, vector<1x1x16xf32>,
      %get3A_657 = arith.constant 2 : i32
      %get3A_658 = arith.index_cast %get3A_657 : i32 to index
      %get3A_659 = arith.index_cast %scan3A_608 : i32 to index
      %get3A_660 = arith.constant 48 : index
      %get3A_661 = tpu.vector_load %arg6[%get3A_658, %get3A_659, %get3A_660] {strides = array<i32>} : memref<4x256x64xf32, #tpu.memory_space<vmem>>, vector<1x1x16xf32>,
      %get3A_662 = vector.shape_cast %get3A_661 : vector<1x1x16xf32> to vector<16xf32>
      %mul3A_663 = arith.constant 8.000000e+00 : f32
      %mul3A_664 = vector.broadcast %mul3A_663 : f32 to vector<16xf32>
      %mul3A_665 = arith.mulf %get3A_662, %mul3A_664 : vector<16xf32>
      %swap3A_666 = arith.constant 0 : i32
      %swap3A_667 = arith.index_cast %swap3A_666 : i32 to index
      %swap3A_668 = arith.index_cast %scan3A_608 : i32 to index
      %swap3A_669 = arith.constant 48 : index
      %swap3A_670 = tpu.vector_load %arg7[%swap3A_667, %swap3A_668, %swap3A_669] {strides = array<i32>} : memref<2x256x64xf32, #tpu.memory_space<vmem>>, vector<1x1x16xf32>,
      %swap3A_671 = vector.shape_cast %swap3A_670 : vector<1x1x16xf32> to vector<16xf32>
      %swap3A_672 = vector.shape_cast %mul3A_665 : vector<16xf32> to vector<1x1x16xf32>
      tpu.vector_store %arg7[%swap3A_667, %swap3A_668, %swap3A_669], %swap3A_672 {strides = array<i32>} : memref<2x256x64xf32, #tpu.memory_space<vmem>>, vector<1x1x16xf32>,
      %scan3A_673 = arith.constant 3 : i32
      %scan3A_674 = arith.addi %scan3A_478, %scan3A_673 : i32
      %get3A_675 = arith.constant 2 : i32
      %get3A_676 = arith.index_cast %get3A_675 : i32 to index
      %get3A_677 = arith.index_cast %scan3A_674 : i32 to index
      %get3A_678 = arith.constant 0 : index
      %get3A_679 = tpu.vector_load %arg6[%get3A_676, %get3A_677, %get3A_678] {strides = array<i32>} : memref<4x256x64xf32, #tpu.memory_space<vmem>>, vector<1x1x16xf32>,
      %get3A_680 = vector.shape_cast %get3A_679 : vector<1x1x16xf32> to vector<16xf32>
      %mul3A_681 = arith.constant 8.000000e+00 : f32
      %mul3A_682 = vector.broadcast %mul3A_681 : f32 to vector<16xf32>
      %mul3A_683 = arith.mulf %get3A_680, %mul3A_682 : vector<16xf32>
      %swap3A_684 = arith.constant 0 : i32
      %swap3A_685 = arith.index_cast %swap3A_684 : i32 to index
      %swap3A_686 = arith.index_cast %scan3A_674 : i32 to index
      %swap3A_687 = arith.constant 0 : index
      %swap3A_688 = tpu.vector_load %arg7[%swap3A_685, %swap3A_686, %swap3A_687] {strides = array<i32>} : memref<2x256x64xf32, #tpu.memory_space<vmem>>, vector<1x1x16xf32>,
      %swap3A_689 = vector.shape_cast %swap3A_688 : vector<1x1x16xf32> to vector<16xf32>
      %swap3A_690 = vector.shape_cast %mul3A_683 : vector<16xf32> to vector<1x1x16xf32>
      tpu.vector_store %arg7[%swap3A_685, %swap3A_686, %swap3A_687], %swap3A_690 {strides = array<i32>} : memref<2x256x64xf32, #tpu.memory_space<vmem>>, vector<1x1x16xf32>,
      %get3A_691 = arith.constant 2 : i32
      %get3A_692 = arith.index_cast %get3A_691 : i32 to index
      %get3A_693 = arith.index_cast %scan3A_674 : i32 to index
      %get3A_694 = arith.constant 16 : index
      %get3A_695 = tpu.vector_load %arg6[%get3A_692, %get3A_693, %get3A_694] {strides = array<i32>} : memref<4x256x64xf32, #tpu.memory_space<vmem>>, vector<1x1x16xf32>,
      %get3A_696 = vector.shape_cast %get3A_695 : vector<1x1x16xf32> to vector<16xf32>
      %mul3A_697 = arith.constant 8.000000e+00 : f32
      %mul3A_698 = vector.broadcast %mul3A_697 : f32 to vector<16xf32>
      %mul3A_699 = arith.mulf %get3A_696, %mul3A_698 : vector<16xf32>
      %swap3A_700 = arith.constant 0 : i32
      %swap3A_701 = arith.index_cast %swap3A_700 : i32 to index
      %swap3A_702 = arith.index_cast %scan3A_674 : i32 to index
      %swap3A_703 = arith.constant 16 : index
      %swap3A_704 = tpu.vector_load %arg7[%swap3A_701, %swap3A_702, %swap3A_703] {strides = array<i32>} : memref<2x256x64xf32, #tpu.memory_space<vmem>>, vector<1x1x16xf32>,
      %swap3A_705 = vector.shape_cast %swap3A_704 : vector<1x1x16xf32> to vector<16xf32>
      %swap3A_706 = vector.shape_cast %mul3A_699 : vector<16xf32> to vector<1x1x16xf32>
      tpu.vector_store %arg7[%swap3A_701, %swap3A_702, %swap3A_703], %swap3A_706 {strides = array<i32>} : memref<2x256x64xf32, #tpu.memory_space<vmem>>, vector<1x1x16xf32>,
      %get3A_707 = arith.constant 2 : i32
      %get3A_708 = arith.index_cast %get3A_707 : i32 to index
      %get3A_709 = arith.index_cast %scan3A_674 : i32 to index
      %get3A_710 = arith.constant 32 : index
      %get3A_711 = tpu.vector_load %arg6[%get3A_708, %get3A_709, %get3A_710] {strides = array<i32>} : memref<4x256x64xf32, #tpu.memory_space<vmem>>, vector<1x1x16xf32>,
      %get3A_712 = vector.shape_cast %get3A_711 : vector<1x1x16xf32> to vector<16xf32>
      %mul3A_713 = arith.constant 8.000000e+00 : f32
      %mul3A_714 = vector.broadcast %mul3A_713 : f32 to vector<16xf32>
      %mul3A_715 = arith.mulf %get3A_712, %mul3A_714 : vector<16xf32>
      %swap3A_716 = arith.constant 0 : i32
      %swap3A_717 = arith.index_cast %swap3A_716 : i32 to index
      %swap3A_718 = arith.index_cast %scan3A_674 : i32 to index
      %swap3A_719 = arith.constant 32 : index
      %swap3A_720 = tpu.vector_load %arg7[%swap3A_717, %swap3A_718, %swap3A_719] {strides = array<i32>} : memref<2x256x64xf32, #tpu.memory_space<vmem>>, vector<1x1x16xf32>,
      %swap3A_721 = vector.shape_cast %swap3A_720 : vector<1x1x16xf32> to vector<16xf32>
      %swap3A_722 = vector.shape_cast %mul3A_715 : vector<16xf32> to vector<1x1x16xf32>
      tpu.vector_store %arg7[%swap3A_717, %swap3A_718, %swap3A_719], %swap3A_722 {strides = array<i32>} : memref<2x256x64xf32, #tpu.memory_space<vmem>>, vector<1x1x16xf32>,
      %get3A_723 = arith.constant 2 : i32
      %get3A_724 = arith.index_cast %get3A_723 : i32 to index
      %get3A_725 = arith.index_cast %scan3A_674 : i32 to index
      %get3A_726 = arith.constant 48 : index
      %get3A_727 = tpu.vector_load %arg6[%get3A_724, %get3A_725, %get3A_726] {strides = array<i32>} : memref<4x256x64xf32, #tpu.memory_space<vmem>>, vector<1x1x16xf32>,
      %get3A_728 = vector.shape_cast %get3A_727 : vector<1x1x16xf32> to vector<16xf32>
      %mul3A_729 = arith.constant 8.000000e+00 : f32
      %mul3A_730 = vector.broadcast %mul3A_729 : f32 to vector<16xf32>
      %mul3A_731 = arith.mulf %get3A_728, %mul3A_730 : vector<16xf32>
      %swap3A_732 = arith.constant 0 : i32
      %swap3A_733 = arith.index_cast %swap3A_732 : i32 to index
      %swap3A_734 = arith.index_cast %scan3A_674 : i32 to index
      %swap3A_735 = arith.constant 48 : index
      %swap3A_736 = tpu.vector_load %arg7[%swap3A_733, %swap3A_734, %swap3A_735] {strides = array<i32>} : memref<2x256x64xf32, #tpu.memory_space<vmem>>, vector<1x1x16xf32>,
      %swap3A_737 = vector.shape_cast %swap3A_736 : vector<1x1x16xf32> to vector<16xf32>
      %swap3A_738 = vector.shape_cast %mul3A_731 : vector<16xf32> to vector<1x1x16xf32>
      tpu.vector_store %arg7[%swap3A_733, %swap3A_734, %swap3A_735], %swap3A_738 {strides = array<i32>} : memref<2x256x64xf32, #tpu.memory_space<vmem>>, vector<1x1x16xf32>,
    }
    %scan3A_387 = arith.constant 256 : i32
    %add3A_388 = arith.constant 25088 : i32
    %add3A_389 = arith.addi %mul3A_2, %add3A_388 : i32
    %dma_start3A_390 = arith.constant 0 : i32
    %dma_start3A_391 = arith.constant 0 : i32
    %dma_start3A_392 = arith.constant 0 : i32
    %dma_start3A_393 = tpu.memref_slice %arg7[%dma_start3A_390, %dma_start3A_391, %dma_start3A_392] : memref<2x256x64xf32, #tpu.memory_space<vmem>> -> memref<1x256x64xf32, #tpu.memory_space<vmem>>
    %dma_start3A_394 = tpu.memref_squeeze %dma_start3A_393 : memref<1x256x64xf32, #tpu.memory_space<vmem>> -> memref<256x64xf32, #tpu.memory_space<vmem>>
    %dma_start3A_395 = arith.constant 0 : i32
    %dma_start3A_396 = tpu.memref_slice %arg4[%add3A_389, %dma_start3A_395] : memref<819200x64xf32, #tpu.memory_space<hbm>> -> memref<256x64xf32, #tpu.memory_space<hbm>>
    %dma_start3A_397 = arith.constant 0 : i32
    %dma_start3A_398 = tpu.memref_slice %arg4[%add3A_389, %dma_start3A_397] : memref<819200x64xf32, #tpu.memory_space<hbm>> -> memref<256x64xf32, #tpu.memory_space<hbm>>
    %dma_start3A_399 = arith.constant 0 : i32
    %dma_start3A_400 = arith.constant 0 : i32
    %dma_start3A_401 = tpu.memref_slice %arg7[%dma_start3A_390, %dma_start3A_399, %dma_start3A_400] : memref<2x256x64xf32, #tpu.memory_space<vmem>> -> memref<1x256x64xf32, #tpu.memory_space<vmem>>
    %dma_start3A_402 = tpu.memref_squeeze %dma_start3A_401 : memref<1x256x64xf32, #tpu.memory_space<vmem>> -> memref<256x64xf32, #tpu.memory_space<vmem>>
    tpu.enqueue_dma source(%dma_start3A_402 : memref<256x64xf32, #tpu.memory_space<vmem>>) target(%dma_start3A_398 : memref<256x64xf32, #tpu.memory_space<hbm>>) target_semaphore(%arg12 : memref<!tpu.dma_semaphore, #tpu.memory_space<semaphore_mem>>)
    %dma_wait3A_403 = arith.constant 3 : i32
    %dma_wait3A_404 = arith.constant 0 : i32
    %dma_wait3A_405 = arith.constant 0 : i32
    %dma_wait3A_406 = tpu.memref_slice %arg6[%dma_wait3A_403, %dma_wait3A_404, %dma_wait3A_405] : memref<4x256x64xf32, #tpu.memory_space<vmem>> -> memref<1x256x64xf32, #tpu.memory_space<vmem>>
    %dma_wait3A_407 = tpu.memref_squeeze %dma_wait3A_406 : memref<1x256x64xf32, #tpu.memory_space<vmem>> -> memref<256x64xf32, #tpu.memory_space<vmem>>
    %dma_wait3A_408 = arith.constant 0 : i32
    %dma_wait3A_409 = arith.constant 0 : i32
    %dma_wait3A_410 = tpu.memref_slice %arg3[%dma_wait3A_408, %dma_wait3A_409] : memref<1000000x64xf32, #tpu.memory_space<hbm>> -> memref<256x64xf32, #tpu.memory_space<hbm>>
    %dma_wait3A_411 = arith.constant 0 : i32
    %dma_wait3A_412 = arith.constant 0 : i32
    %dma_wait3A_413 = tpu.memref_slice %arg6[%dma_wait3A_403, %dma_wait3A_411, %dma_wait3A_412] : memref<4x256x64xf32, #tpu.memory_space<vmem>> -> memref<1x256x64xf32, #tpu.memory_space<vmem>>
    %dma_wait3A_414 = tpu.memref_squeeze %dma_wait3A_413 : memref<1x256x64xf32, #tpu.memory_space<vmem>> -> memref<256x64xf32, #tpu.memory_space<vmem>>
    %dma_wait3A_415 = arith.constant 0 : i32
    %dma_wait3A_416 = arith.constant 0 : i32
    %dma_wait3A_417 = tpu.memref_slice %arg3[%dma_wait3A_415, %dma_wait3A_416] : memref<1000000x64xf32, #tpu.memory_space<hbm>> -> memref<256x64xf32, #tpu.memory_space<hbm>>
    tpu.wait_dma2 semaphore(%arg11 : memref<!tpu.dma_semaphore, #tpu.memory_space<semaphore_mem>>) src(%dma_wait3A_417 : memref<256x64xf32, #tpu.memory_space<hbm>>) dst(%dma_wait3A_414 : memref<256x64xf32, #tpu.memory_space<vmem>>)
    %dma_wait3A_418 = arith.constant 1 : i32
    %dma_wait3A_419 = arith.constant 0 : i32
    %dma_wait3A_420 = arith.constant 0 : i32
    %dma_wait3A_421 = tpu.memref_slice %arg7[%dma_wait3A_418, %dma_wait3A_419, %dma_wait3A_420] : memref<2x256x64xf32, #tpu.memory_space<vmem>> -> memref<1x256x64xf32, #tpu.memory_space<vmem>>
    %dma_wait3A_422 = tpu.memref_squeeze %dma_wait3A_421 : memref<1x256x64xf32, #tpu.memory_space<vmem>> -> memref<256x64xf32, #tpu.memory_space<vmem>>
    %dma_wait3A_423 = arith.constant 0 : i32
    %dma_wait3A_424 = tpu.memref_slice %arg4[%mul3A_2, %dma_wait3A_423] : memref<819200x64xf32, #tpu.memory_space<hbm>> -> memref<256x64xf32, #tpu.memory_space<hbm>>
    %dma_wait3A_425 = arith.constant 0 : i32
    %dma_wait3A_426 = tpu.memref_slice %arg4[%mul3A_2, %dma_wait3A_425] : memref<819200x64xf32, #tpu.memory_space<hbm>> -> memref<256x64xf32, #tpu.memory_space<hbm>>
    %dma_wait3A_427 = arith.constant 0 : i32
    %dma_wait3A_428 = arith.constant 0 : i32
    %dma_wait3A_429 = tpu.memref_slice %arg7[%dma_wait3A_418, %dma_wait3A_427, %dma_wait3A_428] : memref<2x256x64xf32, #tpu.memory_space<vmem>> -> memref<1x256x64xf32, #tpu.memory_space<vmem>>
    %dma_wait3A_430 = tpu.memref_squeeze %dma_wait3A_429 : memref<1x256x64xf32, #tpu.memory_space<vmem>> -> memref<256x64xf32, #tpu.memory_space<vmem>>
    tpu.wait_dma2 semaphore(%arg13 : memref<!tpu.dma_semaphore, #tpu.memory_space<semaphore_mem>>) src(%dma_wait3A_430 : memref<256x64xf32, #tpu.memory_space<vmem>>) dst(%dma_wait3A_426 : memref<256x64xf32, #tpu.memory_space<hbm>>)
    %scan3A_431 = arith.constant 0 : i32
    %scan3A_432 = arith.constant 0 : i32
    %scan3A_433 = arith.constant 256 : i32
    %scan3A_434 = arith.addi %scan3A_432, %scan3A_433 : i32
    %scan3A_435 = arith.constant 4 : i32
    scf.for %scan3A_478 = %scan3A_432 to %scan3A_434 step %scan3A_435  : i32 {
      %get3A = arith.constant 3 : i32
      %get3A_479 = arith.index_cast %get3A : i32 to index
      %get3A_480 = arith.index_cast %scan3A_478 : i32 to index
      %get3A_481 = arith.constant 0 : index
      %get3A_482 = tpu.vector_load %arg6[%get3A_479, %get3A_480, %get3A_481] {strides = array<i32>} : memref<4x256x64xf32, #tpu.memory_space<vmem>>, vector<1x1x16xf32>,
      %get3A_483 = vector.shape_cast %get3A_482 : vector<1x1x16xf32> to vector<16xf32>
      %mul3A_484 = arith.constant 8.000000e+00 : f32
      %mul3A_485 = vector.broadcast %mul3A_484 : f32 to vector<16xf32>
      %mul3A_486 = arith.mulf %get3A_483, %mul3A_485 : vector<16xf32>
      %swap3A = arith.constant 1 : i32
      %swap3A_487 = arith.index_cast %swap3A : i32 to index
      %swap3A_488 = arith.index_cast %scan3A_478 : i32 to index
      %swap3A_489 = arith.constant 0 : index
      %swap3A_490 = tpu.vector_load %arg7[%swap3A_487, %swap3A_488, %swap3A_489] {strides = array<i32>} : memref<2x256x64xf32, #tpu.memory_space<vmem>>, vector<1x1x16xf32>,
      %swap3A_491 = vector.shape_cast %swap3A_490 : vector<1x1x16xf32> to vector<16xf32>
      %swap3A_492 = vector.shape_cast %mul3A_486 : vector<16xf32> to vector<1x1x16xf32>
      tpu.vector_store %arg7[%swap3A_487, %swap3A_488, %swap3A_489], %swap3A_492 {strides = array<i32>} : memref<2x256x64xf32, #tpu.memory_space<vmem>>, vector<1x1x16xf32>,
      %get3A_493 = arith.constant 3 : i32
      %get3A_494 = arith.index_cast %get3A_493 : i32 to index
      %get3A_495 = arith.index_cast %scan3A_478 : i32 to index
      %get3A_496 = arith.constant 16 : index
      %get3A_497 = tpu.vector_load %arg6[%get3A_494, %get3A_495, %get3A_496] {strides = array<i32>} : memref<4x256x64xf32, #tpu.memory_space<vmem>>, vector<1x1x16xf32>,
      %get3A_498 = vector.shape_cast %get3A_497 : vector<1x1x16xf32> to vector<16xf32>
      %mul3A_499 = arith.constant 8.000000e+00 : f32
      %mul3A_500 = vector.broadcast %mul3A_499 : f32 to vector<16xf32>
      %mul3A_501 = arith.mulf %get3A_498, %mul3A_500 : vector<16xf32>
      %swap3A_502 = arith.constant 1 : i32
      %swap3A_503 = arith.index_cast %swap3A_502 : i32 to index
      %swap3A_504 = arith.index_cast %scan3A_478 : i32 to index
      %swap3A_505 = arith.constant 16 : index
      %swap3A_506 = tpu.vector_load %arg7[%swap3A_503, %swap3A_504, %swap3A_505] {strides = array<i32>} : memref<2x256x64xf32, #tpu.memory_space<vmem>>, vector<1x1x16xf32>,
      %swap3A_507 = vector.shape_cast %swap3A_506 : vector<1x1x16xf32> to vector<16xf32>
      %swap3A_508 = vector.shape_cast %mul3A_501 : vector<16xf32> to vector<1x1x16xf32>
      tpu.vector_store %arg7[%swap3A_503, %swap3A_504, %swap3A_505], %swap3A_508 {strides = array<i32>} : memref<2x256x64xf32, #tpu.memory_space<vmem>>, vector<1x1x16xf32>,
      %get3A_509 = arith.constant 3 : i32
      %get3A_510 = arith.index_cast %get3A_509 : i32 to index
      %get3A_511 = arith.index_cast %scan3A_478 : i32 to index
      %get3A_512 = arith.constant 32 : index
      %get3A_513 = tpu.vector_load %arg6[%get3A_510, %get3A_511, %get3A_512] {strides = array<i32>} : memref<4x256x64xf32, #tpu.memory_space<vmem>>, vector<1x1x16xf32>,
      %get3A_514 = vector.shape_cast %get3A_513 : vector<1x1x16xf32> to vector<16xf32>
      %mul3A_515 = arith.constant 8.000000e+00 : f32
      %mul3A_516 = vector.broadcast %mul3A_515 : f32 to vector<16xf32>
      %mul3A_517 = arith.mulf %get3A_514, %mul3A_516 : vector<16xf32>
      %swap3A_518 = arith.constant 1 : i32
      %swap3A_519 = arith.index_cast %swap3A_518 : i32 to index
      %swap3A_520 = arith.index_cast %scan3A_478 : i32 to index
      %swap3A_521 = arith.constant 32 : index
      %swap3A_522 = tpu.vector_load %arg7[%swap3A_519, %swap3A_520, %swap3A_521] {strides = array<i32>} : memref<2x256x64xf32, #tpu.memory_space<vmem>>, vector<1x1x16xf32>,
      %swap3A_523 = vector.shape_cast %swap3A_522 : vector<1x1x16xf32> to vector<16xf32>
      %swap3A_524 = vector.shape_cast %mul3A_517 : vector<16xf32> to vector<1x1x16xf32>
      tpu.vector_store %arg7[%swap3A_519, %swap3A_520, %swap3A_521], %swap3A_524 {strides = array<i32>} : memref<2x256x64xf32, #tpu.memory_space<vmem>>, vector<1x1x16xf32>,
      %get3A_525 = arith.constant 3 : i32
      %get3A_526 = arith.index_cast %get3A_525 : i32 to index
      %get3A_527 = arith.index_cast %scan3A_478 : i32 to index
      %get3A_528 = arith.constant 48 : index
      %get3A_529 = tpu.vector_load %arg6[%get3A_526, %get3A_527, %get3A_528] {strides = array<i32>} : memref<4x256x64xf32, #tpu.memory_space<vmem>>, vector<1x1x16xf32>,
      %get3A_530 = vector.shape_cast %get3A_529 : vector<1x1x16xf32> to vector<16xf32>
      %mul3A_531 = arith.constant 8.000000e+00 : f32
      %mul3A_532 = vector.broadcast %mul3A_531 : f32 to vector<16xf32>
      %mul3A_533 = arith.mulf %get3A_530, %mul3A_532 : vector<16xf32>
      %swap3A_534 = arith.constant 1 : i32
      %swap3A_535 = arith.index_cast %swap3A_534 : i32 to index
      %swap3A_536 = arith.index_cast %scan3A_478 : i32 to index
      %swap3A_537 = arith.constant 48 : index
      %swap3A_538 = tpu.vector_load %arg7[%swap3A_535, %swap3A_536, %swap3A_537] {strides = array<i32>} : memref<2x256x64xf32, #tpu.memory_space<vmem>>, vector<1x1x16xf32>,
      %swap3A_539 = vector.shape_cast %swap3A_538 : vector<1x1x16xf32> to vector<16xf32>
      %swap3A_540 = vector.shape_cast %mul3A_533 : vector<16xf32> to vector<1x1x16xf32>
      tpu.vector_store %arg7[%swap3A_535, %swap3A_536, %swap3A_537], %swap3A_540 {strides = array<i32>} : memref<2x256x64xf32, #tpu.memory_space<vmem>>, vector<1x1x16xf32>,
      %scan3A_541 = arith.constant 1 : i32
      %scan3A_542 = arith.addi %scan3A_478, %scan3A_541 : i32
      %get3A_543 = arith.constant 3 : i32
      %get3A_544 = arith.index_cast %get3A_543 : i32 to index
      %get3A_545 = arith.index_cast %scan3A_542 : i32 to index
      %get3A_546 = arith.constant 0 : index
      %get3A_547 = tpu.vector_load %arg6[%get3A_544, %get3A_545, %get3A_546] {strides = array<i32>} : memref<4x256x64xf32, #tpu.memory_space<vmem>>, vector<1x1x16xf32>,
      %get3A_548 = vector.shape_cast %get3A_547 : vector<1x1x16xf32> to vector<16xf32>
      %mul3A_549 = arith.constant 8.000000e+00 : f32
      %mul3A_550 = vector.broadcast %mul3A_549 : f32 to vector<16xf32>
      %mul3A_551 = arith.mulf %get3A_548, %mul3A_550 : vector<16xf32>
      %swap3A_552 = arith.constant 1 : i32
      %swap3A_553 = arith.index_cast %swap3A_552 : i32 to index
      %swap3A_554 = arith.index_cast %scan3A_542 : i32 to index
      %swap3A_555 = arith.constant 0 : index
      %swap3A_556 = tpu.vector_load %arg7[%swap3A_553, %swap3A_554, %swap3A_555] {strides = array<i32>} : memref<2x256x64xf32, #tpu.memory_space<vmem>>, vector<1x1x16xf32>,
      %swap3A_557 = vector.shape_cast %swap3A_556 : vector<1x1x16xf32> to vector<16xf32>
      %swap3A_558 = vector.shape_cast %mul3A_551 : vector<16xf32> to vector<1x1x16xf32>
      tpu.vector_store %arg7[%swap3A_553, %swap3A_554, %swap3A_555], %swap3A_558 {strides = array<i32>} : memref<2x256x64xf32, #tpu.memory_space<vmem>>, vector<1x1x16xf32>,
      %get3A_559 = arith.constant 3 : i32
      %get3A_560 = arith.index_cast %get3A_559 : i32 to index
      %get3A_561 = arith.index_cast %scan3A_542 : i32 to index
      %get3A_562 = arith.constant 16 : index
      %get3A_563 = tpu.vector_load %arg6[%get3A_560, %get3A_561, %get3A_562] {strides = array<i32>} : memref<4x256x64xf32, #tpu.memory_space<vmem>>, vector<1x1x16xf32>,
      %get3A_564 = vector.shape_cast %get3A_563 : vector<1x1x16xf32> to vector<16xf32>
      %mul3A_565 = arith.constant 8.000000e+00 : f32
      %mul3A_566 = vector.broadcast %mul3A_565 : f32 to vector<16xf32>
      %mul3A_567 = arith.mulf %get3A_564, %mul3A_566 : vector<16xf32>
      %swap3A_568 = arith.constant 1 : i32
      %swap3A_569 = arith.index_cast %swap3A_568 : i32 to index
      %swap3A_570 = arith.index_cast %scan3A_542 : i32 to index
      %swap3A_571 = arith.constant 16 : index
      %swap3A_572 = tpu.vector_load %arg7[%swap3A_569, %swap3A_570, %swap3A_571] {strides = array<i32>} : memref<2x256x64xf32, #tpu.memory_space<vmem>>, vector<1x1x16xf32>,
      %swap3A_573 = vector.shape_cast %swap3A_572 : vector<1x1x16xf32> to vector<16xf32>
      %swap3A_574 = vector.shape_cast %mul3A_567 : vector<16xf32> to vector<1x1x16xf32>
      tpu.vector_store %arg7[%swap3A_569, %swap3A_570, %swap3A_571], %swap3A_574 {strides = array<i32>} : memref<2x256x64xf32, #tpu.memory_space<vmem>>, vector<1x1x16xf32>,
      %get3A_575 = arith.constant 3 : i32
      %get3A_576 = arith.index_cast %get3A_575 : i32 to index
      %get3A_577 = arith.index_cast %scan3A_542 : i32 to index
      %get3A_578 = arith.constant 32 : index
      %get3A_579 = tpu.vector_load %arg6[%get3A_576, %get3A_577, %get3A_578] {strides = array<i32>} : memref<4x256x64xf32, #tpu.memory_space<vmem>>, vector<1x1x16xf32>,
      %get3A_580 = vector.shape_cast %get3A_579 : vector<1x1x16xf32> to vector<16xf32>
      %mul3A_581 = arith.constant 8.000000e+00 : f32
      %mul3A_582 = vector.broadcast %mul3A_581 : f32 to vector<16xf32>
      %mul3A_583 = arith.mulf %get3A_580, %mul3A_582 : vector<16xf32>
      %swap3A_584 = arith.constant 1 : i32
      %swap3A_585 = arith.index_cast %swap3A_584 : i32 to index
      %swap3A_586 = arith.index_cast %scan3A_542 : i32 to index
      %swap3A_587 = arith.constant 32 : index
      %swap3A_588 = tpu.vector_load %arg7[%swap3A_585, %swap3A_586, %swap3A_587] {strides = array<i32>} : memref<2x256x64xf32, #tpu.memory_space<vmem>>, vector<1x1x16xf32>,
      %swap3A_589 = vector.shape_cast %swap3A_588 : vector<1x1x16xf32> to vector<16xf32>
      %swap3A_590 = vector.shape_cast %mul3A_583 : vector<16xf32> to vector<1x1x16xf32>
      tpu.vector_store %arg7[%swap3A_585, %swap3A_586, %swap3A_587], %swap3A_590 {strides = array<i32>} : memref<2x256x64xf32, #tpu.memory_space<vmem>>, vector<1x1x16xf32>,
      %get3A_591 = arith.constant 3 : i32
      %get3A_592 = arith.index_cast %get3A_591 : i32 to index
      %get3A_593 = arith.index_cast %scan3A_542 : i32 to index
      %get3A_594 = arith.constant 48 : index
      %get3A_595 = tpu.vector_load %arg6[%get3A_592, %get3A_593, %get3A_594] {strides = array<i32>} : memref<4x256x64xf32, #tpu.memory_space<vmem>>, vector<1x1x16xf32>,
      %get3A_596 = vector.shape_cast %get3A_595 : vector<1x1x16xf32> to vector<16xf32>
      %mul3A_597 = arith.constant 8.000000e+00 : f32
      %mul3A_598 = vector.broadcast %mul3A_597 : f32 to vector<16xf32>
      %mul3A_599 = arith.mulf %get3A_596, %mul3A_598 : vector<16xf32>
      %swap3A_600 = arith.constant 1 : i32
      %swap3A_601 = arith.index_cast %swap3A_600 : i32 to index
      %swap3A_602 = arith.index_cast %scan3A_542 : i32 to index
      %swap3A_603 = arith.constant 48 : index
      %swap3A_604 = tpu.vector_load %arg7[%swap3A_601, %swap3A_602, %swap3A_603] {strides = array<i32>} : memref<2x256x64xf32, #tpu.memory_space<vmem>>, vector<1x1x16xf32>,
      %swap3A_605 = vector.shape_cast %swap3A_604 : vector<1x1x16xf32> to vector<16xf32>
      %swap3A_606 = vector.shape_cast %mul3A_599 : vector<16xf32> to vector<1x1x16xf32>
      tpu.vector_store %arg7[%swap3A_601, %swap3A_602, %swap3A_603], %swap3A_606 {strides = array<i32>} : memref<2x256x64xf32, #tpu.memory_space<vmem>>, vector<1x1x16xf32>,
      %scan3A_607 = arith.constant 2 : i32
      %scan3A_608 = arith.addi %scan3A_478, %scan3A_607 : i32
      %get3A_609 = arith.constant 3 : i32
      %get3A_610 = arith.index_cast %get3A_609 : i32 to index
      %get3A_611 = arith.index_cast %scan3A_608 : i32 to index
      %get3A_612 = arith.constant 0 : index
      %get3A_613 = tpu.vector_load %arg6[%get3A_610, %get3A_611, %get3A_612] {strides = array<i32>} : memref<4x256x64xf32, #tpu.memory_space<vmem>>, vector<1x1x16xf32>,
      %get3A_614 = vector.shape_cast %get3A_613 : vector<1x1x16xf32> to vector<16xf32>
      %mul3A_615 = arith.constant 8.000000e+00 : f32
      %mul3A_616 = vector.broadcast %mul3A_615 : f32 to vector<16xf32>
      %mul3A_617 = arith.mulf %get3A_614, %mul3A_616 : vector<16xf32>
      %swap3A_618 = arith.constant 1 : i32
      %swap3A_619 = arith.index_cast %swap3A_618 : i32 to index
      %swap3A_620 = arith.index_cast %scan3A_608 : i32 to index
      %swap3A_621 = arith.constant 0 : index
      %swap3A_622 = tpu.vector_load %arg7[%swap3A_619, %swap3A_620, %swap3A_621] {strides = array<i32>} : memref<2x256x64xf32, #tpu.memory_space<vmem>>, vector<1x1x16xf32>,
      %swap3A_623 = vector.shape_cast %swap3A_622 : vector<1x1x16xf32> to vector<16xf32>
      %swap3A_624 = vector.shape_cast %mul3A_617 : vector<16xf32> to vector<1x1x16xf32>
      tpu.vector_store %arg7[%swap3A_619, %swap3A_620, %swap3A_621], %swap3A_624 {strides = array<i32>} : memref<2x256x64xf32, #tpu.memory_space<vmem>>, vector<1x1x16xf32>,
      %get3A_625 = arith.constant 3 : i32
      %get3A_626 = arith.index_cast %get3A_625 : i32 to index
      %get3A_627 = arith.index_cast %scan3A_608 : i32 to index
      %get3A_628 = arith.constant 16 : index
      %get3A_629 = tpu.vector_load %arg6[%get3A_626, %get3A_627, %get3A_628] {strides = array<i32>} : memref<4x256x64xf32, #tpu.memory_space<vmem>>, vector<1x1x16xf32>,
      %get3A_630 = vector.shape_cast %get3A_629 : vector<1x1x16xf32> to vector<16xf32>
      %mul3A_631 = arith.constant 8.000000e+00 : f32
      %mul3A_632 = vector.broadcast %mul3A_631 : f32 to vector<16xf32>
      %mul3A_633 = arith.mulf %get3A_630, %mul3A_632 : vector<16xf32>
      %swap3A_634 = arith.constant 1 : i32
      %swap3A_635 = arith.index_cast %swap3A_634 : i32 to index
      %swap3A_636 = arith.index_cast %scan3A_608 : i32 to index
      %swap3A_637 = arith.constant 16 : index
      %swap3A_638 = tpu.vector_load %arg7[%swap3A_635, %swap3A_636, %swap3A_637] {strides = array<i32>} : memref<2x256x64xf32, #tpu.memory_space<vmem>>, vector<1x1x16xf32>,
      %swap3A_639 = vector.shape_cast %swap3A_638 : vector<1x1x16xf32> to vector<16xf32>
      %swap3A_640 = vector.shape_cast %mul3A_633 : vector<16xf32> to vector<1x1x16xf32>
      tpu.vector_store %arg7[%swap3A_635, %swap3A_636, %swap3A_637], %swap3A_640 {strides = array<i32>} : memref<2x256x64xf32, #tpu.memory_space<vmem>>, vector<1x1x16xf32>,
      %get3A_641 = arith.constant 3 : i32
      %get3A_642 = arith.index_cast %get3A_641 : i32 to index
      %get3A_643 = arith.index_cast %scan3A_608 : i32 to index
      %get3A_644 = arith.constant 32 : index
      %get3A_645 = tpu.vector_load %arg6[%get3A_642, %get3A_643, %get3A_644] {strides = array<i32>} : memref<4x256x64xf32, #tpu.memory_space<vmem>>, vector<1x1x16xf32>,
      %get3A_646 = vector.shape_cast %get3A_645 : vector<1x1x16xf32> to vector<16xf32>
      %mul3A_647 = arith.constant 8.000000e+00 : f32
      %mul3A_648 = vector.broadcast %mul3A_647 : f32 to vector<16xf32>
      %mul3A_649 = arith.mulf %get3A_646, %mul3A_648 : vector<16xf32>
      %swap3A_650 = arith.constant 1 : i32
      %swap3A_651 = arith.index_cast %swap3A_650 : i32 to index
      %swap3A_652 = arith.index_cast %scan3A_608 : i32 to index
      %swap3A_653 = arith.constant 32 : index
      %swap3A_654 = tpu.vector_load %arg7[%swap3A_651, %swap3A_652, %swap3A_653] {strides = array<i32>} : memref<2x256x64xf32, #tpu.memory_space<vmem>>, vector<1x1x16xf32>,
      %swap3A_655 = vector.shape_cast %swap3A_654 : vector<1x1x16xf32> to vector<16xf32>
      %swap3A_656 = vector.shape_cast %mul3A_649 : vector<16xf32> to vector<1x1x16xf32>
      tpu.vector_store %arg7[%swap3A_651, %swap3A_652, %swap3A_653], %swap3A_656 {strides = array<i32>} : memref<2x256x64xf32, #tpu.memory_space<vmem>>, vector<1x1x16xf32>,
      %get3A_657 = arith.constant 3 : i32
      %get3A_658 = arith.index_cast %get3A_657 : i32 to index
      %get3A_659 = arith.index_cast %scan3A_608 : i32 to index
      %get3A_660 = arith.constant 48 : index
      %get3A_661 = tpu.vector_load %arg6[%get3A_658, %get3A_659, %get3A_660] {strides = array<i32>} : memref<4x256x64xf32, #tpu.memory_space<vmem>>, vector<1x1x16xf32>,
      %get3A_662 = vector.shape_cast %get3A_661 : vector<1x1x16xf32> to vector<16xf32>
      %mul3A_663 = arith.constant 8.000000e+00 : f32
      %mul3A_664 = vector.broadcast %mul3A_663 : f32 to vector<16xf32>
      %mul3A_665 = arith.mulf %get3A_662, %mul3A_664 : vector<16xf32>
      %swap3A_666 = arith.constant 1 : i32
      %swap3A_667 = arith.index_cast %swap3A_666 : i32 to index
      %swap3A_668 = arith.index_cast %scan3A_608 : i32 to index
      %swap3A_669 = arith.constant 48 : index
      %swap3A_670 = tpu.vector_load %arg7[%swap3A_667, %swap3A_668, %swap3A_669] {strides = array<i32>} : memref<2x256x64xf32, #tpu.memory_space<vmem>>, vector<1x1x16xf32>,
      %swap3A_671 = vector.shape_cast %swap3A_670 : vector<1x1x16xf32> to vector<16xf32>
      %swap3A_672 = vector.shape_cast %mul3A_665 : vector<16xf32> to vector<1x1x16xf32>
      tpu.vector_store %arg7[%swap3A_667, %swap3A_668, %swap3A_669], %swap3A_672 {strides = array<i32>} : memref<2x256x64xf32, #tpu.memory_space<vmem>>, vector<1x1x16xf32>,
      %scan3A_673 = arith.constant 3 : i32
      %scan3A_674 = arith.addi %scan3A_478, %scan3A_673 : i32
      %get3A_675 = arith.constant 3 : i32
      %get3A_676 = arith.index_cast %get3A_675 : i32 to index
      %get3A_677 = arith.index_cast %scan3A_674 : i32 to index
      %get3A_678 = arith.constant 0 : index
      %get3A_679 = tpu.vector_load %arg6[%get3A_676, %get3A_677, %get3A_678] {strides = array<i32>} : memref<4x256x64xf32, #tpu.memory_space<vmem>>, vector<1x1x16xf32>,
      %get3A_680 = vector.shape_cast %get3A_679 : vector<1x1x16xf32> to vector<16xf32>
      %mul3A_681 = arith.constant 8.000000e+00 : f32
      %mul3A_682 = vector.broadcast %mul3A_681 : f32 to vector<16xf32>
      %mul3A_683 = arith.mulf %get3A_680, %mul3A_682 : vector<16xf32>
      %swap3A_684 = arith.constant 1 : i32
      %swap3A_685 = arith.index_cast %swap3A_684 : i32 to index
      %swap3A_686 = arith.index_cast %scan3A_674 : i32 to index
      %swap3A_687 = arith.constant 0 : index
      %swap3A_688 = tpu.vector_load %arg7[%swap3A_685, %swap3A_686, %swap3A_687] {strides = array<i32>} : memref<2x256x64xf32, #tpu.memory_space<vmem>>, vector<1x1x16xf32>,
      %swap3A_689 = vector.shape_cast %swap3A_688 : vector<1x1x16xf32> to vector<16xf32>
      %swap3A_690 = vector.shape_cast %mul3A_683 : vector<16xf32> to vector<1x1x16xf32>
      tpu.vector_store %arg7[%swap3A_685, %swap3A_686, %swap3A_687], %swap3A_690 {strides = array<i32>} : memref<2x256x64xf32, #tpu.memory_space<vmem>>, vector<1x1x16xf32>,
      %get3A_691 = arith.constant 3 : i32
      %get3A_692 = arith.index_cast %get3A_691 : i32 to index
      %get3A_693 = arith.index_cast %scan3A_674 : i32 to index
      %get3A_694 = arith.constant 16 : index
      %get3A_695 = tpu.vector_load %arg6[%get3A_692, %get3A_693, %get3A_694] {strides = array<i32>} : memref<4x256x64xf32, #tpu.memory_space<vmem>>, vector<1x1x16xf32>,
      %get3A_696 = vector.shape_cast %get3A_695 : vector<1x1x16xf32> to vector<16xf32>
      %mul3A_697 = arith.constant 8.000000e+00 : f32
      %mul3A_698 = vector.broadcast %mul3A_697 : f32 to vector<16xf32>
      %mul3A_699 = arith.mulf %get3A_696, %mul3A_698 : vector<16xf32>
      %swap3A_700 = arith.constant 1 : i32
      %swap3A_701 = arith.index_cast %swap3A_700 : i32 to index
      %swap3A_702 = arith.index_cast %scan3A_674 : i32 to index
      %swap3A_703 = arith.constant 16 : index
      %swap3A_704 = tpu.vector_load %arg7[%swap3A_701, %swap3A_702, %swap3A_703] {strides = array<i32>} : memref<2x256x64xf32, #tpu.memory_space<vmem>>, vector<1x1x16xf32>,
      %swap3A_705 = vector.shape_cast %swap3A_704 : vector<1x1x16xf32> to vector<16xf32>
      %swap3A_706 = vector.shape_cast %mul3A_699 : vector<16xf32> to vector<1x1x16xf32>
      tpu.vector_store %arg7[%swap3A_701, %swap3A_702, %swap3A_703], %swap3A_706 {strides = array<i32>} : memref<2x256x64xf32, #tpu.memory_space<vmem>>, vector<1x1x16xf32>,
      %get3A_707 = arith.constant 3 : i32
      %get3A_708 = arith.index_cast %get3A_707 : i32 to index
      %get3A_709 = arith.index_cast %scan3A_674 : i32 to index
      %get3A_710 = arith.constant 32 : index
      %get3A_711 = tpu.vector_load %arg6[%get3A_708, %get3A_709, %get3A_710] {strides = array<i32>} : memref<4x256x64xf32, #tpu.memory_space<vmem>>, vector<1x1x16xf32>,
      %get3A_712 = vector.shape_cast %get3A_711 : vector<1x1x16xf32> to vector<16xf32>
      %mul3A_713 = arith.constant 8.000000e+00 : f32
      %mul3A_714 = vector.broadcast %mul3A_713 : f32 to vector<16xf32>
      %mul3A_715 = arith.mulf %get3A_712, %mul3A_714 : vector<16xf32>
      %swap3A_716 = arith.constant 1 : i32
      %swap3A_717 = arith.index_cast %swap3A_716 : i32 to index
      %swap3A_718 = arith.index_cast %scan3A_674 : i32 to index
      %swap3A_719 = arith.constant 32 : index
      %swap3A_720 = tpu.vector_load %arg7[%swap3A_717, %swap3A_718, %swap3A_719] {strides = array<i32>} : memref<2x256x64xf32, #tpu.memory_space<vmem>>, vector<1x1x16xf32>,
      %swap3A_721 = vector.shape_cast %swap3A_720 : vector<1x1x16xf32> to vector<16xf32>
      %swap3A_722 = vector.shape_cast %mul3A_715 : vector<16xf32> to vector<1x1x16xf32>
      tpu.vector_store %arg7[%swap3A_717, %swap3A_718, %swap3A_719], %swap3A_722 {strides = array<i32>} : memref<2x256x64xf32, #tpu.memory_space<vmem>>, vector<1x1x16xf32>,
      %get3A_723 = arith.constant 3 : i32
      %get3A_724 = arith.index_cast %get3A_723 : i32 to index
      %get3A_725 = arith.index_cast %scan3A_674 : i32 to index
      %get3A_726 = arith.constant 48 : index
      %get3A_727 = tpu.vector_load %arg6[%get3A_724, %get3A_725, %get3A_726] {strides = array<i32>} : memref<4x256x64xf32, #tpu.memory_space<vmem>>, vector<1x1x16xf32>,
      %get3A_728 = vector.shape_cast %get3A_727 : vector<1x1x16xf32> to vector<16xf32>
      %mul3A_729 = arith.constant 8.000000e+00 : f32
      %mul3A_730 = vector.broadcast %mul3A_729 : f32 to vector<16xf32>
      %mul3A_731 = arith.mulf %get3A_728, %mul3A_730 : vector<16xf32>
      %swap3A_732 = arith.constant 1 : i32
      %swap3A_733 = arith.index_cast %swap3A_732 : i32 to index
      %swap3A_734 = arith.index_cast %scan3A_674 : i32 to index
      %swap3A_735 = arith.constant 48 : index
      %swap3A_736 = tpu.vector_load %arg7[%swap3A_733, %swap3A_734, %swap3A_735] {strides = array<i32>} : memref<2x256x64xf32, #tpu.memory_space<vmem>>, vector<1x1x16xf32>,
      %swap3A_737 = vector.shape_cast %swap3A_736 : vector<1x1x16xf32> to vector<16xf32>
      %swap3A_738 = vector.shape_cast %mul3A_731 : vector<16xf32> to vector<1x1x16xf32>
      tpu.vector_store %arg7[%swap3A_733, %swap3A_734, %swap3A_735], %swap3A_738 {strides = array<i32>} : memref<2x256x64xf32, #tpu.memory_space<vmem>>, vector<1x1x16xf32>,
    }
    %scan3A_436 = arith.constant 256 : i32
    %add3A_437 = arith.constant 25344 : i32
    %add3A_438 = arith.addi %mul3A_2, %add3A_437 : i32
    %dma_start3A_439 = arith.constant 1 : i32
    %dma_start3A_440 = arith.constant 0 : i32
    %dma_start3A_441 = arith.constant 0 : i32
    %dma_start3A_442 = tpu.memref_slice %arg7[%dma_start3A_439, %dma_start3A_440, %dma_start3A_441] : memref<2x256x64xf32, #tpu.memory_space<vmem>> -> memref<1x256x64xf32, #tpu.memory_space<vmem>>
    %dma_start3A_443 = tpu.memref_squeeze %dma_start3A_442 : memref<1x256x64xf32, #tpu.memory_space<vmem>> -> memref<256x64xf32, #tpu.memory_space<vmem>>
    %dma_start3A_444 = arith.constant 0 : i32
    %dma_start3A_445 = tpu.memref_slice %arg4[%add3A_438, %dma_start3A_444] : memref<819200x64xf32, #tpu.memory_space<hbm>> -> memref<256x64xf32, #tpu.memory_space<hbm>>
    %dma_start3A_446 = arith.constant 0 : i32
    %dma_start3A_447 = tpu.memref_slice %arg4[%add3A_438, %dma_start3A_446] : memref<819200x64xf32, #tpu.memory_space<hbm>> -> memref<256x64xf32, #tpu.memory_space<hbm>>
    %dma_start3A_448 = arith.constant 0 : i32
    %dma_start3A_449 = arith.constant 0 : i32
    %dma_start3A_450 = tpu.memref_slice %arg7[%dma_start3A_439, %dma_start3A_448, %dma_start3A_449] : memref<2x256x64xf32, #tpu.memory_space<vmem>> -> memref<1x256x64xf32, #tpu.memory_space<vmem>>
    %dma_start3A_451 = tpu.memref_squeeze %dma_start3A_450 : memref<1x256x64xf32, #tpu.memory_space<vmem>> -> memref<256x64xf32, #tpu.memory_space<vmem>>
    tpu.enqueue_dma source(%dma_start3A_451 : memref<256x64xf32, #tpu.memory_space<vmem>>) target(%dma_start3A_447 : memref<256x64xf32, #tpu.memory_space<hbm>>) target_semaphore(%arg13 : memref<!tpu.dma_semaphore, #tpu.memory_space<semaphore_mem>>)
    %dma_wait3A_452 = arith.constant 0 : i32
    %dma_wait3A_453 = arith.constant 0 : i32
    %dma_wait3A_454 = arith.constant 0 : i32
    %dma_wait3A_455 = tpu.memref_slice %arg7[%dma_wait3A_452, %dma_wait3A_453, %dma_wait3A_454] : memref<2x256x64xf32, #tpu.memory_space<vmem>> -> memref<1x256x64xf32, #tpu.memory_space<vmem>>
    %dma_wait3A_456 = tpu.memref_squeeze %dma_wait3A_455 : memref<1x256x64xf32, #tpu.memory_space<vmem>> -> memref<256x64xf32, #tpu.memory_space<vmem>>
    %dma_wait3A_457 = arith.constant 0 : i32
    %dma_wait3A_458 = tpu.memref_slice %arg4[%mul3A_2, %dma_wait3A_457] : memref<819200x64xf32, #tpu.memory_space<hbm>> -> memref<256x64xf32, #tpu.memory_space<hbm>>
    %dma_wait3A_459 = arith.constant 0 : i32
    %dma_wait3A_460 = tpu.memref_slice %arg4[%mul3A_2, %dma_wait3A_459] : memref<819200x64xf32, #tpu.memory_space<hbm>> -> memref<256x64xf32, #tpu.memory_space<hbm>>
    %dma_wait3A_461 = arith.constant 0 : i32
    %dma_wait3A_462 = arith.constant 0 : i32
    %dma_wait3A_463 = tpu.memref_slice %arg7[%dma_wait3A_452, %dma_wait3A_461, %dma_wait3A_462] : memref<2x256x64xf32, #tpu.memory_space<vmem>> -> memref<1x256x64xf32, #tpu.memory_space<vmem>>
    %dma_wait3A_464 = tpu.memref_squeeze %dma_wait3A_463 : memref<1x256x64xf32, #tpu.memory_space<vmem>> -> memref<256x64xf32, #tpu.memory_space<vmem>>
    tpu.wait_dma2 semaphore(%arg12 : memref<!tpu.dma_semaphore, #tpu.memory_space<semaphore_mem>>) src(%dma_wait3A_464 : memref<256x64xf32, #tpu.memory_space<vmem>>) dst(%dma_wait3A_460 : memref<256x64xf32, #tpu.memory_space<hbm>>)
    %dma_wait3A_465 = arith.constant 1 : i32
    %dma_wait3A_466 = arith.constant 0 : i32
    %dma_wait3A_467 = arith.constant 0 : i32
    %dma_wait3A_468 = tpu.memref_slice %arg7[%dma_wait3A_465, %dma_wait3A_466, %dma_wait3A_467] : memref<2x256x64xf32, #tpu.memory_space<vmem>> -> memref<1x256x64xf32, #tpu.memory_space<vmem>>
    %dma_wait3A_469 = tpu.memref_squeeze %dma_wait3A_468 : memref<1x256x64xf32, #tpu.memory_space<vmem>> -> memref<256x64xf32, #tpu.memory_space<vmem>>
    %dma_wait3A_470 = arith.constant 0 : i32
    %dma_wait3A_471 = tpu.memref_slice %arg4[%mul3A_2, %dma_wait3A_470] : memref<819200x64xf32, #tpu.memory_space<hbm>> -> memref<256x64xf32, #tpu.memory_space<hbm>>
    %dma_wait3A_472 = arith.constant 0 : i32
    %dma_wait3A_473 = tpu.memref_slice %arg4[%mul3A_2, %dma_wait3A_472] : memref<819200x64xf32, #tpu.memory_space<hbm>> -> memref<256x64xf32, #tpu.memory_space<hbm>>
    %dma_wait3A_474 = arith.constant 0 : i32
    %dma_wait3A_475 = arith.constant 0 : i32
    %dma_wait3A_476 = tpu.memref_slice %arg7[%dma_wait3A_465, %dma_wait3A_474, %dma_wait3A_475] : memref<2x256x64xf32, #tpu.memory_space<vmem>> -> memref<1x256x64xf32, #tpu.memory_space<vmem>>
    %dma_wait3A_477 = tpu.memref_squeeze %dma_wait3A_476 : memref<1x256x64xf32, #tpu.memory_space<vmem>> -> memref<256x64xf32, #tpu.memory_space<vmem>>
    tpu.wait_dma2 semaphore(%arg13 : memref<!tpu.dma_semaphore, #tpu.memory_space<semaphore_mem>>) src(%dma_wait3A_477 : memref<256x64xf32, #tpu.memory_space<vmem>>) dst(%dma_wait3A_473 : memref<256x64xf32, #tpu.memory_space<hbm>>)
    return
  }
}

</mosaic_0001>

<sc_bundles>
// kernel: _gather_scale.3.cloned.1.call-start
scs
__scs_entry_jumppad:
0x0: {  	(pc) =	sbr.rel $0x88, $3  }
0x1: {  	(tag) =	ssettag $0x0;
	lr =	simm.s32 $0x1  }
0x2: {  	[smem:$0x3F9F] =	sst lr;
	_ =	strace $0xD0000000  }
0x3: {  	_ = 	snop  }
0x4: {  	_ = 	snop  }
0x5: {  	_ = 	snop  }
0x6: {  	_ = 	snop  }
0x7: {  	_ = 	snop  }
__scs_overlays_trampoline_lowered:
0x8: {  	[smem:$0x3FAE] =	sst s0  }
0x9: {  	[smem:$0x3FAF] =	sst s1  }
0xa: {  	[smem:$0x3FB0] =	sst s2  }
0xb: {  	[smem:$0x3FB1] =	sst s3  }
0xc: {  	[smem:$0x3FB2] =	sst s4  }
0xd: {  	[smem:$0x3FB3] =	sst s5  }
0xe: {  	[smem:$0x3FB4] =	sst s6  }
0xf: {  	[smem:$0x3FB5] =	sst s7  }
0x10: {  	[smem:$0x3FB6] =	sst s8  }
0x11: {  	[smem:$0x3FB7] =	sst s9;
	s0 =	simm.s32 @!p0 $0x0  }
0x12: {  	s1 =	sld [smem:$0x3F9D];
	s0 =	simm.s32 @p0 $0x1  }
0x13: {  	[smem:$0x3FB8] =	sst s0;
	s0 =	simm.s32 @!p1 $0x0  }
0x14: {  	s2 =	sld [smem:$0x3F9C];
	s0 =	simm.s32 @p1 $0x1  }
0x15: {  	[smem:$0x3FB9] =	sst s0;
	s0 =	simm.s32 @!p2 $0x0  }
0x16: {  	s3 =	sld [smem:$0x3FDB];
	s0 =	simm.s32 @p2 $0x1  }
0x17: {  	s4 =	simm.s32 $0x1BF5;
	[smem:$0x3FBB] =	sst s0  }
0x18: {  	s0 =	sld [smem:$0x3F9E];
	_ =	swait.ge [sflag:s4], $0x0  }
0x19: {  	s7 =	sld [smem:$0x3F9F]  }
0x1a: {  	s8 =	sadd.s32 $0xFFFFE003, lr  }
0x1b: {  	s9 =	sadd.s32 $0xFFFFFEF7, lr;
	s5 =	simm.s32 $0xFFFFFFFF;
	p2 =	slt.u32 s8, $0xFFFFF086  }
0x1c: {  	p1 =	slt.u32 s9, $0xF7A;
	s5 =	simm.s32 @!p2 $0x0  }
0x1d: {  	s5 =	simm.s32 @p1 $0x1;
	p0 =	seq.s32 s7, s2  }
0x1e: {  	s7 =	smul.u32 @!p0 $0xF7A, s2;
	p2 =	seq.s32 @!p0 s5, $0x0  }
0x1f: {  	s9 =	smul.u32 $0xF7A, s1;
	s8 =	simm.s32 @!p0 $0x1BF5;
	p2 =	por !p2, p0  }
0x20: {  	[sflag:s8] =	ssyncset.s32 @!p0 $0xFFFFF086;
	s6 =	sadd.s32 @!p0 s3, s7;
	s7 =	simm.s32 @!p0 $0x108  }
0x21: {  	s3 =	sadd.s32 s3, s9;
	s6 =	sadd.s32 @!p0 $0x88, s6;
	s7 =	simm.s32 @p2 $0x1082  }
0x22: {  	[simem:s7], [sflag:s8] =	dma.local @!p0 [hbm:s6], $0xF7A  }
0x23: {  	s9 =	sor.u32 $0xD0000000, s2;
	s6 =	simm.s32 $0x108;
	_ =	swait.ge @!p0 [sflag:s8], $0x0  }
0x24: {  	s3 =	sadd.s32 $0x88, s3;
	s6 =	simm.s32 @!p1 $0x1082;
	[sflag:s4] =	ssyncset.s32 $0xFFFFF086  }
0x25: {  	[simem:s6], [sflag:s4] =	dma.local [hbm:s3], $0xF7A  }
0x26: {  	[smem:$0x3F9F] =	sst s1;
	(tag) =	ssettag s2;
	_ =	strace s9  }
0x27: {  	s1 =	sld [smem:$0x3FAF]  }
0x28: {  	s2 =	sld [smem:$0x3FB0]  }
0x29: {  	s4 =	sld [smem:$0x3FB2]  }
0x2a: {  	p0 =	seq.s32 s5, $0x0;
	s5 =	sld [smem:$0x3FB3]  }
0x2b: {  	s6 =	sld [smem:$0x3FB4]  }
0x2c: {  	s7 =	sld [smem:$0x3FB5]  }
0x2d: {  	s3 =	simm.s32 $0x108;
	s8 =	sld [smem:$0x3FB6]  }
0x2e: {  	s3 =	simm.s32 @!p0 $0x1082;
	s9 =	sld [smem:$0x3FB7]  }
0x2f: {  	lr =	sadd.s32 s0, s3;
	s0 =	sld [smem:$0x3FAE]  }
0x30: {  	s3 =	sld [smem:$0x3FB1]  }
0x31: {  	[smem:$0x3FBA] =	sst s10  }
0x32: {  	s10 =	sld [smem:$0x3FB8];
	_ =	sdelay $0x3  }
0x33: {  	p0 =	seq.s32 s10, $0x1;
	s10 =	sld [smem:$0x3FBA];
	_ =	sdelay $0x3  }
0x34: {  	[smem:$0x3FBA] =	sst s10  }
0x35: {  	s10 =	sld [smem:$0x3FB9];
	_ =	sdelay $0x3  }
0x36: {  	p1 =	seq.s32 s10, $0x1;
	s10 =	sld [smem:$0x3FBA];
	_ =	sdelay $0x3  }
0x37: {  	[smem:$0x3FBA] =	sst s10  }
0x38: {  	s10 =	sld [smem:$0x3FBB]  }
0x39: {  	_ = 	snop;
	(pc) =	sbr.ind lr, $3  }
0x3a: {  	_ = 	snop  }
0x3b: {  	_ = 	snop  }
0x3c: {  	p2 =	seq.s32 s10, $0x1;
	s10 =	sld [smem:$0x3FBA]  }
0x3d: {  	_ =	shalt  }
0x3e: {  	_ =	shalt  }
0x3f: {  	_ =	shalt  }
0x40: {  	_ =	shalt  }
0x41: {  	_ =	shalt  }
0x42: {  	_ =	shalt  }
0x43: {  	_ =	shalt  }
0x44: {  	_ =	shalt  }
0x45: {  	_ =	shalt  }
0x46: {  	_ =	shalt  }
0x47: {  	_ =	shalt  }
0x48: {  	_ =	shalt  }
0x49: {  	_ =	shalt  }
0x4a: {  	_ =	shalt  }
0x4b: {  	_ =	shalt  }
0x4c: {  	_ =	shalt  }
0x4d: {  	_ =	shalt  }
0x4e: {  	_ =	shalt  }
0x4f: {  	_ =	shalt  }
0x50: {  	_ =	shalt  }
0x51: {  	_ =	shalt  }
0x52: {  	_ =	shalt  }
0x53: {  	_ =	shalt  }
0x54: {  	_ =	shalt  }
0x55: {  	_ =	shalt  }
0x56: {  	_ =	shalt  }
0x57: {  	_ =	shalt  }
0x58: {  	_ =	shalt  }
0x59: {  	_ =	shalt  }
0x5a: {  	_ =	shalt  }
0x5b: {  	_ =	shalt  }
0x5c: {  	_ =	shalt  }
0x5d: {  	_ =	shalt  }
0x5e: {  	_ =	shalt  }
0x5f: {  	_ =	shalt  }
0x60: {  	_ =	shalt  }
0x61: {  	_ =	shalt  }
0x62: {  	_ =	shalt  }
0x63: {  	_ =	shalt  }
0x64: {  	_ =	shalt  }
0x65: {  	_ =	shalt  }
0x66: {  	_ =	shalt  }
0x67: {  	_ =	shalt  }
0x68: {  	_ =	shalt  }
0x69: {  	_ =	shalt  }
0x6a: {  	_ =	shalt  }
0x6b: {  	_ =	shalt  }
0x6c: {  	_ =	shalt  }
0x6d: {  	_ =	shalt  }
0x6e: {  	_ =	shalt  }
0x6f: {  	_ =	shalt  }
0x70: {  	_ =	shalt  }
0x71: {  	_ =	shalt  }
0x72: {  	_ =	shalt  }
0x73: {  	_ =	shalt  }
0x74: {  	_ =	shalt  }
0x75: {  	_ =	shalt  }
0x76: {  	_ =	shalt  }
0x77: {  	_ =	shalt  }
0x78: {  	_ =	shalt  }
0x79: {  	_ =	shalt  }
0x7a: {  	_ =	shalt  }
0x7b: {  	_ =	shalt  }
0x7c: {  	_ =	shalt  }
0x7d: {  	_ =	shalt  }
0x7e: {  	_ =	shalt  }
0x7f: {  	_ =	shalt  }
0x80: {  	_ =	shalt  }
0x81: {  	_ =	shalt  }
0x82: {  	_ =	shalt  }
0x83: {  	_ =	shalt  }
0x84: {  	_ =	shalt  }
0x85: {  	_ =	shalt  }
0x86: {  	_ =	shalt  }
0x87: {  	_ =	shalt  }
.Lfunc_end0:
.L_simem_size_0:
called_computation.1_lowered:
.L_overlay_start_0:
0x88: {  	s2 =	sld [smem:$0x3FD9]  }
0x89: {  	s3 =	sld [smem:$0x3FFE];
	_ =	sdelay $0x1  }
0x8a: {  	s1 =	srdreg.scid  }
0x8b: {  	s0 =	sand.u32 $0x1, s1  }
0x8c: {  	s17 =	sshll.u32 s0, $0xA;
	s2 =	sadd.s32 s3, s2  }
0x8d: {  	s2 =	sadd.s32 s2, s17  }
0x8e: {  	[smem:$0x3FC6] =	sst s2  }
0x8f: {  	_ = 	snop  }
0x90: {  	s2 =	sld [smem:$0x3FC9]  }
0x91: {  	s18 =	sld [smem:$0x3FD0];
	(tm) =	ssettm $0x1  }
0x92: {  	s4 =	sld [smem:$0x3FFB];
	_ =	sdelay $0x3  }
0x93: {  	_ =	strace s4  }
0x94: {  	s4 =	sld [smem:$0x3FFC];
	_ =	sdelay $0x3  }
0x95: {  	_ =	strace s4  }
0x96: {  	s4 =	sld [smem:$0x3FFD];
	_ =	sdelay $0x3  }
0x97: {  	_ =	strace s4  }
0x98: {  	_ =	strace $0x8FFFFFFF  }
0x99: {  	s19 =	sld [smem:$0x3FDB];
	_ =	sdelay $0x1  }
0x9a: {  	s5 =	simm.s32 $_scs_section_size  }
0x9b: {  	s6 =	simm.s32 $_size__tile_overlayer_lowered;
	s7 =	simm.s32 $_tile_overlayer_lowered  }
0x9c: {  	s22 =	simm.s32 $0x1BFF;
	s21 =	sshll.u32 s7, $0x1;
	s4 =	sadd.s32 s5, s19  }
0x9d: {  	s8 =	simm.s32 $0x0;
	s20 =	sshll.u32 s6, $0x1;
	s6 =	sadd.s32 s21, s4  }
0x9e: {  	[timem:s8], [sflag:s22] =	dma.local [hbm:s6], s20  }
0x9f: {  	_ =	swait.ge [sflag:s22], s20  }
0xa0: {  	s5 =	ssub.s32 $0x0, s20;
	[sflag:s22] =	ssyncset.done $0x0  }
0xa1: {  	[sflag:s22] =	ssyncadd.s32 s5;
	_ =	sdelay $0x1  }
0xa2: {  	s23 =	simm.s32 $0x1B8B  }
0xa3: {  	_ =	swait.ge [sflag:s23], $0x1  }
0xa4: {  	[sflag:s23] =	ssyncset.done $0x0  }
0xa5: {  	s25 =	simm.s32 $0x1B8E;
	s24 =	sld [smem:$0x3FFE];
	[sflag:s23] =	ssyncadd.s32 $0xFFFFFFFF  }
0xa6: {  	s26 =	simm.s32 $execute0_lowered;
	[smem:$0x3FD2] =	sst s25  }
0xa7: {  	s6 =	sshll.u32 s26, $0x1;
	_ =	strace $0x80000046;
	[dreg:$0x1] =	wrdreg $0xFFFFFFFF  }
0xa8: {  	s28 =	simm.s32 $_size_execute0_lowered;
	s4 =	sadd.s32 s4, s6;
	[dreg:$0x0] =	wrdreg $0x0  }
0xa9: {  	s6 =	sshll.u32 s28, $0x1;
	[dreg:$0x2] =	wrdreg s4  }
0xaa: {  	[dreg:$0x3] =	wrdreg s6  }
0xab: {  	[dreg:$0x4] =	wrdreg $0xC0  }
0xac: {  	_ =	task [dreg:s8], $0x5FFFF  }
0xad: {  	[dreg:$0x1] =	wrdreg $0xFFFFFFFF  }
0xae: {  	[dreg:$0x0] =	wrdreg $0x60  }
0xaf: {  	[dreg:$0x2] =	wrdreg s2  }
0xb0: {  	[dreg:$0x3] =	wrdreg s24  }
0xb1: {  	[dreg:$0x4] =	wrdreg s18  }
0xb2: {  	[dreg:$0x5] =	wrdreg $0x9  }
0xb3: {  	_ =	task.clear_ibuf [dreg:s8], $0x6FFFF;
	_ =	strace $0x90000046  }
0xb4: {  	s29 =	simm.s32 $0x9;
	_ =	strace $0x80000048  }
0xb5: {  	_ =	swait.ge [sflag:s29], $0x1  }
0xb6: {  	[sflag:s29] =	ssyncadd.s32 $0xFFFFFFFF  }
0xb7: {  	_ =	strace $0x90000048  }
0xb8: {  	_ =	sfence  }
0xb9: {  	s30 =	sld [smem:$0x0];
	_ =	sdelay $0x2  }
0xba: {  	s31 =	sshll.u32 s1, $0xD;
	s1 =	sshrl.u32 s1, $0x2  }
0xbb: {  	s3 =	sand.u32 $0x4000, s31;
	s1 =	sadd.s32 s1, s30  }
0xbc: {  	s0 =	sor.u32 s3, s0;
	s1 =	sshll.u32 s1, $0x11  }
0xbd: {  	s0 =	sor.u32 s1, s0  }
0xbe: {  	s0 =	sadd.s32 $0x8F2B, s0  }
0xbf: {  	[sflag:s0] =	ssyncadd.remote.s32 $0x1  }
0xc0: {  	_ =	sfence.sel $0xFFFF  }
0xc1: {  	[dreg:$0x0] =	wrdreg $0xFFFFFFFF;
	(pc) =	sbr.abs _section_cstart, $3  }
0xc2: {  	[dreg:$0x1] =	wrdreg $0xFFFFFFFF  }
0xc3: {  	_ =	task.clear_ibuf [dreg:s8], $0x2FFFF;
	_ =	strace $0x9FFFFFFF  }
0xc4: {  	(tm) =	ssettm $0x7FFFFFFF  }
0xc5: {  	_ =	shalt  }
tec
execute0_lowered:
.L_overlay_start_1:
0x0: {  	(tag) =	ssettag $0x1  }
0x1: {  	s0 =	rddreg [dreg:$0x0]  }
0x2: {  	s1 =	srdreg.scid;
	s2 =	stileid.u32  }
0x3: {  	s4 =	rddreg [dreg:$0x1];
	s19 =	simm.s32 $0x7;
	s28 =	simm.s32 $0x1  }
0x4: {  	s30 =	simm.s32 $0x16400;
	s1 =	sand.u32 $0x1, s1;
	s3 =	sshll.u32 s2, $0x1  }
0x5: {  	s31 =	simm.s32 $0x2;
	s29 =	simm.s32 $0x6;
	s6 =	sor.u32 s1, s3  }
0x6: {  	s2 =	rddreg [dreg:$0x2];
	s4 =	sadd.s32 $0xF42C00, s4;
	s7 =	smul.u32 $0x6400, s6  }
0x7: {  	s3 =	simm.s32 $0x0;
	s1 =	ssub.s32 $0x2, s1;
	s5 =	smul.u32 $0x32000, s6  }
0x8: {  	[smem:$0x7FF] =	sst s3;
	s8 =	sshrl.u32 s1, $0x1;
	s6 =	smul.u32 $0x190000, s6  }
0x9: {  	_ =	strace $0x80000047;
	s1 =	ssub.s32 s1, s8;
	s9 =	sshrl.u32 s7, $0x3  }
0xa: {  	s5 =	sadd.s32 s2, s5;
	s23 =	sshrl.u32 s6, $0x3;
	s11 =	sor.u32 $0x100, s7  }
0xb: {  	s12 =	sor.u32 $0x200, s7;
	s13 =	sor.u32 $0x300, s7;
	s0 =	sadd.s32 s0, s9  }
0xc: {  	s18 =	smax.u32 s1, $0x1;
	s20 =	sadd.s32 $0x800, s5;
	[dreg:$0x4] =	wrdreg s0  }
0xd: {  	s1 =	simm.s32 $0x4;
	s21 =	sadd.s32 $0x1000, s5;
	[dreg:$0x5] =	wrdreg s20  }
0xe: {  	s22 =	sadd.s32 $0x1800, s5;
	[dreg:$0x6] =	wrdreg s21;
	s0 =	sadd.s32 s2, s23  }
0xf: {  	s7 =	simm.s32 $0x0;
	[dreg:$0x7] =	wrdreg s22;
	s24 =	sadd.s32 $0x30000, s0  }
0x10: {  	s20 =	simm.s32 $0x100;
	s25 =	sadd.s32 $0x30800, s0;
	[dreg:$0x8] =	wrdreg s24  }
0x11: {  	s21 =	simm.s32 $0x6400;
	s26 =	sadd.s32 $0x31000, s0;
	[dreg:$0x9] =	wrdreg s25  }
0x12: {  	s22 =	simm.s32 $0xA400;
	s0 =	sadd.s32 $0x31800, s0;
	[dreg:$0xa] =	wrdreg s26  }
0x13: {  	s23 =	simm.s32 $0x3;
	[dreg:$0xb] =	wrdreg s0;
	s24 =	simm.s32 $0xE400  }
0x14: {  	s26 =	simm.s32 $0x12400;
	s0 =	simm.s32 $0x1A400;
	s25 =	simm.s32 $0x5  }
.LBB2_1:
0x15: {  	s8 =	rddreg [dreg:$0x4]  }
0x16: {  	[tilespmem:s3], [sflag:$0x7] =	stream.linear.gather [hbm4b:s8+s3], $0x6400, $0x38;
	[tilespmem:$0x1E400] =	vst v63  }
0x17: {  	_ =	swait.ge [sflag:s19], $0x6400  }
0x18: {  	[sflag:s19] =	ssyncset.done $0x0  }
0x19: {  	[sflag:s19] =	ssyncadd.s32 $0xFFFF9C00  }
0x1a: {  	[tilespmem:s21], [sflag:$0x1] =	stream.indirect.gather [hbm4b:s4+s20], $0x40, s3, s20, $0xb8;
	[tilespmem:$0x1E400] =	vst v63  }
0x1b: {  	_ = 	snop  }
0x1c: {  	[tilespmem:s22], [sflag:$0x2] =	stream.indirect.gather [hbm4b:s4+s20], $0x40, s20, s20, $0xb8;
	[tilespmem:$0x1E400] =	vst v63  }
0x1d: {  	s16 =	simm.s32 $0x200  }
0x1e: {  	[tilespmem:s24], [sflag:$0x3] =	stream.indirect.gather [hbm4b:s4+s20], $0x40, s16, s20, $0xb8;
	[tilespmem:$0x1E400] =	vst v63  }
0x1f: {  	s17 =	simm.s32 $0x300  }
0x20: {  	[tilespmem:s26], [sflag:$0x4] =	stream.indirect.gather [hbm4b:s4+s20], $0x40, s17, s20, $0xb8;
	[tilespmem:$0x1E400] =	vst v63  }
0x21: {  	_ =	swait.ge [sflag:s28], $0x4000  }
0x22: {  	[sflag:s28] =	ssyncset.done $0x0  }
0x23: {  	s9 =	simm.s32 $0x6480;
	[sflag:s28] =	ssyncadd.s32 $0xFFFFC000  }
0x24: {  	v0 =	vld [tilespmem:s9+$0xFFFFFF80];
	_ =	sdelay $0x4  }
0x25: {  	v0 =	vmul.f32 $8.000000000e+00, v0  }
0x26: {  	s8 =	simm.s32 $0x16480  }
0x27: {  	[tilespmem:s8+$0xFFFFFF80] =	vst v0  }
0x28: {  	v0 =	vld [tilespmem:s9+$0xFFFFFF90];
	_ =	sdelay $0x4  }
0x29: {  	v0 =	vmul.f32 $8.000000000e+00, v0;
	_ =	sdelay $0x1  }
0x2a: {  	[tilespmem:s8+$0xFFFFFF90] =	vst v0  }
0x2b: {  	v0 =	vld [tilespmem:s9+$0xFFFFFFA0];
	_ =	sdelay $0x4  }
0x2c: {  	v0 =	vmul.f32 $8.000000000e+00, v0;
	_ =	sdelay $0x1  }
0x2d: {  	[tilespmem:s8+$0xFFFFFFA0] =	vst v0  }
0x2e: {  	v0 =	vld [tilespmem:s9+$0xFFFFFFB0];
	_ =	sdelay $0x4  }
0x2f: {  	v0 =	vmul.f32 $8.000000000e+00, v0;
	_ =	sdelay $0x1  }
0x30: {  	[tilespmem:s8+$0xFFFFFFB0] =	vst v0  }
0x31: {  	v0 =	vld [tilespmem:s9+$0xFFFFFFC0];
	_ =	sdelay $0x4  }
0x32: {  	v0 =	vmul.f32 $8.000000000e+00, v0;
	_ =	sdelay $0x1  }
0x33: {  	[tilespmem:s8+$0xFFFFFFC0] =	vst v0  }
0x34: {  	v0 =	vld [tilespmem:s9+$0xFFFFFFD0];
	_ =	sdelay $0x4  }
0x35: {  	v0 =	vmul.f32 $8.000000000e+00, v0;
	_ =	sdelay $0x1  }
0x36: {  	[tilespmem:s8+$0xFFFFFFD0] =	vst v0  }
0x37: {  	v0 =	vld [tilespmem:s9+$0xFFFFFFE0];
	_ =	sdelay $0x4  }
0x38: {  	v0 =	vmul.f32 $8.000000000e+00, v0;
	_ =	sdelay $0x1  }
0x39: {  	[tilespmem:s8+$0xFFFFFFE0] =	vst v0  }
0x3a: {  	v0 =	vld [tilespmem:s9+$0xFFFFFFF0];
	_ =	sdelay $0x4  }
0x3b: {  	v0 =	vmul.f32 $8.000000000e+00, v0;
	_ =	sdelay $0x1  }
0x3c: {  	[tilespmem:s8+$0xFFFFFFF0] =	vst v0  }
0x3d: {  	v0 =	vld [tilespmem:s9+$0x0];
	_ =	sdelay $0x4  }
0x3e: {  	v0 =	vmul.f32 $8.000000000e+00, v0;
	_ =	sdelay $0x1  }
0x3f: {  	[tilespmem:s8+$0x0] =	vst v0  }
0x40: {  	v0 =	vld [tilespmem:s9+$0x10];
	_ =	sdelay $0x4  }
0x41: {  	v0 =	vmul.f32 $8.000000000e+00, v0;
	_ =	sdelay $0x1  }
0x42: {  	[tilespmem:s8+$0x10] =	vst v0  }
0x43: {  	v0 =	vld [tilespmem:s9+$0x20];
	_ =	sdelay $0x4  }
0x44: {  	v0 =	vmul.f32 $8.000000000e+00, v0;
	_ =	sdelay $0x1  }
0x45: {  	[tilespmem:s8+$0x20] =	vst v0  }
0x46: {  	v0 =	vld [tilespmem:s9+$0x30];
	_ =	sdelay $0x4  }
0x47: {  	v0 =	vmul.f32 $8.000000000e+00, v0;
	_ =	sdelay $0x1  }
0x48: {  	[tilespmem:s8+$0x30] =	vst v0  }
0x49: {  	v0 =	vld [tilespmem:s9+$0x40];
	_ =	sdelay $0x4  }
0x4a: {  	v0 =	vmul.f32 $8.000000000e+00, v0;
	_ =	sdelay $0x1  }
0x4b: {  	[tilespmem:s8+$0x40] =	vst v0  }
0x4c: {  	v0 =	vld [tilespmem:s9+$0x50];
	_ =	sdelay $0x4  }
0x4d: {  	v0 =	vmul.f32 $8.000000000e+00, v0;
	_ =	sdelay $0x1  }
0x4e: {  	[tilespmem:s8+$0x50] =	vst v0  }
0x4f: {  	v0 =	vld [tilespmem:s9+$0x60];
	_ =	sdelay $0x4  }
0x50: {  	v0 =	vmul.f32 $8.000000000e+00, v0;
	_ =	sdelay $0x1  }
0x51: {  	[tilespmem:s8+$0x60] =	vst v0  }
0x52: {  	v0 =	vld [tilespmem:s9+$0x70];
	_ =	sdelay $0x4  }
0x53: {  	v0 =	vmul.f32 $8.000000000e+00, v0;
	_ =	sdelay $0x1  }
0x54: {  	s10 =	simm.s32 $0x6580;
	s9 =	simm.s32 $0x0;
	[tilespmem:s8+$0x70] =	vst v0  }
.LBB2_2:
0x55: {  	v0 =	vld [tilespmem:s10+$0xFFFFFF80];
	s9 =	sadd.s32 $0x4, s9  }
0x56: {  	p0 =	slt.u32 s9, $0xFC;
	_ =	sdelay $0x3  }
0x57: {  	v0 =	vmul.f32 $8.000000000e+00, v0  }
0x58: {  	s8 =	sadd.s32 $0x100, s8  }
0x59: {  	[tilespmem:s8+$0xFFFFFF80] =	vst v0  }
0x5a: {  	v0 =	vld [tilespmem:s10+$0xFFFFFF90];
	_ =	sdelay $0x4  }
0x5b: {  	v0 =	vmul.f32 $8.000000000e+00, v0;
	_ =	sdelay $0x1  }
0x5c: {  	[tilespmem:s8+$0xFFFFFF90] =	vst v0  }
0x5d: {  	v0 =	vld [tilespmem:s10+$0xFFFFFFA0];
	_ =	sdelay $0x4  }
0x5e: {  	v0 =	vmul.f32 $8.000000000e+00, v0;
	_ =	sdelay $0x1  }
0x5f: {  	[tilespmem:s8+$0xFFFFFFA0] =	vst v0  }
0x60: {  	v0 =	vld [tilespmem:s10+$0xFFFFFFB0];
	_ =	sdelay $0x4  }
0x61: {  	v0 =	vmul.f32 $8.000000000e+00, v0;
	_ =	sdelay $0x1  }
0x62: {  	[tilespmem:s8+$0xFFFFFFB0] =	vst v0  }
0x63: {  	v0 =	vld [tilespmem:s10+$0xFFFFFFC0];
	_ =	sdelay $0x4  }
0x64: {  	v0 =	vmul.f32 $8.000000000e+00, v0;
	_ =	sdelay $0x1  }
0x65: {  	[tilespmem:s8+$0xFFFFFFC0] =	vst v0  }
0x66: {  	v0 =	vld [tilespmem:s10+$0xFFFFFFD0];
	_ =	sdelay $0x4  }
0x67: {  	v0 =	vmul.f32 $8.000000000e+00, v0;
	_ =	sdelay $0x1  }
0x68: {  	[tilespmem:s8+$0xFFFFFFD0] =	vst v0  }
0x69: {  	v0 =	vld [tilespmem:s10+$0xFFFFFFE0];
	_ =	sdelay $0x4  }
0x6a: {  	v0 =	vmul.f32 $8.000000000e+00, v0;
	_ =	sdelay $0x1  }
0x6b: {  	[tilespmem:s8+$0xFFFFFFE0] =	vst v0  }
0x6c: {  	v0 =	vld [tilespmem:s10+$0xFFFFFFF0];
	_ =	sdelay $0x4  }
0x6d: {  	v0 =	vmul.f32 $8.000000000e+00, v0;
	_ =	sdelay $0x1  }
0x6e: {  	[tilespmem:s8+$0xFFFFFFF0] =	vst v0  }
0x6f: {  	v0 =	vld [tilespmem:s10+$0x0];
	_ =	sdelay $0x4  }
0x70: {  	v0 =	vmul.f32 $8.000000000e+00, v0;
	_ =	sdelay $0x1  }
0x71: {  	[tilespmem:s8+$0x0] =	vst v0  }
0x72: {  	v0 =	vld [tilespmem:s10+$0x10];
	_ =	sdelay $0x4  }
0x73: {  	v0 =	vmul.f32 $8.000000000e+00, v0;
	_ =	sdelay $0x1  }
0x74: {  	[tilespmem:s8+$0x10] =	vst v0  }
0x75: {  	v0 =	vld [tilespmem:s10+$0x20];
	_ =	sdelay $0x4  }
0x76: {  	v0 =	vmul.f32 $8.000000000e+00, v0;
	_ =	sdelay $0x1  }
0x77: {  	[tilespmem:s8+$0x20] =	vst v0  }
0x78: {  	v0 =	vld [tilespmem:s10+$0x30];
	_ =	sdelay $0x4  }
0x79: {  	v0 =	vmul.f32 $8.000000000e+00, v0;
	_ =	sdelay $0x1  }
0x7a: {  	[tilespmem:s8+$0x30] =	vst v0  }
0x7b: {  	v0 =	vld [tilespmem:s10+$0x40];
	_ =	sdelay $0x4  }
0x7c: {  	v0 =	vmul.f32 $8.000000000e+00, v0;
	_ =	sdelay $0x1  }
0x7d: {  	[tilespmem:s8+$0x40] =	vst v0  }
0x7e: {  	v0 =	vld [tilespmem:s10+$0x50];
	_ =	sdelay $0x4  }
0x7f: {  	v0 =	vmul.f32 $8.000000000e+00, v0;
	_ =	sdelay $0x1  }
0x80: {  	[tilespmem:s8+$0x50] =	vst v0  }
0x81: {  	v0 =	vld [tilespmem:s10+$0x60];
	_ =	sdelay $0x4  }
0x82: {  	v0 =	vmul.f32 $8.000000000e+00, v0;
	_ =	sdelay $0x1  }
0x83: {  	[tilespmem:s8+$0x60] =	vst v0  }
0x84: {  	v0 =	vld [tilespmem:s10+$0x70];
	_ =	sdelay $0x2  }
.Ltmp0:
0x85: {  	(pc) =	sbr.rel @p0 .LBB2_2-.Ltmp0, $3  }
0x86: {  	_ = 	snop  }
0x87: {  	v0 =	vmul.f32 $8.000000000e+00, v0;
	_ =	sdelay $0x1  }
0x88: {  	s10 =	sadd.s32 $0x100, s10;
	[tilespmem:s8+$0x70] =	vst v0  }
0x89: {  	s8 =	simm.s32 $0x400  }
0x8a: {  	[tilespmem:s21], [sflag:$0x1] =	stream.indirect.gather [hbm4b:s4+s20], $0x40, s8, s20, $0xb8;
	[tilespmem:$0x1E400] =	vst v63  }
0x8b: {  	s17 =	simm.s32 $0x0  }
0x8c: {  	[hbm4b:s5+s17] =	stream.linear.scatter [tilespmem:s30], [sflag:$0x5], $0x4000, $0x38;
	[tilespmem:$0x1E400] =	vst v63  }
0x8d: {  	_ =	swait.ge [sflag:s31], $0x4000  }
0x8e: {  	[sflag:s31] =	ssyncset.done $0x0  }
0x8f: {  	s8 =	simm.s32 $0x0;
	[sflag:s31] =	ssyncadd.s32 $0xFFFFC000  }
0x90: {  	v0 =	vld [tilespmem:s8+$0xA4F0]  }
0x91: {  	v1 =	vld [tilespmem:s8+$0xA400]  }
0x92: {  	v2 =	vld [tilespmem:s8+$0xA410]  }
0x93: {  	v3 =	vld [tilespmem:s8+$0xA420]  }
0x94: {  	v4 =	vld [tilespmem:s8+$0xA430]  }
0x95: {  	v5 =	vld [tilespmem:s8+$0xA440];
	v0 =	vmul.f32 $8.000000000e+00, v0  }
0x96: {  	v6 =	vld [tilespmem:s8+$0xA450];
	v1 =	vmul.f32 $8.000000000e+00, v1  }
0x97: {  	v7 =	vld [tilespmem:s8+$0xA460];
	[tilespmem:s8+$0x1A4F0] =	vst v0;
	v0 =	vmul.f32 $8.000000000e+00, v2  }
0x98: {  	v8 =	vld [tilespmem:s8+$0xA470];
	[tilespmem:s8+$0x1A400] =	vst v1;
	v1 =	vmul.f32 $8.000000000e+00, v3  }
0x99: {  	v9 =	vld [tilespmem:s8+$0xA480];
	[tilespmem:s8+$0x1A410] =	vst v0;
	v0 =	vmul.f32 $8.000000000e+00, v4  }
0x9a: {  	v2 =	vld [tilespmem:s8+$0xA490];
	[tilespmem:s8+$0x1A420] =	vst v1;
	v1 =	vmul.f32 $8.000000000e+00, v5  }
0x9b: {  	v3 =	vmul.f32 $8.000000000e+00, v6;
	[tilespmem:s8+$0x1A430] =	vst v0;
	v0 =	vld [tilespmem:s8+$0xA4A0]  }
0x9c: {  	v4 =	vmul.f32 $8.000000000e+00, v7;
	[tilespmem:s8+$0x1A440] =	vst v1;
	v1 =	vld [tilespmem:s8+$0xA4B0]  }
0x9d: {  	v6 =	vmul.f32 $8.000000000e+00, v8;
	[tilespmem:s8+$0x1A450] =	vst v3;
	v3 =	vld [tilespmem:s8+$0xA4C0]  }
0x9e: {  	s9 =	simm.s32 $0x0;
	s10 =	simm.s32 $0x400;
	v5 =	vmul.f32 $8.000000000e+00, v9;
	[tilespmem:s8+$0x1A460] =	vst v4;
	v4 =	vld [tilespmem:s8+$0xA4D0]  }
.LBB2_4:
0x9f: {  	s14 =	sshra.s32 s10, $0x2;
	s9 =	sadd.s32 $0x4, s9;
	[tilespmem:s8+$0x1A470] =	vst v6;
	v2 =	vmul.f32 $8.000000000e+00, v2;
	v6 =	vld [tilespmem:s8+$0xA4E0]  }
0xa0: {  	v7 =	vld [tilespmem:s14+$0xA4F0];
	p0 =	slt.u32 s9, $0xFC;
	[tilespmem:s8+$0x1A480] =	vst v5;
	v0 =	vmul.f32 $8.000000000e+00, v0  }
0xa1: {  	v5 =	vld [tilespmem:s14+$0xA400];
	[tilespmem:s8+$0x1A490] =	vst v2;
	v1 =	vmul.f32 $8.000000000e+00, v1  }
0xa2: {  	v2 =	vld [tilespmem:s14+$0xA410];
	[tilespmem:s8+$0x1A4A0] =	vst v0;
	v0 =	vmul.f32 $8.000000000e+00, v3  }
0xa3: {  	v3 =	vld [tilespmem:s14+$0xA420];
	[tilespmem:s8+$0x1A4B0] =	vst v1;
	v1 =	vmul.f32 $8.000000000e+00, v4  }
0xa4: {  	v4 =	vld [tilespmem:s14+$0xA430];
	[tilespmem:s8+$0x1A4C0] =	vst v0;
	v0 =	vmul.f32 $8.000000000e+00, v6  }
0xa5: {  	v6 =	vld [tilespmem:s14+$0xA440];
	v7 =	vmul.f32 $8.000000000e+00, v7;
	[tilespmem:s8+$0x1A4D0] =	vst v1  }
0xa6: {  	v1 =	vmul.f32 $8.000000000e+00, v5;
	v5 =	vld [tilespmem:s14+$0xA450];
	[tilespmem:s8+$0x1A4E0] =	vst v0;
	s8 =	smov.u32 s14  }
0xa7: {  	v0 =	vmul.f32 $8.000000000e+00, v2;
	v8 =	vld [tilespmem:s8+$0xA460];
	[tilespmem:s8+$0x1A4F0] =	vst v7  }
0xa8: {  	[tilespmem:s8+$0x1A400] =	vst v1;
	v1 =	vmul.f32 $8.000000000e+00, v3;
	v3 =	vld [tilespmem:s8+$0xA470]  }
0xa9: {  	[tilespmem:s8+$0x1A410] =	vst v0;
	v0 =	vmul.f32 $8.000000000e+00, v4;
	v4 =	vld [tilespmem:s8+$0xA480]  }
.Ltmp1:
0xaa: {  	[tilespmem:s8+$0x1A420] =	vst v1;
	v1 =	vmul.f32 $8.000000000e+00, v6;
	v2 =	vld [tilespmem:s8+$0xA490];
	(pc) =	sbr.rel @p0 .LBB2_4-.Ltmp1, $4  }
0xab: {  	[tilespmem:s8+$0x1A430] =	vst v0;
	v5 =	vmul.f32 $8.000000000e+00, v5;
	v0 =	vld [tilespmem:s8+$0xA4A0]  }
0xac: {  	[tilespmem:s8+$0x1A440] =	vst v1;
	v7 =	vmul.f32 $8.000000000e+00, v8;
	v1 =	vld [tilespmem:s8+$0xA4B0]  }
0xad: {  	[tilespmem:s8+$0x1A450] =	vst v5;
	v6 =	vmul.f32 $8.000000000e+00, v3;
	v3 =	vld [tilespmem:s8+$0xA4C0]  }
0xae: {  	s10 =	sadd.s32 $0x400, s10;
	[tilespmem:s8+$0x1A460] =	vst v7;
	v5 =	vmul.f32 $8.000000000e+00, v4;
	v4 =	vld [tilespmem:s8+$0xA4D0]  }
0xaf: {  	[tilespmem:s8+$0x1A470] =	vst v6;
	v2 =	vmul.f32 $8.000000000e+00, v2;
	v6 =	vld [tilespmem:s8+$0xA4E0]  }
0xb0: {  	[tilespmem:s8+$0x1A480] =	vst v5;
	v0 =	vmul.f32 $8.000000000e+00, v0  }
0xb1: {  	[tilespmem:s8+$0x1A490] =	vst v2;
	v1 =	vmul.f32 $8.000000000e+00, v1  }
0xb2: {  	[tilespmem:s8+$0x1A4A0] =	vst v0;
	v0 =	vmul.f32 $8.000000000e+00, v3  }
0xb3: {  	[tilespmem:s8+$0x1A4B0] =	vst v1;
	v1 =	vmul.f32 $8.000000000e+00, v4  }
0xb4: {  	[tilespmem:s8+$0x1A4C0] =	vst v0;
	v0 =	vmul.f32 $8.000000000e+00, v6  }
0xb5: {  	[tilespmem:s8+$0x1A4D0] =	vst v1  }
0xb6: {  	s16 =	simm.s32 $0x500;
	[tilespmem:s8+$0x1A4E0] =	vst v0  }
0xb7: {  	[tilespmem:s22], [sflag:$0x2] =	stream.indirect.gather [hbm4b:s4+s20], $0x40, s16, s20, $0xb8;
	[tilespmem:$0x1E400] =	vst v63  }
0xb8: {  	s17 =	simm.s32 $0x0;
	s9 =	rddreg [dreg:$0x5]  }
0xb9: {  	[hbm4b:s9+s17] =	stream.linear.scatter [tilespmem:s0], [sflag:$0x6], $0x4000, $0x38;
	[tilespmem:$0x1E400] =	vst v63  }
0xba: {  	_ =	swait.ge [sflag:s23], $0x4000  }
0xbb: {  	[sflag:s23] =	ssyncset.done $0x0  }
0xbc: {  	[sflag:s23] =	ssyncadd.s32 $0xFFFFC000  }
0xbd: {  	_ =	swait.ge [sflag:s25], $0x4000  }
0xbe: {  	[sflag:s25] =	ssyncset.done $0x0  }
0xbf: {  	s8 =	simm.s32 $0x0;
	[sflag:s25] =	ssyncadd.s32 $0xFFFFC000  }
0xc0: {  	v0 =	vld [tilespmem:s8+$0xE4F0]  }
0xc1: {  	v1 =	vld [tilespmem:s8+$0xE400]  }
0xc2: {  	v2 =	vld [tilespmem:s8+$0xE410]  }
0xc3: {  	v3 =	vld [tilespmem:s8+$0xE420]  }
0xc4: {  	v4 =	vld [tilespmem:s8+$0xE430]  }
0xc5: {  	v5 =	vld [tilespmem:s8+$0xE440];
	v0 =	vmul.f32 $8.000000000e+00, v0  }
0xc6: {  	v6 =	vld [tilespmem:s8+$0xE450];
	v1 =	vmul.f32 $8.000000000e+00, v1  }
0xc7: {  	v7 =	vld [tilespmem:s8+$0xE460];
	[tilespmem:s8+$0x164F0] =	vst v0;
	v0 =	vmul.f32 $8.000000000e+00, v2  }
0xc8: {  	v8 =	vld [tilespmem:s8+$0xE470];
	[tilespmem:s8+$0x16400] =	vst v1;
	v1 =	vmul.f32 $8.000000000e+00, v3  }
0xc9: {  	v9 =	vld [tilespmem:s8+$0xE480];
	[tilespmem:s8+$0x16410] =	vst v0;
	v0 =	vmul.f32 $8.000000000e+00, v4  }
0xca: {  	v2 =	vld [tilespmem:s8+$0xE490];
	[tilespmem:s8+$0x16420] =	vst v1;
	v1 =	vmul.f32 $8.000000000e+00, v5  }
0xcb: {  	v3 =	vmul.f32 $8.000000000e+00, v6;
	[tilespmem:s8+$0x16430] =	vst v0;
	v0 =	vld [tilespmem:s8+$0xE4A0]  }
0xcc: {  	v4 =	vmul.f32 $8.000000000e+00, v7;
	[tilespmem:s8+$0x16440] =	vst v1;
	v1 =	vld [tilespmem:s8+$0xE4B0]  }
0xcd: {  	v6 =	vmul.f32 $8.000000000e+00, v8;
	[tilespmem:s8+$0x16450] =	vst v3;
	v3 =	vld [tilespmem:s8+$0xE4C0]  }
0xce: {  	s10 =	simm.s32 $0x400;
	s9 =	simm.s32 $0x0;
	v5 =	vmul.f32 $8.000000000e+00, v9;
	[tilespmem:s8+$0x16460] =	vst v4;
	v4 =	vld [tilespmem:s8+$0xE4D0]  }
.LBB2_6:
0xcf: {  	s14 =	sshra.s32 s10, $0x2;
	s9 =	sadd.s32 $0x4, s9;
	[tilespmem:s8+$0x16470] =	vst v6;
	v2 =	vmul.f32 $8.000000000e+00, v2;
	v6 =	vld [tilespmem:s8+$0xE4E0]  }
0xd0: {  	v7 =	vld [tilespmem:s14+$0xE4F0];
	p0 =	slt.u32 s9, $0xFC;
	[tilespmem:s8+$0x16480] =	vst v5;
	v0 =	vmul.f32 $8.000000000e+00, v0  }
0xd1: {  	v5 =	vld [tilespmem:s14+$0xE400];
	[tilespmem:s8+$0x16490] =	vst v2;
	v1 =	vmul.f32 $8.000000000e+00, v1  }
0xd2: {  	v2 =	vld [tilespmem:s14+$0xE410];
	[tilespmem:s8+$0x164A0] =	vst v0;
	v0 =	vmul.f32 $8.000000000e+00, v3  }
0xd3: {  	v3 =	vld [tilespmem:s14+$0xE420];
	[tilespmem:s8+$0x164B0] =	vst v1;
	v1 =	vmul.f32 $8.000000000e+00, v4  }
0xd4: {  	v4 =	vld [tilespmem:s14+$0xE430];
	[tilespmem:s8+$0x164C0] =	vst v0;
	v0 =	vmul.f32 $8.000000000e+00, v6  }
0xd5: {  	v6 =	vld [tilespmem:s14+$0xE440];
	v7 =	vmul.f32 $8.000000000e+00, v7;
	[tilespmem:s8+$0x164D0] =	vst v1  }
0xd6: {  	v1 =	vmul.f32 $8.000000000e+00, v5;
	v5 =	vld [tilespmem:s14+$0xE450];
	[tilespmem:s8+$0x164E0] =	vst v0;
	s8 =	smov.u32 s14  }
0xd7: {  	v0 =	vmul.f32 $8.000000000e+00, v2;
	v8 =	vld [tilespmem:s8+$0xE460];
	[tilespmem:s8+$0x164F0] =	vst v7  }
0xd8: {  	[tilespmem:s8+$0x16400] =	vst v1;
	v1 =	vmul.f32 $8.000000000e+00, v3;
	v3 =	vld [tilespmem:s8+$0xE470]  }
0xd9: {  	[tilespmem:s8+$0x16410] =	vst v0;
	v0 =	vmul.f32 $8.000000000e+00, v4;
	v4 =	vld [tilespmem:s8+$0xE480]  }
.Ltmp2:
0xda: {  	[tilespmem:s8+$0x16420] =	vst v1;
	v1 =	vmul.f32 $8.000000000e+00, v6;
	v2 =	vld [tilespmem:s8+$0xE490];
	(pc) =	sbr.rel @p0 .LBB2_6-.Ltmp2, $4  }
0xdb: {  	[tilespmem:s8+$0x16430] =	vst v0;
	v5 =	vmul.f32 $8.000000000e+00, v5;
	v0 =	vld [tilespmem:s8+$0xE4A0]  }
0xdc: {  	[tilespmem:s8+$0x16440] =	vst v1;
	v7 =	vmul.f32 $8.000000000e+00, v8;
	v1 =	vld [tilespmem:s8+$0xE4B0]  }
0xdd: {  	[tilespmem:s8+$0x16450] =	vst v5;
	v6 =	vmul.f32 $8.000000000e+00, v3;
	v3 =	vld [tilespmem:s8+$0xE4C0]  }
0xde: {  	s10 =	sadd.s32 $0x400, s10;
	[tilespmem:s8+$0x16460] =	vst v7;
	v5 =	vmul.f32 $8.000000000e+00, v4;
	v4 =	vld [tilespmem:s8+$0xE4D0]  }
0xdf: {  	[tilespmem:s8+$0x16470] =	vst v6;
	v2 =	vmul.f32 $8.000000000e+00, v2;
	v6 =	vld [tilespmem:s8+$0xE4E0]  }
0xe0: {  	[tilespmem:s8+$0x16480] =	vst v5;
	v0 =	vmul.f32 $8.000000000e+00, v0  }
0xe1: {  	[tilespmem:s8+$0x16490] =	vst v2;
	v1 =	vmul.f32 $8.000000000e+00, v1  }
0xe2: {  	[tilespmem:s8+$0x164A0] =	vst v0;
	v0 =	vmul.f32 $8.000000000e+00, v3  }
0xe3: {  	[tilespmem:s8+$0x164B0] =	vst v1;
	v1 =	vmul.f32 $8.000000000e+00, v4  }
0xe4: {  	[tilespmem:s8+$0x164C0] =	vst v0;
	v0 =	vmul.f32 $8.000000000e+00, v6  }
0xe5: {  	[tilespmem:s8+$0x164D0] =	vst v1  }
0xe6: {  	s16 =	simm.s32 $0x600;
	[tilespmem:s8+$0x164E0] =	vst v0  }
0xe7: {  	[tilespmem:s24], [sflag:$0x3] =	stream.indirect.gather [hbm4b:s4+s20], $0x40, s16, s20, $0xb8;
	[tilespmem:$0x1E400] =	vst v63  }
0xe8: {  	s17 =	simm.s32 $0x0;
	s9 =	rddreg [dreg:$0x6]  }
0xe9: {  	[hbm4b:s9+s17] =	stream.linear.scatter [tilespmem:s30], [sflag:$0x5], $0x4000, $0x38;
	[tilespmem:$0x1E400] =	vst v63  }
0xea: {  	_ =	swait.ge [sflag:s1], $0x4000  }
0xeb: {  	[sflag:s1] =	ssyncset.done $0x0  }
0xec: {  	[sflag:s1] =	ssyncadd.s32 $0xFFFFC000  }
0xed: {  	_ =	swait.ge [sflag:s29], $0x4000  }
0xee: {  	[sflag:s29] =	ssyncset.done $0x0  }
0xef: {  	s8 =	simm.s32 $0x0;
	[sflag:s29] =	ssyncadd.s32 $0xFFFFC000  }
0xf0: {  	v0 =	vld [tilespmem:s8+$0x124F0]  }
0xf1: {  	v1 =	vld [tilespmem:s8+$0x12400]  }
0xf2: {  	v2 =	vld [tilespmem:s8+$0x12410]  }
0xf3: {  	v3 =	vld [tilespmem:s8+$0x12420]  }
0xf4: {  	v4 =	vld [tilespmem:s8+$0x12430]  }
0xf5: {  	v5 =	vld [tilespmem:s8+$0x12440];
	v0 =	vmul.f32 $8.000000000e+00, v0  }
0xf6: {  	v6 =	vld [tilespmem:s8+$0x12450];
	v1 =	vmul.f32 $8.000000000e+00, v1  }
0xf7: {  	v7 =	vld [tilespmem:s8+$0x12460];
	[tilespmem:s8+$0x1A4F0] =	vst v0;
	v0 =	vmul.f32 $8.000000000e+00, v2  }
0xf8: {  	v8 =	vld [tilespmem:s8+$0x12470];
	[tilespmem:s8+$0x1A400] =	vst v1;
	v1 =	vmul.f32 $8.000000000e+00, v3  }
0xf9: {  	v9 =	vld [tilespmem:s8+$0x12480];
	[tilespmem:s8+$0x1A410] =	vst v0;
	v0 =	vmul.f32 $8.000000000e+00, v4  }
0xfa: {  	v2 =	vld [tilespmem:s8+$0x12490];
	[tilespmem:s8+$0x1A420] =	vst v1;
	v1 =	vmul.f32 $8.000000000e+00, v5  }
0xfb: {  	v3 =	vmul.f32 $8.000000000e+00, v6;
	[tilespmem:s8+$0x1A430] =	vst v0;
	v0 =	vld [tilespmem:s8+$0x124A0]  }
0xfc: {  	v4 =	vmul.f32 $8.000000000e+00, v7;
	[tilespmem:s8+$0x1A440] =	vst v1;
	v1 =	vld [tilespmem:s8+$0x124B0]  }
0xfd: {  	v6 =	vmul.f32 $8.000000000e+00, v8;
	[tilespmem:s8+$0x1A450] =	vst v3;
	v3 =	vld [tilespmem:s8+$0x124C0]  }
0xfe: {  	s10 =	simm.s32 $0x400;
	s9 =	simm.s32 $0x0;
	v5 =	vmul.f32 $8.000000000e+00, v9;
	[tilespmem:s8+$0x1A460] =	vst v4;
	v4 =	vld [tilespmem:s8+$0x124D0]  }
.LBB2_8:
0xff: {  	s14 =	sshra.s32 s10, $0x2;
	s9 =	sadd.s32 $0x4, s9;
	[tilespmem:s8+$0x1A470] =	vst v6;
	v2 =	vmul.f32 $8.000000000e+00, v2;
	v6 =	vld [tilespmem:s8+$0x124E0]  }
0x100: {  	v7 =	vld [tilespmem:s14+$0x124F0];
	p0 =	slt.u32 s9, $0xFC;
	[tilespmem:s8+$0x1A480] =	vst v5;
	v0 =	vmul.f32 $8.000000000e+00, v0  }
0x101: {  	v5 =	vld [tilespmem:s14+$0x12400];
	[tilespmem:s8+$0x1A490] =	vst v2;
	v1 =	vmul.f32 $8.000000000e+00, v1  }
0x102: {  	v2 =	vld [tilespmem:s14+$0x12410];
	[tilespmem:s8+$0x1A4A0] =	vst v0;
	v0 =	vmul.f32 $8.000000000e+00, v3  }
0x103: {  	v3 =	vld [tilespmem:s14+$0x12420];
	[tilespmem:s8+$0x1A4B0] =	vst v1;
	v1 =	vmul.f32 $8.000000000e+00, v4  }
0x104: {  	v4 =	vld [tilespmem:s14+$0x12430];
	[tilespmem:s8+$0x1A4C0] =	vst v0;
	v0 =	vmul.f32 $8.000000000e+00, v6  }
0x105: {  	v6 =	vld [tilespmem:s14+$0x12440];
	v7 =	vmul.f32 $8.000000000e+00, v7;
	[tilespmem:s8+$0x1A4D0] =	vst v1  }
0x106: {  	v1 =	vmul.f32 $8.000000000e+00, v5;
	v5 =	vld [tilespmem:s14+$0x12450];
	[tilespmem:s8+$0x1A4E0] =	vst v0;
	s8 =	smov.u32 s14  }
0x107: {  	v0 =	vmul.f32 $8.000000000e+00, v2;
	v8 =	vld [tilespmem:s8+$0x12460];
	[tilespmem:s8+$0x1A4F0] =	vst v7  }
0x108: {  	[tilespmem:s8+$0x1A400] =	vst v1;
	v1 =	vmul.f32 $8.000000000e+00, v3;
	v3 =	vld [tilespmem:s8+$0x12470]  }
0x109: {  	[tilespmem:s8+$0x1A410] =	vst v0;
	v0 =	vmul.f32 $8.000000000e+00, v4;
	v4 =	vld [tilespmem:s8+$0x12480]  }
.Ltmp3:
0x10a: {  	[tilespmem:s8+$0x1A420] =	vst v1;
	v1 =	vmul.f32 $8.000000000e+00, v6;
	v2 =	vld [tilespmem:s8+$0x12490];
	(pc) =	sbr.rel @p0 .LBB2_8-.Ltmp3, $4  }
0x10b: {  	[tilespmem:s8+$0x1A430] =	vst v0;
	v5 =	vmul.f32 $8.000000000e+00, v5;
	v0 =	vld [tilespmem:s8+$0x124A0]  }
0x10c: {  	[tilespmem:s8+$0x1A440] =	vst v1;
	v7 =	vmul.f32 $8.000000000e+00, v8;
	v1 =	vld [tilespmem:s8+$0x124B0]  }
0x10d: {  	[tilespmem:s8+$0x1A450] =	vst v5;
	v6 =	vmul.f32 $8.000000000e+00, v3;
	v3 =	vld [tilespmem:s8+$0x124C0]  }
0x10e: {  	s10 =	sadd.s32 $0x400, s10;
	[tilespmem:s8+$0x1A460] =	vst v7;
	v5 =	vmul.f32 $8.000000000e+00, v4;
	v4 =	vld [tilespmem:s8+$0x124D0]  }
0x10f: {  	[tilespmem:s8+$0x1A470] =	vst v6;
	v2 =	vmul.f32 $8.000000000e+00, v2;
	v60 =	vld [tilespmem:s8+$0x124E0]  }
0x110: {  	[tilespmem:s8+$0x1A480] =	vst v5;
	v0 =	vmul.f32 $8.000000000e+00, v0  }
0x111: {  	[tilespmem:s8+$0x1A490] =	vst v2;
	v1 =	vmul.f32 $8.000000000e+00, v1  }
0x112: {  	[tilespmem:s8+$0x1A4A0] =	vst v0;
	v61 =	vmul.f32 $8.000000000e+00, v3  }
0x113: {  	[tilespmem:s8+$0x1A4B0] =	vst v1;
	v62 =	vmul.f32 $8.000000000e+00, v4  }
0x114: {  	[tilespmem:s8+$0x1A4C0] =	vst v61;
	v63 =	vmul.f32 $8.000000000e+00, v60  }
0x115: {  	[tilespmem:s8+$0x1A4D0] =	vst v62  }
0x116: {  	s16 =	simm.s32 $0x700;
	[tilespmem:s8+$0x1A4E0] =	vst v63  }
0x117: {  	[tilespmem:s26], [sflag:$0x4] =	stream.indirect.gather [hbm4b:s4+s20], $0x40, s16, s20, $0xb8;
	[tilespmem:$0x1E400] =	vst v63  }
0x118: {  	s17 =	rddreg [dreg:$0x7];
	s8 =	simm.s32 $0x1  }
0x119: {  	[hbm4b:s17+s3] =	stream.linear.scatter [tilespmem:s0], [sflag:$0x6], $0x4000, $0x38;
	[tilespmem:$0x1E400] =	vst v63  }
.LBB2_10:
0x11a: {  	_ =	swait.ge [sflag:s28], $0x4000  }
0x11b: {  	[sflag:s28] =	ssyncset.done $0x0  }
0x11c: {  	[sflag:s28] =	ssyncadd.s32 $0xFFFFC000  }
0x11d: {  	_ =	swait.ge [sflag:s25], $0x4000  }
0x11e: {  	[sflag:s25] =	ssyncset.done $0x0  }
0x11f: {  	s10 =	simm.s32 $0x6480;
	[sflag:s25] =	ssyncadd.s32 $0xFFFFC000  }
0x120: {  	v0 =	vld [tilespmem:s10+$0xFFFFFF80];
	_ =	sdelay $0x4  }
0x121: {  	v0 =	vmul.f32 $8.000000000e+00, v0  }
0x122: {  	s9 =	simm.s32 $0x16480  }
0x123: {  	[tilespmem:s9+$0xFFFFFF80] =	vst v0  }
0x124: {  	v0 =	vld [tilespmem:s10+$0xFFFFFF90];
	_ =	sdelay $0x4  }
0x125: {  	v0 =	vmul.f32 $8.000000000e+00, v0;
	_ =	sdelay $0x1  }
0x126: {  	[tilespmem:s9+$0xFFFFFF90] =	vst v0  }
0x127: {  	v0 =	vld [tilespmem:s10+$0xFFFFFFA0];
	_ =	sdelay $0x4  }
0x128: {  	v0 =	vmul.f32 $8.000000000e+00, v0;
	_ =	sdelay $0x1  }
0x129: {  	[tilespmem:s9+$0xFFFFFFA0] =	vst v0  }
0x12a: {  	v0 =	vld [tilespmem:s10+$0xFFFFFFB0];
	_ =	sdelay $0x4  }
0x12b: {  	v0 =	vmul.f32 $8.000000000e+00, v0;
	_ =	sdelay $0x1  }
0x12c: {  	[tilespmem:s9+$0xFFFFFFB0] =	vst v0  }
0x12d: {  	v0 =	vld [tilespmem:s10+$0xFFFFFFC0];
	_ =	sdelay $0x4  }
0x12e: {  	v0 =	vmul.f32 $8.000000000e+00, v0;
	_ =	sdelay $0x1  }
0x12f: {  	[tilespmem:s9+$0xFFFFFFC0] =	vst v0  }
0x130: {  	v0 =	vld [tilespmem:s10+$0xFFFFFFD0];
	_ =	sdelay $0x4  }
0x131: {  	v0 =	vmul.f32 $8.000000000e+00, v0;
	_ =	sdelay $0x1  }
0x132: {  	[tilespmem:s9+$0xFFFFFFD0] =	vst v0  }
0x133: {  	v0 =	vld [tilespmem:s10+$0xFFFFFFE0];
	_ =	sdelay $0x4  }
0x134: {  	v0 =	vmul.f32 $8.000000000e+00, v0;
	_ =	sdelay $0x1  }
0x135: {  	[tilespmem:s9+$0xFFFFFFE0] =	vst v0  }
0x136: {  	v0 =	vld [tilespmem:s10+$0xFFFFFFF0];
	_ =	sdelay $0x4  }
0x137: {  	v0 =	vmul.f32 $8.000000000e+00, v0;
	_ =	sdelay $0x1  }
0x138: {  	[tilespmem:s9+$0xFFFFFFF0] =	vst v0  }
0x139: {  	v0 =	vld [tilespmem:s10+$0x0];
	_ =	sdelay $0x4  }
0x13a: {  	v0 =	vmul.f32 $8.000000000e+00, v0;
	_ =	sdelay $0x1  }
0x13b: {  	[tilespmem:s9+$0x0] =	vst v0  }
0x13c: {  	v0 =	vld [tilespmem:s10+$0x10];
	_ =	sdelay $0x4  }
0x13d: {  	v0 =	vmul.f32 $8.000000000e+00, v0;
	_ =	sdelay $0x1  }
0x13e: {  	[tilespmem:s9+$0x10] =	vst v0  }
0x13f: {  	v0 =	vld [tilespmem:s10+$0x20];
	_ =	sdelay $0x4  }
0x140: {  	v0 =	vmul.f32 $8.000000000e+00, v0;
	_ =	sdelay $0x1  }
0x141: {  	[tilespmem:s9+$0x20] =	vst v0  }
0x142: {  	v0 =	vld [tilespmem:s10+$0x30];
	_ =	sdelay $0x4  }
0x143: {  	v0 =	vmul.f32 $8.000000000e+00, v0;
	_ =	sdelay $0x1  }
0x144: {  	[tilespmem:s9+$0x30] =	vst v0  }
0x145: {  	v0 =	vld [tilespmem:s10+$0x40];
	_ =	sdelay $0x4  }
0x146: {  	v0 =	vmul.f32 $8.000000000e+00, v0;
	_ =	sdelay $0x1  }
0x147: {  	[tilespmem:s9+$0x40] =	vst v0  }
0x148: {  	v0 =	vld [tilespmem:s10+$0x50];
	_ =	sdelay $0x4  }
0x149: {  	v0 =	vmul.f32 $8.000000000e+00, v0;
	_ =	sdelay $0x1  }
0x14a: {  	[tilespmem:s9+$0x50] =	vst v0  }
0x14b: {  	v0 =	vld [tilespmem:s10+$0x60];
	_ =	sdelay $0x4  }
0x14c: {  	v0 =	vmul.f32 $8.000000000e+00, v0;
	_ =	sdelay $0x1  }
0x14d: {  	[tilespmem:s9+$0x60] =	vst v0  }
0x14e: {  	v0 =	vld [tilespmem:s10+$0x70];
	_ =	sdelay $0x4  }
0x14f: {  	v0 =	vmul.f32 $8.000000000e+00, v0;
	_ =	sdelay $0x1  }
0x150: {  	s14 =	simm.s32 $0x6580;
	s10 =	simm.s32 $0x0;
	[tilespmem:s9+$0x70] =	vst v0  }
.LBB2_11:
0x151: {  	v0 =	vld [tilespmem:s14+$0xFFFFFF80];
	s10 =	sadd.s32 $0x4, s10  }
0x152: {  	p0 =	slt.u32 s10, $0xFC;
	_ =	sdelay $0x3  }
0x153: {  	v0 =	vmul.f32 $8.000000000e+00, v0  }
0x154: {  	s9 =	sadd.s32 $0x100, s9  }
0x155: {  	[tilespmem:s9+$0xFFFFFF80] =	vst v0  }
0x156: {  	v0 =	vld [tilespmem:s14+$0xFFFFFF90];
	_ =	sdelay $0x4  }
0x157: {  	v0 =	vmul.f32 $8.000000000e+00, v0;
	_ =	sdelay $0x1  }
0x158: {  	[tilespmem:s9+$0xFFFFFF90] =	vst v0  }
0x159: {  	v0 =	vld [tilespmem:s14+$0xFFFFFFA0];
	_ =	sdelay $0x4  }
0x15a: {  	v0 =	vmul.f32 $8.000000000e+00, v0;
	_ =	sdelay $0x1  }
0x15b: {  	[tilespmem:s9+$0xFFFFFFA0] =	vst v0  }
0x15c: {  	v0 =	vld [tilespmem:s14+$0xFFFFFFB0];
	_ =	sdelay $0x4  }
0x15d: {  	v0 =	vmul.f32 $8.000000000e+00, v0;
	_ =	sdelay $0x1  }
0x15e: {  	[tilespmem:s9+$0xFFFFFFB0] =	vst v0  }
0x15f: {  	v0 =	vld [tilespmem:s14+$0xFFFFFFC0];
	_ =	sdelay $0x4  }
0x160: {  	v0 =	vmul.f32 $8.000000000e+00, v0;
	_ =	sdelay $0x1  }
0x161: {  	[tilespmem:s9+$0xFFFFFFC0] =	vst v0  }
0x162: {  	v0 =	vld [tilespmem:s14+$0xFFFFFFD0];
	_ =	sdelay $0x4  }
0x163: {  	v0 =	vmul.f32 $8.000000000e+00, v0;
	_ =	sdelay $0x1  }
0x164: {  	[tilespmem:s9+$0xFFFFFFD0] =	vst v0  }
0x165: {  	v0 =	vld [tilespmem:s14+$0xFFFFFFE0];
	_ =	sdelay $0x4  }
0x166: {  	v0 =	vmul.f32 $8.000000000e+00, v0;
	_ =	sdelay $0x1  }
0x167: {  	[tilespmem:s9+$0xFFFFFFE0] =	vst v0  }
0x168: {  	v0 =	vld [tilespmem:s14+$0xFFFFFFF0];
	_ =	sdelay $0x4  }
0x169: {  	v0 =	vmul.f32 $8.000000000e+00, v0;
	_ =	sdelay $0x1  }
0x16a: {  	[tilespmem:s9+$0xFFFFFFF0] =	vst v0  }
0x16b: {  	v0 =	vld [tilespmem:s14+$0x0];
	_ =	sdelay $0x4  }
0x16c: {  	v0 =	vmul.f32 $8.000000000e+00, v0;
	_ =	sdelay $0x1  }
0x16d: {  	[tilespmem:s9+$0x0] =	vst v0  }
0x16e: {  	v0 =	vld [tilespmem:s14+$0x10];
	_ =	sdelay $0x4  }
0x16f: {  	v0 =	vmul.f32 $8.000000000e+00, v0;
	_ =	sdelay $0x1  }
0x170: {  	[tilespmem:s9+$0x10] =	vst v0  }
0x171: {  	v0 =	vld [tilespmem:s14+$0x20];
	_ =	sdelay $0x4  }
0x172: {  	v0 =	vmul.f32 $8.000000000e+00, v0;
	_ =	sdelay $0x1  }
0x173: {  	[tilespmem:s9+$0x20] =	vst v0  }
0x174: {  	v0 =	vld [tilespmem:s14+$0x30];
	_ =	sdelay $0x4  }
0x175: {  	v0 =	vmul.f32 $8.000000000e+00, v0;
	_ =	sdelay $0x1  }
0x176: {  	[tilespmem:s9+$0x30] =	vst v0  }
0x177: {  	v0 =	vld [tilespmem:s14+$0x40];
	_ =	sdelay $0x4  }
0x178: {  	v0 =	vmul.f32 $8.000000000e+00, v0;
	_ =	sdelay $0x1  }
0x179: {  	[tilespmem:s9+$0x40] =	vst v0  }
0x17a: {  	v0 =	vld [tilespmem:s14+$0x50];
	_ =	sdelay $0x4  }
0x17b: {  	v0 =	vmul.f32 $8.000000000e+00, v0;
	_ =	sdelay $0x1  }
0x17c: {  	[tilespmem:s9+$0x50] =	vst v0  }
0x17d: {  	v0 =	vld [tilespmem:s14+$0x60];
	_ =	sdelay $0x4  }
0x17e: {  	v0 =	vmul.f32 $8.000000000e+00, v0;
	_ =	sdelay $0x1  }
0x17f: {  	[tilespmem:s9+$0x60] =	vst v0  }
0x180: {  	v0 =	vld [tilespmem:s14+$0x70];
	_ =	sdelay $0x2  }
.Ltmp4:
0x181: {  	(pc) =	sbr.rel @p0 .LBB2_11-.Ltmp4, $3  }
0x182: {  	_ = 	snop  }
0x183: {  	v0 =	vmul.f32 $8.000000000e+00, v0;
	_ =	sdelay $0x1  }
0x184: {  	s14 =	sadd.s32 $0x100, s14;
	[tilespmem:s9+$0x70] =	vst v0  }
0x185: {  	s9 =	sshll.u32 s8, $0xA  }
0x186: {  	s10 =	sand.u32 $0x3FFFFC00, s9  }
0x187: {  	s17 =	sshll.u32 s8, $0x10;
	s14 =	sadd.s32 $0x400, s10  }
0x188: {  	[tilespmem:s21], [sflag:$0x1] =	stream.indirect.gather [hbm4b:s4+s20], $0x40, s14, s20, $0xb8;
	[tilespmem:$0x1E400] =	vst v63  }
0x189: {  	s14 =	sadd.s32 s6, s17  }
0x18a: {  	s14 =	sshrl.u32 s14, $0x3  }
0x18b: {  	s15 =	simm.s32 $0x0;
	s14 =	sadd.s32 s2, s14  }
0x18c: {  	[hbm4b:s14+s15] =	stream.linear.scatter [tilespmem:s30], [sflag:$0x5], $0x4000, $0x38;
	[tilespmem:$0x1E400] =	vst v63  }
0x18d: {  	_ =	swait.ge [sflag:s31], $0x4000  }
0x18e: {  	[sflag:s31] =	ssyncset.done $0x0  }
0x18f: {  	[sflag:s31] =	ssyncadd.s32 $0xFFFFC000  }
0x190: {  	_ =	swait.ge [sflag:s29], $0x4000  }
0x191: {  	[sflag:s29] =	ssyncset.done $0x0  }
0x192: {  	s14 =	simm.s32 $0x0;
	[sflag:s29] =	ssyncadd.s32 $0xFFFFC000  }
0x193: {  	v0 =	vld [tilespmem:s14+$0xA4F0]  }
0x194: {  	v1 =	vld [tilespmem:s14+$0xA400]  }
0x195: {  	v2 =	vld [tilespmem:s14+$0xA410]  }
0x196: {  	v3 =	vld [tilespmem:s14+$0xA420]  }
0x197: {  	v4 =	vld [tilespmem:s14+$0xA430]  }
0x198: {  	v5 =	vld [tilespmem:s14+$0xA440];
	v0 =	vmul.f32 $8.000000000e+00, v0  }
0x199: {  	v6 =	vld [tilespmem:s14+$0xA450];
	v1 =	vmul.f32 $8.000000000e+00, v1  }
0x19a: {  	v7 =	vld [tilespmem:s14+$0xA460];
	[tilespmem:s14+$0x1A4F0] =	vst v0;
	v0 =	vmul.f32 $8.000000000e+00, v2  }
0x19b: {  	v8 =	vld [tilespmem:s14+$0xA470];
	[tilespmem:s14+$0x1A400] =	vst v1;
	v1 =	vmul.f32 $8.000000000e+00, v3  }
0x19c: {  	v9 =	vld [tilespmem:s14+$0xA480];
	[tilespmem:s14+$0x1A410] =	vst v0;
	v0 =	vmul.f32 $8.000000000e+00, v4  }
0x19d: {  	v2 =	vld [tilespmem:s14+$0xA490];
	[tilespmem:s14+$0x1A420] =	vst v1;
	v1 =	vmul.f32 $8.000000000e+00, v5  }
0x19e: {  	v3 =	vmul.f32 $8.000000000e+00, v6;
	[tilespmem:s14+$0x1A430] =	vst v0;
	v0 =	vld [tilespmem:s14+$0xA4A0]  }
0x19f: {  	v4 =	vmul.f32 $8.000000000e+00, v7;
	[tilespmem:s14+$0x1A440] =	vst v1;
	v1 =	vld [tilespmem:s14+$0xA4B0]  }
0x1a0: {  	v6 =	vmul.f32 $8.000000000e+00, v8;
	[tilespmem:s14+$0x1A450] =	vst v3;
	v3 =	vld [tilespmem:s14+$0xA4C0]  }
0x1a1: {  	s16 =	simm.s32 $0x400;
	s15 =	simm.s32 $0x0;
	v5 =	vmul.f32 $8.000000000e+00, v9;
	[tilespmem:s14+$0x1A460] =	vst v4;
	v4 =	vld [tilespmem:s14+$0xA4D0]  }
.LBB2_13:
0x1a2: {  	s17 =	sshra.s32 s16, $0x2;
	s15 =	sadd.s32 $0x4, s15;
	[tilespmem:s14+$0x1A470] =	vst v6;
	v2 =	vmul.f32 $8.000000000e+00, v2;
	v6 =	vld [tilespmem:s14+$0xA4E0]  }
0x1a3: {  	v7 =	vld [tilespmem:s17+$0xA4F0];
	p0 =	slt.u32 s15, $0xFC;
	[tilespmem:s14+$0x1A480] =	vst v5;
	v0 =	vmul.f32 $8.000000000e+00, v0  }
0x1a4: {  	v5 =	vld [tilespmem:s17+$0xA400];
	[tilespmem:s14+$0x1A490] =	vst v2;
	v1 =	vmul.f32 $8.000000000e+00, v1  }
0x1a5: {  	v2 =	vld [tilespmem:s17+$0xA410];
	[tilespmem:s14+$0x1A4A0] =	vst v0;
	v0 =	vmul.f32 $8.000000000e+00, v3  }
0x1a6: {  	v3 =	vld [tilespmem:s17+$0xA420];
	[tilespmem:s14+$0x1A4B0] =	vst v1;
	v1 =	vmul.f32 $8.000000000e+00, v4  }
0x1a7: {  	v4 =	vld [tilespmem:s17+$0xA430];
	[tilespmem:s14+$0x1A4C0] =	vst v0;
	v0 =	vmul.f32 $8.000000000e+00, v6  }
0x1a8: {  	v6 =	vld [tilespmem:s17+$0xA440];
	v7 =	vmul.f32 $8.000000000e+00, v7;
	[tilespmem:s14+$0x1A4D0] =	vst v1  }
0x1a9: {  	v1 =	vmul.f32 $8.000000000e+00, v5;
	v5 =	vld [tilespmem:s17+$0xA450];
	[tilespmem:s14+$0x1A4E0] =	vst v0;
	s14 =	smov.u32 s17  }
0x1aa: {  	v0 =	vmul.f32 $8.000000000e+00, v2;
	v8 =	vld [tilespmem:s14+$0xA460];
	[tilespmem:s14+$0x1A4F0] =	vst v7  }
0x1ab: {  	[tilespmem:s14+$0x1A400] =	vst v1;
	v1 =	vmul.f32 $8.000000000e+00, v3;
	v3 =	vld [tilespmem:s14+$0xA470]  }
0x1ac: {  	[tilespmem:s14+$0x1A410] =	vst v0;
	v0 =	vmul.f32 $8.000000000e+00, v4;
	v4 =	vld [tilespmem:s14+$0xA480]  }
.Ltmp5:
0x1ad: {  	[tilespmem:s14+$0x1A420] =	vst v1;
	v1 =	vmul.f32 $8.000000000e+00, v6;
	v2 =	vld [tilespmem:s14+$0xA490];
	(pc) =	sbr.rel @p0 .LBB2_13-.Ltmp5, $4  }
0x1ae: {  	[tilespmem:s14+$0x1A430] =	vst v0;
	v5 =	vmul.f32 $8.000000000e+00, v5;
	v0 =	vld [tilespmem:s14+$0xA4A0]  }
0x1af: {  	[tilespmem:s14+$0x1A440] =	vst v1;
	v7 =	vmul.f32 $8.000000000e+00, v8;
	v1 =	vld [tilespmem:s14+$0xA4B0]  }
0x1b0: {  	[tilespmem:s14+$0x1A450] =	vst v5;
	v6 =	vmul.f32 $8.000000000e+00, v3;
	v3 =	vld [tilespmem:s14+$0xA4C0]  }
0x1b1: {  	s16 =	sadd.s32 $0x400, s16;
	[tilespmem:s14+$0x1A460] =	vst v7;
	v5 =	vmul.f32 $8.000000000e+00, v4;
	v4 =	vld [tilespmem:s14+$0xA4D0]  }
0x1b2: {  	[tilespmem:s14+$0x1A470] =	vst v6;
	v2 =	vmul.f32 $8.000000000e+00, v2;
	v6 =	vld [tilespmem:s14+$0xA4E0]  }
0x1b3: {  	[tilespmem:s14+$0x1A480] =	vst v5;
	v0 =	vmul.f32 $8.000000000e+00, v0  }
0x1b4: {  	[tilespmem:s14+$0x1A490] =	vst v2;
	v1 =	vmul.f32 $8.000000000e+00, v1  }
0x1b5: {  	[tilespmem:s14+$0x1A4A0] =	vst v0;
	v0 =	vmul.f32 $8.000000000e+00, v3  }
0x1b6: {  	[tilespmem:s14+$0x1A4B0] =	vst v1;
	v1 =	vmul.f32 $8.000000000e+00, v4  }
0x1b7: {  	[tilespmem:s14+$0x1A4C0] =	vst v0;
	v0 =	vmul.f32 $8.000000000e+00, v6  }
0x1b8: {  	s17 =	sadd.s32 s9, s11;
	[tilespmem:s14+$0x1A4D0] =	vst v1  }
0x1b9: {  	s16 =	sadd.s32 $0x500, s10;
	[tilespmem:s14+$0x1A4E0] =	vst v0;
	s14 =	sshll.u32 s17, $0x3  }
0x1ba: {  	[tilespmem:s22], [sflag:$0x2] =	stream.indirect.gather [hbm4b:s4+s20], $0x40, s16, s20, $0xb8;
	[tilespmem:$0x1E400] =	vst v63  }
0x1bb: {  	s14 =	sand.u32 $0x1FFFE800, s14  }
0x1bc: {  	s15 =	simm.s32 $0x0;
	s14 =	sadd.s32 s2, s14  }
0x1bd: {  	[hbm4b:s14+s15] =	stream.linear.scatter [tilespmem:s0], [sflag:$0x6], $0x4000, $0x38;
	[tilespmem:$0x1E400] =	vst v63  }
0x1be: {  	_ =	swait.ge [sflag:s23], $0x4000  }
0x1bf: {  	[sflag:s23] =	ssyncset.done $0x0  }
0x1c0: {  	[sflag:s23] =	ssyncadd.s32 $0xFFFFC000  }
0x1c1: {  	_ =	swait.ge [sflag:s25], $0x4000  }
0x1c2: {  	[sflag:s25] =	ssyncset.done $0x0  }
0x1c3: {  	s14 =	simm.s32 $0x0;
	[sflag:s25] =	ssyncadd.s32 $0xFFFFC000  }
0x1c4: {  	v0 =	vld [tilespmem:s14+$0xE4F0]  }
0x1c5: {  	v1 =	vld [tilespmem:s14+$0xE400]  }
0x1c6: {  	v2 =	vld [tilespmem:s14+$0xE410]  }
0x1c7: {  	v3 =	vld [tilespmem:s14+$0xE420]  }
0x1c8: {  	v4 =	vld [tilespmem:s14+$0xE430]  }
0x1c9: {  	v5 =	vld [tilespmem:s14+$0xE440];
	v0 =	vmul.f32 $8.000000000e+00, v0  }
0x1ca: {  	v6 =	vld [tilespmem:s14+$0xE450];
	v1 =	vmul.f32 $8.000000000e+00, v1  }
0x1cb: {  	v7 =	vld [tilespmem:s14+$0xE460];
	[tilespmem:s14+$0x164F0] =	vst v0;
	v0 =	vmul.f32 $8.000000000e+00, v2  }
0x1cc: {  	v8 =	vld [tilespmem:s14+$0xE470];
	[tilespmem:s14+$0x16400] =	vst v1;
	v1 =	vmul.f32 $8.000000000e+00, v3  }
0x1cd: {  	v9 =	vld [tilespmem:s14+$0xE480];
	[tilespmem:s14+$0x16410] =	vst v0;
	v0 =	vmul.f32 $8.000000000e+00, v4  }
0x1ce: {  	v2 =	vld [tilespmem:s14+$0xE490];
	[tilespmem:s14+$0x16420] =	vst v1;
	v1 =	vmul.f32 $8.000000000e+00, v5  }
0x1cf: {  	v3 =	vmul.f32 $8.000000000e+00, v6;
	[tilespmem:s14+$0x16430] =	vst v0;
	v0 =	vld [tilespmem:s14+$0xE4A0]  }
0x1d0: {  	v4 =	vmul.f32 $8.000000000e+00, v7;
	[tilespmem:s14+$0x16440] =	vst v1;
	v1 =	vld [tilespmem:s14+$0xE4B0]  }
0x1d1: {  	v6 =	vmul.f32 $8.000000000e+00, v8;
	[tilespmem:s14+$0x16450] =	vst v3;
	v3 =	vld [tilespmem:s14+$0xE4C0]  }
0x1d2: {  	s16 =	simm.s32 $0x400;
	s15 =	simm.s32 $0x0;
	v5 =	vmul.f32 $8.000000000e+00, v9;
	[tilespmem:s14+$0x16460] =	vst v4;
	v4 =	vld [tilespmem:s14+$0xE4D0]  }
.LBB2_15:
0x1d3: {  	s17 =	sshra.s32 s16, $0x2;
	s15 =	sadd.s32 $0x4, s15;
	[tilespmem:s14+$0x16470] =	vst v6;
	v2 =	vmul.f32 $8.000000000e+00, v2;
	v6 =	vld [tilespmem:s14+$0xE4E0]  }
0x1d4: {  	v7 =	vld [tilespmem:s17+$0xE4F0];
	p0 =	slt.u32 s15, $0xFC;
	[tilespmem:s14+$0x16480] =	vst v5;
	v0 =	vmul.f32 $8.000000000e+00, v0  }
0x1d5: {  	v5 =	vld [tilespmem:s17+$0xE400];
	[tilespmem:s14+$0x16490] =	vst v2;
	v1 =	vmul.f32 $8.000000000e+00, v1  }
0x1d6: {  	v2 =	vld [tilespmem:s17+$0xE410];
	[tilespmem:s14+$0x164A0] =	vst v0;
	v0 =	vmul.f32 $8.000000000e+00, v3  }
0x1d7: {  	v3 =	vld [tilespmem:s17+$0xE420];
	[tilespmem:s14+$0x164B0] =	vst v1;
	v1 =	vmul.f32 $8.000000000e+00, v4  }
0x1d8: {  	v4 =	vld [tilespmem:s17+$0xE430];
	[tilespmem:s14+$0x164C0] =	vst v0;
	v0 =	vmul.f32 $8.000000000e+00, v6  }
0x1d9: {  	v6 =	vld [tilespmem:s17+$0xE440];
	v7 =	vmul.f32 $8.000000000e+00, v7;
	[tilespmem:s14+$0x164D0] =	vst v1  }
0x1da: {  	v1 =	vmul.f32 $8.000000000e+00, v5;
	v5 =	vld [tilespmem:s17+$0xE450];
	[tilespmem:s14+$0x164E0] =	vst v0;
	s14 =	smov.u32 s17  }
0x1db: {  	v0 =	vmul.f32 $8.000000000e+00, v2;
	v8 =	vld [tilespmem:s14+$0xE460];
	[tilespmem:s14+$0x164F0] =	vst v7  }
0x1dc: {  	[tilespmem:s14+$0x16400] =	vst v1;
	v1 =	vmul.f32 $8.000000000e+00, v3;
	v3 =	vld [tilespmem:s14+$0xE470]  }
0x1dd: {  	[tilespmem:s14+$0x16410] =	vst v0;
	v0 =	vmul.f32 $8.000000000e+00, v4;
	v4 =	vld [tilespmem:s14+$0xE480]  }
.Ltmp6:
0x1de: {  	[tilespmem:s14+$0x16420] =	vst v1;
	v1 =	vmul.f32 $8.000000000e+00, v6;
	v2 =	vld [tilespmem:s14+$0xE490];
	(pc) =	sbr.rel @p0 .LBB2_15-.Ltmp6, $4  }
0x1df: {  	[tilespmem:s14+$0x16430] =	vst v0;
	v5 =	vmul.f32 $8.000000000e+00, v5;
	v0 =	vld [tilespmem:s14+$0xE4A0]  }
0x1e0: {  	[tilespmem:s14+$0x16440] =	vst v1;
	v7 =	vmul.f32 $8.000000000e+00, v8;
	v1 =	vld [tilespmem:s14+$0xE4B0]  }
0x1e1: {  	[tilespmem:s14+$0x16450] =	vst v5;
	v6 =	vmul.f32 $8.000000000e+00, v3;
	v3 =	vld [tilespmem:s14+$0xE4C0]  }
0x1e2: {  	s16 =	sadd.s32 $0x400, s16;
	[tilespmem:s14+$0x16460] =	vst v7;
	v5 =	vmul.f32 $8.000000000e+00, v4;
	v4 =	vld [tilespmem:s14+$0xE4D0]  }
0x1e3: {  	[tilespmem:s14+$0x16470] =	vst v6;
	v2 =	vmul.f32 $8.000000000e+00, v2;
	v6 =	vld [tilespmem:s14+$0xE4E0]  }
0x1e4: {  	[tilespmem:s14+$0x16480] =	vst v5;
	v0 =	vmul.f32 $8.000000000e+00, v0  }
0x1e5: {  	[tilespmem:s14+$0x16490] =	vst v2;
	v1 =	vmul.f32 $8.000000000e+00, v1  }
0x1e6: {  	[tilespmem:s14+$0x164A0] =	vst v0;
	v0 =	vmul.f32 $8.000000000e+00, v3  }
0x1e7: {  	[tilespmem:s14+$0x164B0] =	vst v1;
	v1 =	vmul.f32 $8.000000000e+00, v4  }
0x1e8: {  	[tilespmem:s14+$0x164C0] =	vst v0;
	v0 =	vmul.f32 $8.000000000e+00, v6  }
0x1e9: {  	s17 =	sadd.s32 s9, s12;
	[tilespmem:s14+$0x164D0] =	vst v1  }
0x1ea: {  	s16 =	sadd.s32 $0x600, s10;
	[tilespmem:s14+$0x164E0] =	vst v0;
	s14 =	sshll.u32 s17, $0x3  }
0x1eb: {  	[tilespmem:s24], [sflag:$0x3] =	stream.indirect.gather [hbm4b:s4+s20], $0x40, s16, s20, $0xb8;
	[tilespmem:$0x1E400] =	vst v63  }
0x1ec: {  	s14 =	sand.u32 $0x1FFFF000, s14  }
0x1ed: {  	s15 =	simm.s32 $0x0;
	s14 =	sadd.s32 s2, s14  }
0x1ee: {  	[hbm4b:s14+s15] =	stream.linear.scatter [tilespmem:s30], [sflag:$0x5], $0x4000, $0x38;
	[tilespmem:$0x1E400] =	vst v63  }
0x1ef: {  	_ =	swait.ge [sflag:s1], $0x4000  }
0x1f0: {  	[sflag:s1] =	ssyncset.done $0x0  }
0x1f1: {  	[sflag:s1] =	ssyncadd.s32 $0xFFFFC000  }
0x1f2: {  	_ =	swait.ge [sflag:s29], $0x4000  }
0x1f3: {  	[sflag:s29] =	ssyncset.done $0x0  }
0x1f4: {  	s14 =	simm.s32 $0x0;
	[sflag:s29] =	ssyncadd.s32 $0xFFFFC000  }
0x1f5: {  	v0 =	vld [tilespmem:s14+$0x124F0]  }
0x1f6: {  	v1 =	vld [tilespmem:s14+$0x12400]  }
0x1f7: {  	v2 =	vld [tilespmem:s14+$0x12410]  }
0x1f8: {  	v3 =	vld [tilespmem:s14+$0x12420]  }
0x1f9: {  	v4 =	vld [tilespmem:s14+$0x12430]  }
0x1fa: {  	v5 =	vld [tilespmem:s14+$0x12440];
	v0 =	vmul.f32 $8.000000000e+00, v0  }
0x1fb: {  	v6 =	vld [tilespmem:s14+$0x12450];
	v1 =	vmul.f32 $8.000000000e+00, v1  }
0x1fc: {  	v7 =	vld [tilespmem:s14+$0x12460];
	[tilespmem:s14+$0x1A4F0] =	vst v0;
	v0 =	vmul.f32 $8.000000000e+00, v2  }
0x1fd: {  	v8 =	vld [tilespmem:s14+$0x12470];
	[tilespmem:s14+$0x1A400] =	vst v1;
	v1 =	vmul.f32 $8.000000000e+00, v3  }
0x1fe: {  	v9 =	vld [tilespmem:s14+$0x12480];
	[tilespmem:s14+$0x1A410] =	vst v0;
	v0 =	vmul.f32 $8.000000000e+00, v4  }
0x1ff: {  	v2 =	vld [tilespmem:s14+$0x12490];
	[tilespmem:s14+$0x1A420] =	vst v1;
	v1 =	vmul.f32 $8.000000000e+00, v5  }
0x200: {  	v3 =	vmul.f32 $8.000000000e+00, v6;
	[tilespmem:s14+$0x1A430] =	vst v0;
	v0 =	vld [tilespmem:s14+$0x124A0]  }
0x201: {  	v4 =	vmul.f32 $8.000000000e+00, v7;
	[tilespmem:s14+$0x1A440] =	vst v1;
	v1 =	vld [tilespmem:s14+$0x124B0]  }
0x202: {  	v6 =	vmul.f32 $8.000000000e+00, v8;
	[tilespmem:s14+$0x1A450] =	vst v3;
	v3 =	vld [tilespmem:s14+$0x124C0]  }
0x203: {  	s16 =	simm.s32 $0x400;
	s15 =	simm.s32 $0x0;
	v5 =	vmul.f32 $8.000000000e+00, v9;
	[tilespmem:s14+$0x1A460] =	vst v4;
	v4 =	vld [tilespmem:s14+$0x124D0]  }
.LBB2_17:
0x204: {  	s17 =	sshra.s32 s16, $0x2;
	s15 =	sadd.s32 $0x4, s15;
	[tilespmem:s14+$0x1A470] =	vst v6;
	v2 =	vmul.f32 $8.000000000e+00, v2;
	v6 =	vld [tilespmem:s14+$0x124E0]  }
0x205: {  	v7 =	vld [tilespmem:s17+$0x124F0];
	p0 =	slt.u32 s15, $0xFC;
	[tilespmem:s14+$0x1A480] =	vst v5;
	v0 =	vmul.f32 $8.000000000e+00, v0  }
0x206: {  	v5 =	vld [tilespmem:s17+$0x12400];
	[tilespmem:s14+$0x1A490] =	vst v2;
	v1 =	vmul.f32 $8.000000000e+00, v1  }
0x207: {  	v2 =	vld [tilespmem:s17+$0x12410];
	[tilespmem:s14+$0x1A4A0] =	vst v0;
	v0 =	vmul.f32 $8.000000000e+00, v3  }
0x208: {  	v3 =	vld [tilespmem:s17+$0x12420];
	[tilespmem:s14+$0x1A4B0] =	vst v1;
	v1 =	vmul.f32 $8.000000000e+00, v4  }
0x209: {  	v4 =	vld [tilespmem:s17+$0x12430];
	[tilespmem:s14+$0x1A4C0] =	vst v0;
	v0 =	vmul.f32 $8.000000000e+00, v6  }
0x20a: {  	v6 =	vld [tilespmem:s17+$0x12440];
	v7 =	vmul.f32 $8.000000000e+00, v7;
	[tilespmem:s14+$0x1A4D0] =	vst v1  }
0x20b: {  	v1 =	vmul.f32 $8.000000000e+00, v5;
	v5 =	vld [tilespmem:s17+$0x12450];
	[tilespmem:s14+$0x1A4E0] =	vst v0;
	s14 =	smov.u32 s17  }
0x20c: {  	v0 =	vmul.f32 $8.000000000e+00, v2;
	v8 =	vld [tilespmem:s14+$0x12460];
	[tilespmem:s14+$0x1A4F0] =	vst v7  }
0x20d: {  	[tilespmem:s14+$0x1A400] =	vst v1;
	v1 =	vmul.f32 $8.000000000e+00, v3;
	v3 =	vld [tilespmem:s14+$0x12470]  }
0x20e: {  	[tilespmem:s14+$0x1A410] =	vst v0;
	v0 =	vmul.f32 $8.000000000e+00, v4;
	v4 =	vld [tilespmem:s14+$0x12480]  }
.Ltmp7:
0x20f: {  	[tilespmem:s14+$0x1A420] =	vst v1;
	v1 =	vmul.f32 $8.000000000e+00, v6;
	v2 =	vld [tilespmem:s14+$0x12490];
	(pc) =	sbr.rel @p0 .LBB2_17-.Ltmp7, $4  }
0x210: {  	[tilespmem:s14+$0x1A430] =	vst v0;
	v5 =	vmul.f32 $8.000000000e+00, v5;
	v0 =	vld [tilespmem:s14+$0x124A0]  }
0x211: {  	[tilespmem:s14+$0x1A440] =	vst v1;
	v7 =	vmul.f32 $8.000000000e+00, v8;
	v1 =	vld [tilespmem:s14+$0x124B0]  }
0x212: {  	[tilespmem:s14+$0x1A450] =	vst v5;
	v6 =	vmul.f32 $8.000000000e+00, v3;
	v3 =	vld [tilespmem:s14+$0x124C0]  }
0x213: {  	s16 =	sadd.s32 $0x400, s16;
	[tilespmem:s14+$0x1A460] =	vst v7;
	v5 =	vmul.f32 $8.000000000e+00, v4;
	v4 =	vld [tilespmem:s14+$0x124D0]  }
0x214: {  	[tilespmem:s14+$0x1A470] =	vst v6;
	v2 =	vmul.f32 $8.000000000e+00, v2;
	v60 =	vld [tilespmem:s14+$0x124E0]  }
0x215: {  	[tilespmem:s14+$0x1A480] =	vst v5;
	v0 =	vmul.f32 $8.000000000e+00, v0  }
0x216: {  	[tilespmem:s14+$0x1A490] =	vst v2;
	v1 =	vmul.f32 $8.000000000e+00, v1  }
0x217: {  	[tilespmem:s14+$0x1A4A0] =	vst v0;
	v61 =	vmul.f32 $8.000000000e+00, v3  }
0x218: {  	s8 =	sadd.s32 $0x1, s8;
	[tilespmem:s14+$0x1A4B0] =	vst v1;
	v62 =	vmul.f32 $8.000000000e+00, v4  }
0x219: {  	s9 =	sadd.s32 s9, s13;
	p0 =	sne.s32 s8, $0x18;
	[tilespmem:s14+$0x1A4C0] =	vst v61;
	v63 =	vmul.f32 $8.000000000e+00, v60  }
.Ltmp8:
0x21a: {  	s9 =	sshll.u32 s9, $0x3;
	[tilespmem:s14+$0x1A4D0] =	vst v62;
	(pc) =	sbr.rel @p0 .LBB2_10-.Ltmp8, $4  }
0x21b: {  	s10 =	sadd.s32 $0x700, s10;
	s9 =	sand.u32 $0x1FFFF800, s9;
	[tilespmem:s14+$0x1A4E0] =	vst v63  }
0x21c: {  	[tilespmem:s26], [sflag:$0x4] =	stream.indirect.gather [hbm4b:s4+s20], $0x40, s10, s20, $0xb8;
	[tilespmem:$0x1E400] =	vst v63  }
0x21d: {  	s9 =	sadd.s32 s2, s9  }
0x21e: {  	[hbm4b:s9+s3] =	stream.linear.scatter [tilespmem:s0], [sflag:$0x6], $0x4000, $0x38;
	[tilespmem:$0x1E400] =	vst v63  }
0x21f: {  	_ =	swait.ge [sflag:s28], $0x4000  }
0x220: {  	[sflag:s28] =	ssyncset.done $0x0  }
0x221: {  	[sflag:s28] =	ssyncadd.s32 $0xFFFFC000  }
0x222: {  	_ =	swait.ge [sflag:s25], $0x4000  }
0x223: {  	[sflag:s25] =	ssyncset.done $0x0  }
0x224: {  	s9 =	simm.s32 $0x6480;
	[sflag:s25] =	ssyncadd.s32 $0xFFFFC000  }
0x225: {  	v0 =	vld [tilespmem:s9+$0xFFFFFF80];
	_ =	sdelay $0x4  }
0x226: {  	v0 =	vmul.f32 $8.000000000e+00, v0  }
0x227: {  	s8 =	simm.s32 $0x16480  }
0x228: {  	[tilespmem:s8+$0xFFFFFF80] =	vst v0  }
0x229: {  	v0 =	vld [tilespmem:s9+$0xFFFFFF90];
	_ =	sdelay $0x4  }
0x22a: {  	v0 =	vmul.f32 $8.000000000e+00, v0;
	_ =	sdelay $0x1  }
0x22b: {  	[tilespmem:s8+$0xFFFFFF90] =	vst v0  }
0x22c: {  	v0 =	vld [tilespmem:s9+$0xFFFFFFA0];
	_ =	sdelay $0x4  }
0x22d: {  	v0 =	vmul.f32 $8.000000000e+00, v0;
	_ =	sdelay $0x1  }
0x22e: {  	[tilespmem:s8+$0xFFFFFFA0] =	vst v0  }
0x22f: {  	v0 =	vld [tilespmem:s9+$0xFFFFFFB0];
	_ =	sdelay $0x4  }
0x230: {  	v0 =	vmul.f32 $8.000000000e+00, v0;
	_ =	sdelay $0x1  }
0x231: {  	[tilespmem:s8+$0xFFFFFFB0] =	vst v0  }
0x232: {  	v0 =	vld [tilespmem:s9+$0xFFFFFFC0];
	_ =	sdelay $0x4  }
0x233: {  	v0 =	vmul.f32 $8.000000000e+00, v0;
	_ =	sdelay $0x1  }
0x234: {  	[tilespmem:s8+$0xFFFFFFC0] =	vst v0  }
0x235: {  	v0 =	vld [tilespmem:s9+$0xFFFFFFD0];
	_ =	sdelay $0x4  }
0x236: {  	v0 =	vmul.f32 $8.000000000e+00, v0;
	_ =	sdelay $0x1  }
0x237: {  	[tilespmem:s8+$0xFFFFFFD0] =	vst v0  }
0x238: {  	v0 =	vld [tilespmem:s9+$0xFFFFFFE0];
	_ =	sdelay $0x4  }
0x239: {  	v0 =	vmul.f32 $8.000000000e+00, v0;
	_ =	sdelay $0x1  }
0x23a: {  	[tilespmem:s8+$0xFFFFFFE0] =	vst v0  }
0x23b: {  	v0 =	vld [tilespmem:s9+$0xFFFFFFF0];
	_ =	sdelay $0x4  }
0x23c: {  	v0 =	vmul.f32 $8.000000000e+00, v0;
	_ =	sdelay $0x1  }
0x23d: {  	[tilespmem:s8+$0xFFFFFFF0] =	vst v0  }
0x23e: {  	v0 =	vld [tilespmem:s9+$0x0];
	_ =	sdelay $0x4  }
0x23f: {  	v0 =	vmul.f32 $8.000000000e+00, v0;
	_ =	sdelay $0x1  }
0x240: {  	[tilespmem:s8+$0x0] =	vst v0  }
0x241: {  	v0 =	vld [tilespmem:s9+$0x10];
	_ =	sdelay $0x4  }
0x242: {  	v0 =	vmul.f32 $8.000000000e+00, v0;
	_ =	sdelay $0x1  }
0x243: {  	[tilespmem:s8+$0x10] =	vst v0  }
0x244: {  	v0 =	vld [tilespmem:s9+$0x20];
	_ =	sdelay $0x4  }
0x245: {  	v0 =	vmul.f32 $8.000000000e+00, v0;
	_ =	sdelay $0x1  }
0x246: {  	[tilespmem:s8+$0x20] =	vst v0  }
0x247: {  	v0 =	vld [tilespmem:s9+$0x30];
	_ =	sdelay $0x4  }
0x248: {  	v0 =	vmul.f32 $8.000000000e+00, v0;
	_ =	sdelay $0x1  }
0x249: {  	[tilespmem:s8+$0x30] =	vst v0  }
0x24a: {  	v0 =	vld [tilespmem:s9+$0x40];
	_ =	sdelay $0x4  }
0x24b: {  	v0 =	vmul.f32 $8.000000000e+00, v0;
	_ =	sdelay $0x1  }
0x24c: {  	[tilespmem:s8+$0x40] =	vst v0  }
0x24d: {  	v0 =	vld [tilespmem:s9+$0x50];
	_ =	sdelay $0x4  }
0x24e: {  	v0 =	vmul.f32 $8.000000000e+00, v0;
	_ =	sdelay $0x1  }
0x24f: {  	[tilespmem:s8+$0x50] =	vst v0  }
0x250: {  	v0 =	vld [tilespmem:s9+$0x60];
	_ =	sdelay $0x4  }
0x251: {  	v0 =	vmul.f32 $8.000000000e+00, v0;
	_ =	sdelay $0x1  }
0x252: {  	[tilespmem:s8+$0x60] =	vst v0  }
0x253: {  	v0 =	vld [tilespmem:s9+$0x70];
	_ =	sdelay $0x4  }
0x254: {  	v0 =	vmul.f32 $8.000000000e+00, v0;
	_ =	sdelay $0x1  }
0x255: {  	s10 =	simm.s32 $0x6580;
	s9 =	simm.s32 $0x0;
	[tilespmem:s8+$0x70] =	vst v0  }
.LBB2_20:
0x256: {  	v0 =	vld [tilespmem:s10+$0xFFFFFF80];
	s9 =	sadd.s32 $0x4, s9  }
0x257: {  	p0 =	slt.u32 s9, $0xFC;
	_ =	sdelay $0x3  }
0x258: {  	v0 =	vmul.f32 $8.000000000e+00, v0  }
0x259: {  	s8 =	sadd.s32 $0x100, s8  }
0x25a: {  	[tilespmem:s8+$0xFFFFFF80] =	vst v0  }
0x25b: {  	v0 =	vld [tilespmem:s10+$0xFFFFFF90];
	_ =	sdelay $0x4  }
0x25c: {  	v0 =	vmul.f32 $8.000000000e+00, v0;
	_ =	sdelay $0x1  }
0x25d: {  	[tilespmem:s8+$0xFFFFFF90] =	vst v0  }
0x25e: {  	v0 =	vld [tilespmem:s10+$0xFFFFFFA0];
	_ =	sdelay $0x4  }
0x25f: {  	v0 =	vmul.f32 $8.000000000e+00, v0;
	_ =	sdelay $0x1  }
0x260: {  	[tilespmem:s8+$0xFFFFFFA0] =	vst v0  }
0x261: {  	v0 =	vld [tilespmem:s10+$0xFFFFFFB0];
	_ =	sdelay $0x4  }
0x262: {  	v0 =	vmul.f32 $8.000000000e+00, v0;
	_ =	sdelay $0x1  }
0x263: {  	[tilespmem:s8+$0xFFFFFFB0] =	vst v0  }
0x264: {  	v0 =	vld [tilespmem:s10+$0xFFFFFFC0];
	_ =	sdelay $0x4  }
0x265: {  	v0 =	vmul.f32 $8.000000000e+00, v0;
	_ =	sdelay $0x1  }
0x266: {  	[tilespmem:s8+$0xFFFFFFC0] =	vst v0  }
0x267: {  	v0 =	vld [tilespmem:s10+$0xFFFFFFD0];
	_ =	sdelay $0x4  }
0x268: {  	v0 =	vmul.f32 $8.000000000e+00, v0;
	_ =	sdelay $0x1  }
0x269: {  	[tilespmem:s8+$0xFFFFFFD0] =	vst v0  }
0x26a: {  	v0 =	vld [tilespmem:s10+$0xFFFFFFE0];
	_ =	sdelay $0x4  }
0x26b: {  	v0 =	vmul.f32 $8.000000000e+00, v0;
	_ =	sdelay $0x1  }
0x26c: {  	[tilespmem:s8+$0xFFFFFFE0] =	vst v0  }
0x26d: {  	v0 =	vld [tilespmem:s10+$0xFFFFFFF0];
	_ =	sdelay $0x4  }
0x26e: {  	v0 =	vmul.f32 $8.000000000e+00, v0;
	_ =	sdelay $0x1  }
0x26f: {  	[tilespmem:s8+$0xFFFFFFF0] =	vst v0  }
0x270: {  	v0 =	vld [tilespmem:s10+$0x0];
	_ =	sdelay $0x4  }
0x271: {  	v0 =	vmul.f32 $8.000000000e+00, v0;
	_ =	sdelay $0x1  }
0x272: {  	[tilespmem:s8+$0x0] =	vst v0  }
0x273: {  	v0 =	vld [tilespmem:s10+$0x10];
	_ =	sdelay $0x4  }
0x274: {  	v0 =	vmul.f32 $8.000000000e+00, v0;
	_ =	sdelay $0x1  }
0x275: {  	[tilespmem:s8+$0x10] =	vst v0  }
0x276: {  	v0 =	vld [tilespmem:s10+$0x20];
	_ =	sdelay $0x4  }
0x277: {  	v0 =	vmul.f32 $8.000000000e+00, v0;
	_ =	sdelay $0x1  }
0x278: {  	[tilespmem:s8+$0x20] =	vst v0  }
0x279: {  	v0 =	vld [tilespmem:s10+$0x30];
	_ =	sdelay $0x4  }
0x27a: {  	v0 =	vmul.f32 $8.000000000e+00, v0;
	_ =	sdelay $0x1  }
0x27b: {  	[tilespmem:s8+$0x30] =	vst v0  }
0x27c: {  	v0 =	vld [tilespmem:s10+$0x40];
	_ =	sdelay $0x4  }
0x27d: {  	v0 =	vmul.f32 $8.000000000e+00, v0;
	_ =	sdelay $0x1  }
0x27e: {  	[tilespmem:s8+$0x40] =	vst v0  }
0x27f: {  	v0 =	vld [tilespmem:s10+$0x50];
	_ =	sdelay $0x4  }
0x280: {  	v0 =	vmul.f32 $8.000000000e+00, v0;
	_ =	sdelay $0x1  }
0x281: {  	[tilespmem:s8+$0x50] =	vst v0  }
0x282: {  	v0 =	vld [tilespmem:s10+$0x60];
	_ =	sdelay $0x4  }
0x283: {  	v0 =	vmul.f32 $8.000000000e+00, v0;
	_ =	sdelay $0x1  }
0x284: {  	[tilespmem:s8+$0x60] =	vst v0  }
0x285: {  	v0 =	vld [tilespmem:s10+$0x70];
	_ =	sdelay $0x2  }
.Ltmp9:
0x286: {  	(pc) =	sbr.rel @p0 .LBB2_20-.Ltmp9, $3  }
0x287: {  	_ = 	snop  }
0x288: {  	v0 =	vmul.f32 $8.000000000e+00, v0;
	_ =	sdelay $0x1  }
0x289: {  	s10 =	sadd.s32 $0x100, s10;
	[tilespmem:s8+$0x70] =	vst v0  }
0x28a: {  	s8 =	simm.s32 $0x0;
	s9 =	rddreg [dreg:$0x8]  }
0x28b: {  	[hbm4b:s9+s8] =	stream.linear.scatter [tilespmem:s30], [sflag:$0x5], $0x4000, $0x38;
	[tilespmem:$0x1E400] =	vst v63  }
0x28c: {  	_ =	swait.ge [sflag:s31], $0x4000  }
0x28d: {  	[sflag:s31] =	ssyncset.done $0x0  }
0x28e: {  	[sflag:s31] =	ssyncadd.s32 $0xFFFFC000  }
0x28f: {  	_ =	swait.ge [sflag:s29], $0x4000  }
0x290: {  	[sflag:s29] =	ssyncset.done $0x0  }
0x291: {  	s8 =	simm.s32 $0x0;
	[sflag:s29] =	ssyncadd.s32 $0xFFFFC000  }
0x292: {  	v0 =	vld [tilespmem:s8+$0xA4F0]  }
0x293: {  	v1 =	vld [tilespmem:s8+$0xA400]  }
0x294: {  	v2 =	vld [tilespmem:s8+$0xA410]  }
0x295: {  	v3 =	vld [tilespmem:s8+$0xA420]  }
0x296: {  	v4 =	vld [tilespmem:s8+$0xA430]  }
0x297: {  	v5 =	vld [tilespmem:s8+$0xA440];
	v0 =	vmul.f32 $8.000000000e+00, v0  }
0x298: {  	v6 =	vld [tilespmem:s8+$0xA450];
	v1 =	vmul.f32 $8.000000000e+00, v1  }
0x299: {  	v7 =	vld [tilespmem:s8+$0xA460];
	[tilespmem:s8+$0x1A4F0] =	vst v0;
	v0 =	vmul.f32 $8.000000000e+00, v2  }
0x29a: {  	v8 =	vld [tilespmem:s8+$0xA470];
	[tilespmem:s8+$0x1A400] =	vst v1;
	v1 =	vmul.f32 $8.000000000e+00, v3  }
0x29b: {  	v9 =	vld [tilespmem:s8+$0xA480];
	[tilespmem:s8+$0x1A410] =	vst v0;
	v0 =	vmul.f32 $8.000000000e+00, v4  }
0x29c: {  	v2 =	vld [tilespmem:s8+$0xA490];
	[tilespmem:s8+$0x1A420] =	vst v1;
	v1 =	vmul.f32 $8.000000000e+00, v5  }
0x29d: {  	v3 =	vmul.f32 $8.000000000e+00, v6;
	[tilespmem:s8+$0x1A430] =	vst v0;
	v0 =	vld [tilespmem:s8+$0xA4A0]  }
0x29e: {  	v4 =	vmul.f32 $8.000000000e+00, v7;
	[tilespmem:s8+$0x1A440] =	vst v1;
	v1 =	vld [tilespmem:s8+$0xA4B0]  }
0x29f: {  	v6 =	vmul.f32 $8.000000000e+00, v8;
	[tilespmem:s8+$0x1A450] =	vst v3;
	v3 =	vld [tilespmem:s8+$0xA4C0]  }
0x2a0: {  	s10 =	simm.s32 $0x400;
	s9 =	simm.s32 $0x0;
	v5 =	vmul.f32 $8.000000000e+00, v9;
	[tilespmem:s8+$0x1A460] =	vst v4;
	v4 =	vld [tilespmem:s8+$0xA4D0]  }
.LBB2_22:
0x2a1: {  	s14 =	sshra.s32 s10, $0x2;
	s9 =	sadd.s32 $0x4, s9;
	[tilespmem:s8+$0x1A470] =	vst v6;
	v2 =	vmul.f32 $8.000000000e+00, v2;
	v6 =	vld [tilespmem:s8+$0xA4E0]  }
0x2a2: {  	v7 =	vld [tilespmem:s14+$0xA4F0];
	p0 =	slt.u32 s9, $0xFC;
	[tilespmem:s8+$0x1A480] =	vst v5;
	v0 =	vmul.f32 $8.000000000e+00, v0  }
0x2a3: {  	v5 =	vld [tilespmem:s14+$0xA400];
	[tilespmem:s8+$0x1A490] =	vst v2;
	v1 =	vmul.f32 $8.000000000e+00, v1  }
0x2a4: {  	v2 =	vld [tilespmem:s14+$0xA410];
	[tilespmem:s8+$0x1A4A0] =	vst v0;
	v0 =	vmul.f32 $8.000000000e+00, v3  }
0x2a5: {  	v3 =	vld [tilespmem:s14+$0xA420];
	[tilespmem:s8+$0x1A4B0] =	vst v1;
	v1 =	vmul.f32 $8.000000000e+00, v4  }
0x2a6: {  	v4 =	vld [tilespmem:s14+$0xA430];
	[tilespmem:s8+$0x1A4C0] =	vst v0;
	v0 =	vmul.f32 $8.000000000e+00, v6  }
0x2a7: {  	v6 =	vld [tilespmem:s14+$0xA440];
	v7 =	vmul.f32 $8.000000000e+00, v7;
	[tilespmem:s8+$0x1A4D0] =	vst v1  }
0x2a8: {  	v1 =	vmul.f32 $8.000000000e+00, v5;
	v5 =	vld [tilespmem:s14+$0xA450];
	[tilespmem:s8+$0x1A4E0] =	vst v0;
	s8 =	smov.u32 s14  }
0x2a9: {  	v0 =	vmul.f32 $8.000000000e+00, v2;
	v8 =	vld [tilespmem:s8+$0xA460];
	[tilespmem:s8+$0x1A4F0] =	vst v7  }
0x2aa: {  	[tilespmem:s8+$0x1A400] =	vst v1;
	v1 =	vmul.f32 $8.000000000e+00, v3;
	v3 =	vld [tilespmem:s8+$0xA470]  }
0x2ab: {  	[tilespmem:s8+$0x1A410] =	vst v0;
	v0 =	vmul.f32 $8.000000000e+00, v4;
	v4 =	vld [tilespmem:s8+$0xA480]  }
.Ltmp10:
0x2ac: {  	[tilespmem:s8+$0x1A420] =	vst v1;
	v1 =	vmul.f32 $8.000000000e+00, v6;
	v2 =	vld [tilespmem:s8+$0xA490];
	(pc) =	sbr.rel @p0 .LBB2_22-.Ltmp10, $4  }
0x2ad: {  	[tilespmem:s8+$0x1A430] =	vst v0;
	v5 =	vmul.f32 $8.000000000e+00, v5;
	v0 =	vld [tilespmem:s8+$0xA4A0]  }
0x2ae: {  	[tilespmem:s8+$0x1A440] =	vst v1;
	v7 =	vmul.f32 $8.000000000e+00, v8;
	v1 =	vld [tilespmem:s8+$0xA4B0]  }
0x2af: {  	[tilespmem:s8+$0x1A450] =	vst v5;
	v6 =	vmul.f32 $8.000000000e+00, v3;
	v3 =	vld [tilespmem:s8+$0xA4C0]  }
0x2b0: {  	s10 =	sadd.s32 $0x400, s10;
	[tilespmem:s8+$0x1A460] =	vst v7;
	v5 =	vmul.f32 $8.000000000e+00, v4;
	v4 =	vld [tilespmem:s8+$0xA4D0]  }
0x2b1: {  	[tilespmem:s8+$0x1A470] =	vst v6;
	v2 =	vmul.f32 $8.000000000e+00, v2;
	v6 =	vld [tilespmem:s8+$0xA4E0]  }
0x2b2: {  	[tilespmem:s8+$0x1A480] =	vst v5;
	v0 =	vmul.f32 $8.000000000e+00, v0  }
0x2b3: {  	[tilespmem:s8+$0x1A490] =	vst v2;
	v1 =	vmul.f32 $8.000000000e+00, v1  }
0x2b4: {  	[tilespmem:s8+$0x1A4A0] =	vst v0;
	v0 =	vmul.f32 $8.000000000e+00, v3  }
0x2b5: {  	[tilespmem:s8+$0x1A4B0] =	vst v1;
	v1 =	vmul.f32 $8.000000000e+00, v4  }
0x2b6: {  	[tilespmem:s8+$0x1A4C0] =	vst v0;
	v0 =	vmul.f32 $8.000000000e+00, v6  }
0x2b7: {  	[tilespmem:s8+$0x1A4D0] =	vst v1  }
0x2b8: {  	s17 =	simm.s32 $0x0;
	s9 =	rddreg [dreg:$0x9];
	[tilespmem:s8+$0x1A4E0] =	vst v0  }
0x2b9: {  	[hbm4b:s9+s17] =	stream.linear.scatter [tilespmem:s0], [sflag:$0x6], $0x4000, $0x38;
	[tilespmem:$0x1E400] =	vst v63  }
0x2ba: {  	_ =	swait.ge [sflag:s23], $0x4000  }
0x2bb: {  	[sflag:s23] =	ssyncset.done $0x0  }
0x2bc: {  	[sflag:s23] =	ssyncadd.s32 $0xFFFFC000  }
0x2bd: {  	_ =	swait.ge [sflag:s25], $0x4000  }
0x2be: {  	[sflag:s25] =	ssyncset.done $0x0  }
0x2bf: {  	s8 =	simm.s32 $0x0;
	[sflag:s25] =	ssyncadd.s32 $0xFFFFC000  }
0x2c0: {  	v0 =	vld [tilespmem:s8+$0xE4F0]  }
0x2c1: {  	v1 =	vld [tilespmem:s8+$0xE400]  }
0x2c2: {  	v2 =	vld [tilespmem:s8+$0xE410]  }
0x2c3: {  	v3 =	vld [tilespmem:s8+$0xE420]  }
0x2c4: {  	v4 =	vld [tilespmem:s8+$0xE430]  }
0x2c5: {  	v5 =	vld [tilespmem:s8+$0xE440];
	v0 =	vmul.f32 $8.000000000e+00, v0  }
0x2c6: {  	v6 =	vld [tilespmem:s8+$0xE450];
	v1 =	vmul.f32 $8.000000000e+00, v1  }
0x2c7: {  	v7 =	vld [tilespmem:s8+$0xE460];
	[tilespmem:s8+$0x164F0] =	vst v0;
	v0 =	vmul.f32 $8.000000000e+00, v2  }
0x2c8: {  	v8 =	vld [tilespmem:s8+$0xE470];
	[tilespmem:s8+$0x16400] =	vst v1;
	v1 =	vmul.f32 $8.000000000e+00, v3  }
0x2c9: {  	v9 =	vld [tilespmem:s8+$0xE480];
	[tilespmem:s8+$0x16410] =	vst v0;
	v0 =	vmul.f32 $8.000000000e+00, v4  }
0x2ca: {  	v2 =	vld [tilespmem:s8+$0xE490];
	[tilespmem:s8+$0x16420] =	vst v1;
	v1 =	vmul.f32 $8.000000000e+00, v5  }
0x2cb: {  	v3 =	vmul.f32 $8.000000000e+00, v6;
	[tilespmem:s8+$0x16430] =	vst v0;
	v0 =	vld [tilespmem:s8+$0xE4A0]  }
0x2cc: {  	v4 =	vmul.f32 $8.000000000e+00, v7;
	[tilespmem:s8+$0x16440] =	vst v1;
	v1 =	vld [tilespmem:s8+$0xE4B0]  }
0x2cd: {  	v6 =	vmul.f32 $8.000000000e+00, v8;
	[tilespmem:s8+$0x16450] =	vst v3;
	v3 =	vld [tilespmem:s8+$0xE4C0]  }
0x2ce: {  	s10 =	simm.s32 $0x400;
	s9 =	simm.s32 $0x0;
	v5 =	vmul.f32 $8.000000000e+00, v9;
	[tilespmem:s8+$0x16460] =	vst v4;
	v4 =	vld [tilespmem:s8+$0xE4D0]  }
.LBB2_24:
0x2cf: {  	s14 =	sshra.s32 s10, $0x2;
	s9 =	sadd.s32 $0x4, s9;
	[tilespmem:s8+$0x16470] =	vst v6;
	v2 =	vmul.f32 $8.000000000e+00, v2;
	v6 =	vld [tilespmem:s8+$0xE4E0]  }
0x2d0: {  	v7 =	vld [tilespmem:s14+$0xE4F0];
	p0 =	slt.u32 s9, $0xFC;
	[tilespmem:s8+$0x16480] =	vst v5;
	v0 =	vmul.f32 $8.000000000e+00, v0  }
0x2d1: {  	v5 =	vld [tilespmem:s14+$0xE400];
	[tilespmem:s8+$0x16490] =	vst v2;
	v1 =	vmul.f32 $8.000000000e+00, v1  }
0x2d2: {  	v2 =	vld [tilespmem:s14+$0xE410];
	[tilespmem:s8+$0x164A0] =	vst v0;
	v0 =	vmul.f32 $8.000000000e+00, v3  }
0x2d3: {  	v3 =	vld [tilespmem:s14+$0xE420];
	[tilespmem:s8+$0x164B0] =	vst v1;
	v1 =	vmul.f32 $8.000000000e+00, v4  }
0x2d4: {  	v4 =	vld [tilespmem:s14+$0xE430];
	[tilespmem:s8+$0x164C0] =	vst v0;
	v0 =	vmul.f32 $8.000000000e+00, v6  }
0x2d5: {  	v6 =	vld [tilespmem:s14+$0xE440];
	v7 =	vmul.f32 $8.000000000e+00, v7;
	[tilespmem:s8+$0x164D0] =	vst v1  }
0x2d6: {  	v1 =	vmul.f32 $8.000000000e+00, v5;
	v5 =	vld [tilespmem:s14+$0xE450];
	[tilespmem:s8+$0x164E0] =	vst v0;
	s8 =	smov.u32 s14  }
0x2d7: {  	v0 =	vmul.f32 $8.000000000e+00, v2;
	v8 =	vld [tilespmem:s8+$0xE460];
	[tilespmem:s8+$0x164F0] =	vst v7  }
0x2d8: {  	[tilespmem:s8+$0x16400] =	vst v1;
	v1 =	vmul.f32 $8.000000000e+00, v3;
	v3 =	vld [tilespmem:s8+$0xE470]  }
0x2d9: {  	[tilespmem:s8+$0x16410] =	vst v0;
	v0 =	vmul.f32 $8.000000000e+00, v4;
	v4 =	vld [tilespmem:s8+$0xE480]  }
.Ltmp11:
0x2da: {  	[tilespmem:s8+$0x16420] =	vst v1;
	v1 =	vmul.f32 $8.000000000e+00, v6;
	v2 =	vld [tilespmem:s8+$0xE490];
	(pc) =	sbr.rel @p0 .LBB2_24-.Ltmp11, $4  }
0x2db: {  	[tilespmem:s8+$0x16430] =	vst v0;
	v5 =	vmul.f32 $8.000000000e+00, v5;
	v0 =	vld [tilespmem:s8+$0xE4A0]  }
0x2dc: {  	[tilespmem:s8+$0x16440] =	vst v1;
	v7 =	vmul.f32 $8.000000000e+00, v8;
	v1 =	vld [tilespmem:s8+$0xE4B0]  }
0x2dd: {  	[tilespmem:s8+$0x16450] =	vst v5;
	v6 =	vmul.f32 $8.000000000e+00, v3;
	v3 =	vld [tilespmem:s8+$0xE4C0]  }
0x2de: {  	s10 =	sadd.s32 $0x400, s10;
	[tilespmem:s8+$0x16460] =	vst v7;
	v5 =	vmul.f32 $8.000000000e+00, v4;
	v4 =	vld [tilespmem:s8+$0xE4D0]  }
0x2df: {  	[tilespmem:s8+$0x16470] =	vst v6;
	v2 =	vmul.f32 $8.000000000e+00, v2;
	v6 =	vld [tilespmem:s8+$0xE4E0]  }
0x2e0: {  	[tilespmem:s8+$0x16480] =	vst v5;
	v0 =	vmul.f32 $8.000000000e+00, v0  }
0x2e1: {  	[tilespmem:s8+$0x16490] =	vst v2;
	v1 =	vmul.f32 $8.000000000e+00, v1  }
0x2e2: {  	[tilespmem:s8+$0x164A0] =	vst v0;
	v0 =	vmul.f32 $8.000000000e+00, v3  }
0x2e3: {  	[tilespmem:s8+$0x164B0] =	vst v1;
	v1 =	vmul.f32 $8.000000000e+00, v4  }
0x2e4: {  	[tilespmem:s8+$0x164C0] =	vst v0;
	v0 =	vmul.f32 $8.000000000e+00, v6  }
0x2e5: {  	[tilespmem:s8+$0x164D0] =	vst v1  }
0x2e6: {  	s17 =	simm.s32 $0x0;
	s9 =	rddreg [dreg:$0xa];
	[tilespmem:s8+$0x164E0] =	vst v0  }
0x2e7: {  	[hbm4b:s9+s17] =	stream.linear.scatter [tilespmem:s30], [sflag:$0x5], $0x4000, $0x38;
	[tilespmem:$0x1E400] =	vst v63  }
0x2e8: {  	_ =	swait.ge [sflag:s1], $0x4000  }
0x2e9: {  	[sflag:s1] =	ssyncset.done $0x0  }
0x2ea: {  	[sflag:s1] =	ssyncadd.s32 $0xFFFFC000  }
0x2eb: {  	_ =	swait.ge [sflag:s29], $0x4000  }
0x2ec: {  	[sflag:s29] =	ssyncset.done $0x0  }
0x2ed: {  	s8 =	simm.s32 $0x0;
	[sflag:s29] =	ssyncadd.s32 $0xFFFFC000  }
0x2ee: {  	v0 =	vld [tilespmem:s8+$0x124F0]  }
0x2ef: {  	v1 =	vld [tilespmem:s8+$0x12400]  }
0x2f0: {  	v2 =	vld [tilespmem:s8+$0x12410]  }
0x2f1: {  	v3 =	vld [tilespmem:s8+$0x12420]  }
0x2f2: {  	v4 =	vld [tilespmem:s8+$0x12430]  }
0x2f3: {  	v5 =	vld [tilespmem:s8+$0x12440];
	v0 =	vmul.f32 $8.000000000e+00, v0  }
0x2f4: {  	v6 =	vld [tilespmem:s8+$0x12450];
	v1 =	vmul.f32 $8.000000000e+00, v1  }
0x2f5: {  	v7 =	vld [tilespmem:s8+$0x12460];
	[tilespmem:s8+$0x1A4F0] =	vst v0;
	v0 =	vmul.f32 $8.000000000e+00, v2  }
0x2f6: {  	v8 =	vld [tilespmem:s8+$0x12470];
	[tilespmem:s8+$0x1A400] =	vst v1;
	v1 =	vmul.f32 $8.000000000e+00, v3  }
0x2f7: {  	v9 =	vld [tilespmem:s8+$0x12480];
	[tilespmem:s8+$0x1A410] =	vst v0;
	v0 =	vmul.f32 $8.000000000e+00, v4  }
0x2f8: {  	v2 =	vld [tilespmem:s8+$0x12490];
	[tilespmem:s8+$0x1A420] =	vst v1;
	v1 =	vmul.f32 $8.000000000e+00, v5  }
0x2f9: {  	v3 =	vmul.f32 $8.000000000e+00, v6;
	[tilespmem:s8+$0x1A430] =	vst v0;
	v0 =	vld [tilespmem:s8+$0x124A0]  }
0x2fa: {  	v4 =	vmul.f32 $8.000000000e+00, v7;
	[tilespmem:s8+$0x1A440] =	vst v1;
	v1 =	vld [tilespmem:s8+$0x124B0]  }
0x2fb: {  	v6 =	vmul.f32 $8.000000000e+00, v8;
	[tilespmem:s8+$0x1A450] =	vst v3;
	v3 =	vld [tilespmem:s8+$0x124C0]  }
0x2fc: {  	s10 =	simm.s32 $0x400;
	s9 =	simm.s32 $0x0;
	v5 =	vmul.f32 $8.000000000e+00, v9;
	[tilespmem:s8+$0x1A460] =	vst v4;
	v4 =	vld [tilespmem:s8+$0x124D0]  }
.LBB2_26:
0x2fd: {  	s14 =	sshra.s32 s10, $0x2;
	s9 =	sadd.s32 $0x4, s9;
	[tilespmem:s8+$0x1A470] =	vst v6;
	v2 =	vmul.f32 $8.000000000e+00, v2;
	v6 =	vld [tilespmem:s8+$0x124E0]  }
0x2fe: {  	v7 =	vld [tilespmem:s14+$0x124F0];
	p0 =	slt.u32 s9, $0xFC;
	[tilespmem:s8+$0x1A480] =	vst v5;
	v0 =	vmul.f32 $8.000000000e+00, v0  }
0x2ff: {  	v5 =	vld [tilespmem:s14+$0x12400];
	[tilespmem:s8+$0x1A490] =	vst v2;
	v1 =	vmul.f32 $8.000000000e+00, v1  }
0x300: {  	v2 =	vld [tilespmem:s14+$0x12410];
	[tilespmem:s8+$0x1A4A0] =	vst v0;
	v0 =	vmul.f32 $8.000000000e+00, v3  }
0x301: {  	v3 =	vld [tilespmem:s14+$0x12420];
	[tilespmem:s8+$0x1A4B0] =	vst v1;
	v1 =	vmul.f32 $8.000000000e+00, v4  }
0x302: {  	v4 =	vld [tilespmem:s14+$0x12430];
	[tilespmem:s8+$0x1A4C0] =	vst v0;
	v0 =	vmul.f32 $8.000000000e+00, v6  }
0x303: {  	v6 =	vld [tilespmem:s14+$0x12440];
	v7 =	vmul.f32 $8.000000000e+00, v7;
	[tilespmem:s8+$0x1A4D0] =	vst v1  }
0x304: {  	v1 =	vmul.f32 $8.000000000e+00, v5;
	v5 =	vld [tilespmem:s14+$0x12450];
	[tilespmem:s8+$0x1A4E0] =	vst v0;
	s8 =	smov.u32 s14  }
0x305: {  	v0 =	vmul.f32 $8.000000000e+00, v2;
	v8 =	vld [tilespmem:s8+$0x12460];
	[tilespmem:s8+$0x1A4F0] =	vst v7  }
0x306: {  	[tilespmem:s8+$0x1A400] =	vst v1;
	v1 =	vmul.f32 $8.000000000e+00, v3;
	v3 =	vld [tilespmem:s8+$0x12470]  }
0x307: {  	[tilespmem:s8+$0x1A410] =	vst v0;
	v0 =	vmul.f32 $8.000000000e+00, v4;
	v4 =	vld [tilespmem:s8+$0x12480]  }
.Ltmp12:
0x308: {  	[tilespmem:s8+$0x1A420] =	vst v1;
	v1 =	vmul.f32 $8.000000000e+00, v6;
	v2 =	vld [tilespmem:s8+$0x12490];
	(pc) =	sbr.rel @p0 .LBB2_26-.Ltmp12, $4  }
0x309: {  	[tilespmem:s8+$0x1A430] =	vst v0;
	v5 =	vmul.f32 $8.000000000e+00, v5;
	v0 =	vld [tilespmem:s8+$0x124A0]  }
0x30a: {  	[tilespmem:s8+$0x1A440] =	vst v1;
	v7 =	vmul.f32 $8.000000000e+00, v8;
	v1 =	vld [tilespmem:s8+$0x124B0]  }
0x30b: {  	[tilespmem:s8+$0x1A450] =	vst v5;
	v6 =	vmul.f32 $8.000000000e+00, v3;
	v3 =	vld [tilespmem:s8+$0x124C0]  }
0x30c: {  	s10 =	sadd.s32 $0x400, s10;
	[tilespmem:s8+$0x1A460] =	vst v7;
	v5 =	vmul.f32 $8.000000000e+00, v4;
	v4 =	vld [tilespmem:s8+$0x124D0]  }
0x30d: {  	[tilespmem:s8+$0x1A470] =	vst v6;
	v2 =	vmul.f32 $8.000000000e+00, v2;
	v60 =	vld [tilespmem:s8+$0x124E0]  }
0x30e: {  	[tilespmem:s8+$0x1A480] =	vst v5;
	v0 =	vmul.f32 $8.000000000e+00, v0  }
0x30f: {  	[tilespmem:s8+$0x1A490] =	vst v2;
	v1 =	vmul.f32 $8.000000000e+00, v1  }
0x310: {  	[tilespmem:s8+$0x1A4A0] =	vst v0;
	v61 =	vmul.f32 $8.000000000e+00, v3  }
0x311: {  	[tilespmem:s8+$0x1A4B0] =	vst v1;
	v62 =	vmul.f32 $8.000000000e+00, v4  }
0x312: {  	[tilespmem:s8+$0x1A4C0] =	vst v61;
	v63 =	vmul.f32 $8.000000000e+00, v60  }
0x313: {  	[tilespmem:s8+$0x1A4D0] =	vst v62  }
0x314: {  	s17 =	rddreg [dreg:$0xb];
	s7 =	sadd.s32 $0x1, s7;
	[tilespmem:s8+$0x1A4E0] =	vst v63  }
0x315: {  	[hbm4b:s17+s3] =	stream.linear.scatter [tilespmem:s0], [sflag:$0x6], $0x4000, $0x38;
	[tilespmem:$0x1E400] =	vst v63  }
0x316: {  	p0 =	sne.s32 s7, s18;
	_ =	swait.ge [sflag:s25], $0x4000  }
.Ltmp13:
0x317: {  	[sflag:s25] =	ssyncset.done $0x0;
	(pc) =	sbr.rel @p0 .LBB2_1-.Ltmp13, $4  }
0x318: {  	[sflag:s25] =	ssyncadd.s32 $0xFFFFC000  }
0x319: {  	_ =	swait.ge [sflag:s29], $0x4000  }
0x31a: {  	[sflag:s29] =	ssyncset.done $0x0  }
0x31b: {  	[sflag:s29] =	ssyncadd.s32 $0xFFFFC000  }
0x31c: {  	_ =	sfence.sel $0x180000  }
0x31d: {  	[bflag:$0x0] =	sbarrier.arrive $0xFFFF  }
0x31e: {  	_ =	strace $0x90000047  }
0x31f: {  	s0 =	stileid.u32;
	[bflag:$0x2] =	sbarrier.arrive $0xFFFF  }
0x320: {  	p0 =	sne.s32 s0, $0x0;
	s0 =	rddreg [dreg:$0x3]  }
0x321: {  	s0 =	sadd.s32 @!p0 $0x100000, s0  }
0x322: {  	[sflag:s0] =	ssyncadd.tile.s32 @!p0 $0x1;
	_ =	shalt  }
.Lfunc_end2:
_tile_overlayer_lowered:
.L_overlay_start_2:
0x323: {  	(tag) =	ssettag $0x2  }
0x324: {  	s0 =	rddreg [dreg:$0x0];
	s2 =	stileid.u32  }
0x325: {  	s1 =	rddreg [dreg:$0x1];
	p0 =	sne.s32 s2, $0x0  }
0x326: {  	s3 =	rddreg [dreg:$0x2];
	[bflag:$0x3] =	sbarrier.arrive $0xFFFF;
	s2 =	simm.s32 @!p0 $0x1C07  }
0x327: {  	[timem:s3], [sflag:s2] =	dma.local @!p0 [hbm:s0], s1  }
0x328: {  	s0 =	simm.s32 @!p0 $0x7  }
0x329: {  	_ =	swait.ge @!p0 [sflag:s0], s1  }
0x32a: {  	s1 =	ssub.s32 @!p0 $0x0, s1;
	[sflag:s0] =	ssyncset.done @!p0 $0x0  }
0x32b: {  	[sflag:s0] =	ssyncadd.s32 @!p0 s1  }
0x32c: {  	[bflag:$0x3] =	sbarrier.arrive $0xFFFF  }
0x32d: {  	_ =	shalt  }

// kernel: sparse-core-data-format-call.cloned.1.call-start
scs
called_computation_lowered:
.L_overlay_start_0:
0x0: {  	s2 =	sld [smem:$0x3FD9]  }
0x1: {  	s3 =	sld [smem:$0x3FFE];
	_ =	sdelay $0x1  }
0x2: {  	s1 =	srdreg.scid  }
0x3: {  	s0 =	sand.u32 $0x1, s1  }
0x4: {  	s18 =	sshll.u32 s0, $0xA;
	s2 =	sadd.s32 s3, s2  }
0x5: {  	s2 =	sadd.s32 s2, s18  }
0x6: {  	[smem:$0x3FC6] =	sst s2  }
0x7: {  	_ = 	snop  }
0x8: {  	s2 =	sld [smem:$0x3FD0];
	(tm) =	ssettm $0x1  }
0x9: {  	s19 =	sld [smem:$0x3FFB];
	_ =	sdelay $0x3  }
0xa: {  	_ =	strace s19  }
0xb: {  	s3 =	sld [smem:$0x3FFC];
	_ =	sdelay $0x3  }
0xc: {  	_ =	strace s3  }
0xd: {  	s3 =	sld [smem:$0x3FFD];
	_ =	sdelay $0x3  }
0xe: {  	_ =	strace s3  }
0xf: {  	_ =	strace $0x8FFFFFFF  }
0x10: {  	s20 =	sld [smem:$0x3FDB];
	_ =	sdelay $0x1  }
0x11: {  	s4 =	simm.s32 $_scs_section_size  }
0x12: {  	s5 =	simm.s32 $_size__tile_overlayer_lowered;
	s6 =	simm.s32 $_tile_overlayer_lowered  }
0x13: {  	s23 =	simm.s32 $0x1BFF;
	s22 =	sshll.u32 s6, $0x1;
	s3 =	sadd.s32 s4, s20  }
0x14: {  	s7 =	simm.s32 $0x0;
	s21 =	sshll.u32 s5, $0x1;
	s5 =	sadd.s32 s22, s3  }
0x15: {  	[timem:s7], [sflag:s23] =	dma.local [hbm:s5], s21  }
0x16: {  	_ =	swait.ge [sflag:s23], s21  }
0x17: {  	s4 =	ssub.s32 $0x0, s21;
	[sflag:s23] =	ssyncset.done $0x0  }
0x18: {  	[sflag:s23] =	ssyncadd.s32 s4;
	_ =	sdelay $0x1  }
0x19: {  	s24 =	simm.s32 $0x1B8B  }
0x1a: {  	_ =	swait.ge [sflag:s24], $0x1  }
0x1b: {  	[sflag:s24] =	ssyncset.done $0x0  }
0x1c: {  	s26 =	simm.s32 $0x1B8E;
	s25 =	sld [smem:$0x3FFE];
	[sflag:s24] =	ssyncadd.s32 $0xFFFFFFFF  }
0x1d: {  	s27 =	simm.s32 $execute0_lowered;
	[smem:$0x3FD2] =	sst s26  }
0x1e: {  	s5 =	sshll.u32 s27, $0x1;
	_ =	strace $0x80000049;
	[dreg:$0x1] =	wrdreg $0xFFFFFFFF  }
0x1f: {  	s28 =	simm.s32 $_size_execute0_lowered;
	s3 =	sadd.s32 s3, s5;
	[dreg:$0x0] =	wrdreg $0x0  }
0x20: {  	s5 =	sshll.u32 s28, $0x1;
	[dreg:$0x2] =	wrdreg s3  }
0x21: {  	[dreg:$0x3] =	wrdreg s5  }
0x22: {  	[dreg:$0x4] =	wrdreg $0xC0  }
0x23: {  	_ =	task [dreg:s7], $0x5FFFF  }
0x24: {  	[dreg:$0x1] =	wrdreg $0xFFFFFFFF  }
0x25: {  	[dreg:$0x0] =	wrdreg $0x60  }
0x26: {  	[dreg:$0x2] =	wrdreg s25  }
0x27: {  	[dreg:$0x3] =	wrdreg s2  }
0x28: {  	[dreg:$0x4] =	wrdreg $0x9  }
0x29: {  	_ =	task.clear_ibuf [dreg:s7], $0x5FFFF;
	_ =	strace $0x90000049  }
0x2a: {  	s29 =	simm.s32 $0x9;
	_ =	strace $0x8000004B  }
0x2b: {  	_ =	swait.ge [sflag:s29], $0x1  }
0x2c: {  	[sflag:s29] =	ssyncadd.s32 $0xFFFFFFFF  }
0x2d: {  	_ =	strace $0x9000004B  }
0x2e: {  	_ =	sfence  }
0x2f: {  	s30 =	sld [smem:$0x0];
	_ =	sdelay $0x2  }
0x30: {  	s31 =	sshll.u32 s1, $0xD;
	s1 =	sshrl.u32 s1, $0x2  }
0x31: {  	s3 =	sand.u32 $0x4000, s31;
	s1 =	sadd.s32 s1, s30  }
0x32: {  	s0 =	sor.u32 s3, s0;
	s1 =	sshll.u32 s1, $0x11  }
0x33: {  	s0 =	sor.u32 s1, s0  }
0x34: {  	s0 =	sadd.s32 $0x8F2B, s0  }
0x35: {  	[sflag:s0] =	ssyncadd.remote.s32 $0x1  }
0x36: {  	_ =	sfence.sel $0xFFFF  }
0x37: {  	[dreg:$0x0] =	wrdreg $0xFFFFFFFF;
	(pc) =	sbr.abs _section_cstart, $3  }
0x38: {  	[dreg:$0x1] =	wrdreg $0xFFFFFFFF  }
0x39: {  	_ =	task.clear_ibuf [dreg:s7], $0x2FFFF;
	_ =	strace $0x9FFFFFFF  }
0x3a: {  	(tm) =	ssettm $0x7FFFFFFF  }
0x3b: {  	_ =	shalt  }
tec
execute0_lowered:
.L_overlay_start_1:
0x0: {  	(tag) =	ssettag $0x1  }
0x1: {  	s0 =	srdreg.scid  }
0x2: {  	s1 =	sshll.u32 s0, $0x4  }
0x3: {  	s4 =	rddreg [dreg:$0x0];
	s0 =	stileid.u32;
	s1 =	sand.u32 $0x10, s1  }
0x4: {  	s2 =	rddreg [dreg:$0x1];
	s7 =	simm.s32 $0x1;
	s1 =	sor.u32 s0, s1  }
0x5: {  	s8 =	simm.s32 $0x2;
	s11 =	simm.s32 $0x0;
	s3 =	sshll.u32 s1, $0x7  }
0x6: {  	s10 =	simm.s32 $0x0;
	s4 =	sadd.s32 $0x800, s4;
	s6 =	ssub.s32 $0xC8000, s3  }
.Ltmp0:
0x7: {  	s1 =	rddreg [dreg:$0x2];
	s5 =	sand.u32 $0xF80, s6;
	(pc) =	sbr.rel .LBB1_1-.Ltmp0, $4  }
0x8: {  	_ =	strace $0x8000004A;
	s9 =	smov.u32 s3;
	p0 =	sne.s32 s5, $0x0  }
0x9: {  	s6 =	sshrl.u32 s6, $0xC;
	s5 =	simm.s32 $0x1;
	s7 =	simm.s32 @!p0 $0x0  }
0xa: {  	[sflag:s5] =	ssyncpa.u1 $0x0;
	p0 =	por $0x0, $0x0;
	s6 =	sadd.s32 s7, s6  }
0xb: {  	[sflag:s8] =	ssyncpa.u1 $0x0;
	s8 =	simm.s32 $0x640000;
	s7 =	sadd.s32 $0x1, s6  }
.LBB1_4:
0xc: {  	s14 =	sshll.u32 s11, $0x3  }
0xd: {  	s30 =	sand.u32 $0x7F, s11;
	s15 =	sand.u32 $0xFFFFFC00, s14  }
0xe: {  	s11 =	sor.u32 s30, s15  }
0xf: {  	s15 =	smulhi.u32 $0x51EB851F, s11  }
0x10: {  	s14 =	smulhi.u32 $0x51EB851F, s14  }
0x11: {  	s15 =	sshrl.u32 s15, $0x12  }
0x12: {  	s14 =	sshrl.u32 s14, $0x12;
	s15 =	smul.u32 $0xC8000, s15  }
0x13: {  	s14 =	sand.u32 $0x3F, s14  }
0x14: {  	s14 =	smul.u32 $0x19000, s14;
	s11 =	ssub.s32 s11, s15  }
0x15: {  	[tilespmem:s13+$0x810 ss:$0x81] =	vst.msk $0xffff, v2;
	s15 =	sand.u32 $0x7, s11  }
0x16: {  	[tilespmem:s13+$0x1020 ss:$0x81] =	vst.msk $0xffff, v0;
	s14 =	sadd.s32 s2, s14;
	s11 =	sshrl.u32 s11, $0x3;
	s15 =	sshll.u32 s15, $0x12  }
0x17: {  	[tilespmem:s13+$0x0 ss:$0x81] =	vst.msk $0xffff, v1;
	s11 =	sadd.s32 s11, s14;
	s31 =	sor.u32 $0x400, s15  }
0x18: {  	[hbm4b:s11+s31] =	stream.strided.scatter [tilespmem:s12], [sflag:$0x2], $0x2000, s8, s31, $0x20;
	[tilespmem:$0x8080] =	vst v63  }
.LBB1_5:
0x19: {  	s13 =	sadd.s32 $0x1000, s9  }
0x1a: {  	p2 =	sgt.s32 s13, $0xC7FFF  }
0x1b: {  	s13 =	smov.u32 @p2 s3;
	p2 =	sne.s32 s10, s7  }
.Ltmp1:
0x1c: {  	p1 =	slt.u32 s10, $0x2;
	(pc) =	sbr.rel @!p2 .LBB1_6-.Ltmp1, $4  }
0x1d: {  	s12 =	simm.s32 @!p1 $0x2  }
0x1e: {  	s14 =	sadd.s32 $0x1, s10;
	_ =	swait.ge @!p1 [sflag:s12], $0x2000  }
0x1f: {  	s11 =	smov.u32 s9;
	p0 =	por !p0, !p0;
	[sflag:s12] =	ssyncset.done @!p1 $0x0  }
0x20: {  	s10 =	smov.u32 s14;
	s9 =	smov.u32 s13;
	[sflag:s12] =	ssyncadd.s32 @!p1 $0xFFFFE000  }
.LBB1_1:
0x21: {  	p1 =	sge.u32 s10, s6  }
0x22: {  	s12 =	sand.u32 @!p1 $0x1FFFFFF, s9  }
0x23: {  	s13 =	smulhi.u32 @!p1 $0x147AE15, s12;
	_ =	sdelay $0x1  }
0x24: {  	s13 =	sshrl.u32 @!p1 s13, $0xC  }
0x25: {  	s13 =	smul.u32 @!p1 $0xC8000, s13;
	_ =	sdelay $0x1  }
0x26: {  	s31 =	sadd.s32 $0xFFFFFFFF, s10;
	s14 =	sxor.u32 @!p1 $0xFFFFFFFF, s10;
	s12 =	ssub.s32 @!p1 s12, s13  }
0x27: {  	s15 =	simm.s32 @!p1 $0x80;
	s14 =	sshll.u32 @!p1 s14, $0xD;
	s12 =	sshll.u32 @!p1 s12, $0x4  }
0x28: {  	s13 =	sand.u32 @!p1 $0x2000, s14;
	s14 =	simm.s32 @!p1 $0x40;
	s12 =	sadd.s32 @!p1 s4, s12  }
0x29: {  	[tilespmem:s13], [sflag:$0x1] =	stream.strided.gather @!p1 [hbm4b:s12+s14], $0x2000, s15, s14, $0x38;
	[tilespmem:$0x8080] =	vst v63  }
0x2a: {  	p1 =	sge.u32 s31, s6  }
.Ltmp2:
0x2b: {  	_ = 	snop;
	(pc) =	sbr.rel @p1 .LBB1_5-.Ltmp2, $1  }
0x2c: {  	_ =	sdelay $0x3  }
0x2d: {  	s12 =	simm.s32 $0x1  }
0x2e: {  	_ =	swait.ge [sflag:s5], $0x2000;
	s12 =	simm.s32 @!p0 $0x0  }
0x2f: {  	[sflag:s5] =	ssyncset.done $0x0;
	s13 =	sshll.u32 s12, $0xD  }
0x30: {  	[sflag:s5] =	ssyncadd.s32 $0xFFFFE000;
	s16 =	sor.u32 $0x20, s13  }
0x31: {  	s12 =	smul.u32 $0x8100, s12;
	v3 =	vld [tilespmem:s16+$0x10]  }
0x32: {  	s30 =	sand.u32 $0x1, s10;
	v2 =	vld [tilespmem:s16+$0xFFFFFFF0]  }
0x33: {  	s13 =	smul.u32 $0x8100, s30;
	s12 =	sshrl.u32 s12, $0x2;
	v0 =	vld [tilespmem:s16+$0x0]  }
0x34: {  	v1 =	vld [tilespmem:s16+$0xFFFFFFE0];
	s14 =	sor.u32 $0x4000, s12  }
0x35: {  	s31 =	sshrl.u32 s13, $0x2;
	s13 =	sadd.s32 $0x0, s14  }
0x36: {  	s15 =	simm.s32 $0x4;
	s16 =	sadd.s32 $0x40, s16;
	s12 =	sor.u32 $0x4000, s31;
	[tilespmem:s13+$0x1830 ss:$0x81] =	vst.msk $0xffff, v3  }
.LBB1_3:
0x37: {  	v3 =	vld [tilespmem:s16+$0x10];
	p1 =	sne.s32 s15, $0x1FC;
	[tilespmem:s13+$0x810 ss:$0x81] =	vst.msk $0xffff, v2;
	s17 =	smov.u32 s15;
	s15 =	sadd.s32 $0x4, s15  }
.Ltmp3:
0x38: {  	v2 =	vld [tilespmem:s16+$0xFFFFFFF0];
	[tilespmem:s13+$0x1020 ss:$0x81] =	vst.msk $0xffff, v0;
	(pc) =	sbr.rel @p1 .LBB1_3-.Ltmp3, $4  }
0x39: {  	v0 =	vld [tilespmem:s16+$0x0];
	[tilespmem:s13+$0x0 ss:$0x81] =	vst.msk $0xffff, v1  }
0x3a: {  	s13 =	sshra.s32 s17, $0x2;
	v1 =	vld [tilespmem:s16+$0xFFFFFFE0]  }
0x3b: {  	s13 =	sadd.s32 s13, s14  }
0x3c: {  	s16 =	sadd.s32 $0x40, s16;
	[tilespmem:s13+$0x1830 ss:$0x81] =	vst.msk $0xffff, v3  }
.Ltmp4:
0x3d: {  	_ = 	snop;
	(pc) =	sbr.rel .LBB1_4-.Ltmp4, $1  }
0x3e: {  	_ =	sdelay $0x3  }
.LBB1_6:
0x3f: {  	_ =	sfence.sel $0x180000  }
0x40: {  	s2 =	simm.s32 $0x1;
	[bflag:$0x0] =	sbarrier.arrive $0xFFFF  }
0x41: {  	s31 =	simm.s32 $0x2;
	[sflag:s2] =	ssyncpa.u1 $0x1  }
0x42: {  	[sflag:s31] =	ssyncpa.u1 $0x1  }
0x43: {  	p0 =	sne.s32 s0, $0x0;
	_ =	strace $0x9000004A  }
0x44: {  	s0 =	sadd.s32 @!p0 $0x100000, s1;
	[bflag:$0x2] =	sbarrier.arrive $0xFFFF  }
0x45: {  	[sflag:s0] =	ssyncadd.tile.s32 @!p0 $0x1;
	_ =	shalt  }
.Lfunc_end1:
_tile_overlayer_lowered:
.L_overlay_start_2:
0x46: {  	(tag) =	ssettag $0x2  }
0x47: {  	s0 =	rddreg [dreg:$0x0];
	s2 =	stileid.u32  }
0x48: {  	s1 =	rddreg [dreg:$0x1];
	p0 =	sne.s32 s2, $0x0  }
0x49: {  	s3 =	rddreg [dreg:$0x2];
	[bflag:$0x3] =	sbarrier.arrive $0xFFFF;
	s2 =	simm.s32 @!p0 $0x1C01  }
0x4a: {  	[timem:s3], [sflag:s2] =	dma.local @!p0 [hbm:s0], s1  }
0x4b: {  	s0 =	simm.s32 @!p0 $0x1  }
0x4c: {  	_ =	swait.ge @!p0 [sflag:s0], s1  }
0x4d: {  	s1 =	ssub.s32 @!p0 $0x0, s1;
	[sflag:s0] =	ssyncset.done @!p0 $0x0  }
0x4e: {  	[sflag:s0] =	ssyncadd.s32 @!p0 s1  }
0x4f: {  	[bflag:$0x3] =	sbarrier.arrive $0xFFFF  }
0x50: {  	_ =	shalt  }

</sc_bundles>
